<compile_context>
chip_gen: v7x
topology: tpu7x:2x2x1
jax: 0.10.2.dev20260603
libtpu: 0.0.44.dev20260713+nightly
codegen_flags: <defaults>
</compile_context>

<pallas_src>
import functools

import jax
import jax.numpy as jnp
from jax import lax
from jax.experimental import pallas as pl
from jax.experimental.pallas import tpu as pltpu
from jax.experimental.pallas import tpu_sc as plsc

N = 10000
NP = 10240
E = 320000
B = 64
D = 128
MID = 64
FEAT = 3 * MID
HID = 128
OUT = 64
TAU = 0.5
W1C = 0.8

NW = 32
EPW = E // NW
NBUF = 5
SC_CHUNK = 80
RPT = NP // 16


def _build_seg_sum(dim):
    CHUNK = SC_CHUNK
    STEPS = EPW // CHUNK
    GROUPS = EPW // (CHUNK * NBUF)
    mesh = plsc.VectorSubcoreMesh(core_axis_name="c", subcore_axis_name="s")

    NS = 2 * NBUF
    scratch = ([pltpu.VMEM((EPW,), jnp.int32),
                pltpu.VMEM((STEPS, CHUNK), jnp.int32)] +
               [pltpu.VMEM((CHUNK, dim), jnp.float32) for _ in range(NS)] +
               [pltpu.VMEM_SHARED((NP, dim), jnp.float32)] +
               [pltpu.SemaphoreType.DMA for _ in range(2 * NS + 1)])

    @functools.partial(
        pl.kernel,
        mesh=mesh,
        compiler_params=pltpu.CompilerParams(use_tc_tiling_on_sc=False),
        out_type=jax.ShapeDtypeStruct((2 * NP, dim), jnp.float32),
        scratch_types=scratch,
    )
    def seg_sum(h_hbm, src_hbm, dst3_hbm, zeros_hbm, out_hbm, *refs):
        src_slab = refs[0]
        dst_slab = refs[1]
        rows_v = refs[2:2 + NS]
        acc_sh = refs[2 + NS]
        semg = refs[3 + NS:3 + 2 * NS]
        sems = refs[3 + 2 * NS:3 + 3 * NS]
        semd = refs[3 + 3 * NS]

        cid = lax.axis_index("c")
        sid = lax.axis_index("s")
        wid = sid * 2 + cid
        base = wid * EPW
        pltpu.sync_copy(zeros_hbm.at[pl.ds(sid * RPT, RPT)],
                        acc_sh.at[pl.ds(sid * RPT, RPT)])
        pltpu.async_copy(src_hbm.at[pl.ds(base, EPW)], src_slab, semd)
        pltpu.async_copy(dst3_hbm.at[wid], dst_slab, semd)
        pltpu.make_async_copy(src_hbm.at[pl.ds(base, EPW)], src_slab,
                              semd).wait()
        pltpu.make_async_copy(dst3_hbm.at[wid], dst_slab, semd).wait()
        plsc.subcore_barrier()

        slotA = list(range(NBUF))
        slotB = list(range(NBUF, NS))

        def fire(gs, slots):
            for j, b in enumerate(slots):
                lo = (gs + j) * CHUNK
                pltpu.async_copy(h_hbm.at[src_slab.at[pl.ds(lo, CHUNK)]],
                                 rows_v[b], semg[b])

        def scatter(gs, slots):
            for j, b in enumerate(slots):
                lo = (gs + j) * CHUNK
                pltpu.make_async_copy(h_hbm.at[src_slab.at[pl.ds(lo, CHUNK)]],
                                      rows_v[b], semg[b]).wait()
                pltpu.async_copy(rows_v[b], acc_sh.at[dst_slab.at[gs + j]],
                                 sems[b], add=True)

        def drain(gs, slots):
            for j, b in enumerate(slots):
                pltpu.make_async_copy(rows_v[b],
                                      acc_sh.at[dst_slab.at[gs + j]],
                                      sems[b]).wait()

        fire(0, slotA)

        def body(j, carry):
            ga = 2 * j * NBUF
            gb = ga + NBUF
            fire(gb, slotB)
            scatter(ga, slotA)
            drain(ga, slotA)
            fire(gb + NBUF, slotA)
            scatter(gb, slotB)
            drain(gb, slotB)
            return carry

        lax.fori_loop(0, GROUPS // 2, body, 0)
        scatter((GROUPS - 1) * NBUF, slotA)
        drain((GROUPS - 1) * NBUF, slotA)
        plsc.subcore_barrier()
        pltpu.sync_copy(acc_sh.at[pl.ds(sid * RPT, RPT)],
                        out_hbm.at[pl.ds(cid * NP + sid * RPT, RPT)])

    return seg_sum


def _edge_segment_sum(h_pad, src, dst, zeros):
    dim = h_pad.shape[1]
    return _build_seg_sum(dim)(h_pad, src, dst, zeros)


def _premul(x, W1):
    din = x.shape[1]
    blk = 2048

    def body(x_ref, w_ref, o_ref):
        o_ref[...] = jnp.dot(x_ref[...], w_ref[...],
                             preferred_element_type=jnp.float32)

    return pl.pallas_call(
        body,
        grid=(NP // blk,),
        in_specs=[
            pl.BlockSpec((blk, din), lambda i: (i, 0)),
            pl.BlockSpec((din, MID), lambda i: (0, 0)),
        ],
        out_specs=pl.BlockSpec((blk, MID), lambda i: (i, 0)),
        out_shape=jax.ShapeDtypeStruct((NP, MID), jnp.float32),
    )(x, W1)


def _gin_mlp(g, parts, epsp1, b1, W2, b2, W1n):
    blk = 2048
    two = W1n is not None

    def body(g_ref, p0_ref, p1_ref, eps_ref, b1_ref, w2_ref, b2_ref,
             *refs):
        a1 = jnp.maximum(g_ref[...] * eps_ref[0, 0] + p0_ref[...]
                         + p1_ref[...] + b1_ref[...], 0.0)
        h = jnp.maximum(
            jnp.dot(a1, w2_ref[...], preferred_element_type=jnp.float32)
            + b2_ref[...], 0.0)
        if two:
            w1n_ref, h_ref, g_next_ref = refs
            h_ref[...] = h
            g_next_ref[...] = jnp.dot(h, w1n_ref[...],
                                      preferred_element_type=jnp.float32)
        else:
            (h_ref,) = refs
            h_ref[...] = h

    nblk = NP // blk
    in_specs = [
        pl.BlockSpec((blk, MID), lambda i: (i, 0)),
        pl.BlockSpec((blk, MID), lambda i: (i, 0)),
        pl.BlockSpec((blk, MID), lambda i: (i + nblk, 0)),
        pl.BlockSpec(memory_space=pltpu.SMEM),
        pl.BlockSpec((1, MID), lambda i: (0, 0)),
        pl.BlockSpec((MID, MID), lambda i: (0, 0)),
        pl.BlockSpec((1, MID), lambda i: (0, 0)),
    ]
    args = [g, parts, parts, epsp1, b1, W2, b2]
    if two:
        in_specs.append(pl.BlockSpec((MID, MID), lambda i: (0, 0)))
        args.append(W1n)
        out_specs = [pl.BlockSpec((blk, MID), lambda i: (i, 0))] * 2
        out_shape = [jax.ShapeDtypeStruct((NP, MID), jnp.float32)] * 2
    else:
        out_specs = pl.BlockSpec((blk, MID), lambda i: (i, 0))
        out_shape = jax.ShapeDtypeStruct((NP, MID), jnp.float32)

    return pl.pallas_call(
        body,
        grid=(NP // blk,),
        in_specs=in_specs,
        out_specs=out_specs,
        out_shape=out_shape,
    )(*args)


def _mlp_in(x, w1, b1, w2, b2):
    h = jnp.maximum(jnp.dot(x, w1, preferred_element_type=jnp.float32) + b1,
                    0.0)
    return jnp.dot(h, w2, preferred_element_type=jnp.float32) + b2


def _nt_xent_in(a, b):
    an = a / (jnp.sqrt(jnp.sum(a * a, axis=1, keepdims=True)) + 1e-8)
    bn = b / (jnp.sqrt(jnp.sum(b * b, axis=1, keepdims=True)) + 1e-8)
    sim = lax.dot_general(an, bn, (((1,), (1,)), ((), ())),
                          preferred_element_type=jnp.float32) / TAU
    mx = jnp.max(sim, axis=1, keepdims=True)
    logp = sim - mx - jnp.log(jnp.sum(jnp.exp(sim - mx), axis=1,
                                      keepdims=True))
    ii = lax.broadcasted_iota(jnp.int32, (B, B), 0)
    jj = lax.broadcasted_iota(jnp.int32, (B, B), 1)
    diag = jnp.sum(jnp.where(ii == jj, logp, 0.0), keepdims=True) / B
    return -diag


def _sortable_u32(s):
    s = jnp.where(s == 0.0, 0.0, s)
    u = lax.bitcast_convert_type(s, jnp.uint32)
    return jnp.where((u >> 31) == jnp.uint32(1), ~u,
                     u | jnp.uint32(0x80000000))


def _topk_gate(m, onehot, ksf):

    def s1_body(i, T):
        cand = T | (jnp.uint32(1) << (31 - i).astype(jnp.uint32))
        pred = jnp.where(m >= cand, onehot, 0.0)
        cnt = jnp.sum(pred, axis=1, keepdims=True)
        return jnp.where(cnt >= ksf, cand, T)

    T = lax.fori_loop(0, 32, s1_body, jnp.zeros((B, 1), jnp.uint32))
    gt = jnp.where(m > T, onehot, 0.0)
    tie = jnp.where(m == T, onehot, 0.0)
    r = ksf - jnp.sum(gt, axis=1, keepdims=True)
    key2 = jnp.uint32(NP) - lax.broadcasted_iota(jnp.uint32, (1, NP), 1)

    def s2_body(i, T2):
        cand = T2 | (jnp.uint32(1) << (13 - i).astype(jnp.uint32))
        cnt = jnp.sum(jnp.where(key2 >= cand, tie, 0.0), axis=1,
                      keepdims=True)
        return jnp.where(cnt >= r, cand, T2)

    T2 = lax.fori_loop(0, 14, s2_body, jnp.zeros((B, 1), jnp.uint32))
    sel_tie = jnp.where(key2 >= T2, tie, 0.0)
    return jnp.sum(gt, axis=0, keepdims=True) + jnp.sum(sel_tie, axis=0,
                                                        keepdims=True)


def _pool_heads(h1, h2, g3, parts3, eps3, l3b1, l3W2, l3b2,
                batch_row, w2T, pm, pl_, ps):
    def body(h1_ref, h2_ref, g3_ref, p3_ref, e3_ref, l3b1_ref, l3w2_ref,
             l3b2_ref, b_ref, w_ref,
             mw1, mb1, mw2, mb2, lw1, lb1, lw2, lb2, sw1, sb1, sw2, sb2,
             o_ref):
        a1 = jnp.maximum(g3_ref[...] * e3_ref[0, 0]
                         + p3_ref[pl.ds(0, NP), :] + p3_ref[pl.ds(NP, NP), :]
                         + l3b1_ref[...], 0.0)
        h3 = jnp.maximum(
            jnp.dot(a1, l3w2_ref[...], preferred_element_type=jnp.float32)
            + l3b2_ref[...], 0.0)
        hs = [h1_ref[...], h2_ref[...], h3]

        brow = b_ref[...]
        gid = lax.broadcasted_iota(jnp.int32, (B, NP), 0)
        onehot = jnp.where(gid == brow, 1.0, 0.0)
        counts = jnp.sum(onehot, axis=1, keepdims=True)
        ksf = jnp.floor((3.0 * counts + 4.0) / 5.0)
        kdiv = jnp.maximum(ksf, 1.0)

        def seg_mats(weight_row):
            ow = onehot if weight_row is None else onehot * weight_row
            return jnp.concatenate(
                [lax.dot_general(ow, h, (((1,), (0,)), ((), ())),
                                 preferred_element_type=jnp.float32)
                 for h in hs], axis=1)

        M1_P = seg_mats(None)
        M1_con = _mlp_in(M1_P, mw1[...], mb1[...], mw2[...], mb2[...])

        wT = w_ref[...]
        wnorm = jnp.sqrt(jnp.sum(wT * wT, axis=1, keepdims=True))
        scores = sum(
            lax.dot_general(wT[:, MID * l:MID * (l + 1)], hs[l],
                            (((1,), (1,)), ((), ())),
                            preferred_element_type=jnp.float32)
            for l in range(3))
        scores = scores / (wnorm + 1e-12)

        def branch(score, hw1, hb1, hw2, hb2):
            m = _sortable_u32(score)
            sel = _topk_gate(m, onehot, ksf)
            wgt = sel * jnp.tanh(score)
            readout = seg_mats(wgt) / kdiv
            return _mlp_in(readout, hw1, hb1, hw2, hb2)

        L1_con = branch(scores[0:1], lw1[...], lb1[...], lw2[...], lb2[...])
        S1_con = branch(scores[1:2], sw1[...], sb1[...], sw2[...], sb2[...])
        yh = _nt_xent_in(M1_con, L1_con) + _nt_xent_in(M1_con, S1_con)
        o_ref[...] = W1C * yh

    args = [h1, h2, g3, parts3, eps3, l3b1, l3W2, l3b2, batch_row, w2T,
            pm['W1'], pm['b1'].reshape(1, HID), pm['W2'],
            pm['b2'].reshape(1, OUT),
            pl_['W1'], pl_['b1'].reshape(1, HID), pl_['W2'],
            pl_['b2'].reshape(1, OUT),
            ps['W1'], ps['b1'].reshape(1, HID), ps['W2'],
            ps['b2'].reshape(1, OUT)]
    return pl.pallas_call(
        body,
        out_shape=jax.ShapeDtypeStruct((1, 1), jnp.float32),
    )(*args)


def kernel(x, edge_index, batch, params):
    src = edge_index[0].astype(jnp.int32)
    dst = edge_index[1].astype(jnp.int32).reshape(NW, EPW // SC_CHUNK,
                                                  SC_CHUNK)
    xpad = jnp.pad(x, ((0, NP - N), (0, 0)))
    zeros_m = jnp.zeros((NP, MID), jnp.float32)
    gin = params['gin']
    g = _premul(xpad, gin[0]['W1'])
    hs = []
    for li, lp in enumerate(gin[:2]):
        parts = _edge_segment_sum(g, src, dst, zeros_m)
        epsp1 = (1.0 + lp['eps']).reshape(1, 1)
        h, g = _gin_mlp(g, parts, epsp1, lp['b1'].reshape(1, MID),
                        lp['W2'], lp['b2'].reshape(1, MID),
                        gin[li + 1]['W1'])
        hs.append(h)
    parts3 = _edge_segment_sum(g, src, dst, zeros_m)
    lp3 = gin[2]
    batch_row = jnp.pad(batch.astype(jnp.int32), (0, NP - N),
                        constant_values=B).reshape(1, NP)
    w2T = jnp.stack([params['w_lp'], params['w_sp']], axis=0)
    out = _pool_heads(hs[0], hs[1], g, parts3,
                      (1.0 + lp3['eps']).reshape(1, 1),
                      lp3['b1'].reshape(1, MID), lp3['W2'],
                      lp3['b2'].reshape(1, MID),
                      batch_row, w2T, params['ph_msg'], params['ph_loc'],
                      params['ph_sem'])
    return out.reshape(())

# --- scband reference (transcript-rebuilt; emitter-appended) ---
"""Pipeline reference for scband-cpnet-62680752717907 (READ-ONLY COPY).

The authoritative reference and input builder live on the scoring server;
editing this copy changes nothing except your own understanding.
"""

import jax, jax.numpy as jnp
import numpy as np

N = 10000
E = 320000
D = 128
MID = 64
LAYERS = 3
INPUTDIM = LAYERS * MID
HID = 128
OUT = 64
B = 64
RATIO = 0.6
W1C = 0.8
TAU = 0.5


def _mlp(x, p):
    h = jax.nn.relu(x @ p['W1'] + p['b1'])
    return h @ p['W2'] + p['b2']


def _nt_xent(a, b):
    a = a / (jnp.linalg.norm(a, axis=1, keepdims=True) + 1e-8)
    b = b / (jnp.linalg.norm(b, axis=1, keepdims=True) + 1e-8)
    sim = (a @ b.T) / TAU
    logp = jax.nn.log_softmax(sim, axis=1)
    return -jnp.mean(jnp.diag(logp))


def _topk_pool(X, w, batch, ks, starts):
    # PyG-style TopKPooling: score = X @ w / ||w||, per-graph top ceil(ratio*n_g) nodes,
    # gated output x[perm] * tanh(score[perm]).
    score = (X @ w) / (jnp.linalg.norm(w) + 1e-12)
    order = jnp.lexsort((-score, batch))  # sort by graph asc, score desc
    gated = X * jnp.tanh(score)[:, None]
    bs = batch[order]
    rank = jnp.arange(N) - starts[bs]
    mask = rank < ks[bs]
    xp = jnp.where(mask[:, None], gated[order], 0.0)
    return xp, bs


def _gap(xp, bs, ks):
    s = jax.ops.segment_sum(xp, bs, num_segments=B)
    c = jnp.maximum(ks, 1).astype(jnp.float32)
    return s / c[:, None]


def _forward(x, params, edge_index, batch):
    src = edge_index[0]
    dst = edge_index[1]
    # GIN encoder: concat per-layer node reps; graph rep = global_add_pool of concat
    h = x
    xs = []
    for lp in params['gin']:
        agg = jax.ops.segment_sum(h[src], dst, num_segments=N)
        h = (1.0 + lp['eps']) * h + agg
        h = jax.nn.relu(h @ lp['W1'] + lp['b1'])
        h = jax.nn.relu(h @ lp['W2'] + lp['b2'])
        xs.append(h)
    X = jnp.concatenate(xs, axis=1)
    M1_P = jax.ops.segment_sum(X, batch, num_segments=B)
    M1_con = _mlp(M1_P, params['ph_msg'])
    # per-graph node counts
    counts = jnp.bincount(batch, length=B)
    ks = -((-(counts * 3)) // 5)  # ceil(RATIO * counts) with RATIO = 3/5
    starts = jnp.cumsum(counts) - counts
    # local pooling branch
    xl, bl = _topk_pool(X, params['w_lp'], batch, ks, starts)
    L1_readout = _gap(xl, bl, ks)
    L1_con = _mlp(L1_readout, params['ph_loc'])
    # semantic pooling branch
    xsem, bsem = _topk_pool(X, params['w_sp'], batch, ks, starts)
    S1_readout = _gap(xsem, bsem, ks)
    S1_con = _mlp(S1_readout, params['ph_sem'])
    yh = _nt_xent(M1_con, L1_con) + _nt_xent(M1_con, S1_con)
    return W1C * yh


def setup_inputs(seed: int = 0):
    key = jax.random.key(seed)
    keys = jax.random.split(key, 64)
    it = iter(range(64))
    def nk():
        return keys[next(it)]
    x = jax.random.normal(nk(), (N, D), dtype=jnp.float32)
    edge_index = jax.random.randint(nk(), (2, E), 0, N, dtype=jnp.int32)
    batch = jnp.sort(jax.random.randint(nk(), (N,), 0, B, dtype=jnp.int32))
    gin = []
    in_d = D
    for _ in range(LAYERS):
        gin.append({
            'eps': jnp.zeros((), jnp.float32),
            'W1': jax.random.normal(nk(), (in_d, MID), jnp.float32) * (1.0 / np.sqrt(in_d)),
            'b1': jnp.zeros((MID,), jnp.float32),
            'W2': jax.random.normal(nk(), (MID, MID), jnp.float32) * (1.0 / np.sqrt(MID)),
            'b2': jnp.zeros((MID,), jnp.float32),
        })
        in_d = MID
    def head():
        return {
            'W1': jax.random.normal(nk(), (INPUTDIM, HID), jnp.float32) * (1.0 / np.sqrt(INPUTDIM)),
            'b1': jnp.zeros((HID,), jnp.float32),
            'W2': jax.random.normal(nk(), (HID, OUT), jnp.float32) * (1.0 / np.sqrt(HID)),
            'b2': jnp.zeros((OUT,), jnp.float32),
        }
    params = {
        'gin': gin,
        'ph_msg': head(),
        'ph_loc': head(),
        'ph_sem': head(),
        'w_lp': jax.random.normal(nk(), (INPUTDIM,), jnp.float32),
        'w_sp': jax.random.normal(nk(), (INPUTDIM,), jnp.float32),
    }
    return {'x': x, 'edge_index': edge_index, 'batch': batch, 'params': params}


def reference(x, edge_index, batch, params):
    return _forward(x, params, edge_index, batch)

if __name__ == "__main__":
    import jax
    _d = setup_inputs()
    print(jax.jit(kernel)(*tuple(_d.values())))

</pallas_src>

<mosaic_0001>
#map = affine_map<(d0, d1) -> (0, 0)>
#map1 = affine_map<(d0, d1) -> (0)>
#map2 = affine_map<(d0, d1) -> (0, 0, 0)>
module attributes {stable_mosaic.version = 14 : i64} {
  func.func @seg_sum(%arg0: i32, %arg1: i32, %arg2: memref<10240x64xf32, #tpu.memory_space<hbm>>, %arg3: memref<320000xi32, #tpu.memory_space<hbm>>, %arg4: memref<32x125x80xi32, #tpu.memory_space<hbm>>, %arg5: memref<10240x64xf32, #tpu.memory_space<hbm>>, %arg6: memref<20480x64xf32, #tpu.memory_space<hbm>>, %arg7: memref<10000xi32, #tpu.memory_space<vmem>>, %arg8: memref<125x80xi32, #tpu.memory_space<vmem>>, %arg9: memref<80x64xf32, #tpu.memory_space<vmem>>, %arg10: memref<80x64xf32, #tpu.memory_space<vmem>>, %arg11: memref<80x64xf32, #tpu.memory_space<vmem>>, %arg12: memref<80x64xf32, #tpu.memory_space<vmem>>, %arg13: memref<80x64xf32, #tpu.memory_space<vmem>>, %arg14: memref<80x64xf32, #tpu.memory_space<vmem>>, %arg15: memref<80x64xf32, #tpu.memory_space<vmem>>, %arg16: memref<80x64xf32, #tpu.memory_space<vmem>>, %arg17: memref<80x64xf32, #tpu.memory_space<vmem>>, %arg18: memref<80x64xf32, #tpu.memory_space<vmem>>, %arg19: memref<10240x64xf32, #tpu.memory_space<vmem_shared>>, %arg20: memref<!tpu.dma_semaphore, #tpu.memory_space<semaphore_mem>>, %arg21: memref<!tpu.dma_semaphore, #tpu.memory_space<semaphore_mem>>, %arg22: memref<!tpu.dma_semaphore, #tpu.memory_space<semaphore_mem>>, %arg23: memref<!tpu.dma_semaphore, #tpu.memory_space<semaphore_mem>>, %arg24: memref<!tpu.dma_semaphore, #tpu.memory_space<semaphore_mem>>, %arg25: memref<!tpu.dma_semaphore, #tpu.memory_space<semaphore_mem>>, %arg26: memref<!tpu.dma_semaphore, #tpu.memory_space<semaphore_mem>>, %arg27: memref<!tpu.dma_semaphore, #tpu.memory_space<semaphore_mem>>, %arg28: memref<!tpu.dma_semaphore, #tpu.memory_space<semaphore_mem>>, %arg29: memref<!tpu.dma_semaphore, #tpu.memory_space<semaphore_mem>>, %arg30: memref<!tpu.dma_semaphore, #tpu.memory_space<semaphore_mem>>, %arg31: memref<!tpu.dma_semaphore, #tpu.memory_space<semaphore_mem>>, %arg32: memref<!tpu.dma_semaphore, #tpu.memory_space<semaphore_mem>>, %arg33: memref<!tpu.dma_semaphore, #tpu.memory_space<semaphore_mem>>, %arg34: memref<!tpu.dma_semaphore, #tpu.memory_space<semaphore_mem>>, %arg35: memref<!tpu.dma_semaphore, #tpu.memory_space<semaphore_mem>>, %arg36: memref<!tpu.dma_semaphore, #tpu.memory_space<semaphore_mem>>, %arg37: memref<!tpu.dma_semaphore, #tpu.memory_space<semaphore_mem>>, %arg38: memref<!tpu.dma_semaphore, #tpu.memory_space<semaphore_mem>>, %arg39: memref<!tpu.dma_semaphore, #tpu.memory_space<semaphore_mem>>, %arg40: memref<!tpu.dma_semaphore, #tpu.memory_space<semaphore_mem>>) attributes {dimension_semantics = [#tpu.dimension_semantics<core_parallel>, #tpu.dimension_semantics<subcore_parallel>], iteration_bounds = array<i64: 2, 16>, scalar_prefetch = 0 : i64, scratch_operands = 34 : i64, tpu.core_type = #tpu.core_type<sc_vector_subcore>, window_params = [{transform_indices = #map}, {transform_indices = #map1}, {transform_indices = #map2}, {transform_indices = #map}, {transform_indices = #map}]} {
    %mul3A = arith.constant 2 : i32
    %mul3A_0 = arith.muli %arg1, %mul3A : i32
    %add3A = arith.addi %mul3A_0, %arg0 : i32
    %mul3A_1 = arith.constant 10000 : i32
    %mul3A_2 = arith.muli %add3A, %mul3A_1 : i32
    %mul3A_3 = arith.constant 640 : i32
    %mul3A_4 = arith.muli %arg1, %mul3A_3 : i32
    %mul3A_5 = arith.constant 640 : i32
    %mul3A_6 = arith.muli %arg1, %mul3A_5 : i32
    "tpu.region"() ({
      %run_scoped3A = tpu.sem_alloc : memref<!tpu.dma_semaphore, #tpu.memory_space<semaphore_mem>>
      %dma_start3A_158 = arith.constant 0 : i32
      %dma_start3A_159 = tpu.memref_slice %arg19[%mul3A_6, %dma_start3A_158] : memref<10240x64xf32, #tpu.memory_space<vmem_shared>> -> memref<640x64xf32, #tpu.memory_space<vmem_shared>>
      %dma_start3A_160 = arith.constant 0 : i32
      %dma_start3A_161 = tpu.memref_slice %arg5[%mul3A_4, %dma_start3A_160] : memref<10240x64xf32, #tpu.memory_space<hbm>> -> memref<640x64xf32, #tpu.memory_space<hbm>>
      tpu.enqueue_dma source(%dma_start3A_161 : memref<640x64xf32, #tpu.memory_space<hbm>>) target(%dma_start3A_159 : memref<640x64xf32, #tpu.memory_space<vmem_shared>>) target_semaphore(%run_scoped3A : memref<!tpu.dma_semaphore, #tpu.memory_space<semaphore_mem>>)
      %dma_wait3A_162 = arith.constant 0 : i32
      %dma_wait3A_163 = tpu.memref_slice %arg19[%mul3A_6, %dma_wait3A_162] : memref<10240x64xf32, #tpu.memory_space<vmem_shared>> -> memref<640x64xf32, #tpu.memory_space<vmem_shared>>
      %dma_wait3A_164 = arith.constant 0 : i32
      %dma_wait3A_165 = tpu.memref_slice %arg5[%mul3A_4, %dma_wait3A_164] : memref<10240x64xf32, #tpu.memory_space<hbm>> -> memref<640x64xf32, #tpu.memory_space<hbm>>
      tpu.wait_dma2 semaphore(%run_scoped3A : memref<!tpu.dma_semaphore, #tpu.memory_space<semaphore_mem>>) src(%dma_wait3A_165 : memref<640x64xf32, #tpu.memory_space<hbm>>) dst(%dma_wait3A_163 : memref<640x64xf32, #tpu.memory_space<vmem_shared>>)
      tpu.yield
    }) : () -> ()
    %dma_start3A = tpu.memref_slice %arg3[%mul3A_2] : memref<320000xi32, #tpu.memory_space<hbm>> -> memref<10000xi32, #tpu.memory_space<hbm>>
    %dma_start3A_7 = tpu.memref_slice %arg3[%mul3A_2] : memref<320000xi32, #tpu.memory_space<hbm>> -> memref<10000xi32, #tpu.memory_space<hbm>>
    tpu.enqueue_dma source(%dma_start3A_7 : memref<10000xi32, #tpu.memory_space<hbm>>) target(%arg7 : memref<10000xi32, #tpu.memory_space<vmem>>) target_semaphore(%arg40 : memref<!tpu.dma_semaphore, #tpu.memory_space<semaphore_mem>>)
    %dma_start3A_8 = arith.constant 0 : i32
    %dma_start3A_9 = arith.constant 0 : i32
    %dma_start3A_10 = tpu.memref_slice %arg4[%add3A, %dma_start3A_8, %dma_start3A_9] : memref<32x125x80xi32, #tpu.memory_space<hbm>> -> memref<1x125x80xi32, #tpu.memory_space<hbm>>
    %dma_start3A_11 = tpu.memref_squeeze %dma_start3A_10 : memref<1x125x80xi32, #tpu.memory_space<hbm>> -> memref<125x80xi32, #tpu.memory_space<hbm>>
    %dma_start3A_12 = arith.constant 0 : i32
    %dma_start3A_13 = arith.constant 0 : i32
    %dma_start3A_14 = tpu.memref_slice %arg4[%add3A, %dma_start3A_12, %dma_start3A_13] : memref<32x125x80xi32, #tpu.memory_space<hbm>> -> memref<1x125x80xi32, #tpu.memory_space<hbm>>
    %dma_start3A_15 = tpu.memref_squeeze %dma_start3A_14 : memref<1x125x80xi32, #tpu.memory_space<hbm>> -> memref<125x80xi32, #tpu.memory_space<hbm>>
    tpu.enqueue_dma source(%dma_start3A_15 : memref<125x80xi32, #tpu.memory_space<hbm>>) target(%arg8 : memref<125x80xi32, #tpu.memory_space<vmem>>) target_semaphore(%arg40 : memref<!tpu.dma_semaphore, #tpu.memory_space<semaphore_mem>>)
    %dma_wait3A = tpu.memref_slice %arg3[%mul3A_2] : memref<320000xi32, #tpu.memory_space<hbm>> -> memref<10000xi32, #tpu.memory_space<hbm>>
    %dma_wait3A_16 = tpu.memref_slice %arg3[%mul3A_2] : memref<320000xi32, #tpu.memory_space<hbm>> -> memref<10000xi32, #tpu.memory_space<hbm>>
    tpu.wait_dma2 semaphore(%arg40 : memref<!tpu.dma_semaphore, #tpu.memory_space<semaphore_mem>>) src(%dma_wait3A_16 : memref<10000xi32, #tpu.memory_space<hbm>>) dst(%arg7 : memref<10000xi32, #tpu.memory_space<vmem>>)
    %dma_wait3A_17 = arith.constant 0 : i32
    %dma_wait3A_18 = arith.constant 0 : i32
    %dma_wait3A_19 = tpu.memref_slice %arg4[%add3A, %dma_wait3A_17, %dma_wait3A_18] : memref<32x125x80xi32, #tpu.memory_space<hbm>> -> memref<1x125x80xi32, #tpu.memory_space<hbm>>
    %dma_wait3A_20 = tpu.memref_squeeze %dma_wait3A_19 : memref<1x125x80xi32, #tpu.memory_space<hbm>> -> memref<125x80xi32, #tpu.memory_space<hbm>>
    %dma_wait3A_21 = arith.constant 0 : i32
    %dma_wait3A_22 = arith.constant 0 : i32
    %dma_wait3A_23 = tpu.memref_slice %arg4[%add3A, %dma_wait3A_21, %dma_wait3A_22] : memref<32x125x80xi32, #tpu.memory_space<hbm>> -> memref<1x125x80xi32, #tpu.memory_space<hbm>>
    %dma_wait3A_24 = tpu.memref_squeeze %dma_wait3A_23 : memref<1x125x80xi32, #tpu.memory_space<hbm>> -> memref<125x80xi32, #tpu.memory_space<hbm>>
    tpu.wait_dma2 semaphore(%arg40 : memref<!tpu.dma_semaphore, #tpu.memory_space<semaphore_mem>>) src(%dma_wait3A_24 : memref<125x80xi32, #tpu.memory_space<hbm>>) dst(%arg8 : memref<125x80xi32, #tpu.memory_space<vmem>>)
    %barrier3A = arith.constant 0 : index
    tpu.barrier barrier_id(%barrier3A)
    %dma_start3A_25 = arith.constant 0 : i32
    %dma_start3A_26 = tpu.memref_slice %arg7[%dma_start3A_25] : memref<10000xi32, #tpu.memory_space<vmem>> -> memref<80xi32, #tpu.memory_space<vmem>>
    %dma_start3A_27 = arith.constant 0 : i32
    %dma_start3A_28 = arith.constant 0 : i32
    %dma_start3A_29 = tpu.memref_slice %arg2[%dma_start3A_27, %dma_start3A_28] : memref<10240x64xf32, #tpu.memory_space<hbm>> -> memref<10240x64xf32, #tpu.memory_space<hbm>>
    tpu.enqueue_indirect_dma source(%dma_start3A_29 : memref<10240x64xf32, #tpu.memory_space<hbm>>) target(%arg9 : memref<80x64xf32, #tpu.memory_space<vmem>>) offsets(%dma_start3A_26 : memref<80xi32, #tpu.memory_space<vmem>>) semaphore(%arg20 : memref<!tpu.dma_semaphore, #tpu.memory_space<semaphore_mem>>)
    %dma_start3A_30 = arith.constant 80 : i32
    %dma_start3A_31 = tpu.memref_slice %arg7[%dma_start3A_30] : memref<10000xi32, #tpu.memory_space<vmem>> -> memref<80xi32, #tpu.memory_space<vmem>>
    %dma_start3A_32 = arith.constant 0 : i32
    %dma_start3A_33 = arith.constant 0 : i32
    %dma_start3A_34 = tpu.memref_slice %arg2[%dma_start3A_32, %dma_start3A_33] : memref<10240x64xf32, #tpu.memory_space<hbm>> -> memref<10240x64xf32, #tpu.memory_space<hbm>>
    tpu.enqueue_indirect_dma source(%dma_start3A_34 : memref<10240x64xf32, #tpu.memory_space<hbm>>) target(%arg10 : memref<80x64xf32, #tpu.memory_space<vmem>>) offsets(%dma_start3A_31 : memref<80xi32, #tpu.memory_space<vmem>>) semaphore(%arg21 : memref<!tpu.dma_semaphore, #tpu.memory_space<semaphore_mem>>)
    %dma_start3A_35 = arith.constant 160 : i32
    %dma_start3A_36 = tpu.memref_slice %arg7[%dma_start3A_35] : memref<10000xi32, #tpu.memory_space<vmem>> -> memref<80xi32, #tpu.memory_space<vmem>>
    %dma_start3A_37 = arith.constant 0 : i32
    %dma_start3A_38 = arith.constant 0 : i32
    %dma_start3A_39 = tpu.memref_slice %arg2[%dma_start3A_37, %dma_start3A_38] : memref<10240x64xf32, #tpu.memory_space<hbm>> -> memref<10240x64xf32, #tpu.memory_space<hbm>>
    tpu.enqueue_indirect_dma source(%dma_start3A_39 : memref<10240x64xf32, #tpu.memory_space<hbm>>) target(%arg11 : memref<80x64xf32, #tpu.memory_space<vmem>>) offsets(%dma_start3A_36 : memref<80xi32, #tpu.memory_space<vmem>>) semaphore(%arg22 : memref<!tpu.dma_semaphore, #tpu.memory_space<semaphore_mem>>)
    %dma_start3A_40 = arith.constant 240 : i32
    %dma_start3A_41 = tpu.memref_slice %arg7[%dma_start3A_40] : memref<10000xi32, #tpu.memory_space<vmem>> -> memref<80xi32, #tpu.memory_space<vmem>>
    %dma_start3A_42 = arith.constant 0 : i32
    %dma_start3A_43 = arith.constant 0 : i32
    %dma_start3A_44 = tpu.memref_slice %arg2[%dma_start3A_42, %dma_start3A_43] : memref<10240x64xf32, #tpu.memory_space<hbm>> -> memref<10240x64xf32, #tpu.memory_space<hbm>>
    tpu.enqueue_indirect_dma source(%dma_start3A_44 : memref<10240x64xf32, #tpu.memory_space<hbm>>) target(%arg12 : memref<80x64xf32, #tpu.memory_space<vmem>>) offsets(%dma_start3A_41 : memref<80xi32, #tpu.memory_space<vmem>>) semaphore(%arg23 : memref<!tpu.dma_semaphore, #tpu.memory_space<semaphore_mem>>)
    %dma_start3A_45 = arith.constant 320 : i32
    %dma_start3A_46 = tpu.memref_slice %arg7[%dma_start3A_45] : memref<10000xi32, #tpu.memory_space<vmem>> -> memref<80xi32, #tpu.memory_space<vmem>>
    %dma_start3A_47 = arith.constant 0 : i32
    %dma_start3A_48 = arith.constant 0 : i32
    %dma_start3A_49 = tpu.memref_slice %arg2[%dma_start3A_47, %dma_start3A_48] : memref<10240x64xf32, #tpu.memory_space<hbm>> -> memref<10240x64xf32, #tpu.memory_space<hbm>>
    tpu.enqueue_indirect_dma source(%dma_start3A_49 : memref<10240x64xf32, #tpu.memory_space<hbm>>) target(%arg13 : memref<80x64xf32, #tpu.memory_space<vmem>>) offsets(%dma_start3A_46 : memref<80xi32, #tpu.memory_space<vmem>>) semaphore(%arg24 : memref<!tpu.dma_semaphore, #tpu.memory_space<semaphore_mem>>)
    %scan3A = arith.constant 0 : i32
    %scan3A_50 = arith.constant 0 : i32
    %scan3A_51 = arith.constant 12 : i32
    %scan3A_52 = arith.addi %scan3A_50, %scan3A_51 : i32
    %scan3A_53 = arith.constant 1 : i32
    scf.for %scan3A_158 = %scan3A_50 to %scan3A_52 step %scan3A_53  : i32 {
      %mul3A_159 = arith.constant 2 : i32
      %mul3A_160 = arith.muli %mul3A_159, %scan3A_158 : i32
      %mul3A_161 = arith.constant 5 : i32
      %mul3A_162 = arith.muli %mul3A_160, %mul3A_161 : i32
      %add3A_163 = arith.constant 5 : i32
      %add3A_164 = arith.addi %mul3A_162, %add3A_163 : i32
      %add3A_165 = arith.constant 0 : i32
      %add3A_166 = arith.addi %add3A_164, %add3A_165 : i32
      %mul3A_167 = arith.constant 80 : i32
      %mul3A_168 = arith.muli %add3A_166, %mul3A_167 : i32
      %dma_start3A_169 = tpu.memref_slice %arg7[%mul3A_168] : memref<10000xi32, #tpu.memory_space<vmem>> -> memref<80xi32, #tpu.memory_space<vmem>>
      %dma_start3A_170 = arith.constant 0 : i32
      %dma_start3A_171 = arith.constant 0 : i32
      %dma_start3A_172 = tpu.memref_slice %arg2[%dma_start3A_170, %dma_start3A_171] : memref<10240x64xf32, #tpu.memory_space<hbm>> -> memref<10240x64xf32, #tpu.memory_space<hbm>>
      tpu.enqueue_indirect_dma source(%dma_start3A_172 : memref<10240x64xf32, #tpu.memory_space<hbm>>) target(%arg14 : memref<80x64xf32, #tpu.memory_space<vmem>>) offsets(%dma_start3A_169 : memref<80xi32, #tpu.memory_space<vmem>>) semaphore(%arg25 : memref<!tpu.dma_semaphore, #tpu.memory_space<semaphore_mem>>)
      %add3A_173 = arith.constant 1 : i32
      %add3A_174 = arith.addi %add3A_164, %add3A_173 : i32
      %mul3A_175 = arith.constant 80 : i32
      %mul3A_176 = arith.muli %add3A_174, %mul3A_175 : i32
      %dma_start3A_177 = tpu.memref_slice %arg7[%mul3A_176] : memref<10000xi32, #tpu.memory_space<vmem>> -> memref<80xi32, #tpu.memory_space<vmem>>
      %dma_start3A_178 = arith.constant 0 : i32
      %dma_start3A_179 = arith.constant 0 : i32
      %dma_start3A_180 = tpu.memref_slice %arg2[%dma_start3A_178, %dma_start3A_179] : memref<10240x64xf32, #tpu.memory_space<hbm>> -> memref<10240x64xf32, #tpu.memory_space<hbm>>
      tpu.enqueue_indirect_dma source(%dma_start3A_180 : memref<10240x64xf32, #tpu.memory_space<hbm>>) target(%arg15 : memref<80x64xf32, #tpu.memory_space<vmem>>) offsets(%dma_start3A_177 : memref<80xi32, #tpu.memory_space<vmem>>) semaphore(%arg26 : memref<!tpu.dma_semaphore, #tpu.memory_space<semaphore_mem>>)
      %add3A_181 = arith.constant 2 : i32
      %add3A_182 = arith.addi %add3A_164, %add3A_181 : i32
      %mul3A_183 = arith.constant 80 : i32
      %mul3A_184 = arith.muli %add3A_182, %mul3A_183 : i32
      %dma_start3A_185 = tpu.memref_slice %arg7[%mul3A_184] : memref<10000xi32, #tpu.memory_space<vmem>> -> memref<80xi32, #tpu.memory_space<vmem>>
      %dma_start3A_186 = arith.constant 0 : i32
      %dma_start3A_187 = arith.constant 0 : i32
      %dma_start3A_188 = tpu.memref_slice %arg2[%dma_start3A_186, %dma_start3A_187] : memref<10240x64xf32, #tpu.memory_space<hbm>> -> memref<10240x64xf32, #tpu.memory_space<hbm>>
      tpu.enqueue_indirect_dma source(%dma_start3A_188 : memref<10240x64xf32, #tpu.memory_space<hbm>>) target(%arg16 : memref<80x64xf32, #tpu.memory_space<vmem>>) offsets(%dma_start3A_185 : memref<80xi32, #tpu.memory_space<vmem>>) semaphore(%arg27 : memref<!tpu.dma_semaphore, #tpu.memory_space<semaphore_mem>>)
      %add3A_189 = arith.constant 3 : i32
      %add3A_190 = arith.addi %add3A_164, %add3A_189 : i32
      %mul3A_191 = arith.constant 80 : i32
      %mul3A_192 = arith.muli %add3A_190, %mul3A_191 : i32
      %dma_start3A_193 = tpu.memref_slice %arg7[%mul3A_192] : memref<10000xi32, #tpu.memory_space<vmem>> -> memref<80xi32, #tpu.memory_space<vmem>>
      %dma_start3A_194 = arith.constant 0 : i32
      %dma_start3A_195 = arith.constant 0 : i32
      %dma_start3A_196 = tpu.memref_slice %arg2[%dma_start3A_194, %dma_start3A_195] : memref<10240x64xf32, #tpu.memory_space<hbm>> -> memref<10240x64xf32, #tpu.memory_space<hbm>>
      tpu.enqueue_indirect_dma source(%dma_start3A_196 : memref<10240x64xf32, #tpu.memory_space<hbm>>) target(%arg17 : memref<80x64xf32, #tpu.memory_space<vmem>>) offsets(%dma_start3A_193 : memref<80xi32, #tpu.memory_space<vmem>>) semaphore(%arg28 : memref<!tpu.dma_semaphore, #tpu.memory_space<semaphore_mem>>)
      %add3A_197 = arith.constant 4 : i32
      %add3A_198 = arith.addi %add3A_164, %add3A_197 : i32
      %mul3A_199 = arith.constant 80 : i32
      %mul3A_200 = arith.muli %add3A_198, %mul3A_199 : i32
      %dma_start3A_201 = tpu.memref_slice %arg7[%mul3A_200] : memref<10000xi32, #tpu.memory_space<vmem>> -> memref<80xi32, #tpu.memory_space<vmem>>
      %dma_start3A_202 = arith.constant 0 : i32
      %dma_start3A_203 = arith.constant 0 : i32
      %dma_start3A_204 = tpu.memref_slice %arg2[%dma_start3A_202, %dma_start3A_203] : memref<10240x64xf32, #tpu.memory_space<hbm>> -> memref<10240x64xf32, #tpu.memory_space<hbm>>
      tpu.enqueue_indirect_dma source(%dma_start3A_204 : memref<10240x64xf32, #tpu.memory_space<hbm>>) target(%arg18 : memref<80x64xf32, #tpu.memory_space<vmem>>) offsets(%dma_start3A_201 : memref<80xi32, #tpu.memory_space<vmem>>) semaphore(%arg29 : memref<!tpu.dma_semaphore, #tpu.memory_space<semaphore_mem>>)
      %add3A_205 = arith.constant 0 : i32
      %add3A_206 = arith.addi %mul3A_162, %add3A_205 : i32
      %mul3A_207 = arith.constant 80 : i32
      %mul3A_208 = arith.muli %add3A_206, %mul3A_207 : i32
      %dma_wait3A_209 = tpu.memref_slice %arg7[%mul3A_208] : memref<10000xi32, #tpu.memory_space<vmem>> -> memref<80xi32, #tpu.memory_space<vmem>>
      %dma_wait3A_210 = arith.constant 0 : i32
      %dma_wait3A_211 = arith.constant 0 : i32
      %dma_wait3A_212 = tpu.memref_slice %arg2[%dma_wait3A_210, %dma_wait3A_211] : memref<10240x64xf32, #tpu.memory_space<hbm>> -> memref<10240x64xf32, #tpu.memory_space<hbm>>
      tpu.wait_indirect_dma semaphore(%arg20 : memref<!tpu.dma_semaphore, #tpu.memory_space<semaphore_mem>>) src(%dma_wait3A_212 : memref<10240x64xf32, #tpu.memory_space<hbm>>) dst(%arg9 : memref<80x64xf32, #tpu.memory_space<vmem>>)
      %add3A_213 = arith.constant 0 : i32
      %add3A_214 = arith.addi %mul3A_162, %add3A_213 : i32
      %dma_start3A_215 = arith.constant 0 : i32
      %dma_start3A_216 = tpu.memref_slice %arg8[%add3A_214, %dma_start3A_215] : memref<125x80xi32, #tpu.memory_space<vmem>> -> memref<1x80xi32, #tpu.memory_space<vmem>>
      %dma_start3A_217 = tpu.memref_squeeze %dma_start3A_216 : memref<1x80xi32, #tpu.memory_space<vmem>> -> memref<80xi32, #tpu.memory_space<vmem>>
      %dma_start3A_218 = arith.constant 0 : i32
      %dma_start3A_219 = arith.constant 0 : i32
      %dma_start3A_220 = tpu.memref_slice %arg19[%dma_start3A_218, %dma_start3A_219] : memref<10240x64xf32, #tpu.memory_space<vmem_shared>> -> memref<10240x64xf32, #tpu.memory_space<vmem_shared>>
      tpu.enqueue_indirect_dma source(%arg9 : memref<80x64xf32, #tpu.memory_space<vmem>>) target(%dma_start3A_220 : memref<10240x64xf32, #tpu.memory_space<vmem_shared>>) offsets(%dma_start3A_217 : memref<80xi32, #tpu.memory_space<vmem>>) semaphore(%arg30 : memref<!tpu.dma_semaphore, #tpu.memory_space<semaphore_mem>>) {add = true}
      %add3A_221 = arith.constant 1 : i32
      %add3A_222 = arith.addi %mul3A_162, %add3A_221 : i32
      %mul3A_223 = arith.constant 80 : i32
      %mul3A_224 = arith.muli %add3A_222, %mul3A_223 : i32
      %dma_wait3A_225 = tpu.memref_slice %arg7[%mul3A_224] : memref<10000xi32, #tpu.memory_space<vmem>> -> memref<80xi32, #tpu.memory_space<vmem>>
      %dma_wait3A_226 = arith.constant 0 : i32
      %dma_wait3A_227 = arith.constant 0 : i32
      %dma_wait3A_228 = tpu.memref_slice %arg2[%dma_wait3A_226, %dma_wait3A_227] : memref<10240x64xf32, #tpu.memory_space<hbm>> -> memref<10240x64xf32, #tpu.memory_space<hbm>>
      tpu.wait_indirect_dma semaphore(%arg21 : memref<!tpu.dma_semaphore, #tpu.memory_space<semaphore_mem>>) src(%dma_wait3A_228 : memref<10240x64xf32, #tpu.memory_space<hbm>>) dst(%arg10 : memref<80x64xf32, #tpu.memory_space<vmem>>)
      %add3A_229 = arith.constant 1 : i32
      %add3A_230 = arith.addi %mul3A_162, %add3A_229 : i32
      %dma_start3A_231 = arith.constant 0 : i32
      %dma_start3A_232 = tpu.memref_slice %arg8[%add3A_230, %dma_start3A_231] : memref<125x80xi32, #tpu.memory_space<vmem>> -> memref<1x80xi32, #tpu.memory_space<vmem>>
      %dma_start3A_233 = tpu.memref_squeeze %dma_start3A_232 : memref<1x80xi32, #tpu.memory_space<vmem>> -> memref<80xi32, #tpu.memory_space<vmem>>
      %dma_start3A_234 = arith.constant 0 : i32
      %dma_start3A_235 = arith.constant 0 : i32
      %dma_start3A_236 = tpu.memref_slice %arg19[%dma_start3A_234, %dma_start3A_235] : memref<10240x64xf32, #tpu.memory_space<vmem_shared>> -> memref<10240x64xf32, #tpu.memory_space<vmem_shared>>
      tpu.enqueue_indirect_dma source(%arg10 : memref<80x64xf32, #tpu.memory_space<vmem>>) target(%dma_start3A_236 : memref<10240x64xf32, #tpu.memory_space<vmem_shared>>) offsets(%dma_start3A_233 : memref<80xi32, #tpu.memory_space<vmem>>) semaphore(%arg31 : memref<!tpu.dma_semaphore, #tpu.memory_space<semaphore_mem>>) {add = true}
      %add3A_237 = arith.constant 2 : i32
      %add3A_238 = arith.addi %mul3A_162, %add3A_237 : i32
      %mul3A_239 = arith.constant 80 : i32
      %mul3A_240 = arith.muli %add3A_238, %mul3A_239 : i32
      %dma_wait3A_241 = tpu.memref_slice %arg7[%mul3A_240] : memref<10000xi32, #tpu.memory_space<vmem>> -> memref<80xi32, #tpu.memory_space<vmem>>
      %dma_wait3A_242 = arith.constant 0 : i32
      %dma_wait3A_243 = arith.constant 0 : i32
      %dma_wait3A_244 = tpu.memref_slice %arg2[%dma_wait3A_242, %dma_wait3A_243] : memref<10240x64xf32, #tpu.memory_space<hbm>> -> memref<10240x64xf32, #tpu.memory_space<hbm>>
      tpu.wait_indirect_dma semaphore(%arg22 : memref<!tpu.dma_semaphore, #tpu.memory_space<semaphore_mem>>) src(%dma_wait3A_244 : memref<10240x64xf32, #tpu.memory_space<hbm>>) dst(%arg11 : memref<80x64xf32, #tpu.memory_space<vmem>>)
      %add3A_245 = arith.constant 2 : i32
      %add3A_246 = arith.addi %mul3A_162, %add3A_245 : i32
      %dma_start3A_247 = arith.constant 0 : i32
      %dma_start3A_248 = tpu.memref_slice %arg8[%add3A_246, %dma_start3A_247] : memref<125x80xi32, #tpu.memory_space<vmem>> -> memref<1x80xi32, #tpu.memory_space<vmem>>
      %dma_start3A_249 = tpu.memref_squeeze %dma_start3A_248 : memref<1x80xi32, #tpu.memory_space<vmem>> -> memref<80xi32, #tpu.memory_space<vmem>>
      %dma_start3A_250 = arith.constant 0 : i32
      %dma_start3A_251 = arith.constant 0 : i32
      %dma_start3A_252 = tpu.memref_slice %arg19[%dma_start3A_250, %dma_start3A_251] : memref<10240x64xf32, #tpu.memory_space<vmem_shared>> -> memref<10240x64xf32, #tpu.memory_space<vmem_shared>>
      tpu.enqueue_indirect_dma source(%arg11 : memref<80x64xf32, #tpu.memory_space<vmem>>) target(%dma_start3A_252 : memref<10240x64xf32, #tpu.memory_space<vmem_shared>>) offsets(%dma_start3A_249 : memref<80xi32, #tpu.memory_space<vmem>>) semaphore(%arg32 : memref<!tpu.dma_semaphore, #tpu.memory_space<semaphore_mem>>) {add = true}
      %add3A_253 = arith.constant 3 : i32
      %add3A_254 = arith.addi %mul3A_162, %add3A_253 : i32
      %mul3A_255 = arith.constant 80 : i32
      %mul3A_256 = arith.muli %add3A_254, %mul3A_255 : i32
      %dma_wait3A_257 = tpu.memref_slice %arg7[%mul3A_256] : memref<10000xi32, #tpu.memory_space<vmem>> -> memref<80xi32, #tpu.memory_space<vmem>>
      %dma_wait3A_258 = arith.constant 0 : i32
      %dma_wait3A_259 = arith.constant 0 : i32
      %dma_wait3A_260 = tpu.memref_slice %arg2[%dma_wait3A_258, %dma_wait3A_259] : memref<10240x64xf32, #tpu.memory_space<hbm>> -> memref<10240x64xf32, #tpu.memory_space<hbm>>
      tpu.wait_indirect_dma semaphore(%arg23 : memref<!tpu.dma_semaphore, #tpu.memory_space<semaphore_mem>>) src(%dma_wait3A_260 : memref<10240x64xf32, #tpu.memory_space<hbm>>) dst(%arg12 : memref<80x64xf32, #tpu.memory_space<vmem>>)
      %add3A_261 = arith.constant 3 : i32
      %add3A_262 = arith.addi %mul3A_162, %add3A_261 : i32
      %dma_start3A_263 = arith.constant 0 : i32
      %dma_start3A_264 = tpu.memref_slice %arg8[%add3A_262, %dma_start3A_263] : memref<125x80xi32, #tpu.memory_space<vmem>> -> memref<1x80xi32, #tpu.memory_space<vmem>>
      %dma_start3A_265 = tpu.memref_squeeze %dma_start3A_264 : memref<1x80xi32, #tpu.memory_space<vmem>> -> memref<80xi32, #tpu.memory_space<vmem>>
      %dma_start3A_266 = arith.constant 0 : i32
      %dma_start3A_267 = arith.constant 0 : i32
      %dma_start3A_268 = tpu.memref_slice %arg19[%dma_start3A_266, %dma_start3A_267] : memref<10240x64xf32, #tpu.memory_space<vmem_shared>> -> memref<10240x64xf32, #tpu.memory_space<vmem_shared>>
      tpu.enqueue_indirect_dma source(%arg12 : memref<80x64xf32, #tpu.memory_space<vmem>>) target(%dma_start3A_268 : memref<10240x64xf32, #tpu.memory_space<vmem_shared>>) offsets(%dma_start3A_265 : memref<80xi32, #tpu.memory_space<vmem>>) semaphore(%arg33 : memref<!tpu.dma_semaphore, #tpu.memory_space<semaphore_mem>>) {add = true}
      %add3A_269 = arith.constant 4 : i32
      %add3A_270 = arith.addi %mul3A_162, %add3A_269 : i32
      %mul3A_271 = arith.constant 80 : i32
      %mul3A_272 = arith.muli %add3A_270, %mul3A_271 : i32
      %dma_wait3A_273 = tpu.memref_slice %arg7[%mul3A_272] : memref<10000xi32, #tpu.memory_space<vmem>> -> memref<80xi32, #tpu.memory_space<vmem>>
      %dma_wait3A_274 = arith.constant 0 : i32
      %dma_wait3A_275 = arith.constant 0 : i32
      %dma_wait3A_276 = tpu.memref_slice %arg2[%dma_wait3A_274, %dma_wait3A_275] : memref<10240x64xf32, #tpu.memory_space<hbm>> -> memref<10240x64xf32, #tpu.memory_space<hbm>>
      tpu.wait_indirect_dma semaphore(%arg24 : memref<!tpu.dma_semaphore, #tpu.memory_space<semaphore_mem>>) src(%dma_wait3A_276 : memref<10240x64xf32, #tpu.memory_space<hbm>>) dst(%arg13 : memref<80x64xf32, #tpu.memory_space<vmem>>)
      %add3A_277 = arith.constant 4 : i32
      %add3A_278 = arith.addi %mul3A_162, %add3A_277 : i32
      %dma_start3A_279 = arith.constant 0 : i32
      %dma_start3A_280 = tpu.memref_slice %arg8[%add3A_278, %dma_start3A_279] : memref<125x80xi32, #tpu.memory_space<vmem>> -> memref<1x80xi32, #tpu.memory_space<vmem>>
      %dma_start3A_281 = tpu.memref_squeeze %dma_start3A_280 : memref<1x80xi32, #tpu.memory_space<vmem>> -> memref<80xi32, #tpu.memory_space<vmem>>
      %dma_start3A_282 = arith.constant 0 : i32
      %dma_start3A_283 = arith.constant 0 : i32
      %dma_start3A_284 = tpu.memref_slice %arg19[%dma_start3A_282, %dma_start3A_283] : memref<10240x64xf32, #tpu.memory_space<vmem_shared>> -> memref<10240x64xf32, #tpu.memory_space<vmem_shared>>
      tpu.enqueue_indirect_dma source(%arg13 : memref<80x64xf32, #tpu.memory_space<vmem>>) target(%dma_start3A_284 : memref<10240x64xf32, #tpu.memory_space<vmem_shared>>) offsets(%dma_start3A_281 : memref<80xi32, #tpu.memory_space<vmem>>) semaphore(%arg34 : memref<!tpu.dma_semaphore, #tpu.memory_space<semaphore_mem>>) {add = true}
      %add3A_285 = arith.constant 0 : i32
      %add3A_286 = arith.addi %mul3A_162, %add3A_285 : i32
      %dma_wait3A_287 = arith.constant 0 : i32
      %dma_wait3A_288 = tpu.memref_slice %arg8[%add3A_286, %dma_wait3A_287] : memref<125x80xi32, #tpu.memory_space<vmem>> -> memref<1x80xi32, #tpu.memory_space<vmem>>
      %dma_wait3A_289 = tpu.memref_squeeze %dma_wait3A_288 : memref<1x80xi32, #tpu.memory_space<vmem>> -> memref<80xi32, #tpu.memory_space<vmem>>
      %dma_wait3A_290 = arith.constant 0 : i32
      %dma_wait3A_291 = arith.constant 0 : i32
      %dma_wait3A_292 = tpu.memref_slice %arg19[%dma_wait3A_290, %dma_wait3A_291] : memref<10240x64xf32, #tpu.memory_space<vmem_shared>> -> memref<10240x64xf32, #tpu.memory_space<vmem_shared>>
      tpu.wait_indirect_dma semaphore(%arg30 : memref<!tpu.dma_semaphore, #tpu.memory_space<semaphore_mem>>) src(%arg9 : memref<80x64xf32, #tpu.memory_space<vmem>>) dst(%dma_wait3A_292 : memref<10240x64xf32, #tpu.memory_space<vmem_shared>>)
      %add3A_293 = arith.constant 1 : i32
      %add3A_294 = arith.addi %mul3A_162, %add3A_293 : i32
      %dma_wait3A_295 = arith.constant 0 : i32
      %dma_wait3A_296 = tpu.memref_slice %arg8[%add3A_294, %dma_wait3A_295] : memref<125x80xi32, #tpu.memory_space<vmem>> -> memref<1x80xi32, #tpu.memory_space<vmem>>
      %dma_wait3A_297 = tpu.memref_squeeze %dma_wait3A_296 : memref<1x80xi32, #tpu.memory_space<vmem>> -> memref<80xi32, #tpu.memory_space<vmem>>
      %dma_wait3A_298 = arith.constant 0 : i32
      %dma_wait3A_299 = arith.constant 0 : i32
      %dma_wait3A_300 = tpu.memref_slice %arg19[%dma_wait3A_298, %dma_wait3A_299] : memref<10240x64xf32, #tpu.memory_space<vmem_shared>> -> memref<10240x64xf32, #tpu.memory_space<vmem_shared>>
      tpu.wait_indirect_dma semaphore(%arg31 : memref<!tpu.dma_semaphore, #tpu.memory_space<semaphore_mem>>) src(%arg10 : memref<80x64xf32, #tpu.memory_space<vmem>>) dst(%dma_wait3A_300 : memref<10240x64xf32, #tpu.memory_space<vmem_shared>>)
      %add3A_301 = arith.constant 2 : i32
      %add3A_302 = arith.addi %mul3A_162, %add3A_301 : i32
      %dma_wait3A_303 = arith.constant 0 : i32
      %dma_wait3A_304 = tpu.memref_slice %arg8[%add3A_302, %dma_wait3A_303] : memref<125x80xi32, #tpu.memory_space<vmem>> -> memref<1x80xi32, #tpu.memory_space<vmem>>
      %dma_wait3A_305 = tpu.memref_squeeze %dma_wait3A_304 : memref<1x80xi32, #tpu.memory_space<vmem>> -> memref<80xi32, #tpu.memory_space<vmem>>
      %dma_wait3A_306 = arith.constant 0 : i32
      %dma_wait3A_307 = arith.constant 0 : i32
      %dma_wait3A_308 = tpu.memref_slice %arg19[%dma_wait3A_306, %dma_wait3A_307] : memref<10240x64xf32, #tpu.memory_space<vmem_shared>> -> memref<10240x64xf32, #tpu.memory_space<vmem_shared>>
      tpu.wait_indirect_dma semaphore(%arg32 : memref<!tpu.dma_semaphore, #tpu.memory_space<semaphore_mem>>) src(%arg11 : memref<80x64xf32, #tpu.memory_space<vmem>>) dst(%dma_wait3A_308 : memref<10240x64xf32, #tpu.memory_space<vmem_shared>>)
      %add3A_309 = arith.constant 3 : i32
      %add3A_310 = arith.addi %mul3A_162, %add3A_309 : i32
      %dma_wait3A_311 = arith.constant 0 : i32
      %dma_wait3A_312 = tpu.memref_slice %arg8[%add3A_310, %dma_wait3A_311] : memref<125x80xi32, #tpu.memory_space<vmem>> -> memref<1x80xi32, #tpu.memory_space<vmem>>
      %dma_wait3A_313 = tpu.memref_squeeze %dma_wait3A_312 : memref<1x80xi32, #tpu.memory_space<vmem>> -> memref<80xi32, #tpu.memory_space<vmem>>
      %dma_wait3A_314 = arith.constant 0 : i32
      %dma_wait3A_315 = arith.constant 0 : i32
      %dma_wait3A_316 = tpu.memref_slice %arg19[%dma_wait3A_314, %dma_wait3A_315] : memref<10240x64xf32, #tpu.memory_space<vmem_shared>> -> memref<10240x64xf32, #tpu.memory_space<vmem_shared>>
      tpu.wait_indirect_dma semaphore(%arg33 : memref<!tpu.dma_semaphore, #tpu.memory_space<semaphore_mem>>) src(%arg12 : memref<80x64xf32, #tpu.memory_space<vmem>>) dst(%dma_wait3A_316 : memref<10240x64xf32, #tpu.memory_space<vmem_shared>>)
      %add3A_317 = arith.constant 4 : i32
      %add3A_318 = arith.addi %mul3A_162, %add3A_317 : i32
      %dma_wait3A_319 = arith.constant 0 : i32
      %dma_wait3A_320 = tpu.memref_slice %arg8[%add3A_318, %dma_wait3A_319] : memref<125x80xi32, #tpu.memory_space<vmem>> -> memref<1x80xi32, #tpu.memory_space<vmem>>
      %dma_wait3A_321 = tpu.memref_squeeze %dma_wait3A_320 : memref<1x80xi32, #tpu.memory_space<vmem>> -> memref<80xi32, #tpu.memory_space<vmem>>
      %dma_wait3A_322 = arith.constant 0 : i32
      %dma_wait3A_323 = arith.constant 0 : i32
      %dma_wait3A_324 = tpu.memref_slice %arg19[%dma_wait3A_322, %dma_wait3A_323] : memref<10240x64xf32, #tpu.memory_space<vmem_shared>> -> memref<10240x64xf32, #tpu.memory_space<vmem_shared>>
      tpu.wait_indirect_dma semaphore(%arg34 : memref<!tpu.dma_semaphore, #tpu.memory_space<semaphore_mem>>) src(%arg13 : memref<80x64xf32, #tpu.memory_space<vmem>>) dst(%dma_wait3A_324 : memref<10240x64xf32, #tpu.memory_space<vmem_shared>>)
      %add3A_325 = arith.constant 5 : i32
      %add3A_326 = arith.addi %add3A_164, %add3A_325 : i32
      %add3A_327 = arith.constant 0 : i32
      %add3A_328 = arith.addi %add3A_326, %add3A_327 : i32
      %mul3A_329 = arith.constant 80 : i32
      %mul3A_330 = arith.muli %add3A_328, %mul3A_329 : i32
      %dma_start3A_331 = tpu.memref_slice %arg7[%mul3A_330] : memref<10000xi32, #tpu.memory_space<vmem>> -> memref<80xi32, #tpu.memory_space<vmem>>
      %dma_start3A_332 = arith.constant 0 : i32
      %dma_start3A_333 = arith.constant 0 : i32
      %dma_start3A_334 = tpu.memref_slice %arg2[%dma_start3A_332, %dma_start3A_333] : memref<10240x64xf32, #tpu.memory_space<hbm>> -> memref<10240x64xf32, #tpu.memory_space<hbm>>
      tpu.enqueue_indirect_dma source(%dma_start3A_334 : memref<10240x64xf32, #tpu.memory_space<hbm>>) target(%arg9 : memref<80x64xf32, #tpu.memory_space<vmem>>) offsets(%dma_start3A_331 : memref<80xi32, #tpu.memory_space<vmem>>) semaphore(%arg20 : memref<!tpu.dma_semaphore, #tpu.memory_space<semaphore_mem>>)
      %add3A_335 = arith.constant 1 : i32
      %add3A_336 = arith.addi %add3A_326, %add3A_335 : i32
      %mul3A_337 = arith.constant 80 : i32
      %mul3A_338 = arith.muli %add3A_336, %mul3A_337 : i32
      %dma_start3A_339 = tpu.memref_slice %arg7[%mul3A_338] : memref<10000xi32, #tpu.memory_space<vmem>> -> memref<80xi32, #tpu.memory_space<vmem>>
      %dma_start3A_340 = arith.constant 0 : i32
      %dma_start3A_341 = arith.constant 0 : i32
      %dma_start3A_342 = tpu.memref_slice %arg2[%dma_start3A_340, %dma_start3A_341] : memref<10240x64xf32, #tpu.memory_space<hbm>> -> memref<10240x64xf32, #tpu.memory_space<hbm>>
      tpu.enqueue_indirect_dma source(%dma_start3A_342 : memref<10240x64xf32, #tpu.memory_space<hbm>>) target(%arg10 : memref<80x64xf32, #tpu.memory_space<vmem>>) offsets(%dma_start3A_339 : memref<80xi32, #tpu.memory_space<vmem>>) semaphore(%arg21 : memref<!tpu.dma_semaphore, #tpu.memory_space<semaphore_mem>>)
      %add3A_343 = arith.constant 2 : i32
      %add3A_344 = arith.addi %add3A_326, %add3A_343 : i32
      %mul3A_345 = arith.constant 80 : i32
      %mul3A_346 = arith.muli %add3A_344, %mul3A_345 : i32
      %dma_start3A_347 = tpu.memref_slice %arg7[%mul3A_346] : memref<10000xi32, #tpu.memory_space<vmem>> -> memref<80xi32, #tpu.memory_space<vmem>>
      %dma_start3A_348 = arith.constant 0 : i32
      %dma_start3A_349 = arith.constant 0 : i32
      %dma_start3A_350 = tpu.memref_slice %arg2[%dma_start3A_348, %dma_start3A_349] : memref<10240x64xf32, #tpu.memory_space<hbm>> -> memref<10240x64xf32, #tpu.memory_space<hbm>>
      tpu.enqueue_indirect_dma source(%dma_start3A_350 : memref<10240x64xf32, #tpu.memory_space<hbm>>) target(%arg11 : memref<80x64xf32, #tpu.memory_space<vmem>>) offsets(%dma_start3A_347 : memref<80xi32, #tpu.memory_space<vmem>>) semaphore(%arg22 : memref<!tpu.dma_semaphore, #tpu.memory_space<semaphore_mem>>)
      %add3A_351 = arith.constant 3 : i32
      %add3A_352 = arith.addi %add3A_326, %add3A_351 : i32
      %mul3A_353 = arith.constant 80 : i32
      %mul3A_354 = arith.muli %add3A_352, %mul3A_353 : i32
      %dma_start3A_355 = tpu.memref_slice %arg7[%mul3A_354] : memref<10000xi32, #tpu.memory_space<vmem>> -> memref<80xi32, #tpu.memory_space<vmem>>
      %dma_start3A_356 = arith.constant 0 : i32
      %dma_start3A_357 = arith.constant 0 : i32
      %dma_start3A_358 = tpu.memref_slice %arg2[%dma_start3A_356, %dma_start3A_357] : memref<10240x64xf32, #tpu.memory_space<hbm>> -> memref<10240x64xf32, #tpu.memory_space<hbm>>
      tpu.enqueue_indirect_dma source(%dma_start3A_358 : memref<10240x64xf32, #tpu.memory_space<hbm>>) target(%arg12 : memref<80x64xf32, #tpu.memory_space<vmem>>) offsets(%dma_start3A_355 : memref<80xi32, #tpu.memory_space<vmem>>) semaphore(%arg23 : memref<!tpu.dma_semaphore, #tpu.memory_space<semaphore_mem>>)
      %add3A_359 = arith.constant 4 : i32
      %add3A_360 = arith.addi %add3A_326, %add3A_359 : i32
      %mul3A_361 = arith.constant 80 : i32
      %mul3A_362 = arith.muli %add3A_360, %mul3A_361 : i32
      %dma_start3A_363 = tpu.memref_slice %arg7[%mul3A_362] : memref<10000xi32, #tpu.memory_space<vmem>> -> memref<80xi32, #tpu.memory_space<vmem>>
      %dma_start3A_364 = arith.constant 0 : i32
      %dma_start3A_365 = arith.constant 0 : i32
      %dma_start3A_366 = tpu.memref_slice %arg2[%dma_start3A_364, %dma_start3A_365] : memref<10240x64xf32, #tpu.memory_space<hbm>> -> memref<10240x64xf32, #tpu.memory_space<hbm>>
      tpu.enqueue_indirect_dma source(%dma_start3A_366 : memref<10240x64xf32, #tpu.memory_space<hbm>>) target(%arg13 : memref<80x64xf32, #tpu.memory_space<vmem>>) offsets(%dma_start3A_363 : memref<80xi32, #tpu.memory_space<vmem>>) semaphore(%arg24 : memref<!tpu.dma_semaphore, #tpu.memory_space<semaphore_mem>>)
      %add3A_367 = arith.constant 0 : i32
      %add3A_368 = arith.addi %add3A_164, %add3A_367 : i32
      %mul3A_369 = arith.constant 80 : i32
      %mul3A_370 = arith.muli %add3A_368, %mul3A_369 : i32
      %dma_wait3A_371 = tpu.memref_slice %arg7[%mul3A_370] : memref<10000xi32, #tpu.memory_space<vmem>> -> memref<80xi32, #tpu.memory_space<vmem>>
      %dma_wait3A_372 = arith.constant 0 : i32
      %dma_wait3A_373 = arith.constant 0 : i32
      %dma_wait3A_374 = tpu.memref_slice %arg2[%dma_wait3A_372, %dma_wait3A_373] : memref<10240x64xf32, #tpu.memory_space<hbm>> -> memref<10240x64xf32, #tpu.memory_space<hbm>>
      tpu.wait_indirect_dma semaphore(%arg25 : memref<!tpu.dma_semaphore, #tpu.memory_space<semaphore_mem>>) src(%dma_wait3A_374 : memref<10240x64xf32, #tpu.memory_space<hbm>>) dst(%arg14 : memref<80x64xf32, #tpu.memory_space<vmem>>)
      %add3A_375 = arith.constant 0 : i32
      %add3A_376 = arith.addi %add3A_164, %add3A_375 : i32
      %dma_start3A_377 = arith.constant 0 : i32
      %dma_start3A_378 = tpu.memref_slice %arg8[%add3A_376, %dma_start3A_377] : memref<125x80xi32, #tpu.memory_space<vmem>> -> memref<1x80xi32, #tpu.memory_space<vmem>>
      %dma_start3A_379 = tpu.memref_squeeze %dma_start3A_378 : memref<1x80xi32, #tpu.memory_space<vmem>> -> memref<80xi32, #tpu.memory_space<vmem>>
      %dma_start3A_380 = arith.constant 0 : i32
      %dma_start3A_381 = arith.constant 0 : i32
      %dma_start3A_382 = tpu.memref_slice %arg19[%dma_start3A_380, %dma_start3A_381] : memref<10240x64xf32, #tpu.memory_space<vmem_shared>> -> memref<10240x64xf32, #tpu.memory_space<vmem_shared>>
      tpu.enqueue_indirect_dma source(%arg14 : memref<80x64xf32, #tpu.memory_space<vmem>>) target(%dma_start3A_382 : memref<10240x64xf32, #tpu.memory_space<vmem_shared>>) offsets(%dma_start3A_379 : memref<80xi32, #tpu.memory_space<vmem>>) semaphore(%arg35 : memref<!tpu.dma_semaphore, #tpu.memory_space<semaphore_mem>>) {add = true}
      %add3A_383 = arith.constant 1 : i32
      %add3A_384 = arith.addi %add3A_164, %add3A_383 : i32
      %mul3A_385 = arith.constant 80 : i32
      %mul3A_386 = arith.muli %add3A_384, %mul3A_385 : i32
      %dma_wait3A_387 = tpu.memref_slice %arg7[%mul3A_386] : memref<10000xi32, #tpu.memory_space<vmem>> -> memref<80xi32, #tpu.memory_space<vmem>>
      %dma_wait3A_388 = arith.constant 0 : i32
      %dma_wait3A_389 = arith.constant 0 : i32
      %dma_wait3A_390 = tpu.memref_slice %arg2[%dma_wait3A_388, %dma_wait3A_389] : memref<10240x64xf32, #tpu.memory_space<hbm>> -> memref<10240x64xf32, #tpu.memory_space<hbm>>
      tpu.wait_indirect_dma semaphore(%arg26 : memref<!tpu.dma_semaphore, #tpu.memory_space<semaphore_mem>>) src(%dma_wait3A_390 : memref<10240x64xf32, #tpu.memory_space<hbm>>) dst(%arg15 : memref<80x64xf32, #tpu.memory_space<vmem>>)
      %add3A_391 = arith.constant 1 : i32
      %add3A_392 = arith.addi %add3A_164, %add3A_391 : i32
      %dma_start3A_393 = arith.constant 0 : i32
      %dma_start3A_394 = tpu.memref_slice %arg8[%add3A_392, %dma_start3A_393] : memref<125x80xi32, #tpu.memory_space<vmem>> -> memref<1x80xi32, #tpu.memory_space<vmem>>
      %dma_start3A_395 = tpu.memref_squeeze %dma_start3A_394 : memref<1x80xi32, #tpu.memory_space<vmem>> -> memref<80xi32, #tpu.memory_space<vmem>>
      %dma_start3A_396 = arith.constant 0 : i32
      %dma_start3A_397 = arith.constant 0 : i32
      %dma_start3A_398 = tpu.memref_slice %arg19[%dma_start3A_396, %dma_start3A_397] : memref<10240x64xf32, #tpu.memory_space<vmem_shared>> -> memref<10240x64xf32, #tpu.memory_space<vmem_shared>>
      tpu.enqueue_indirect_dma source(%arg15 : memref<80x64xf32, #tpu.memory_space<vmem>>) target(%dma_start3A_398 : memref<10240x64xf32, #tpu.memory_space<vmem_shared>>) offsets(%dma_start3A_395 : memref<80xi32, #tpu.memory_space<vmem>>) semaphore(%arg36 : memref<!tpu.dma_semaphore, #tpu.memory_space<semaphore_mem>>) {add = true}
      %add3A_399 = arith.constant 2 : i32
      %add3A_400 = arith.addi %add3A_164, %add3A_399 : i32
      %mul3A_401 = arith.constant 80 : i32
      %mul3A_402 = arith.muli %add3A_400, %mul3A_401 : i32
      %dma_wait3A_403 = tpu.memref_slice %arg7[%mul3A_402] : memref<10000xi32, #tpu.memory_space<vmem>> -> memref<80xi32, #tpu.memory_space<vmem>>
      %dma_wait3A_404 = arith.constant 0 : i32
      %dma_wait3A_405 = arith.constant 0 : i32
      %dma_wait3A_406 = tpu.memref_slice %arg2[%dma_wait3A_404, %dma_wait3A_405] : memref<10240x64xf32, #tpu.memory_space<hbm>> -> memref<10240x64xf32, #tpu.memory_space<hbm>>
      tpu.wait_indirect_dma semaphore(%arg27 : memref<!tpu.dma_semaphore, #tpu.memory_space<semaphore_mem>>) src(%dma_wait3A_406 : memref<10240x64xf32, #tpu.memory_space<hbm>>) dst(%arg16 : memref<80x64xf32, #tpu.memory_space<vmem>>)
      %add3A_407 = arith.constant 2 : i32
      %add3A_408 = arith.addi %add3A_164, %add3A_407 : i32
      %dma_start3A_409 = arith.constant 0 : i32
      %dma_start3A_410 = tpu.memref_slice %arg8[%add3A_408, %dma_start3A_409] : memref<125x80xi32, #tpu.memory_space<vmem>> -> memref<1x80xi32, #tpu.memory_space<vmem>>
      %dma_start3A_411 = tpu.memref_squeeze %dma_start3A_410 : memref<1x80xi32, #tpu.memory_space<vmem>> -> memref<80xi32, #tpu.memory_space<vmem>>
      %dma_start3A_412 = arith.constant 0 : i32
      %dma_start3A_413 = arith.constant 0 : i32
      %dma_start3A_414 = tpu.memref_slice %arg19[%dma_start3A_412, %dma_start3A_413] : memref<10240x64xf32, #tpu.memory_space<vmem_shared>> -> memref<10240x64xf32, #tpu.memory_space<vmem_shared>>
      tpu.enqueue_indirect_dma source(%arg16 : memref<80x64xf32, #tpu.memory_space<vmem>>) target(%dma_start3A_414 : memref<10240x64xf32, #tpu.memory_space<vmem_shared>>) offsets(%dma_start3A_411 : memref<80xi32, #tpu.memory_space<vmem>>) semaphore(%arg37 : memref<!tpu.dma_semaphore, #tpu.memory_space<semaphore_mem>>) {add = true}
      %add3A_415 = arith.constant 3 : i32
      %add3A_416 = arith.addi %add3A_164, %add3A_415 : i32
      %mul3A_417 = arith.constant 80 : i32
      %mul3A_418 = arith.muli %add3A_416, %mul3A_417 : i32
      %dma_wait3A_419 = tpu.memref_slice %arg7[%mul3A_418] : memref<10000xi32, #tpu.memory_space<vmem>> -> memref<80xi32, #tpu.memory_space<vmem>>
      %dma_wait3A_420 = arith.constant 0 : i32
      %dma_wait3A_421 = arith.constant 0 : i32
      %dma_wait3A_422 = tpu.memref_slice %arg2[%dma_wait3A_420, %dma_wait3A_421] : memref<10240x64xf32, #tpu.memory_space<hbm>> -> memref<10240x64xf32, #tpu.memory_space<hbm>>
      tpu.wait_indirect_dma semaphore(%arg28 : memref<!tpu.dma_semaphore, #tpu.memory_space<semaphore_mem>>) src(%dma_wait3A_422 : memref<10240x64xf32, #tpu.memory_space<hbm>>) dst(%arg17 : memref<80x64xf32, #tpu.memory_space<vmem>>)
      %add3A_423 = arith.constant 3 : i32
      %add3A_424 = arith.addi %add3A_164, %add3A_423 : i32
      %dma_start3A_425 = arith.constant 0 : i32
      %dma_start3A_426 = tpu.memref_slice %arg8[%add3A_424, %dma_start3A_425] : memref<125x80xi32, #tpu.memory_space<vmem>> -> memref<1x80xi32, #tpu.memory_space<vmem>>
      %dma_start3A_427 = tpu.memref_squeeze %dma_start3A_426 : memref<1x80xi32, #tpu.memory_space<vmem>> -> memref<80xi32, #tpu.memory_space<vmem>>
      %dma_start3A_428 = arith.constant 0 : i32
      %dma_start3A_429 = arith.constant 0 : i32
      %dma_start3A_430 = tpu.memref_slice %arg19[%dma_start3A_428, %dma_start3A_429] : memref<10240x64xf32, #tpu.memory_space<vmem_shared>> -> memref<10240x64xf32, #tpu.memory_space<vmem_shared>>
      tpu.enqueue_indirect_dma source(%arg17 : memref<80x64xf32, #tpu.memory_space<vmem>>) target(%dma_start3A_430 : memref<10240x64xf32, #tpu.memory_space<vmem_shared>>) offsets(%dma_start3A_427 : memref<80xi32, #tpu.memory_space<vmem>>) semaphore(%arg38 : memref<!tpu.dma_semaphore, #tpu.memory_space<semaphore_mem>>) {add = true}
      %add3A_431 = arith.constant 4 : i32
      %add3A_432 = arith.addi %add3A_164, %add3A_431 : i32
      %mul3A_433 = arith.constant 80 : i32
      %mul3A_434 = arith.muli %add3A_432, %mul3A_433 : i32
      %dma_wait3A_435 = tpu.memref_slice %arg7[%mul3A_434] : memref<10000xi32, #tpu.memory_space<vmem>> -> memref<80xi32, #tpu.memory_space<vmem>>
      %dma_wait3A_436 = arith.constant 0 : i32
      %dma_wait3A_437 = arith.constant 0 : i32
      %dma_wait3A_438 = tpu.memref_slice %arg2[%dma_wait3A_436, %dma_wait3A_437] : memref<10240x64xf32, #tpu.memory_space<hbm>> -> memref<10240x64xf32, #tpu.memory_space<hbm>>
      tpu.wait_indirect_dma semaphore(%arg29 : memref<!tpu.dma_semaphore, #tpu.memory_space<semaphore_mem>>) src(%dma_wait3A_438 : memref<10240x64xf32, #tpu.memory_space<hbm>>) dst(%arg18 : memref<80x64xf32, #tpu.memory_space<vmem>>)
      %add3A_439 = arith.constant 4 : i32
      %add3A_440 = arith.addi %add3A_164, %add3A_439 : i32
      %dma_start3A_441 = arith.constant 0 : i32
      %dma_start3A_442 = tpu.memref_slice %arg8[%add3A_440, %dma_start3A_441] : memref<125x80xi32, #tpu.memory_space<vmem>> -> memref<1x80xi32, #tpu.memory_space<vmem>>
      %dma_start3A_443 = tpu.memref_squeeze %dma_start3A_442 : memref<1x80xi32, #tpu.memory_space<vmem>> -> memref<80xi32, #tpu.memory_space<vmem>>
      %dma_start3A_444 = arith.constant 0 : i32
      %dma_start3A_445 = arith.constant 0 : i32
      %dma_start3A_446 = tpu.memref_slice %arg19[%dma_start3A_444, %dma_start3A_445] : memref<10240x64xf32, #tpu.memory_space<vmem_shared>> -> memref<10240x64xf32, #tpu.memory_space<vmem_shared>>
      tpu.enqueue_indirect_dma source(%arg18 : memref<80x64xf32, #tpu.memory_space<vmem>>) target(%dma_start3A_446 : memref<10240x64xf32, #tpu.memory_space<vmem_shared>>) offsets(%dma_start3A_443 : memref<80xi32, #tpu.memory_space<vmem>>) semaphore(%arg39 : memref<!tpu.dma_semaphore, #tpu.memory_space<semaphore_mem>>) {add = true}
      %add3A_447 = arith.constant 0 : i32
      %add3A_448 = arith.addi %add3A_164, %add3A_447 : i32
      %dma_wait3A_449 = arith.constant 0 : i32
      %dma_wait3A_450 = tpu.memref_slice %arg8[%add3A_448, %dma_wait3A_449] : memref<125x80xi32, #tpu.memory_space<vmem>> -> memref<1x80xi32, #tpu.memory_space<vmem>>
      %dma_wait3A_451 = tpu.memref_squeeze %dma_wait3A_450 : memref<1x80xi32, #tpu.memory_space<vmem>> -> memref<80xi32, #tpu.memory_space<vmem>>
      %dma_wait3A_452 = arith.constant 0 : i32
      %dma_wait3A_453 = arith.constant 0 : i32
      %dma_wait3A_454 = tpu.memref_slice %arg19[%dma_wait3A_452, %dma_wait3A_453] : memref<10240x64xf32, #tpu.memory_space<vmem_shared>> -> memref<10240x64xf32, #tpu.memory_space<vmem_shared>>
      tpu.wait_indirect_dma semaphore(%arg35 : memref<!tpu.dma_semaphore, #tpu.memory_space<semaphore_mem>>) src(%arg14 : memref<80x64xf32, #tpu.memory_space<vmem>>) dst(%dma_wait3A_454 : memref<10240x64xf32, #tpu.memory_space<vmem_shared>>)
      %add3A_455 = arith.constant 1 : i32
      %add3A_456 = arith.addi %add3A_164, %add3A_455 : i32
      %dma_wait3A_457 = arith.constant 0 : i32
      %dma_wait3A_458 = tpu.memref_slice %arg8[%add3A_456, %dma_wait3A_457] : memref<125x80xi32, #tpu.memory_space<vmem>> -> memref<1x80xi32, #tpu.memory_space<vmem>>
      %dma_wait3A_459 = tpu.memref_squeeze %dma_wait3A_458 : memref<1x80xi32, #tpu.memory_space<vmem>> -> memref<80xi32, #tpu.memory_space<vmem>>
      %dma_wait3A_460 = arith.constant 0 : i32
      %dma_wait3A_461 = arith.constant 0 : i32
      %dma_wait3A_462 = tpu.memref_slice %arg19[%dma_wait3A_460, %dma_wait3A_461] : memref<10240x64xf32, #tpu.memory_space<vmem_shared>> -> memref<10240x64xf32, #tpu.memory_space<vmem_shared>>
      tpu.wait_indirect_dma semaphore(%arg36 : memref<!tpu.dma_semaphore, #tpu.memory_space<semaphore_mem>>) src(%arg15 : memref<80x64xf32, #tpu.memory_space<vmem>>) dst(%dma_wait3A_462 : memref<10240x64xf32, #tpu.memory_space<vmem_shared>>)
      %add3A_463 = arith.constant 2 : i32
      %add3A_464 = arith.addi %add3A_164, %add3A_463 : i32
      %dma_wait3A_465 = arith.constant 0 : i32
      %dma_wait3A_466 = tpu.memref_slice %arg8[%add3A_464, %dma_wait3A_465] : memref<125x80xi32, #tpu.memory_space<vmem>> -> memref<1x80xi32, #tpu.memory_space<vmem>>
      %dma_wait3A_467 = tpu.memref_squeeze %dma_wait3A_466 : memref<1x80xi32, #tpu.memory_space<vmem>> -> memref<80xi32, #tpu.memory_space<vmem>>
      %dma_wait3A_468 = arith.constant 0 : i32
      %dma_wait3A_469 = arith.constant 0 : i32
      %dma_wait3A_470 = tpu.memref_slice %arg19[%dma_wait3A_468, %dma_wait3A_469] : memref<10240x64xf32, #tpu.memory_space<vmem_shared>> -> memref<10240x64xf32, #tpu.memory_space<vmem_shared>>
      tpu.wait_indirect_dma semaphore(%arg37 : memref<!tpu.dma_semaphore, #tpu.memory_space<semaphore_mem>>) src(%arg16 : memref<80x64xf32, #tpu.memory_space<vmem>>) dst(%dma_wait3A_470 : memref<10240x64xf32, #tpu.memory_space<vmem_shared>>)
      %add3A_471 = arith.constant 3 : i32
      %add3A_472 = arith.addi %add3A_164, %add3A_471 : i32
      %dma_wait3A_473 = arith.constant 0 : i32
      %dma_wait3A_474 = tpu.memref_slice %arg8[%add3A_472, %dma_wait3A_473] : memref<125x80xi32, #tpu.memory_space<vmem>> -> memref<1x80xi32, #tpu.memory_space<vmem>>
      %dma_wait3A_475 = tpu.memref_squeeze %dma_wait3A_474 : memref<1x80xi32, #tpu.memory_space<vmem>> -> memref<80xi32, #tpu.memory_space<vmem>>
      %dma_wait3A_476 = arith.constant 0 : i32
      %dma_wait3A_477 = arith.constant 0 : i32
      %dma_wait3A_478 = tpu.memref_slice %arg19[%dma_wait3A_476, %dma_wait3A_477] : memref<10240x64xf32, #tpu.memory_space<vmem_shared>> -> memref<10240x64xf32, #tpu.memory_space<vmem_shared>>
      tpu.wait_indirect_dma semaphore(%arg38 : memref<!tpu.dma_semaphore, #tpu.memory_space<semaphore_mem>>) src(%arg17 : memref<80x64xf32, #tpu.memory_space<vmem>>) dst(%dma_wait3A_478 : memref<10240x64xf32, #tpu.memory_space<vmem_shared>>)
      %add3A_479 = arith.constant 4 : i32
      %add3A_480 = arith.addi %add3A_164, %add3A_479 : i32
      %dma_wait3A_481 = arith.constant 0 : i32
      %dma_wait3A_482 = tpu.memref_slice %arg8[%add3A_480, %dma_wait3A_481] : memref<125x80xi32, #tpu.memory_space<vmem>> -> memref<1x80xi32, #tpu.memory_space<vmem>>
      %dma_wait3A_483 = tpu.memref_squeeze %dma_wait3A_482 : memref<1x80xi32, #tpu.memory_space<vmem>> -> memref<80xi32, #tpu.memory_space<vmem>>
      %dma_wait3A_484 = arith.constant 0 : i32
      %dma_wait3A_485 = arith.constant 0 : i32
      %dma_wait3A_486 = tpu.memref_slice %arg19[%dma_wait3A_484, %dma_wait3A_485] : memref<10240x64xf32, #tpu.memory_space<vmem_shared>> -> memref<10240x64xf32, #tpu.memory_space<vmem_shared>>
      tpu.wait_indirect_dma semaphore(%arg39 : memref<!tpu.dma_semaphore, #tpu.memory_space<semaphore_mem>>) src(%arg18 : memref<80x64xf32, #tpu.memory_space<vmem>>) dst(%dma_wait3A_486 : memref<10240x64xf32, #tpu.memory_space<vmem_shared>>)
    }
    %scan3A_54 = arith.constant 12 : i32
    %dma_wait3A_55 = arith.constant 9600 : i32
    %dma_wait3A_56 = tpu.memref_slice %arg7[%dma_wait3A_55] : memref<10000xi32, #tpu.memory_space<vmem>> -> memref<80xi32, #tpu.memory_space<vmem>>
    %dma_wait3A_57 = arith.constant 0 : i32
    %dma_wait3A_58 = arith.constant 0 : i32
    %dma_wait3A_59 = tpu.memref_slice %arg2[%dma_wait3A_57, %dma_wait3A_58] : memref<10240x64xf32, #tpu.memory_space<hbm>> -> memref<10240x64xf32, #tpu.memory_space<hbm>>
    tpu.wait_indirect_dma semaphore(%arg20 : memref<!tpu.dma_semaphore, #tpu.memory_space<semaphore_mem>>) src(%dma_wait3A_59 : memref<10240x64xf32, #tpu.memory_space<hbm>>) dst(%arg9 : memref<80x64xf32, #tpu.memory_space<vmem>>)
    %dma_start3A_60 = arith.constant 120 : i32
    %dma_start3A_61 = arith.constant 0 : i32
    %dma_start3A_62 = tpu.memref_slice %arg8[%dma_start3A_60, %dma_start3A_61] : memref<125x80xi32, #tpu.memory_space<vmem>> -> memref<1x80xi32, #tpu.memory_space<vmem>>
    %dma_start3A_63 = tpu.memref_squeeze %dma_start3A_62 : memref<1x80xi32, #tpu.memory_space<vmem>> -> memref<80xi32, #tpu.memory_space<vmem>>
    %dma_start3A_64 = arith.constant 0 : i32
    %dma_start3A_65 = arith.constant 0 : i32
    %dma_start3A_66 = tpu.memref_slice %arg19[%dma_start3A_64, %dma_start3A_65] : memref<10240x64xf32, #tpu.memory_space<vmem_shared>> -> memref<10240x64xf32, #tpu.memory_space<vmem_shared>>
    tpu.enqueue_indirect_dma source(%arg9 : memref<80x64xf32, #tpu.memory_space<vmem>>) target(%dma_start3A_66 : memref<10240x64xf32, #tpu.memory_space<vmem_shared>>) offsets(%dma_start3A_63 : memref<80xi32, #tpu.memory_space<vmem>>) semaphore(%arg30 : memref<!tpu.dma_semaphore, #tpu.memory_space<semaphore_mem>>) {add = true}
    %dma_wait3A_67 = arith.constant 9680 : i32
    %dma_wait3A_68 = tpu.memref_slice %arg7[%dma_wait3A_67] : memref<10000xi32, #tpu.memory_space<vmem>> -> memref<80xi32, #tpu.memory_space<vmem>>
    %dma_wait3A_69 = arith.constant 0 : i32
    %dma_wait3A_70 = arith.constant 0 : i32
    %dma_wait3A_71 = tpu.memref_slice %arg2[%dma_wait3A_69, %dma_wait3A_70] : memref<10240x64xf32, #tpu.memory_space<hbm>> -> memref<10240x64xf32, #tpu.memory_space<hbm>>
    tpu.wait_indirect_dma semaphore(%arg21 : memref<!tpu.dma_semaphore, #tpu.memory_space<semaphore_mem>>) src(%dma_wait3A_71 : memref<10240x64xf32, #tpu.memory_space<hbm>>) dst(%arg10 : memref<80x64xf32, #tpu.memory_space<vmem>>)
    %dma_start3A_72 = arith.constant 121 : i32
    %dma_start3A_73 = arith.constant 0 : i32
    %dma_start3A_74 = tpu.memref_slice %arg8[%dma_start3A_72, %dma_start3A_73] : memref<125x80xi32, #tpu.memory_space<vmem>> -> memref<1x80xi32, #tpu.memory_space<vmem>>
    %dma_start3A_75 = tpu.memref_squeeze %dma_start3A_74 : memref<1x80xi32, #tpu.memory_space<vmem>> -> memref<80xi32, #tpu.memory_space<vmem>>
    %dma_start3A_76 = arith.constant 0 : i32
    %dma_start3A_77 = arith.constant 0 : i32
    %dma_start3A_78 = tpu.memref_slice %arg19[%dma_start3A_76, %dma_start3A_77] : memref<10240x64xf32, #tpu.memory_space<vmem_shared>> -> memref<10240x64xf32, #tpu.memory_space<vmem_shared>>
    tpu.enqueue_indirect_dma source(%arg10 : memref<80x64xf32, #tpu.memory_space<vmem>>) target(%dma_start3A_78 : memref<10240x64xf32, #tpu.memory_space<vmem_shared>>) offsets(%dma_start3A_75 : memref<80xi32, #tpu.memory_space<vmem>>) semaphore(%arg31 : memref<!tpu.dma_semaphore, #tpu.memory_space<semaphore_mem>>) {add = true}
    %dma_wait3A_79 = arith.constant 9760 : i32
    %dma_wait3A_80 = tpu.memref_slice %arg7[%dma_wait3A_79] : memref<10000xi32, #tpu.memory_space<vmem>> -> memref<80xi32, #tpu.memory_space<vmem>>
    %dma_wait3A_81 = arith.constant 0 : i32
    %dma_wait3A_82 = arith.constant 0 : i32
    %dma_wait3A_83 = tpu.memref_slice %arg2[%dma_wait3A_81, %dma_wait3A_82] : memref<10240x64xf32, #tpu.memory_space<hbm>> -> memref<10240x64xf32, #tpu.memory_space<hbm>>
    tpu.wait_indirect_dma semaphore(%arg22 : memref<!tpu.dma_semaphore, #tpu.memory_space<semaphore_mem>>) src(%dma_wait3A_83 : memref<10240x64xf32, #tpu.memory_space<hbm>>) dst(%arg11 : memref<80x64xf32, #tpu.memory_space<vmem>>)
    %dma_start3A_84 = arith.constant 122 : i32
    %dma_start3A_85 = arith.constant 0 : i32
    %dma_start3A_86 = tpu.memref_slice %arg8[%dma_start3A_84, %dma_start3A_85] : memref<125x80xi32, #tpu.memory_space<vmem>> -> memref<1x80xi32, #tpu.memory_space<vmem>>
    %dma_start3A_87 = tpu.memref_squeeze %dma_start3A_86 : memref<1x80xi32, #tpu.memory_space<vmem>> -> memref<80xi32, #tpu.memory_space<vmem>>
    %dma_start3A_88 = arith.constant 0 : i32
    %dma_start3A_89 = arith.constant 0 : i32
    %dma_start3A_90 = tpu.memref_slice %arg19[%dma_start3A_88, %dma_start3A_89] : memref<10240x64xf32, #tpu.memory_space<vmem_shared>> -> memref<10240x64xf32, #tpu.memory_space<vmem_shared>>
    tpu.enqueue_indirect_dma source(%arg11 : memref<80x64xf32, #tpu.memory_space<vmem>>) target(%dma_start3A_90 : memref<10240x64xf32, #tpu.memory_space<vmem_shared>>) offsets(%dma_start3A_87 : memref<80xi32, #tpu.memory_space<vmem>>) semaphore(%arg32 : memref<!tpu.dma_semaphore, #tpu.memory_space<semaphore_mem>>) {add = true}
    %dma_wait3A_91 = arith.constant 9840 : i32
    %dma_wait3A_92 = tpu.memref_slice %arg7[%dma_wait3A_91] : memref<10000xi32, #tpu.memory_space<vmem>> -> memref<80xi32, #tpu.memory_space<vmem>>
    %dma_wait3A_93 = arith.constant 0 : i32
    %dma_wait3A_94 = arith.constant 0 : i32
    %dma_wait3A_95 = tpu.memref_slice %arg2[%dma_wait3A_93, %dma_wait3A_94] : memref<10240x64xf32, #tpu.memory_space<hbm>> -> memref<10240x64xf32, #tpu.memory_space<hbm>>
    tpu.wait_indirect_dma semaphore(%arg23 : memref<!tpu.dma_semaphore, #tpu.memory_space<semaphore_mem>>) src(%dma_wait3A_95 : memref<10240x64xf32, #tpu.memory_space<hbm>>) dst(%arg12 : memref<80x64xf32, #tpu.memory_space<vmem>>)
    %dma_start3A_96 = arith.constant 123 : i32
    %dma_start3A_97 = arith.constant 0 : i32
    %dma_start3A_98 = tpu.memref_slice %arg8[%dma_start3A_96, %dma_start3A_97] : memref<125x80xi32, #tpu.memory_space<vmem>> -> memref<1x80xi32, #tpu.memory_space<vmem>>
    %dma_start3A_99 = tpu.memref_squeeze %dma_start3A_98 : memref<1x80xi32, #tpu.memory_space<vmem>> -> memref<80xi32, #tpu.memory_space<vmem>>
    %dma_start3A_100 = arith.constant 0 : i32
    %dma_start3A_101 = arith.constant 0 : i32
    %dma_start3A_102 = tpu.memref_slice %arg19[%dma_start3A_100, %dma_start3A_101] : memref<10240x64xf32, #tpu.memory_space<vmem_shared>> -> memref<10240x64xf32, #tpu.memory_space<vmem_shared>>
    tpu.enqueue_indirect_dma source(%arg12 : memref<80x64xf32, #tpu.memory_space<vmem>>) target(%dma_start3A_102 : memref<10240x64xf32, #tpu.memory_space<vmem_shared>>) offsets(%dma_start3A_99 : memref<80xi32, #tpu.memory_space<vmem>>) semaphore(%arg33 : memref<!tpu.dma_semaphore, #tpu.memory_space<semaphore_mem>>) {add = true}
    %dma_wait3A_103 = arith.constant 9920 : i32
    %dma_wait3A_104 = tpu.memref_slice %arg7[%dma_wait3A_103] : memref<10000xi32, #tpu.memory_space<vmem>> -> memref<80xi32, #tpu.memory_space<vmem>>
    %dma_wait3A_105 = arith.constant 0 : i32
    %dma_wait3A_106 = arith.constant 0 : i32
    %dma_wait3A_107 = tpu.memref_slice %arg2[%dma_wait3A_105, %dma_wait3A_106] : memref<10240x64xf32, #tpu.memory_space<hbm>> -> memref<10240x64xf32, #tpu.memory_space<hbm>>
    tpu.wait_indirect_dma semaphore(%arg24 : memref<!tpu.dma_semaphore, #tpu.memory_space<semaphore_mem>>) src(%dma_wait3A_107 : memref<10240x64xf32, #tpu.memory_space<hbm>>) dst(%arg13 : memref<80x64xf32, #tpu.memory_space<vmem>>)
    %dma_start3A_108 = arith.constant 124 : i32
    %dma_start3A_109 = arith.constant 0 : i32
    %dma_start3A_110 = tpu.memref_slice %arg8[%dma_start3A_108, %dma_start3A_109] : memref<125x80xi32, #tpu.memory_space<vmem>> -> memref<1x80xi32, #tpu.memory_space<vmem>>
    %dma_start3A_111 = tpu.memref_squeeze %dma_start3A_110 : memref<1x80xi32, #tpu.memory_space<vmem>> -> memref<80xi32, #tpu.memory_space<vmem>>
    %dma_start3A_112 = arith.constant 0 : i32
    %dma_start3A_113 = arith.constant 0 : i32
    %dma_start3A_114 = tpu.memref_slice %arg19[%dma_start3A_112, %dma_start3A_113] : memref<10240x64xf32, #tpu.memory_space<vmem_shared>> -> memref<10240x64xf32, #tpu.memory_space<vmem_shared>>
    tpu.enqueue_indirect_dma source(%arg13 : memref<80x64xf32, #tpu.memory_space<vmem>>) target(%dma_start3A_114 : memref<10240x64xf32, #tpu.memory_space<vmem_shared>>) offsets(%dma_start3A_111 : memref<80xi32, #tpu.memory_space<vmem>>) semaphore(%arg34 : memref<!tpu.dma_semaphore, #tpu.memory_space<semaphore_mem>>) {add = true}
    %dma_wait3A_115 = arith.constant 120 : i32
    %dma_wait3A_116 = arith.constant 0 : i32
    %dma_wait3A_117 = tpu.memref_slice %arg8[%dma_wait3A_115, %dma_wait3A_116] : memref<125x80xi32, #tpu.memory_space<vmem>> -> memref<1x80xi32, #tpu.memory_space<vmem>>
    %dma_wait3A_118 = tpu.memref_squeeze %dma_wait3A_117 : memref<1x80xi32, #tpu.memory_space<vmem>> -> memref<80xi32, #tpu.memory_space<vmem>>
    %dma_wait3A_119 = arith.constant 0 : i32
    %dma_wait3A_120 = arith.constant 0 : i32
    %dma_wait3A_121 = tpu.memref_slice %arg19[%dma_wait3A_119, %dma_wait3A_120] : memref<10240x64xf32, #tpu.memory_space<vmem_shared>> -> memref<10240x64xf32, #tpu.memory_space<vmem_shared>>
    tpu.wait_indirect_dma semaphore(%arg30 : memref<!tpu.dma_semaphore, #tpu.memory_space<semaphore_mem>>) src(%arg9 : memref<80x64xf32, #tpu.memory_space<vmem>>) dst(%dma_wait3A_121 : memref<10240x64xf32, #tpu.memory_space<vmem_shared>>)
    %dma_wait3A_122 = arith.constant 121 : i32
    %dma_wait3A_123 = arith.constant 0 : i32
    %dma_wait3A_124 = tpu.memref_slice %arg8[%dma_wait3A_122, %dma_wait3A_123] : memref<125x80xi32, #tpu.memory_space<vmem>> -> memref<1x80xi32, #tpu.memory_space<vmem>>
    %dma_wait3A_125 = tpu.memref_squeeze %dma_wait3A_124 : memref<1x80xi32, #tpu.memory_space<vmem>> -> memref<80xi32, #tpu.memory_space<vmem>>
    %dma_wait3A_126 = arith.constant 0 : i32
    %dma_wait3A_127 = arith.constant 0 : i32
    %dma_wait3A_128 = tpu.memref_slice %arg19[%dma_wait3A_126, %dma_wait3A_127] : memref<10240x64xf32, #tpu.memory_space<vmem_shared>> -> memref<10240x64xf32, #tpu.memory_space<vmem_shared>>
    tpu.wait_indirect_dma semaphore(%arg31 : memref<!tpu.dma_semaphore, #tpu.memory_space<semaphore_mem>>) src(%arg10 : memref<80x64xf32, #tpu.memory_space<vmem>>) dst(%dma_wait3A_128 : memref<10240x64xf32, #tpu.memory_space<vmem_shared>>)
    %dma_wait3A_129 = arith.constant 122 : i32
    %dma_wait3A_130 = arith.constant 0 : i32
    %dma_wait3A_131 = tpu.memref_slice %arg8[%dma_wait3A_129, %dma_wait3A_130] : memref<125x80xi32, #tpu.memory_space<vmem>> -> memref<1x80xi32, #tpu.memory_space<vmem>>
    %dma_wait3A_132 = tpu.memref_squeeze %dma_wait3A_131 : memref<1x80xi32, #tpu.memory_space<vmem>> -> memref<80xi32, #tpu.memory_space<vmem>>
    %dma_wait3A_133 = arith.constant 0 : i32
    %dma_wait3A_134 = arith.constant 0 : i32
    %dma_wait3A_135 = tpu.memref_slice %arg19[%dma_wait3A_133, %dma_wait3A_134] : memref<10240x64xf32, #tpu.memory_space<vmem_shared>> -> memref<10240x64xf32, #tpu.memory_space<vmem_shared>>
    tpu.wait_indirect_dma semaphore(%arg32 : memref<!tpu.dma_semaphore, #tpu.memory_space<semaphore_mem>>) src(%arg11 : memref<80x64xf32, #tpu.memory_space<vmem>>) dst(%dma_wait3A_135 : memref<10240x64xf32, #tpu.memory_space<vmem_shared>>)
    %dma_wait3A_136 = arith.constant 123 : i32
    %dma_wait3A_137 = arith.constant 0 : i32
    %dma_wait3A_138 = tpu.memref_slice %arg8[%dma_wait3A_136, %dma_wait3A_137] : memref<125x80xi32, #tpu.memory_space<vmem>> -> memref<1x80xi32, #tpu.memory_space<vmem>>
    %dma_wait3A_139 = tpu.memref_squeeze %dma_wait3A_138 : memref<1x80xi32, #tpu.memory_space<vmem>> -> memref<80xi32, #tpu.memory_space<vmem>>
    %dma_wait3A_140 = arith.constant 0 : i32
    %dma_wait3A_141 = arith.constant 0 : i32
    %dma_wait3A_142 = tpu.memref_slice %arg19[%dma_wait3A_140, %dma_wait3A_141] : memref<10240x64xf32, #tpu.memory_space<vmem_shared>> -> memref<10240x64xf32, #tpu.memory_space<vmem_shared>>
    tpu.wait_indirect_dma semaphore(%arg33 : memref<!tpu.dma_semaphore, #tpu.memory_space<semaphore_mem>>) src(%arg12 : memref<80x64xf32, #tpu.memory_space<vmem>>) dst(%dma_wait3A_142 : memref<10240x64xf32, #tpu.memory_space<vmem_shared>>)
    %dma_wait3A_143 = arith.constant 124 : i32
    %dma_wait3A_144 = arith.constant 0 : i32
    %dma_wait3A_145 = tpu.memref_slice %arg8[%dma_wait3A_143, %dma_wait3A_144] : memref<125x80xi32, #tpu.memory_space<vmem>> -> memref<1x80xi32, #tpu.memory_space<vmem>>
    %dma_wait3A_146 = tpu.memref_squeeze %dma_wait3A_145 : memref<1x80xi32, #tpu.memory_space<vmem>> -> memref<80xi32, #tpu.memory_space<vmem>>
    %dma_wait3A_147 = arith.constant 0 : i32
    %dma_wait3A_148 = arith.constant 0 : i32
    %dma_wait3A_149 = tpu.memref_slice %arg19[%dma_wait3A_147, %dma_wait3A_148] : memref<10240x64xf32, #tpu.memory_space<vmem_shared>> -> memref<10240x64xf32, #tpu.memory_space<vmem_shared>>
    tpu.wait_indirect_dma semaphore(%arg34 : memref<!tpu.dma_semaphore, #tpu.memory_space<semaphore_mem>>) src(%arg13 : memref<80x64xf32, #tpu.memory_space<vmem>>) dst(%dma_wait3A_149 : memref<10240x64xf32, #tpu.memory_space<vmem_shared>>)
    %barrier3A_150 = arith.constant 0 : index
    tpu.barrier barrier_id(%barrier3A_150)
    %mul3A_151 = arith.constant 640 : i32
    %mul3A_152 = arith.muli %arg1, %mul3A_151 : i32
    %mul3A_153 = arith.constant 10240 : i32
    %mul3A_154 = arith.muli %arg0, %mul3A_153 : i32
    %mul3A_155 = arith.constant 640 : i32
    %mul3A_156 = arith.muli %arg1, %mul3A_155 : i32
    %add3A_157 = arith.addi %mul3A_154, %mul3A_156 : i32
    "tpu.region"() ({
      %run_scoped3A = tpu.sem_alloc : memref<!tpu.dma_semaphore, #tpu.memory_space<semaphore_mem>>
      %dma_start3A_158 = arith.constant 0 : i32
      %dma_start3A_159 = tpu.memref_slice %arg6[%add3A_157, %dma_start3A_158] : memref<20480x64xf32, #tpu.memory_space<hbm>> -> memref<640x64xf32, #tpu.memory_space<hbm>>
      %dma_start3A_160 = arith.constant 0 : i32
      %dma_start3A_161 = tpu.memref_slice %arg19[%mul3A_152, %dma_start3A_160] : memref<10240x64xf32, #tpu.memory_space<vmem_shared>> -> memref<640x64xf32, #tpu.memory_space<vmem_shared>>
      tpu.enqueue_dma source(%dma_start3A_161 : memref<640x64xf32, #tpu.memory_space<vmem_shared>>) target(%dma_start3A_159 : memref<640x64xf32, #tpu.memory_space<hbm>>) target_semaphore(%run_scoped3A : memref<!tpu.dma_semaphore, #tpu.memory_space<semaphore_mem>>)
      %dma_wait3A_162 = arith.constant 0 : i32
      %dma_wait3A_163 = tpu.memref_slice %arg6[%add3A_157, %dma_wait3A_162] : memref<20480x64xf32, #tpu.memory_space<hbm>> -> memref<640x64xf32, #tpu.memory_space<hbm>>
      %dma_wait3A_164 = arith.constant 0 : i32
      %dma_wait3A_165 = tpu.memref_slice %arg19[%mul3A_152, %dma_wait3A_164] : memref<10240x64xf32, #tpu.memory_space<vmem_shared>> -> memref<640x64xf32, #tpu.memory_space<vmem_shared>>
      tpu.wait_dma2 semaphore(%run_scoped3A : memref<!tpu.dma_semaphore, #tpu.memory_space<semaphore_mem>>) src(%dma_wait3A_165 : memref<640x64xf32, #tpu.memory_space<vmem_shared>>) dst(%dma_wait3A_163 : memref<640x64xf32, #tpu.memory_space<hbm>>)
      tpu.yield
    }) : () -> ()
    return
  }
}

#map = affine_map<(d0, d1) -> (0, 0)>
#map1 = affine_map<(d0, d1) -> (0)>
#map2 = affine_map<(d0, d1) -> (0, 0, 0)>
module attributes {stable_mosaic.version = 14 : i64} {
  func.func @seg_sum(%arg0: i32, %arg1: i32, %arg2: memref<10240x64xf32, #tpu.memory_space<hbm>>, %arg3: memref<320000xi32, #tpu.memory_space<hbm>>, %arg4: memref<32x125x80xi32, #tpu.memory_space<hbm>>, %arg5: memref<10240x64xf32, #tpu.memory_space<hbm>>, %arg6: memref<20480x64xf32, #tpu.memory_space<hbm>>, %arg7: memref<10000xi32, #tpu.memory_space<vmem>>, %arg8: memref<125x80xi32, #tpu.memory_space<vmem>>, %arg9: memref<80x64xf32, #tpu.memory_space<vmem>>, %arg10: memref<80x64xf32, #tpu.memory_space<vmem>>, %arg11: memref<80x64xf32, #tpu.memory_space<vmem>>, %arg12: memref<80x64xf32, #tpu.memory_space<vmem>>, %arg13: memref<80x64xf32, #tpu.memory_space<vmem>>, %arg14: memref<80x64xf32, #tpu.memory_space<vmem>>, %arg15: memref<80x64xf32, #tpu.memory_space<vmem>>, %arg16: memref<80x64xf32, #tpu.memory_space<vmem>>, %arg17: memref<80x64xf32, #tpu.memory_space<vmem>>, %arg18: memref<80x64xf32, #tpu.memory_space<vmem>>, %arg19: memref<10240x64xf32, #tpu.memory_space<vmem_shared>>, %arg20: memref<!tpu.dma_semaphore, #tpu.memory_space<semaphore_mem>>, %arg21: memref<!tpu.dma_semaphore, #tpu.memory_space<semaphore_mem>>, %arg22: memref<!tpu.dma_semaphore, #tpu.memory_space<semaphore_mem>>, %arg23: memref<!tpu.dma_semaphore, #tpu.memory_space<semaphore_mem>>, %arg24: memref<!tpu.dma_semaphore, #tpu.memory_space<semaphore_mem>>, %arg25: memref<!tpu.dma_semaphore, #tpu.memory_space<semaphore_mem>>, %arg26: memref<!tpu.dma_semaphore, #tpu.memory_space<semaphore_mem>>, %arg27: memref<!tpu.dma_semaphore, #tpu.memory_space<semaphore_mem>>, %arg28: memref<!tpu.dma_semaphore, #tpu.memory_space<semaphore_mem>>, %arg29: memref<!tpu.dma_semaphore, #tpu.memory_space<semaphore_mem>>, %arg30: memref<!tpu.dma_semaphore, #tpu.memory_space<semaphore_mem>>, %arg31: memref<!tpu.dma_semaphore, #tpu.memory_space<semaphore_mem>>, %arg32: memref<!tpu.dma_semaphore, #tpu.memory_space<semaphore_mem>>, %arg33: memref<!tpu.dma_semaphore, #tpu.memory_space<semaphore_mem>>, %arg34: memref<!tpu.dma_semaphore, #tpu.memory_space<semaphore_mem>>, %arg35: memref<!tpu.dma_semaphore, #tpu.memory_space<semaphore_mem>>, %arg36: memref<!tpu.dma_semaphore, #tpu.memory_space<semaphore_mem>>, %arg37: memref<!tpu.dma_semaphore, #tpu.memory_space<semaphore_mem>>, %arg38: memref<!tpu.dma_semaphore, #tpu.memory_space<semaphore_mem>>, %arg39: memref<!tpu.dma_semaphore, #tpu.memory_space<semaphore_mem>>, %arg40: memref<!tpu.dma_semaphore, #tpu.memory_space<semaphore_mem>>) attributes {dimension_semantics = [#tpu.dimension_semantics<core_parallel>, #tpu.dimension_semantics<subcore_parallel>], iteration_bounds = array<i64: 2, 16>, scalar_prefetch = 0 : i64, scratch_operands = 34 : i64, tpu.core_type = #tpu.core_type<sc_vector_subcore>, window_params = [{transform_indices = #map}, {transform_indices = #map1}, {transform_indices = #map2}, {transform_indices = #map}, {transform_indices = #map}]} {
    %mul3A = arith.constant 2 : i32
    %mul3A_0 = arith.muli %arg1, %mul3A : i32
    %add3A = arith.addi %mul3A_0, %arg0 : i32
    %mul3A_1 = arith.constant 10000 : i32
    %mul3A_2 = arith.muli %add3A, %mul3A_1 : i32
    %mul3A_3 = arith.constant 640 : i32
    %mul3A_4 = arith.muli %arg1, %mul3A_3 : i32
    %mul3A_5 = arith.constant 640 : i32
    %mul3A_6 = arith.muli %arg1, %mul3A_5 : i32
    "tpu.region"() ({
      %run_scoped3A = tpu.sem_alloc : memref<!tpu.dma_semaphore, #tpu.memory_space<semaphore_mem>>
      %dma_start3A_158 = arith.constant 0 : i32
      %dma_start3A_159 = tpu.memref_slice %arg19[%mul3A_6, %dma_start3A_158] : memref<10240x64xf32, #tpu.memory_space<vmem_shared>> -> memref<640x64xf32, #tpu.memory_space<vmem_shared>>
      %dma_start3A_160 = arith.constant 0 : i32
      %dma_start3A_161 = tpu.memref_slice %arg5[%mul3A_4, %dma_start3A_160] : memref<10240x64xf32, #tpu.memory_space<hbm>> -> memref<640x64xf32, #tpu.memory_space<hbm>>
      tpu.enqueue_dma source(%dma_start3A_161 : memref<640x64xf32, #tpu.memory_space<hbm>>) target(%dma_start3A_159 : memref<640x64xf32, #tpu.memory_space<vmem_shared>>) target_semaphore(%run_scoped3A : memref<!tpu.dma_semaphore, #tpu.memory_space<semaphore_mem>>)
      %dma_wait3A_162 = arith.constant 0 : i32
      %dma_wait3A_163 = tpu.memref_slice %arg19[%mul3A_6, %dma_wait3A_162] : memref<10240x64xf32, #tpu.memory_space<vmem_shared>> -> memref<640x64xf32, #tpu.memory_space<vmem_shared>>
      %dma_wait3A_164 = arith.constant 0 : i32
      %dma_wait3A_165 = tpu.memref_slice %arg5[%mul3A_4, %dma_wait3A_164] : memref<10240x64xf32, #tpu.memory_space<hbm>> -> memref<640x64xf32, #tpu.memory_space<hbm>>
      tpu.wait_dma2 semaphore(%run_scoped3A : memref<!tpu.dma_semaphore, #tpu.memory_space<semaphore_mem>>) src(%dma_wait3A_165 : memref<640x64xf32, #tpu.memory_space<hbm>>) dst(%dma_wait3A_163 : memref<640x64xf32, #tpu.memory_space<vmem_shared>>)
      tpu.yield
    }) : () -> ()
    %dma_start3A = tpu.memref_slice %arg3[%mul3A_2] : memref<320000xi32, #tpu.memory_space<hbm>> -> memref<10000xi32, #tpu.memory_space<hbm>>
    %dma_start3A_7 = tpu.memref_slice %arg3[%mul3A_2] : memref<320000xi32, #tpu.memory_space<hbm>> -> memref<10000xi32, #tpu.memory_space<hbm>>
    tpu.enqueue_dma source(%dma_start3A_7 : memref<10000xi32, #tpu.memory_space<hbm>>) target(%arg7 : memref<10000xi32, #tpu.memory_space<vmem>>) target_semaphore(%arg40 : memref<!tpu.dma_semaphore, #tpu.memory_space<semaphore_mem>>)
    %dma_start3A_8 = arith.constant 0 : i32
    %dma_start3A_9 = arith.constant 0 : i32
    %dma_start3A_10 = tpu.memref_slice %arg4[%add3A, %dma_start3A_8, %dma_start3A_9] : memref<32x125x80xi32, #tpu.memory_space<hbm>> -> memref<1x125x80xi32, #tpu.memory_space<hbm>>
    %dma_start3A_11 = tpu.memref_squeeze %dma_start3A_10 : memref<1x125x80xi32, #tpu.memory_space<hbm>> -> memref<125x80xi32, #tpu.memory_space<hbm>>
    %dma_start3A_12 = arith.constant 0 : i32
    %dma_start3A_13 = arith.constant 0 : i32
    %dma_start3A_14 = tpu.memref_slice %arg4[%add3A, %dma_start3A_12, %dma_start3A_13] : memref<32x125x80xi32, #tpu.memory_space<hbm>> -> memref<1x125x80xi32, #tpu.memory_space<hbm>>
    %dma_start3A_15 = tpu.memref_squeeze %dma_start3A_14 : memref<1x125x80xi32, #tpu.memory_space<hbm>> -> memref<125x80xi32, #tpu.memory_space<hbm>>
    tpu.enqueue_dma source(%dma_start3A_15 : memref<125x80xi32, #tpu.memory_space<hbm>>) target(%arg8 : memref<125x80xi32, #tpu.memory_space<vmem>>) target_semaphore(%arg40 : memref<!tpu.dma_semaphore, #tpu.memory_space<semaphore_mem>>)
    %dma_wait3A = tpu.memref_slice %arg3[%mul3A_2] : memref<320000xi32, #tpu.memory_space<hbm>> -> memref<10000xi32, #tpu.memory_space<hbm>>
    %dma_wait3A_16 = tpu.memref_slice %arg3[%mul3A_2] : memref<320000xi32, #tpu.memory_space<hbm>> -> memref<10000xi32, #tpu.memory_space<hbm>>
    tpu.wait_dma2 semaphore(%arg40 : memref<!tpu.dma_semaphore, #tpu.memory_space<semaphore_mem>>) src(%dma_wait3A_16 : memref<10000xi32, #tpu.memory_space<hbm>>) dst(%arg7 : memref<10000xi32, #tpu.memory_space<vmem>>)
    %dma_wait3A_17 = arith.constant 0 : i32
    %dma_wait3A_18 = arith.constant 0 : i32
    %dma_wait3A_19 = tpu.memref_slice %arg4[%add3A, %dma_wait3A_17, %dma_wait3A_18] : memref<32x125x80xi32, #tpu.memory_space<hbm>> -> memref<1x125x80xi32, #tpu.memory_space<hbm>>
    %dma_wait3A_20 = tpu.memref_squeeze %dma_wait3A_19 : memref<1x125x80xi32, #tpu.memory_space<hbm>> -> memref<125x80xi32, #tpu.memory_space<hbm>>
    %dma_wait3A_21 = arith.constant 0 : i32
    %dma_wait3A_22 = arith.constant 0 : i32
    %dma_wait3A_23 = tpu.memref_slice %arg4[%add3A, %dma_wait3A_21, %dma_wait3A_22] : memref<32x125x80xi32, #tpu.memory_space<hbm>> -> memref<1x125x80xi32, #tpu.memory_space<hbm>>
    %dma_wait3A_24 = tpu.memref_squeeze %dma_wait3A_23 : memref<1x125x80xi32, #tpu.memory_space<hbm>> -> memref<125x80xi32, #tpu.memory_space<hbm>>
    tpu.wait_dma2 semaphore(%arg40 : memref<!tpu.dma_semaphore, #tpu.memory_space<semaphore_mem>>) src(%dma_wait3A_24 : memref<125x80xi32, #tpu.memory_space<hbm>>) dst(%arg8 : memref<125x80xi32, #tpu.memory_space<vmem>>)
    %barrier3A = arith.constant 0 : index
    tpu.barrier barrier_id(%barrier3A)
    %dma_start3A_25 = arith.constant 0 : i32
    %dma_start3A_26 = tpu.memref_slice %arg7[%dma_start3A_25] : memref<10000xi32, #tpu.memory_space<vmem>> -> memref<80xi32, #tpu.memory_space<vmem>>
    %dma_start3A_27 = arith.constant 0 : i32
    %dma_start3A_28 = arith.constant 0 : i32
    %dma_start3A_29 = tpu.memref_slice %arg2[%dma_start3A_27, %dma_start3A_28] : memref<10240x64xf32, #tpu.memory_space<hbm>> -> memref<10240x64xf32, #tpu.memory_space<hbm>>
    tpu.enqueue_indirect_dma source(%dma_start3A_29 : memref<10240x64xf32, #tpu.memory_space<hbm>>) target(%arg9 : memref<80x64xf32, #tpu.memory_space<vmem>>) offsets(%dma_start3A_26 : memref<80xi32, #tpu.memory_space<vmem>>) semaphore(%arg20 : memref<!tpu.dma_semaphore, #tpu.memory_space<semaphore_mem>>)
    %dma_start3A_30 = arith.constant 80 : i32
    %dma_start3A_31 = tpu.memref_slice %arg7[%dma_start3A_30] : memref<10000xi32, #tpu.memory_space<vmem>> -> memref<80xi32, #tpu.memory_space<vmem>>
    %dma_start3A_32 = arith.constant 0 : i32
    %dma_start3A_33 = arith.constant 0 : i32
    %dma_start3A_34 = tpu.memref_slice %arg2[%dma_start3A_32, %dma_start3A_33] : memref<10240x64xf32, #tpu.memory_space<hbm>> -> memref<10240x64xf32, #tpu.memory_space<hbm>>
    tpu.enqueue_indirect_dma source(%dma_start3A_34 : memref<10240x64xf32, #tpu.memory_space<hbm>>) target(%arg10 : memref<80x64xf32, #tpu.memory_space<vmem>>) offsets(%dma_start3A_31 : memref<80xi32, #tpu.memory_space<vmem>>) semaphore(%arg21 : memref<!tpu.dma_semaphore, #tpu.memory_space<semaphore_mem>>)
    %dma_start3A_35 = arith.constant 160 : i32
    %dma_start3A_36 = tpu.memref_slice %arg7[%dma_start3A_35] : memref<10000xi32, #tpu.memory_space<vmem>> -> memref<80xi32, #tpu.memory_space<vmem>>
    %dma_start3A_37 = arith.constant 0 : i32
    %dma_start3A_38 = arith.constant 0 : i32
    %dma_start3A_39 = tpu.memref_slice %arg2[%dma_start3A_37, %dma_start3A_38] : memref<10240x64xf32, #tpu.memory_space<hbm>> -> memref<10240x64xf32, #tpu.memory_space<hbm>>
    tpu.enqueue_indirect_dma source(%dma_start3A_39 : memref<10240x64xf32, #tpu.memory_space<hbm>>) target(%arg11 : memref<80x64xf32, #tpu.memory_space<vmem>>) offsets(%dma_start3A_36 : memref<80xi32, #tpu.memory_space<vmem>>) semaphore(%arg22 : memref<!tpu.dma_semaphore, #tpu.memory_space<semaphore_mem>>)
    %dma_start3A_40 = arith.constant 240 : i32
    %dma_start3A_41 = tpu.memref_slice %arg7[%dma_start3A_40] : memref<10000xi32, #tpu.memory_space<vmem>> -> memref<80xi32, #tpu.memory_space<vmem>>
    %dma_start3A_42 = arith.constant 0 : i32
    %dma_start3A_43 = arith.constant 0 : i32
    %dma_start3A_44 = tpu.memref_slice %arg2[%dma_start3A_42, %dma_start3A_43] : memref<10240x64xf32, #tpu.memory_space<hbm>> -> memref<10240x64xf32, #tpu.memory_space<hbm>>
    tpu.enqueue_indirect_dma source(%dma_start3A_44 : memref<10240x64xf32, #tpu.memory_space<hbm>>) target(%arg12 : memref<80x64xf32, #tpu.memory_space<vmem>>) offsets(%dma_start3A_41 : memref<80xi32, #tpu.memory_space<vmem>>) semaphore(%arg23 : memref<!tpu.dma_semaphore, #tpu.memory_space<semaphore_mem>>)
    %dma_start3A_45 = arith.constant 320 : i32
    %dma_start3A_46 = tpu.memref_slice %arg7[%dma_start3A_45] : memref<10000xi32, #tpu.memory_space<vmem>> -> memref<80xi32, #tpu.memory_space<vmem>>
    %dma_start3A_47 = arith.constant 0 : i32
    %dma_start3A_48 = arith.constant 0 : i32
    %dma_start3A_49 = tpu.memref_slice %arg2[%dma_start3A_47, %dma_start3A_48] : memref<10240x64xf32, #tpu.memory_space<hbm>> -> memref<10240x64xf32, #tpu.memory_space<hbm>>
    tpu.enqueue_indirect_dma source(%dma_start3A_49 : memref<10240x64xf32, #tpu.memory_space<hbm>>) target(%arg13 : memref<80x64xf32, #tpu.memory_space<vmem>>) offsets(%dma_start3A_46 : memref<80xi32, #tpu.memory_space<vmem>>) semaphore(%arg24 : memref<!tpu.dma_semaphore, #tpu.memory_space<semaphore_mem>>)
    %scan3A = arith.constant 0 : i32
    %scan3A_50 = arith.constant 0 : i32
    %scan3A_51 = arith.constant 12 : i32
    %scan3A_52 = arith.addi %scan3A_50, %scan3A_51 : i32
    %scan3A_53 = arith.constant 1 : i32
    scf.for %scan3A_158 = %scan3A_50 to %scan3A_52 step %scan3A_53  : i32 {
      %mul3A_159 = arith.constant 2 : i32
      %mul3A_160 = arith.muli %mul3A_159, %scan3A_158 : i32
      %mul3A_161 = arith.constant 5 : i32
      %mul3A_162 = arith.muli %mul3A_160, %mul3A_161 : i32
      %add3A_163 = arith.constant 5 : i32
      %add3A_164 = arith.addi %mul3A_162, %add3A_163 : i32
      %add3A_165 = arith.constant 0 : i32
      %add3A_166 = arith.addi %add3A_164, %add3A_165 : i32
      %mul3A_167 = arith.constant 80 : i32
      %mul3A_168 = arith.muli %add3A_166, %mul3A_167 : i32
      %dma_start3A_169 = tpu.memref_slice %arg7[%mul3A_168] : memref<10000xi32, #tpu.memory_space<vmem>> -> memref<80xi32, #tpu.memory_space<vmem>>
      %dma_start3A_170 = arith.constant 0 : i32
      %dma_start3A_171 = arith.constant 0 : i32
      %dma_start3A_172 = tpu.memref_slice %arg2[%dma_start3A_170, %dma_start3A_171] : memref<10240x64xf32, #tpu.memory_space<hbm>> -> memref<10240x64xf32, #tpu.memory_space<hbm>>
      tpu.enqueue_indirect_dma source(%dma_start3A_172 : memref<10240x64xf32, #tpu.memory_space<hbm>>) target(%arg14 : memref<80x64xf32, #tpu.memory_space<vmem>>) offsets(%dma_start3A_169 : memref<80xi32, #tpu.memory_space<vmem>>) semaphore(%arg25 : memref<!tpu.dma_semaphore, #tpu.memory_space<semaphore_mem>>)
      %add3A_173 = arith.constant 1 : i32
      %add3A_174 = arith.addi %add3A_164, %add3A_173 : i32
      %mul3A_175 = arith.constant 80 : i32
      %mul3A_176 = arith.muli %add3A_174, %mul3A_175 : i32
      %dma_start3A_177 = tpu.memref_slice %arg7[%mul3A_176] : memref<10000xi32, #tpu.memory_space<vmem>> -> memref<80xi32, #tpu.memory_space<vmem>>
      %dma_start3A_178 = arith.constant 0 : i32
      %dma_start3A_179 = arith.constant 0 : i32
      %dma_start3A_180 = tpu.memref_slice %arg2[%dma_start3A_178, %dma_start3A_179] : memref<10240x64xf32, #tpu.memory_space<hbm>> -> memref<10240x64xf32, #tpu.memory_space<hbm>>
      tpu.enqueue_indirect_dma source(%dma_start3A_180 : memref<10240x64xf32, #tpu.memory_space<hbm>>) target(%arg15 : memref<80x64xf32, #tpu.memory_space<vmem>>) offsets(%dma_start3A_177 : memref<80xi32, #tpu.memory_space<vmem>>) semaphore(%arg26 : memref<!tpu.dma_semaphore, #tpu.memory_space<semaphore_mem>>)
      %add3A_181 = arith.constant 2 : i32
      %add3A_182 = arith.addi %add3A_164, %add3A_181 : i32
      %mul3A_183 = arith.constant 80 : i32
      %mul3A_184 = arith.muli %add3A_182, %mul3A_183 : i32
      %dma_start3A_185 = tpu.memref_slice %arg7[%mul3A_184] : memref<10000xi32, #tpu.memory_space<vmem>> -> memref<80xi32, #tpu.memory_space<vmem>>
      %dma_start3A_186 = arith.constant 0 : i32
      %dma_start3A_187 = arith.constant 0 : i32
      %dma_start3A_188 = tpu.memref_slice %arg2[%dma_start3A_186, %dma_start3A_187] : memref<10240x64xf32, #tpu.memory_space<hbm>> -> memref<10240x64xf32, #tpu.memory_space<hbm>>
      tpu.enqueue_indirect_dma source(%dma_start3A_188 : memref<10240x64xf32, #tpu.memory_space<hbm>>) target(%arg16 : memref<80x64xf32, #tpu.memory_space<vmem>>) offsets(%dma_start3A_185 : memref<80xi32, #tpu.memory_space<vmem>>) semaphore(%arg27 : memref<!tpu.dma_semaphore, #tpu.memory_space<semaphore_mem>>)
      %add3A_189 = arith.constant 3 : i32
      %add3A_190 = arith.addi %add3A_164, %add3A_189 : i32
      %mul3A_191 = arith.constant 80 : i32
      %mul3A_192 = arith.muli %add3A_190, %mul3A_191 : i32
      %dma_start3A_193 = tpu.memref_slice %arg7[%mul3A_192] : memref<10000xi32, #tpu.memory_space<vmem>> -> memref<80xi32, #tpu.memory_space<vmem>>
      %dma_start3A_194 = arith.constant 0 : i32
      %dma_start3A_195 = arith.constant 0 : i32
      %dma_start3A_196 = tpu.memref_slice %arg2[%dma_start3A_194, %dma_start3A_195] : memref<10240x64xf32, #tpu.memory_space<hbm>> -> memref<10240x64xf32, #tpu.memory_space<hbm>>
      tpu.enqueue_indirect_dma source(%dma_start3A_196 : memref<10240x64xf32, #tpu.memory_space<hbm>>) target(%arg17 : memref<80x64xf32, #tpu.memory_space<vmem>>) offsets(%dma_start3A_193 : memref<80xi32, #tpu.memory_space<vmem>>) semaphore(%arg28 : memref<!tpu.dma_semaphore, #tpu.memory_space<semaphore_mem>>)
      %add3A_197 = arith.constant 4 : i32
      %add3A_198 = arith.addi %add3A_164, %add3A_197 : i32
      %mul3A_199 = arith.constant 80 : i32
      %mul3A_200 = arith.muli %add3A_198, %mul3A_199 : i32
      %dma_start3A_201 = tpu.memref_slice %arg7[%mul3A_200] : memref<10000xi32, #tpu.memory_space<vmem>> -> memref<80xi32, #tpu.memory_space<vmem>>
      %dma_start3A_202 = arith.constant 0 : i32
      %dma_start3A_203 = arith.constant 0 : i32
      %dma_start3A_204 = tpu.memref_slice %arg2[%dma_start3A_202, %dma_start3A_203] : memref<10240x64xf32, #tpu.memory_space<hbm>> -> memref<10240x64xf32, #tpu.memory_space<hbm>>
      tpu.enqueue_indirect_dma source(%dma_start3A_204 : memref<10240x64xf32, #tpu.memory_space<hbm>>) target(%arg18 : memref<80x64xf32, #tpu.memory_space<vmem>>) offsets(%dma_start3A_201 : memref<80xi32, #tpu.memory_space<vmem>>) semaphore(%arg29 : memref<!tpu.dma_semaphore, #tpu.memory_space<semaphore_mem>>)
      %add3A_205 = arith.constant 0 : i32
      %add3A_206 = arith.addi %mul3A_162, %add3A_205 : i32
      %mul3A_207 = arith.constant 80 : i32
      %mul3A_208 = arith.muli %add3A_206, %mul3A_207 : i32
      %dma_wait3A_209 = tpu.memref_slice %arg7[%mul3A_208] : memref<10000xi32, #tpu.memory_space<vmem>> -> memref<80xi32, #tpu.memory_space<vmem>>
      %dma_wait3A_210 = arith.constant 0 : i32
      %dma_wait3A_211 = arith.constant 0 : i32
      %dma_wait3A_212 = tpu.memref_slice %arg2[%dma_wait3A_210, %dma_wait3A_211] : memref<10240x64xf32, #tpu.memory_space<hbm>> -> memref<10240x64xf32, #tpu.memory_space<hbm>>
      tpu.wait_indirect_dma semaphore(%arg20 : memref<!tpu.dma_semaphore, #tpu.memory_space<semaphore_mem>>) src(%dma_wait3A_212 : memref<10240x64xf32, #tpu.memory_space<hbm>>) dst(%arg9 : memref<80x64xf32, #tpu.memory_space<vmem>>)
      %add3A_213 = arith.constant 0 : i32
      %add3A_214 = arith.addi %mul3A_162, %add3A_213 : i32
      %dma_start3A_215 = arith.constant 0 : i32
      %dma_start3A_216 = tpu.memref_slice %arg8[%add3A_214, %dma_start3A_215] : memref<125x80xi32, #tpu.memory_space<vmem>> -> memref<1x80xi32, #tpu.memory_space<vmem>>
      %dma_start3A_217 = tpu.memref_squeeze %dma_start3A_216 : memref<1x80xi32, #tpu.memory_space<vmem>> -> memref<80xi32, #tpu.memory_space<vmem>>
      %dma_start3A_218 = arith.constant 0 : i32
      %dma_start3A_219 = arith.constant 0 : i32
      %dma_start3A_220 = tpu.memref_slice %arg19[%dma_start3A_218, %dma_start3A_219] : memref<10240x64xf32, #tpu.memory_space<vmem_shared>> -> memref<10240x64xf32, #tpu.memory_space<vmem_shared>>
      tpu.enqueue_indirect_dma source(%arg9 : memref<80x64xf32, #tpu.memory_space<vmem>>) target(%dma_start3A_220 : memref<10240x64xf32, #tpu.memory_space<vmem_shared>>) offsets(%dma_start3A_217 : memref<80xi32, #tpu.memory_space<vmem>>) semaphore(%arg30 : memref<!tpu.dma_semaphore, #tpu.memory_space<semaphore_mem>>) {add = true}
      %add3A_221 = arith.constant 1 : i32
      %add3A_222 = arith.addi %mul3A_162, %add3A_221 : i32
      %mul3A_223 = arith.constant 80 : i32
      %mul3A_224 = arith.muli %add3A_222, %mul3A_223 : i32
      %dma_wait3A_225 = tpu.memref_slice %arg7[%mul3A_224] : memref<10000xi32, #tpu.memory_space<vmem>> -> memref<80xi32, #tpu.memory_space<vmem>>
      %dma_wait3A_226 = arith.constant 0 : i32
      %dma_wait3A_227 = arith.constant 0 : i32
      %dma_wait3A_228 = tpu.memref_slice %arg2[%dma_wait3A_226, %dma_wait3A_227] : memref<10240x64xf32, #tpu.memory_space<hbm>> -> memref<10240x64xf32, #tpu.memory_space<hbm>>
      tpu.wait_indirect_dma semaphore(%arg21 : memref<!tpu.dma_semaphore, #tpu.memory_space<semaphore_mem>>) src(%dma_wait3A_228 : memref<10240x64xf32, #tpu.memory_space<hbm>>) dst(%arg10 : memref<80x64xf32, #tpu.memory_space<vmem>>)
      %add3A_229 = arith.constant 1 : i32
      %add3A_230 = arith.addi %mul3A_162, %add3A_229 : i32
      %dma_start3A_231 = arith.constant 0 : i32
      %dma_start3A_232 = tpu.memref_slice %arg8[%add3A_230, %dma_start3A_231] : memref<125x80xi32, #tpu.memory_space<vmem>> -> memref<1x80xi32, #tpu.memory_space<vmem>>
      %dma_start3A_233 = tpu.memref_squeeze %dma_start3A_232 : memref<1x80xi32, #tpu.memory_space<vmem>> -> memref<80xi32, #tpu.memory_space<vmem>>
      %dma_start3A_234 = arith.constant 0 : i32
      %dma_start3A_235 = arith.constant 0 : i32
      %dma_start3A_236 = tpu.memref_slice %arg19[%dma_start3A_234, %dma_start3A_235] : memref<10240x64xf32, #tpu.memory_space<vmem_shared>> -> memref<10240x64xf32, #tpu.memory_space<vmem_shared>>
      tpu.enqueue_indirect_dma source(%arg10 : memref<80x64xf32, #tpu.memory_space<vmem>>) target(%dma_start3A_236 : memref<10240x64xf32, #tpu.memory_space<vmem_shared>>) offsets(%dma_start3A_233 : memref<80xi32, #tpu.memory_space<vmem>>) semaphore(%arg31 : memref<!tpu.dma_semaphore, #tpu.memory_space<semaphore_mem>>) {add = true}
      %add3A_237 = arith.constant 2 : i32
      %add3A_238 = arith.addi %mul3A_162, %add3A_237 : i32
      %mul3A_239 = arith.constant 80 : i32
      %mul3A_240 = arith.muli %add3A_238, %mul3A_239 : i32
      %dma_wait3A_241 = tpu.memref_slice %arg7[%mul3A_240] : memref<10000xi32, #tpu.memory_space<vmem>> -> memref<80xi32, #tpu.memory_space<vmem>>
      %dma_wait3A_242 = arith.constant 0 : i32
      %dma_wait3A_243 = arith.constant 0 : i32
      %dma_wait3A_244 = tpu.memref_slice %arg2[%dma_wait3A_242, %dma_wait3A_243] : memref<10240x64xf32, #tpu.memory_space<hbm>> -> memref<10240x64xf32, #tpu.memory_space<hbm>>
      tpu.wait_indirect_dma semaphore(%arg22 : memref<!tpu.dma_semaphore, #tpu.memory_space<semaphore_mem>>) src(%dma_wait3A_244 : memref<10240x64xf32, #tpu.memory_space<hbm>>) dst(%arg11 : memref<80x64xf32, #tpu.memory_space<vmem>>)
      %add3A_245 = arith.constant 2 : i32
      %add3A_246 = arith.addi %mul3A_162, %add3A_245 : i32
      %dma_start3A_247 = arith.constant 0 : i32
      %dma_start3A_248 = tpu.memref_slice %arg8[%add3A_246, %dma_start3A_247] : memref<125x80xi32, #tpu.memory_space<vmem>> -> memref<1x80xi32, #tpu.memory_space<vmem>>
      %dma_start3A_249 = tpu.memref_squeeze %dma_start3A_248 : memref<1x80xi32, #tpu.memory_space<vmem>> -> memref<80xi32, #tpu.memory_space<vmem>>
      %dma_start3A_250 = arith.constant 0 : i32
      %dma_start3A_251 = arith.constant 0 : i32
      %dma_start3A_252 = tpu.memref_slice %arg19[%dma_start3A_250, %dma_start3A_251] : memref<10240x64xf32, #tpu.memory_space<vmem_shared>> -> memref<10240x64xf32, #tpu.memory_space<vmem_shared>>
      tpu.enqueue_indirect_dma source(%arg11 : memref<80x64xf32, #tpu.memory_space<vmem>>) target(%dma_start3A_252 : memref<10240x64xf32, #tpu.memory_space<vmem_shared>>) offsets(%dma_start3A_249 : memref<80xi32, #tpu.memory_space<vmem>>) semaphore(%arg32 : memref<!tpu.dma_semaphore, #tpu.memory_space<semaphore_mem>>) {add = true}
      %add3A_253 = arith.constant 3 : i32
      %add3A_254 = arith.addi %mul3A_162, %add3A_253 : i32
      %mul3A_255 = arith.constant 80 : i32
      %mul3A_256 = arith.muli %add3A_254, %mul3A_255 : i32
      %dma_wait3A_257 = tpu.memref_slice %arg7[%mul3A_256] : memref<10000xi32, #tpu.memory_space<vmem>> -> memref<80xi32, #tpu.memory_space<vmem>>
      %dma_wait3A_258 = arith.constant 0 : i32
      %dma_wait3A_259 = arith.constant 0 : i32
      %dma_wait3A_260 = tpu.memref_slice %arg2[%dma_wait3A_258, %dma_wait3A_259] : memref<10240x64xf32, #tpu.memory_space<hbm>> -> memref<10240x64xf32, #tpu.memory_space<hbm>>
      tpu.wait_indirect_dma semaphore(%arg23 : memref<!tpu.dma_semaphore, #tpu.memory_space<semaphore_mem>>) src(%dma_wait3A_260 : memref<10240x64xf32, #tpu.memory_space<hbm>>) dst(%arg12 : memref<80x64xf32, #tpu.memory_space<vmem>>)
      %add3A_261 = arith.constant 3 : i32
      %add3A_262 = arith.addi %mul3A_162, %add3A_261 : i32
      %dma_start3A_263 = arith.constant 0 : i32
      %dma_start3A_264 = tpu.memref_slice %arg8[%add3A_262, %dma_start3A_263] : memref<125x80xi32, #tpu.memory_space<vmem>> -> memref<1x80xi32, #tpu.memory_space<vmem>>
      %dma_start3A_265 = tpu.memref_squeeze %dma_start3A_264 : memref<1x80xi32, #tpu.memory_space<vmem>> -> memref<80xi32, #tpu.memory_space<vmem>>
      %dma_start3A_266 = arith.constant 0 : i32
      %dma_start3A_267 = arith.constant 0 : i32
      %dma_start3A_268 = tpu.memref_slice %arg19[%dma_start3A_266, %dma_start3A_267] : memref<10240x64xf32, #tpu.memory_space<vmem_shared>> -> memref<10240x64xf32, #tpu.memory_space<vmem_shared>>
      tpu.enqueue_indirect_dma source(%arg12 : memref<80x64xf32, #tpu.memory_space<vmem>>) target(%dma_start3A_268 : memref<10240x64xf32, #tpu.memory_space<vmem_shared>>) offsets(%dma_start3A_265 : memref<80xi32, #tpu.memory_space<vmem>>) semaphore(%arg33 : memref<!tpu.dma_semaphore, #tpu.memory_space<semaphore_mem>>) {add = true}
      %add3A_269 = arith.constant 4 : i32
      %add3A_270 = arith.addi %mul3A_162, %add3A_269 : i32
      %mul3A_271 = arith.constant 80 : i32
      %mul3A_272 = arith.muli %add3A_270, %mul3A_271 : i32
      %dma_wait3A_273 = tpu.memref_slice %arg7[%mul3A_272] : memref<10000xi32, #tpu.memory_space<vmem>> -> memref<80xi32, #tpu.memory_space<vmem>>
      %dma_wait3A_274 = arith.constant 0 : i32
      %dma_wait3A_275 = arith.constant 0 : i32
      %dma_wait3A_276 = tpu.memref_slice %arg2[%dma_wait3A_274, %dma_wait3A_275] : memref<10240x64xf32, #tpu.memory_space<hbm>> -> memref<10240x64xf32, #tpu.memory_space<hbm>>
      tpu.wait_indirect_dma semaphore(%arg24 : memref<!tpu.dma_semaphore, #tpu.memory_space<semaphore_mem>>) src(%dma_wait3A_276 : memref<10240x64xf32, #tpu.memory_space<hbm>>) dst(%arg13 : memref<80x64xf32, #tpu.memory_space<vmem>>)
      %add3A_277 = arith.constant 4 : i32
      %add3A_278 = arith.addi %mul3A_162, %add3A_277 : i32
      %dma_start3A_279 = arith.constant 0 : i32
      %dma_start3A_280 = tpu.memref_slice %arg8[%add3A_278, %dma_start3A_279] : memref<125x80xi32, #tpu.memory_space<vmem>> -> memref<1x80xi32, #tpu.memory_space<vmem>>
      %dma_start3A_281 = tpu.memref_squeeze %dma_start3A_280 : memref<1x80xi32, #tpu.memory_space<vmem>> -> memref<80xi32, #tpu.memory_space<vmem>>
      %dma_start3A_282 = arith.constant 0 : i32
      %dma_start3A_283 = arith.constant 0 : i32
      %dma_start3A_284 = tpu.memref_slice %arg19[%dma_start3A_282, %dma_start3A_283] : memref<10240x64xf32, #tpu.memory_space<vmem_shared>> -> memref<10240x64xf32, #tpu.memory_space<vmem_shared>>
      tpu.enqueue_indirect_dma source(%arg13 : memref<80x64xf32, #tpu.memory_space<vmem>>) target(%dma_start3A_284 : memref<10240x64xf32, #tpu.memory_space<vmem_shared>>) offsets(%dma_start3A_281 : memref<80xi32, #tpu.memory_space<vmem>>) semaphore(%arg34 : memref<!tpu.dma_semaphore, #tpu.memory_space<semaphore_mem>>) {add = true}
      %add3A_285 = arith.constant 0 : i32
      %add3A_286 = arith.addi %mul3A_162, %add3A_285 : i32
      %dma_wait3A_287 = arith.constant 0 : i32
      %dma_wait3A_288 = tpu.memref_slice %arg8[%add3A_286, %dma_wait3A_287] : memref<125x80xi32, #tpu.memory_space<vmem>> -> memref<1x80xi32, #tpu.memory_space<vmem>>
      %dma_wait3A_289 = tpu.memref_squeeze %dma_wait3A_288 : memref<1x80xi32, #tpu.memory_space<vmem>> -> memref<80xi32, #tpu.memory_space<vmem>>
      %dma_wait3A_290 = arith.constant 0 : i32
      %dma_wait3A_291 = arith.constant 0 : i32
      %dma_wait3A_292 = tpu.memref_slice %arg19[%dma_wait3A_290, %dma_wait3A_291] : memref<10240x64xf32, #tpu.memory_space<vmem_shared>> -> memref<10240x64xf32, #tpu.memory_space<vmem_shared>>
      tpu.wait_indirect_dma semaphore(%arg30 : memref<!tpu.dma_semaphore, #tpu.memory_space<semaphore_mem>>) src(%arg9 : memref<80x64xf32, #tpu.memory_space<vmem>>) dst(%dma_wait3A_292 : memref<10240x64xf32, #tpu.memory_space<vmem_shared>>)
      %add3A_293 = arith.constant 1 : i32
      %add3A_294 = arith.addi %mul3A_162, %add3A_293 : i32
      %dma_wait3A_295 = arith.constant 0 : i32
      %dma_wait3A_296 = tpu.memref_slice %arg8[%add3A_294, %dma_wait3A_295] : memref<125x80xi32, #tpu.memory_space<vmem>> -> memref<1x80xi32, #tpu.memory_space<vmem>>
      %dma_wait3A_297 = tpu.memref_squeeze %dma_wait3A_296 : memref<1x80xi32, #tpu.memory_space<vmem>> -> memref<80xi32, #tpu.memory_space<vmem>>
      %dma_wait3A_298 = arith.constant 0 : i32
      %dma_wait3A_299 = arith.constant 0 : i32
      %dma_wait3A_300 = tpu.memref_slice %arg19[%dma_wait3A_298, %dma_wait3A_299] : memref<10240x64xf32, #tpu.memory_space<vmem_shared>> -> memref<10240x64xf32, #tpu.memory_space<vmem_shared>>
      tpu.wait_indirect_dma semaphore(%arg31 : memref<!tpu.dma_semaphore, #tpu.memory_space<semaphore_mem>>) src(%arg10 : memref<80x64xf32, #tpu.memory_space<vmem>>) dst(%dma_wait3A_300 : memref<10240x64xf32, #tpu.memory_space<vmem_shared>>)
      %add3A_301 = arith.constant 2 : i32
      %add3A_302 = arith.addi %mul3A_162, %add3A_301 : i32
      %dma_wait3A_303 = arith.constant 0 : i32
      %dma_wait3A_304 = tpu.memref_slice %arg8[%add3A_302, %dma_wait3A_303] : memref<125x80xi32, #tpu.memory_space<vmem>> -> memref<1x80xi32, #tpu.memory_space<vmem>>
      %dma_wait3A_305 = tpu.memref_squeeze %dma_wait3A_304 : memref<1x80xi32, #tpu.memory_space<vmem>> -> memref<80xi32, #tpu.memory_space<vmem>>
      %dma_wait3A_306 = arith.constant 0 : i32
      %dma_wait3A_307 = arith.constant 0 : i32
      %dma_wait3A_308 = tpu.memref_slice %arg19[%dma_wait3A_306, %dma_wait3A_307] : memref<10240x64xf32, #tpu.memory_space<vmem_shared>> -> memref<10240x64xf32, #tpu.memory_space<vmem_shared>>
      tpu.wait_indirect_dma semaphore(%arg32 : memref<!tpu.dma_semaphore, #tpu.memory_space<semaphore_mem>>) src(%arg11 : memref<80x64xf32, #tpu.memory_space<vmem>>) dst(%dma_wait3A_308 : memref<10240x64xf32, #tpu.memory_space<vmem_shared>>)
      %add3A_309 = arith.constant 3 : i32
      %add3A_310 = arith.addi %mul3A_162, %add3A_309 : i32
      %dma_wait3A_311 = arith.constant 0 : i32
      %dma_wait3A_312 = tpu.memref_slice %arg8[%add3A_310, %dma_wait3A_311] : memref<125x80xi32, #tpu.memory_space<vmem>> -> memref<1x80xi32, #tpu.memory_space<vmem>>
      %dma_wait3A_313 = tpu.memref_squeeze %dma_wait3A_312 : memref<1x80xi32, #tpu.memory_space<vmem>> -> memref<80xi32, #tpu.memory_space<vmem>>
      %dma_wait3A_314 = arith.constant 0 : i32
      %dma_wait3A_315 = arith.constant 0 : i32
      %dma_wait3A_316 = tpu.memref_slice %arg19[%dma_wait3A_314, %dma_wait3A_315] : memref<10240x64xf32, #tpu.memory_space<vmem_shared>> -> memref<10240x64xf32, #tpu.memory_space<vmem_shared>>
      tpu.wait_indirect_dma semaphore(%arg33 : memref<!tpu.dma_semaphore, #tpu.memory_space<semaphore_mem>>) src(%arg12 : memref<80x64xf32, #tpu.memory_space<vmem>>) dst(%dma_wait3A_316 : memref<10240x64xf32, #tpu.memory_space<vmem_shared>>)
      %add3A_317 = arith.constant 4 : i32
      %add3A_318 = arith.addi %mul3A_162, %add3A_317 : i32
      %dma_wait3A_319 = arith.constant 0 : i32
      %dma_wait3A_320 = tpu.memref_slice %arg8[%add3A_318, %dma_wait3A_319] : memref<125x80xi32, #tpu.memory_space<vmem>> -> memref<1x80xi32, #tpu.memory_space<vmem>>
      %dma_wait3A_321 = tpu.memref_squeeze %dma_wait3A_320 : memref<1x80xi32, #tpu.memory_space<vmem>> -> memref<80xi32, #tpu.memory_space<vmem>>
      %dma_wait3A_322 = arith.constant 0 : i32
      %dma_wait3A_323 = arith.constant 0 : i32
      %dma_wait3A_324 = tpu.memref_slice %arg19[%dma_wait3A_322, %dma_wait3A_323] : memref<10240x64xf32, #tpu.memory_space<vmem_shared>> -> memref<10240x64xf32, #tpu.memory_space<vmem_shared>>
      tpu.wait_indirect_dma semaphore(%arg34 : memref<!tpu.dma_semaphore, #tpu.memory_space<semaphore_mem>>) src(%arg13 : memref<80x64xf32, #tpu.memory_space<vmem>>) dst(%dma_wait3A_324 : memref<10240x64xf32, #tpu.memory_space<vmem_shared>>)
      %add3A_325 = arith.constant 5 : i32
      %add3A_326 = arith.addi %add3A_164, %add3A_325 : i32
      %add3A_327 = arith.constant 0 : i32
      %add3A_328 = arith.addi %add3A_326, %add3A_327 : i32
      %mul3A_329 = arith.constant 80 : i32
      %mul3A_330 = arith.muli %add3A_328, %mul3A_329 : i32
      %dma_start3A_331 = tpu.memref_slice %arg7[%mul3A_330] : memref<10000xi32, #tpu.memory_space<vmem>> -> memref<80xi32, #tpu.memory_space<vmem>>
      %dma_start3A_332 = arith.constant 0 : i32
      %dma_start3A_333 = arith.constant 0 : i32
      %dma_start3A_334 = tpu.memref_slice %arg2[%dma_start3A_332, %dma_start3A_333] : memref<10240x64xf32, #tpu.memory_space<hbm>> -> memref<10240x64xf32, #tpu.memory_space<hbm>>
      tpu.enqueue_indirect_dma source(%dma_start3A_334 : memref<10240x64xf32, #tpu.memory_space<hbm>>) target(%arg9 : memref<80x64xf32, #tpu.memory_space<vmem>>) offsets(%dma_start3A_331 : memref<80xi32, #tpu.memory_space<vmem>>) semaphore(%arg20 : memref<!tpu.dma_semaphore, #tpu.memory_space<semaphore_mem>>)
      %add3A_335 = arith.constant 1 : i32
      %add3A_336 = arith.addi %add3A_326, %add3A_335 : i32
      %mul3A_337 = arith.constant 80 : i32
      %mul3A_338 = arith.muli %add3A_336, %mul3A_337 : i32
      %dma_start3A_339 = tpu.memref_slice %arg7[%mul3A_338] : memref<10000xi32, #tpu.memory_space<vmem>> -> memref<80xi32, #tpu.memory_space<vmem>>
      %dma_start3A_340 = arith.constant 0 : i32
      %dma_start3A_341 = arith.constant 0 : i32
      %dma_start3A_342 = tpu.memref_slice %arg2[%dma_start3A_340, %dma_start3A_341] : memref<10240x64xf32, #tpu.memory_space<hbm>> -> memref<10240x64xf32, #tpu.memory_space<hbm>>
      tpu.enqueue_indirect_dma source(%dma_start3A_342 : memref<10240x64xf32, #tpu.memory_space<hbm>>) target(%arg10 : memref<80x64xf32, #tpu.memory_space<vmem>>) offsets(%dma_start3A_339 : memref<80xi32, #tpu.memory_space<vmem>>) semaphore(%arg21 : memref<!tpu.dma_semaphore, #tpu.memory_space<semaphore_mem>>)
      %add3A_343 = arith.constant 2 : i32
      %add3A_344 = arith.addi %add3A_326, %add3A_343 : i32
      %mul3A_345 = arith.constant 80 : i32
      %mul3A_346 = arith.muli %add3A_344, %mul3A_345 : i32
      %dma_start3A_347 = tpu.memref_slice %arg7[%mul3A_346] : memref<10000xi32, #tpu.memory_space<vmem>> -> memref<80xi32, #tpu.memory_space<vmem>>
      %dma_start3A_348 = arith.constant 0 : i32
      %dma_start3A_349 = arith.constant 0 : i32
      %dma_start3A_350 = tpu.memref_slice %arg2[%dma_start3A_348, %dma_start3A_349] : memref<10240x64xf32, #tpu.memory_space<hbm>> -> memref<10240x64xf32, #tpu.memory_space<hbm>>
      tpu.enqueue_indirect_dma source(%dma_start3A_350 : memref<10240x64xf32, #tpu.memory_space<hbm>>) target(%arg11 : memref<80x64xf32, #tpu.memory_space<vmem>>) offsets(%dma_start3A_347 : memref<80xi32, #tpu.memory_space<vmem>>) semaphore(%arg22 : memref<!tpu.dma_semaphore, #tpu.memory_space<semaphore_mem>>)
      %add3A_351 = arith.constant 3 : i32
      %add3A_352 = arith.addi %add3A_326, %add3A_351 : i32
      %mul3A_353 = arith.constant 80 : i32
      %mul3A_354 = arith.muli %add3A_352, %mul3A_353 : i32
      %dma_start3A_355 = tpu.memref_slice %arg7[%mul3A_354] : memref<10000xi32, #tpu.memory_space<vmem>> -> memref<80xi32, #tpu.memory_space<vmem>>
      %dma_start3A_356 = arith.constant 0 : i32
      %dma_start3A_357 = arith.constant 0 : i32
      %dma_start3A_358 = tpu.memref_slice %arg2[%dma_start3A_356, %dma_start3A_357] : memref<10240x64xf32, #tpu.memory_space<hbm>> -> memref<10240x64xf32, #tpu.memory_space<hbm>>
      tpu.enqueue_indirect_dma source(%dma_start3A_358 : memref<10240x64xf32, #tpu.memory_space<hbm>>) target(%arg12 : memref<80x64xf32, #tpu.memory_space<vmem>>) offsets(%dma_start3A_355 : memref<80xi32, #tpu.memory_space<vmem>>) semaphore(%arg23 : memref<!tpu.dma_semaphore, #tpu.memory_space<semaphore_mem>>)
      %add3A_359 = arith.constant 4 : i32
      %add3A_360 = arith.addi %add3A_326, %add3A_359 : i32
      %mul3A_361 = arith.constant 80 : i32
      %mul3A_362 = arith.muli %add3A_360, %mul3A_361 : i32
      %dma_start3A_363 = tpu.memref_slice %arg7[%mul3A_362] : memref<10000xi32, #tpu.memory_space<vmem>> -> memref<80xi32, #tpu.memory_space<vmem>>
      %dma_start3A_364 = arith.constant 0 : i32
      %dma_start3A_365 = arith.constant 0 : i32
      %dma_start3A_366 = tpu.memref_slice %arg2[%dma_start3A_364, %dma_start3A_365] : memref<10240x64xf32, #tpu.memory_space<hbm>> -> memref<10240x64xf32, #tpu.memory_space<hbm>>
      tpu.enqueue_indirect_dma source(%dma_start3A_366 : memref<10240x64xf32, #tpu.memory_space<hbm>>) target(%arg13 : memref<80x64xf32, #tpu.memory_space<vmem>>) offsets(%dma_start3A_363 : memref<80xi32, #tpu.memory_space<vmem>>) semaphore(%arg24 : memref<!tpu.dma_semaphore, #tpu.memory_space<semaphore_mem>>)
      %add3A_367 = arith.constant 0 : i32
      %add3A_368 = arith.addi %add3A_164, %add3A_367 : i32
      %mul3A_369 = arith.constant 80 : i32
      %mul3A_370 = arith.muli %add3A_368, %mul3A_369 : i32
      %dma_wait3A_371 = tpu.memref_slice %arg7[%mul3A_370] : memref<10000xi32, #tpu.memory_space<vmem>> -> memref<80xi32, #tpu.memory_space<vmem>>
      %dma_wait3A_372 = arith.constant 0 : i32
      %dma_wait3A_373 = arith.constant 0 : i32
      %dma_wait3A_374 = tpu.memref_slice %arg2[%dma_wait3A_372, %dma_wait3A_373] : memref<10240x64xf32, #tpu.memory_space<hbm>> -> memref<10240x64xf32, #tpu.memory_space<hbm>>
      tpu.wait_indirect_dma semaphore(%arg25 : memref<!tpu.dma_semaphore, #tpu.memory_space<semaphore_mem>>) src(%dma_wait3A_374 : memref<10240x64xf32, #tpu.memory_space<hbm>>) dst(%arg14 : memref<80x64xf32, #tpu.memory_space<vmem>>)
      %add3A_375 = arith.constant 0 : i32
      %add3A_376 = arith.addi %add3A_164, %add3A_375 : i32
      %dma_start3A_377 = arith.constant 0 : i32
      %dma_start3A_378 = tpu.memref_slice %arg8[%add3A_376, %dma_start3A_377] : memref<125x80xi32, #tpu.memory_space<vmem>> -> memref<1x80xi32, #tpu.memory_space<vmem>>
      %dma_start3A_379 = tpu.memref_squeeze %dma_start3A_378 : memref<1x80xi32, #tpu.memory_space<vmem>> -> memref<80xi32, #tpu.memory_space<vmem>>
      %dma_start3A_380 = arith.constant 0 : i32
      %dma_start3A_381 = arith.constant 0 : i32
      %dma_start3A_382 = tpu.memref_slice %arg19[%dma_start3A_380, %dma_start3A_381] : memref<10240x64xf32, #tpu.memory_space<vmem_shared>> -> memref<10240x64xf32, #tpu.memory_space<vmem_shared>>
      tpu.enqueue_indirect_dma source(%arg14 : memref<80x64xf32, #tpu.memory_space<vmem>>) target(%dma_start3A_382 : memref<10240x64xf32, #tpu.memory_space<vmem_shared>>) offsets(%dma_start3A_379 : memref<80xi32, #tpu.memory_space<vmem>>) semaphore(%arg35 : memref<!tpu.dma_semaphore, #tpu.memory_space<semaphore_mem>>) {add = true}
      %add3A_383 = arith.constant 1 : i32
      %add3A_384 = arith.addi %add3A_164, %add3A_383 : i32
      %mul3A_385 = arith.constant 80 : i32
      %mul3A_386 = arith.muli %add3A_384, %mul3A_385 : i32
      %dma_wait3A_387 = tpu.memref_slice %arg7[%mul3A_386] : memref<10000xi32, #tpu.memory_space<vmem>> -> memref<80xi32, #tpu.memory_space<vmem>>
      %dma_wait3A_388 = arith.constant 0 : i32
      %dma_wait3A_389 = arith.constant 0 : i32
      %dma_wait3A_390 = tpu.memref_slice %arg2[%dma_wait3A_388, %dma_wait3A_389] : memref<10240x64xf32, #tpu.memory_space<hbm>> -> memref<10240x64xf32, #tpu.memory_space<hbm>>
      tpu.wait_indirect_dma semaphore(%arg26 : memref<!tpu.dma_semaphore, #tpu.memory_space<semaphore_mem>>) src(%dma_wait3A_390 : memref<10240x64xf32, #tpu.memory_space<hbm>>) dst(%arg15 : memref<80x64xf32, #tpu.memory_space<vmem>>)
      %add3A_391 = arith.constant 1 : i32
      %add3A_392 = arith.addi %add3A_164, %add3A_391 : i32
      %dma_start3A_393 = arith.constant 0 : i32
      %dma_start3A_394 = tpu.memref_slice %arg8[%add3A_392, %dma_start3A_393] : memref<125x80xi32, #tpu.memory_space<vmem>> -> memref<1x80xi32, #tpu.memory_space<vmem>>
      %dma_start3A_395 = tpu.memref_squeeze %dma_start3A_394 : memref<1x80xi32, #tpu.memory_space<vmem>> -> memref<80xi32, #tpu.memory_space<vmem>>
      %dma_start3A_396 = arith.constant 0 : i32
      %dma_start3A_397 = arith.constant 0 : i32
      %dma_start3A_398 = tpu.memref_slice %arg19[%dma_start3A_396, %dma_start3A_397] : memref<10240x64xf32, #tpu.memory_space<vmem_shared>> -> memref<10240x64xf32, #tpu.memory_space<vmem_shared>>
      tpu.enqueue_indirect_dma source(%arg15 : memref<80x64xf32, #tpu.memory_space<vmem>>) target(%dma_start3A_398 : memref<10240x64xf32, #tpu.memory_space<vmem_shared>>) offsets(%dma_start3A_395 : memref<80xi32, #tpu.memory_space<vmem>>) semaphore(%arg36 : memref<!tpu.dma_semaphore, #tpu.memory_space<semaphore_mem>>) {add = true}
      %add3A_399 = arith.constant 2 : i32
      %add3A_400 = arith.addi %add3A_164, %add3A_399 : i32
      %mul3A_401 = arith.constant 80 : i32
      %mul3A_402 = arith.muli %add3A_400, %mul3A_401 : i32
      %dma_wait3A_403 = tpu.memref_slice %arg7[%mul3A_402] : memref<10000xi32, #tpu.memory_space<vmem>> -> memref<80xi32, #tpu.memory_space<vmem>>
      %dma_wait3A_404 = arith.constant 0 : i32
      %dma_wait3A_405 = arith.constant 0 : i32
      %dma_wait3A_406 = tpu.memref_slice %arg2[%dma_wait3A_404, %dma_wait3A_405] : memref<10240x64xf32, #tpu.memory_space<hbm>> -> memref<10240x64xf32, #tpu.memory_space<hbm>>
      tpu.wait_indirect_dma semaphore(%arg27 : memref<!tpu.dma_semaphore, #tpu.memory_space<semaphore_mem>>) src(%dma_wait3A_406 : memref<10240x64xf32, #tpu.memory_space<hbm>>) dst(%arg16 : memref<80x64xf32, #tpu.memory_space<vmem>>)
      %add3A_407 = arith.constant 2 : i32
      %add3A_408 = arith.addi %add3A_164, %add3A_407 : i32
      %dma_start3A_409 = arith.constant 0 : i32
      %dma_start3A_410 = tpu.memref_slice %arg8[%add3A_408, %dma_start3A_409] : memref<125x80xi32, #tpu.memory_space<vmem>> -> memref<1x80xi32, #tpu.memory_space<vmem>>
      %dma_start3A_411 = tpu.memref_squeeze %dma_start3A_410 : memref<1x80xi32, #tpu.memory_space<vmem>> -> memref<80xi32, #tpu.memory_space<vmem>>
      %dma_start3A_412 = arith.constant 0 : i32
      %dma_start3A_413 = arith.constant 0 : i32
      %dma_start3A_414 = tpu.memref_slice %arg19[%dma_start3A_412, %dma_start3A_413] : memref<10240x64xf32, #tpu.memory_space<vmem_shared>> -> memref<10240x64xf32, #tpu.memory_space<vmem_shared>>
      tpu.enqueue_indirect_dma source(%arg16 : memref<80x64xf32, #tpu.memory_space<vmem>>) target(%dma_start3A_414 : memref<10240x64xf32, #tpu.memory_space<vmem_shared>>) offsets(%dma_start3A_411 : memref<80xi32, #tpu.memory_space<vmem>>) semaphore(%arg37 : memref<!tpu.dma_semaphore, #tpu.memory_space<semaphore_mem>>) {add = true}
      %add3A_415 = arith.constant 3 : i32
      %add3A_416 = arith.addi %add3A_164, %add3A_415 : i32
      %mul3A_417 = arith.constant 80 : i32
      %mul3A_418 = arith.muli %add3A_416, %mul3A_417 : i32
      %dma_wait3A_419 = tpu.memref_slice %arg7[%mul3A_418] : memref<10000xi32, #tpu.memory_space<vmem>> -> memref<80xi32, #tpu.memory_space<vmem>>
      %dma_wait3A_420 = arith.constant 0 : i32
      %dma_wait3A_421 = arith.constant 0 : i32
      %dma_wait3A_422 = tpu.memref_slice %arg2[%dma_wait3A_420, %dma_wait3A_421] : memref<10240x64xf32, #tpu.memory_space<hbm>> -> memref<10240x64xf32, #tpu.memory_space<hbm>>
      tpu.wait_indirect_dma semaphore(%arg28 : memref<!tpu.dma_semaphore, #tpu.memory_space<semaphore_mem>>) src(%dma_wait3A_422 : memref<10240x64xf32, #tpu.memory_space<hbm>>) dst(%arg17 : memref<80x64xf32, #tpu.memory_space<vmem>>)
      %add3A_423 = arith.constant 3 : i32
      %add3A_424 = arith.addi %add3A_164, %add3A_423 : i32
      %dma_start3A_425 = arith.constant 0 : i32
      %dma_start3A_426 = tpu.memref_slice %arg8[%add3A_424, %dma_start3A_425] : memref<125x80xi32, #tpu.memory_space<vmem>> -> memref<1x80xi32, #tpu.memory_space<vmem>>
      %dma_start3A_427 = tpu.memref_squeeze %dma_start3A_426 : memref<1x80xi32, #tpu.memory_space<vmem>> -> memref<80xi32, #tpu.memory_space<vmem>>
      %dma_start3A_428 = arith.constant 0 : i32
      %dma_start3A_429 = arith.constant 0 : i32
      %dma_start3A_430 = tpu.memref_slice %arg19[%dma_start3A_428, %dma_start3A_429] : memref<10240x64xf32, #tpu.memory_space<vmem_shared>> -> memref<10240x64xf32, #tpu.memory_space<vmem_shared>>
      tpu.enqueue_indirect_dma source(%arg17 : memref<80x64xf32, #tpu.memory_space<vmem>>) target(%dma_start3A_430 : memref<10240x64xf32, #tpu.memory_space<vmem_shared>>) offsets(%dma_start3A_427 : memref<80xi32, #tpu.memory_space<vmem>>) semaphore(%arg38 : memref<!tpu.dma_semaphore, #tpu.memory_space<semaphore_mem>>) {add = true}
      %add3A_431 = arith.constant 4 : i32
      %add3A_432 = arith.addi %add3A_164, %add3A_431 : i32
      %mul3A_433 = arith.constant 80 : i32
      %mul3A_434 = arith.muli %add3A_432, %mul3A_433 : i32
      %dma_wait3A_435 = tpu.memref_slice %arg7[%mul3A_434] : memref<10000xi32, #tpu.memory_space<vmem>> -> memref<80xi32, #tpu.memory_space<vmem>>
      %dma_wait3A_436 = arith.constant 0 : i32
      %dma_wait3A_437 = arith.constant 0 : i32
      %dma_wait3A_438 = tpu.memref_slice %arg2[%dma_wait3A_436, %dma_wait3A_437] : memref<10240x64xf32, #tpu.memory_space<hbm>> -> memref<10240x64xf32, #tpu.memory_space<hbm>>
      tpu.wait_indirect_dma semaphore(%arg29 : memref<!tpu.dma_semaphore, #tpu.memory_space<semaphore_mem>>) src(%dma_wait3A_438 : memref<10240x64xf32, #tpu.memory_space<hbm>>) dst(%arg18 : memref<80x64xf32, #tpu.memory_space<vmem>>)
      %add3A_439 = arith.constant 4 : i32
      %add3A_440 = arith.addi %add3A_164, %add3A_439 : i32
      %dma_start3A_441 = arith.constant 0 : i32
      %dma_start3A_442 = tpu.memref_slice %arg8[%add3A_440, %dma_start3A_441] : memref<125x80xi32, #tpu.memory_space<vmem>> -> memref<1x80xi32, #tpu.memory_space<vmem>>
      %dma_start3A_443 = tpu.memref_squeeze %dma_start3A_442 : memref<1x80xi32, #tpu.memory_space<vmem>> -> memref<80xi32, #tpu.memory_space<vmem>>
      %dma_start3A_444 = arith.constant 0 : i32
      %dma_start3A_445 = arith.constant 0 : i32
      %dma_start3A_446 = tpu.memref_slice %arg19[%dma_start3A_444, %dma_start3A_445] : memref<10240x64xf32, #tpu.memory_space<vmem_shared>> -> memref<10240x64xf32, #tpu.memory_space<vmem_shared>>
      tpu.enqueue_indirect_dma source(%arg18 : memref<80x64xf32, #tpu.memory_space<vmem>>) target(%dma_start3A_446 : memref<10240x64xf32, #tpu.memory_space<vmem_shared>>) offsets(%dma_start3A_443 : memref<80xi32, #tpu.memory_space<vmem>>) semaphore(%arg39 : memref<!tpu.dma_semaphore, #tpu.memory_space<semaphore_mem>>) {add = true}
      %add3A_447 = arith.constant 0 : i32
      %add3A_448 = arith.addi %add3A_164, %add3A_447 : i32
      %dma_wait3A_449 = arith.constant 0 : i32
      %dma_wait3A_450 = tpu.memref_slice %arg8[%add3A_448, %dma_wait3A_449] : memref<125x80xi32, #tpu.memory_space<vmem>> -> memref<1x80xi32, #tpu.memory_space<vmem>>
      %dma_wait3A_451 = tpu.memref_squeeze %dma_wait3A_450 : memref<1x80xi32, #tpu.memory_space<vmem>> -> memref<80xi32, #tpu.memory_space<vmem>>
      %dma_wait3A_452 = arith.constant 0 : i32
      %dma_wait3A_453 = arith.constant 0 : i32
      %dma_wait3A_454 = tpu.memref_slice %arg19[%dma_wait3A_452, %dma_wait3A_453] : memref<10240x64xf32, #tpu.memory_space<vmem_shared>> -> memref<10240x64xf32, #tpu.memory_space<vmem_shared>>
      tpu.wait_indirect_dma semaphore(%arg35 : memref<!tpu.dma_semaphore, #tpu.memory_space<semaphore_mem>>) src(%arg14 : memref<80x64xf32, #tpu.memory_space<vmem>>) dst(%dma_wait3A_454 : memref<10240x64xf32, #tpu.memory_space<vmem_shared>>)
      %add3A_455 = arith.constant 1 : i32
      %add3A_456 = arith.addi %add3A_164, %add3A_455 : i32
      %dma_wait3A_457 = arith.constant 0 : i32
      %dma_wait3A_458 = tpu.memref_slice %arg8[%add3A_456, %dma_wait3A_457] : memref<125x80xi32, #tpu.memory_space<vmem>> -> memref<1x80xi32, #tpu.memory_space<vmem>>
      %dma_wait3A_459 = tpu.memref_squeeze %dma_wait3A_458 : memref<1x80xi32, #tpu.memory_space<vmem>> -> memref<80xi32, #tpu.memory_space<vmem>>
      %dma_wait3A_460 = arith.constant 0 : i32
      %dma_wait3A_461 = arith.constant 0 : i32
      %dma_wait3A_462 = tpu.memref_slice %arg19[%dma_wait3A_460, %dma_wait3A_461] : memref<10240x64xf32, #tpu.memory_space<vmem_shared>> -> memref<10240x64xf32, #tpu.memory_space<vmem_shared>>
      tpu.wait_indirect_dma semaphore(%arg36 : memref<!tpu.dma_semaphore, #tpu.memory_space<semaphore_mem>>) src(%arg15 : memref<80x64xf32, #tpu.memory_space<vmem>>) dst(%dma_wait3A_462 : memref<10240x64xf32, #tpu.memory_space<vmem_shared>>)
      %add3A_463 = arith.constant 2 : i32
      %add3A_464 = arith.addi %add3A_164, %add3A_463 : i32
      %dma_wait3A_465 = arith.constant 0 : i32
      %dma_wait3A_466 = tpu.memref_slice %arg8[%add3A_464, %dma_wait3A_465] : memref<125x80xi32, #tpu.memory_space<vmem>> -> memref<1x80xi32, #tpu.memory_space<vmem>>
      %dma_wait3A_467 = tpu.memref_squeeze %dma_wait3A_466 : memref<1x80xi32, #tpu.memory_space<vmem>> -> memref<80xi32, #tpu.memory_space<vmem>>
      %dma_wait3A_468 = arith.constant 0 : i32
      %dma_wait3A_469 = arith.constant 0 : i32
      %dma_wait3A_470 = tpu.memref_slice %arg19[%dma_wait3A_468, %dma_wait3A_469] : memref<10240x64xf32, #tpu.memory_space<vmem_shared>> -> memref<10240x64xf32, #tpu.memory_space<vmem_shared>>
      tpu.wait_indirect_dma semaphore(%arg37 : memref<!tpu.dma_semaphore, #tpu.memory_space<semaphore_mem>>) src(%arg16 : memref<80x64xf32, #tpu.memory_space<vmem>>) dst(%dma_wait3A_470 : memref<10240x64xf32, #tpu.memory_space<vmem_shared>>)
      %add3A_471 = arith.constant 3 : i32
      %add3A_472 = arith.addi %add3A_164, %add3A_471 : i32
      %dma_wait3A_473 = arith.constant 0 : i32
      %dma_wait3A_474 = tpu.memref_slice %arg8[%add3A_472, %dma_wait3A_473] : memref<125x80xi32, #tpu.memory_space<vmem>> -> memref<1x80xi32, #tpu.memory_space<vmem>>
      %dma_wait3A_475 = tpu.memref_squeeze %dma_wait3A_474 : memref<1x80xi32, #tpu.memory_space<vmem>> -> memref<80xi32, #tpu.memory_space<vmem>>
      %dma_wait3A_476 = arith.constant 0 : i32
      %dma_wait3A_477 = arith.constant 0 : i32
      %dma_wait3A_478 = tpu.memref_slice %arg19[%dma_wait3A_476, %dma_wait3A_477] : memref<10240x64xf32, #tpu.memory_space<vmem_shared>> -> memref<10240x64xf32, #tpu.memory_space<vmem_shared>>
      tpu.wait_indirect_dma semaphore(%arg38 : memref<!tpu.dma_semaphore, #tpu.memory_space<semaphore_mem>>) src(%arg17 : memref<80x64xf32, #tpu.memory_space<vmem>>) dst(%dma_wait3A_478 : memref<10240x64xf32, #tpu.memory_space<vmem_shared>>)
      %add3A_479 = arith.constant 4 : i32
      %add3A_480 = arith.addi %add3A_164, %add3A_479 : i32
      %dma_wait3A_481 = arith.constant 0 : i32
      %dma_wait3A_482 = tpu.memref_slice %arg8[%add3A_480, %dma_wait3A_481] : memref<125x80xi32, #tpu.memory_space<vmem>> -> memref<1x80xi32, #tpu.memory_space<vmem>>
      %dma_wait3A_483 = tpu.memref_squeeze %dma_wait3A_482 : memref<1x80xi32, #tpu.memory_space<vmem>> -> memref<80xi32, #tpu.memory_space<vmem>>
      %dma_wait3A_484 = arith.constant 0 : i32
      %dma_wait3A_485 = arith.constant 0 : i32
      %dma_wait3A_486 = tpu.memref_slice %arg19[%dma_wait3A_484, %dma_wait3A_485] : memref<10240x64xf32, #tpu.memory_space<vmem_shared>> -> memref<10240x64xf32, #tpu.memory_space<vmem_shared>>
      tpu.wait_indirect_dma semaphore(%arg39 : memref<!tpu.dma_semaphore, #tpu.memory_space<semaphore_mem>>) src(%arg18 : memref<80x64xf32, #tpu.memory_space<vmem>>) dst(%dma_wait3A_486 : memref<10240x64xf32, #tpu.memory_space<vmem_shared>>)
    }
    %scan3A_54 = arith.constant 12 : i32
    %dma_wait3A_55 = arith.constant 9600 : i32
    %dma_wait3A_56 = tpu.memref_slice %arg7[%dma_wait3A_55] : memref<10000xi32, #tpu.memory_space<vmem>> -> memref<80xi32, #tpu.memory_space<vmem>>
    %dma_wait3A_57 = arith.constant 0 : i32
    %dma_wait3A_58 = arith.constant 0 : i32
    %dma_wait3A_59 = tpu.memref_slice %arg2[%dma_wait3A_57, %dma_wait3A_58] : memref<10240x64xf32, #tpu.memory_space<hbm>> -> memref<10240x64xf32, #tpu.memory_space<hbm>>
    tpu.wait_indirect_dma semaphore(%arg20 : memref<!tpu.dma_semaphore, #tpu.memory_space<semaphore_mem>>) src(%dma_wait3A_59 : memref<10240x64xf32, #tpu.memory_space<hbm>>) dst(%arg9 : memref<80x64xf32, #tpu.memory_space<vmem>>)
    %dma_start3A_60 = arith.constant 120 : i32
    %dma_start3A_61 = arith.constant 0 : i32
    %dma_start3A_62 = tpu.memref_slice %arg8[%dma_start3A_60, %dma_start3A_61] : memref<125x80xi32, #tpu.memory_space<vmem>> -> memref<1x80xi32, #tpu.memory_space<vmem>>
    %dma_start3A_63 = tpu.memref_squeeze %dma_start3A_62 : memref<1x80xi32, #tpu.memory_space<vmem>> -> memref<80xi32, #tpu.memory_space<vmem>>
    %dma_start3A_64 = arith.constant 0 : i32
    %dma_start3A_65 = arith.constant 0 : i32
    %dma_start3A_66 = tpu.memref_slice %arg19[%dma_start3A_64, %dma_start3A_65] : memref<10240x64xf32, #tpu.memory_space<vmem_shared>> -> memref<10240x64xf32, #tpu.memory_space<vmem_shared>>
    tpu.enqueue_indirect_dma source(%arg9 : memref<80x64xf32, #tpu.memory_space<vmem>>) target(%dma_start3A_66 : memref<10240x64xf32, #tpu.memory_space<vmem_shared>>) offsets(%dma_start3A_63 : memref<80xi32, #tpu.memory_space<vmem>>) semaphore(%arg30 : memref<!tpu.dma_semaphore, #tpu.memory_space<semaphore_mem>>) {add = true}
    %dma_wait3A_67 = arith.constant 9680 : i32
    %dma_wait3A_68 = tpu.memref_slice %arg7[%dma_wait3A_67] : memref<10000xi32, #tpu.memory_space<vmem>> -> memref<80xi32, #tpu.memory_space<vmem>>
    %dma_wait3A_69 = arith.constant 0 : i32
    %dma_wait3A_70 = arith.constant 0 : i32
    %dma_wait3A_71 = tpu.memref_slice %arg2[%dma_wait3A_69, %dma_wait3A_70] : memref<10240x64xf32, #tpu.memory_space<hbm>> -> memref<10240x64xf32, #tpu.memory_space<hbm>>
    tpu.wait_indirect_dma semaphore(%arg21 : memref<!tpu.dma_semaphore, #tpu.memory_space<semaphore_mem>>) src(%dma_wait3A_71 : memref<10240x64xf32, #tpu.memory_space<hbm>>) dst(%arg10 : memref<80x64xf32, #tpu.memory_space<vmem>>)
    %dma_start3A_72 = arith.constant 121 : i32
    %dma_start3A_73 = arith.constant 0 : i32
    %dma_start3A_74 = tpu.memref_slice %arg8[%dma_start3A_72, %dma_start3A_73] : memref<125x80xi32, #tpu.memory_space<vmem>> -> memref<1x80xi32, #tpu.memory_space<vmem>>
    %dma_start3A_75 = tpu.memref_squeeze %dma_start3A_74 : memref<1x80xi32, #tpu.memory_space<vmem>> -> memref<80xi32, #tpu.memory_space<vmem>>
    %dma_start3A_76 = arith.constant 0 : i32
    %dma_start3A_77 = arith.constant 0 : i32
    %dma_start3A_78 = tpu.memref_slice %arg19[%dma_start3A_76, %dma_start3A_77] : memref<10240x64xf32, #tpu.memory_space<vmem_shared>> -> memref<10240x64xf32, #tpu.memory_space<vmem_shared>>
    tpu.enqueue_indirect_dma source(%arg10 : memref<80x64xf32, #tpu.memory_space<vmem>>) target(%dma_start3A_78 : memref<10240x64xf32, #tpu.memory_space<vmem_shared>>) offsets(%dma_start3A_75 : memref<80xi32, #tpu.memory_space<vmem>>) semaphore(%arg31 : memref<!tpu.dma_semaphore, #tpu.memory_space<semaphore_mem>>) {add = true}
    %dma_wait3A_79 = arith.constant 9760 : i32
    %dma_wait3A_80 = tpu.memref_slice %arg7[%dma_wait3A_79] : memref<10000xi32, #tpu.memory_space<vmem>> -> memref<80xi32, #tpu.memory_space<vmem>>
    %dma_wait3A_81 = arith.constant 0 : i32
    %dma_wait3A_82 = arith.constant 0 : i32
    %dma_wait3A_83 = tpu.memref_slice %arg2[%dma_wait3A_81, %dma_wait3A_82] : memref<10240x64xf32, #tpu.memory_space<hbm>> -> memref<10240x64xf32, #tpu.memory_space<hbm>>
    tpu.wait_indirect_dma semaphore(%arg22 : memref<!tpu.dma_semaphore, #tpu.memory_space<semaphore_mem>>) src(%dma_wait3A_83 : memref<10240x64xf32, #tpu.memory_space<hbm>>) dst(%arg11 : memref<80x64xf32, #tpu.memory_space<vmem>>)
    %dma_start3A_84 = arith.constant 122 : i32
    %dma_start3A_85 = arith.constant 0 : i32
    %dma_start3A_86 = tpu.memref_slice %arg8[%dma_start3A_84, %dma_start3A_85] : memref<125x80xi32, #tpu.memory_space<vmem>> -> memref<1x80xi32, #tpu.memory_space<vmem>>
    %dma_start3A_87 = tpu.memref_squeeze %dma_start3A_86 : memref<1x80xi32, #tpu.memory_space<vmem>> -> memref<80xi32, #tpu.memory_space<vmem>>
    %dma_start3A_88 = arith.constant 0 : i32
    %dma_start3A_89 = arith.constant 0 : i32
    %dma_start3A_90 = tpu.memref_slice %arg19[%dma_start3A_88, %dma_start3A_89] : memref<10240x64xf32, #tpu.memory_space<vmem_shared>> -> memref<10240x64xf32, #tpu.memory_space<vmem_shared>>
    tpu.enqueue_indirect_dma source(%arg11 : memref<80x64xf32, #tpu.memory_space<vmem>>) target(%dma_start3A_90 : memref<10240x64xf32, #tpu.memory_space<vmem_shared>>) offsets(%dma_start3A_87 : memref<80xi32, #tpu.memory_space<vmem>>) semaphore(%arg32 : memref<!tpu.dma_semaphore, #tpu.memory_space<semaphore_mem>>) {add = true}
    %dma_wait3A_91 = arith.constant 9840 : i32
    %dma_wait3A_92 = tpu.memref_slice %arg7[%dma_wait3A_91] : memref<10000xi32, #tpu.memory_space<vmem>> -> memref<80xi32, #tpu.memory_space<vmem>>
    %dma_wait3A_93 = arith.constant 0 : i32
    %dma_wait3A_94 = arith.constant 0 : i32
    %dma_wait3A_95 = tpu.memref_slice %arg2[%dma_wait3A_93, %dma_wait3A_94] : memref<10240x64xf32, #tpu.memory_space<hbm>> -> memref<10240x64xf32, #tpu.memory_space<hbm>>
    tpu.wait_indirect_dma semaphore(%arg23 : memref<!tpu.dma_semaphore, #tpu.memory_space<semaphore_mem>>) src(%dma_wait3A_95 : memref<10240x64xf32, #tpu.memory_space<hbm>>) dst(%arg12 : memref<80x64xf32, #tpu.memory_space<vmem>>)
    %dma_start3A_96 = arith.constant 123 : i32
    %dma_start3A_97 = arith.constant 0 : i32
    %dma_start3A_98 = tpu.memref_slice %arg8[%dma_start3A_96, %dma_start3A_97] : memref<125x80xi32, #tpu.memory_space<vmem>> -> memref<1x80xi32, #tpu.memory_space<vmem>>
    %dma_start3A_99 = tpu.memref_squeeze %dma_start3A_98 : memref<1x80xi32, #tpu.memory_space<vmem>> -> memref<80xi32, #tpu.memory_space<vmem>>
    %dma_start3A_100 = arith.constant 0 : i32
    %dma_start3A_101 = arith.constant 0 : i32
    %dma_start3A_102 = tpu.memref_slice %arg19[%dma_start3A_100, %dma_start3A_101] : memref<10240x64xf32, #tpu.memory_space<vmem_shared>> -> memref<10240x64xf32, #tpu.memory_space<vmem_shared>>
    tpu.enqueue_indirect_dma source(%arg12 : memref<80x64xf32, #tpu.memory_space<vmem>>) target(%dma_start3A_102 : memref<10240x64xf32, #tpu.memory_space<vmem_shared>>) offsets(%dma_start3A_99 : memref<80xi32, #tpu.memory_space<vmem>>) semaphore(%arg33 : memref<!tpu.dma_semaphore, #tpu.memory_space<semaphore_mem>>) {add = true}
    %dma_wait3A_103 = arith.constant 9920 : i32
    %dma_wait3A_104 = tpu.memref_slice %arg7[%dma_wait3A_103] : memref<10000xi32, #tpu.memory_space<vmem>> -> memref<80xi32, #tpu.memory_space<vmem>>
    %dma_wait3A_105 = arith.constant 0 : i32
    %dma_wait3A_106 = arith.constant 0 : i32
    %dma_wait3A_107 = tpu.memref_slice %arg2[%dma_wait3A_105, %dma_wait3A_106] : memref<10240x64xf32, #tpu.memory_space<hbm>> -> memref<10240x64xf32, #tpu.memory_space<hbm>>
    tpu.wait_indirect_dma semaphore(%arg24 : memref<!tpu.dma_semaphore, #tpu.memory_space<semaphore_mem>>) src(%dma_wait3A_107 : memref<10240x64xf32, #tpu.memory_space<hbm>>) dst(%arg13 : memref<80x64xf32, #tpu.memory_space<vmem>>)
    %dma_start3A_108 = arith.constant 124 : i32
    %dma_start3A_109 = arith.constant 0 : i32
    %dma_start3A_110 = tpu.memref_slice %arg8[%dma_start3A_108, %dma_start3A_109] : memref<125x80xi32, #tpu.memory_space<vmem>> -> memref<1x80xi32, #tpu.memory_space<vmem>>
    %dma_start3A_111 = tpu.memref_squeeze %dma_start3A_110 : memref<1x80xi32, #tpu.memory_space<vmem>> -> memref<80xi32, #tpu.memory_space<vmem>>
    %dma_start3A_112 = arith.constant 0 : i32
    %dma_start3A_113 = arith.constant 0 : i32
    %dma_start3A_114 = tpu.memref_slice %arg19[%dma_start3A_112, %dma_start3A_113] : memref<10240x64xf32, #tpu.memory_space<vmem_shared>> -> memref<10240x64xf32, #tpu.memory_space<vmem_shared>>
    tpu.enqueue_indirect_dma source(%arg13 : memref<80x64xf32, #tpu.memory_space<vmem>>) target(%dma_start3A_114 : memref<10240x64xf32, #tpu.memory_space<vmem_shared>>) offsets(%dma_start3A_111 : memref<80xi32, #tpu.memory_space<vmem>>) semaphore(%arg34 : memref<!tpu.dma_semaphore, #tpu.memory_space<semaphore_mem>>) {add = true}
    %dma_wait3A_115 = arith.constant 120 : i32
    %dma_wait3A_116 = arith.constant 0 : i32
    %dma_wait3A_117 = tpu.memref_slice %arg8[%dma_wait3A_115, %dma_wait3A_116] : memref<125x80xi32, #tpu.memory_space<vmem>> -> memref<1x80xi32, #tpu.memory_space<vmem>>
    %dma_wait3A_118 = tpu.memref_squeeze %dma_wait3A_117 : memref<1x80xi32, #tpu.memory_space<vmem>> -> memref<80xi32, #tpu.memory_space<vmem>>
    %dma_wait3A_119 = arith.constant 0 : i32
    %dma_wait3A_120 = arith.constant 0 : i32
    %dma_wait3A_121 = tpu.memref_slice %arg19[%dma_wait3A_119, %dma_wait3A_120] : memref<10240x64xf32, #tpu.memory_space<vmem_shared>> -> memref<10240x64xf32, #tpu.memory_space<vmem_shared>>
    tpu.wait_indirect_dma semaphore(%arg30 : memref<!tpu.dma_semaphore, #tpu.memory_space<semaphore_mem>>) src(%arg9 : memref<80x64xf32, #tpu.memory_space<vmem>>) dst(%dma_wait3A_121 : memref<10240x64xf32, #tpu.memory_space<vmem_shared>>)
    %dma_wait3A_122 = arith.constant 121 : i32
    %dma_wait3A_123 = arith.constant 0 : i32
    %dma_wait3A_124 = tpu.memref_slice %arg8[%dma_wait3A_122, %dma_wait3A_123] : memref<125x80xi32, #tpu.memory_space<vmem>> -> memref<1x80xi32, #tpu.memory_space<vmem>>
    %dma_wait3A_125 = tpu.memref_squeeze %dma_wait3A_124 : memref<1x80xi32, #tpu.memory_space<vmem>> -> memref<80xi32, #tpu.memory_space<vmem>>
    %dma_wait3A_126 = arith.constant 0 : i32
    %dma_wait3A_127 = arith.constant 0 : i32
    %dma_wait3A_128 = tpu.memref_slice %arg19[%dma_wait3A_126, %dma_wait3A_127] : memref<10240x64xf32, #tpu.memory_space<vmem_shared>> -> memref<10240x64xf32, #tpu.memory_space<vmem_shared>>
    tpu.wait_indirect_dma semaphore(%arg31 : memref<!tpu.dma_semaphore, #tpu.memory_space<semaphore_mem>>) src(%arg10 : memref<80x64xf32, #tpu.memory_space<vmem>>) dst(%dma_wait3A_128 : memref<10240x64xf32, #tpu.memory_space<vmem_shared>>)
    %dma_wait3A_129 = arith.constant 122 : i32
    %dma_wait3A_130 = arith.constant 0 : i32
    %dma_wait3A_131 = tpu.memref_slice %arg8[%dma_wait3A_129, %dma_wait3A_130] : memref<125x80xi32, #tpu.memory_space<vmem>> -> memref<1x80xi32, #tpu.memory_space<vmem>>
    %dma_wait3A_132 = tpu.memref_squeeze %dma_wait3A_131 : memref<1x80xi32, #tpu.memory_space<vmem>> -> memref<80xi32, #tpu.memory_space<vmem>>
    %dma_wait3A_133 = arith.constant 0 : i32
    %dma_wait3A_134 = arith.constant 0 : i32
    %dma_wait3A_135 = tpu.memref_slice %arg19[%dma_wait3A_133, %dma_wait3A_134] : memref<10240x64xf32, #tpu.memory_space<vmem_shared>> -> memref<10240x64xf32, #tpu.memory_space<vmem_shared>>
    tpu.wait_indirect_dma semaphore(%arg32 : memref<!tpu.dma_semaphore, #tpu.memory_space<semaphore_mem>>) src(%arg11 : memref<80x64xf32, #tpu.memory_space<vmem>>) dst(%dma_wait3A_135 : memref<10240x64xf32, #tpu.memory_space<vmem_shared>>)
    %dma_wait3A_136 = arith.constant 123 : i32
    %dma_wait3A_137 = arith.constant 0 : i32
    %dma_wait3A_138 = tpu.memref_slice %arg8[%dma_wait3A_136, %dma_wait3A_137] : memref<125x80xi32, #tpu.memory_space<vmem>> -> memref<1x80xi32, #tpu.memory_space<vmem>>
    %dma_wait3A_139 = tpu.memref_squeeze %dma_wait3A_138 : memref<1x80xi32, #tpu.memory_space<vmem>> -> memref<80xi32, #tpu.memory_space<vmem>>
    %dma_wait3A_140 = arith.constant 0 : i32
    %dma_wait3A_141 = arith.constant 0 : i32
    %dma_wait3A_142 = tpu.memref_slice %arg19[%dma_wait3A_140, %dma_wait3A_141] : memref<10240x64xf32, #tpu.memory_space<vmem_shared>> -> memref<10240x64xf32, #tpu.memory_space<vmem_shared>>
    tpu.wait_indirect_dma semaphore(%arg33 : memref<!tpu.dma_semaphore, #tpu.memory_space<semaphore_mem>>) src(%arg12 : memref<80x64xf32, #tpu.memory_space<vmem>>) dst(%dma_wait3A_142 : memref<10240x64xf32, #tpu.memory_space<vmem_shared>>)
    %dma_wait3A_143 = arith.constant 124 : i32
    %dma_wait3A_144 = arith.constant 0 : i32
    %dma_wait3A_145 = tpu.memref_slice %arg8[%dma_wait3A_143, %dma_wait3A_144] : memref<125x80xi32, #tpu.memory_space<vmem>> -> memref<1x80xi32, #tpu.memory_space<vmem>>
    %dma_wait3A_146 = tpu.memref_squeeze %dma_wait3A_145 : memref<1x80xi32, #tpu.memory_space<vmem>> -> memref<80xi32, #tpu.memory_space<vmem>>
    %dma_wait3A_147 = arith.constant 0 : i32
    %dma_wait3A_148 = arith.constant 0 : i32
    %dma_wait3A_149 = tpu.memref_slice %arg19[%dma_wait3A_147, %dma_wait3A_148] : memref<10240x64xf32, #tpu.memory_space<vmem_shared>> -> memref<10240x64xf32, #tpu.memory_space<vmem_shared>>
    tpu.wait_indirect_dma semaphore(%arg34 : memref<!tpu.dma_semaphore, #tpu.memory_space<semaphore_mem>>) src(%arg13 : memref<80x64xf32, #tpu.memory_space<vmem>>) dst(%dma_wait3A_149 : memref<10240x64xf32, #tpu.memory_space<vmem_shared>>)
    %barrier3A_150 = arith.constant 0 : index
    tpu.barrier barrier_id(%barrier3A_150)
    %mul3A_151 = arith.constant 640 : i32
    %mul3A_152 = arith.muli %arg1, %mul3A_151 : i32
    %mul3A_153 = arith.constant 10240 : i32
    %mul3A_154 = arith.muli %arg0, %mul3A_153 : i32
    %mul3A_155 = arith.constant 640 : i32
    %mul3A_156 = arith.muli %arg1, %mul3A_155 : i32
    %add3A_157 = arith.addi %mul3A_154, %mul3A_156 : i32
    "tpu.region"() ({
      %run_scoped3A = tpu.sem_alloc : memref<!tpu.dma_semaphore, #tpu.memory_space<semaphore_mem>>
      %dma_start3A_158 = arith.constant 0 : i32
      %dma_start3A_159 = tpu.memref_slice %arg6[%add3A_157, %dma_start3A_158] : memref<20480x64xf32, #tpu.memory_space<hbm>> -> memref<640x64xf32, #tpu.memory_space<hbm>>
      %dma_start3A_160 = arith.constant 0 : i32
      %dma_start3A_161 = tpu.memref_slice %arg19[%mul3A_152, %dma_start3A_160] : memref<10240x64xf32, #tpu.memory_space<vmem_shared>> -> memref<640x64xf32, #tpu.memory_space<vmem_shared>>
      tpu.enqueue_dma source(%dma_start3A_161 : memref<640x64xf32, #tpu.memory_space<vmem_shared>>) target(%dma_start3A_159 : memref<640x64xf32, #tpu.memory_space<hbm>>) target_semaphore(%run_scoped3A : memref<!tpu.dma_semaphore, #tpu.memory_space<semaphore_mem>>)
      %dma_wait3A_162 = arith.constant 0 : i32
      %dma_wait3A_163 = tpu.memref_slice %arg6[%add3A_157, %dma_wait3A_162] : memref<20480x64xf32, #tpu.memory_space<hbm>> -> memref<640x64xf32, #tpu.memory_space<hbm>>
      %dma_wait3A_164 = arith.constant 0 : i32
      %dma_wait3A_165 = tpu.memref_slice %arg19[%mul3A_152, %dma_wait3A_164] : memref<10240x64xf32, #tpu.memory_space<vmem_shared>> -> memref<640x64xf32, #tpu.memory_space<vmem_shared>>
      tpu.wait_dma2 semaphore(%run_scoped3A : memref<!tpu.dma_semaphore, #tpu.memory_space<semaphore_mem>>) src(%dma_wait3A_165 : memref<640x64xf32, #tpu.memory_space<vmem_shared>>) dst(%dma_wait3A_163 : memref<640x64xf32, #tpu.memory_space<hbm>>)
      tpu.yield
    }) : () -> ()
    return
  }
}

#map = affine_map<(d0, d1) -> (0, 0)>
#map1 = affine_map<(d0, d1) -> (0)>
#map2 = affine_map<(d0, d1) -> (0, 0, 0)>
module attributes {stable_mosaic.version = 14 : i64} {
  func.func @seg_sum(%arg0: i32, %arg1: i32, %arg2: memref<10240x64xf32, #tpu.memory_space<hbm>>, %arg3: memref<320000xi32, #tpu.memory_space<hbm>>, %arg4: memref<32x125x80xi32, #tpu.memory_space<hbm>>, %arg5: memref<10240x64xf32, #tpu.memory_space<hbm>>, %arg6: memref<20480x64xf32, #tpu.memory_space<hbm>>, %arg7: memref<10000xi32, #tpu.memory_space<vmem>>, %arg8: memref<125x80xi32, #tpu.memory_space<vmem>>, %arg9: memref<80x64xf32, #tpu.memory_space<vmem>>, %arg10: memref<80x64xf32, #tpu.memory_space<vmem>>, %arg11: memref<80x64xf32, #tpu.memory_space<vmem>>, %arg12: memref<80x64xf32, #tpu.memory_space<vmem>>, %arg13: memref<80x64xf32, #tpu.memory_space<vmem>>, %arg14: memref<80x64xf32, #tpu.memory_space<vmem>>, %arg15: memref<80x64xf32, #tpu.memory_space<vmem>>, %arg16: memref<80x64xf32, #tpu.memory_space<vmem>>, %arg17: memref<80x64xf32, #tpu.memory_space<vmem>>, %arg18: memref<80x64xf32, #tpu.memory_space<vmem>>, %arg19: memref<10240x64xf32, #tpu.memory_space<vmem_shared>>, %arg20: memref<!tpu.dma_semaphore, #tpu.memory_space<semaphore_mem>>, %arg21: memref<!tpu.dma_semaphore, #tpu.memory_space<semaphore_mem>>, %arg22: memref<!tpu.dma_semaphore, #tpu.memory_space<semaphore_mem>>, %arg23: memref<!tpu.dma_semaphore, #tpu.memory_space<semaphore_mem>>, %arg24: memref<!tpu.dma_semaphore, #tpu.memory_space<semaphore_mem>>, %arg25: memref<!tpu.dma_semaphore, #tpu.memory_space<semaphore_mem>>, %arg26: memref<!tpu.dma_semaphore, #tpu.memory_space<semaphore_mem>>, %arg27: memref<!tpu.dma_semaphore, #tpu.memory_space<semaphore_mem>>, %arg28: memref<!tpu.dma_semaphore, #tpu.memory_space<semaphore_mem>>, %arg29: memref<!tpu.dma_semaphore, #tpu.memory_space<semaphore_mem>>, %arg30: memref<!tpu.dma_semaphore, #tpu.memory_space<semaphore_mem>>, %arg31: memref<!tpu.dma_semaphore, #tpu.memory_space<semaphore_mem>>, %arg32: memref<!tpu.dma_semaphore, #tpu.memory_space<semaphore_mem>>, %arg33: memref<!tpu.dma_semaphore, #tpu.memory_space<semaphore_mem>>, %arg34: memref<!tpu.dma_semaphore, #tpu.memory_space<semaphore_mem>>, %arg35: memref<!tpu.dma_semaphore, #tpu.memory_space<semaphore_mem>>, %arg36: memref<!tpu.dma_semaphore, #tpu.memory_space<semaphore_mem>>, %arg37: memref<!tpu.dma_semaphore, #tpu.memory_space<semaphore_mem>>, %arg38: memref<!tpu.dma_semaphore, #tpu.memory_space<semaphore_mem>>, %arg39: memref<!tpu.dma_semaphore, #tpu.memory_space<semaphore_mem>>, %arg40: memref<!tpu.dma_semaphore, #tpu.memory_space<semaphore_mem>>) attributes {dimension_semantics = [#tpu.dimension_semantics<core_parallel>, #tpu.dimension_semantics<subcore_parallel>], iteration_bounds = array<i64: 2, 16>, scalar_prefetch = 0 : i64, scratch_operands = 34 : i64, tpu.core_type = #tpu.core_type<sc_vector_subcore>, window_params = [{transform_indices = #map}, {transform_indices = #map1}, {transform_indices = #map2}, {transform_indices = #map}, {transform_indices = #map}]} {
    %mul3A = arith.constant 2 : i32
    %mul3A_0 = arith.muli %arg1, %mul3A : i32
    %add3A = arith.addi %mul3A_0, %arg0 : i32
    %mul3A_1 = arith.constant 10000 : i32
    %mul3A_2 = arith.muli %add3A, %mul3A_1 : i32
    %mul3A_3 = arith.constant 640 : i32
    %mul3A_4 = arith.muli %arg1, %mul3A_3 : i32
    %mul3A_5 = arith.constant 640 : i32
    %mul3A_6 = arith.muli %arg1, %mul3A_5 : i32
    "tpu.region"() ({
      %run_scoped3A = tpu.sem_alloc : memref<!tpu.dma_semaphore, #tpu.memory_space<semaphore_mem>>
      %dma_start3A_158 = arith.constant 0 : i32
      %dma_start3A_159 = tpu.memref_slice %arg19[%mul3A_6, %dma_start3A_158] : memref<10240x64xf32, #tpu.memory_space<vmem_shared>> -> memref<640x64xf32, #tpu.memory_space<vmem_shared>>
      %dma_start3A_160 = arith.constant 0 : i32
      %dma_start3A_161 = tpu.memref_slice %arg5[%mul3A_4, %dma_start3A_160] : memref<10240x64xf32, #tpu.memory_space<hbm>> -> memref<640x64xf32, #tpu.memory_space<hbm>>
      tpu.enqueue_dma source(%dma_start3A_161 : memref<640x64xf32, #tpu.memory_space<hbm>>) target(%dma_start3A_159 : memref<640x64xf32, #tpu.memory_space<vmem_shared>>) target_semaphore(%run_scoped3A : memref<!tpu.dma_semaphore, #tpu.memory_space<semaphore_mem>>)
      %dma_wait3A_162 = arith.constant 0 : i32
      %dma_wait3A_163 = tpu.memref_slice %arg19[%mul3A_6, %dma_wait3A_162] : memref<10240x64xf32, #tpu.memory_space<vmem_shared>> -> memref<640x64xf32, #tpu.memory_space<vmem_shared>>
      %dma_wait3A_164 = arith.constant 0 : i32
      %dma_wait3A_165 = tpu.memref_slice %arg5[%mul3A_4, %dma_wait3A_164] : memref<10240x64xf32, #tpu.memory_space<hbm>> -> memref<640x64xf32, #tpu.memory_space<hbm>>
      tpu.wait_dma2 semaphore(%run_scoped3A : memref<!tpu.dma_semaphore, #tpu.memory_space<semaphore_mem>>) src(%dma_wait3A_165 : memref<640x64xf32, #tpu.memory_space<hbm>>) dst(%dma_wait3A_163 : memref<640x64xf32, #tpu.memory_space<vmem_shared>>)
      tpu.yield
    }) : () -> ()
    %dma_start3A = tpu.memref_slice %arg3[%mul3A_2] : memref<320000xi32, #tpu.memory_space<hbm>> -> memref<10000xi32, #tpu.memory_space<hbm>>
    %dma_start3A_7 = tpu.memref_slice %arg3[%mul3A_2] : memref<320000xi32, #tpu.memory_space<hbm>> -> memref<10000xi32, #tpu.memory_space<hbm>>
    tpu.enqueue_dma source(%dma_start3A_7 : memref<10000xi32, #tpu.memory_space<hbm>>) target(%arg7 : memref<10000xi32, #tpu.memory_space<vmem>>) target_semaphore(%arg40 : memref<!tpu.dma_semaphore, #tpu.memory_space<semaphore_mem>>)
    %dma_start3A_8 = arith.constant 0 : i32
    %dma_start3A_9 = arith.constant 0 : i32
    %dma_start3A_10 = tpu.memref_slice %arg4[%add3A, %dma_start3A_8, %dma_start3A_9] : memref<32x125x80xi32, #tpu.memory_space<hbm>> -> memref<1x125x80xi32, #tpu.memory_space<hbm>>
    %dma_start3A_11 = tpu.memref_squeeze %dma_start3A_10 : memref<1x125x80xi32, #tpu.memory_space<hbm>> -> memref<125x80xi32, #tpu.memory_space<hbm>>
    %dma_start3A_12 = arith.constant 0 : i32
    %dma_start3A_13 = arith.constant 0 : i32
    %dma_start3A_14 = tpu.memref_slice %arg4[%add3A, %dma_start3A_12, %dma_start3A_13] : memref<32x125x80xi32, #tpu.memory_space<hbm>> -> memref<1x125x80xi32, #tpu.memory_space<hbm>>
    %dma_start3A_15 = tpu.memref_squeeze %dma_start3A_14 : memref<1x125x80xi32, #tpu.memory_space<hbm>> -> memref<125x80xi32, #tpu.memory_space<hbm>>
    tpu.enqueue_dma source(%dma_start3A_15 : memref<125x80xi32, #tpu.memory_space<hbm>>) target(%arg8 : memref<125x80xi32, #tpu.memory_space<vmem>>) target_semaphore(%arg40 : memref<!tpu.dma_semaphore, #tpu.memory_space<semaphore_mem>>)
    %dma_wait3A = tpu.memref_slice %arg3[%mul3A_2] : memref<320000xi32, #tpu.memory_space<hbm>> -> memref<10000xi32, #tpu.memory_space<hbm>>
    %dma_wait3A_16 = tpu.memref_slice %arg3[%mul3A_2] : memref<320000xi32, #tpu.memory_space<hbm>> -> memref<10000xi32, #tpu.memory_space<hbm>>
    tpu.wait_dma2 semaphore(%arg40 : memref<!tpu.dma_semaphore, #tpu.memory_space<semaphore_mem>>) src(%dma_wait3A_16 : memref<10000xi32, #tpu.memory_space<hbm>>) dst(%arg7 : memref<10000xi32, #tpu.memory_space<vmem>>)
    %dma_wait3A_17 = arith.constant 0 : i32
    %dma_wait3A_18 = arith.constant 0 : i32
    %dma_wait3A_19 = tpu.memref_slice %arg4[%add3A, %dma_wait3A_17, %dma_wait3A_18] : memref<32x125x80xi32, #tpu.memory_space<hbm>> -> memref<1x125x80xi32, #tpu.memory_space<hbm>>
    %dma_wait3A_20 = tpu.memref_squeeze %dma_wait3A_19 : memref<1x125x80xi32, #tpu.memory_space<hbm>> -> memref<125x80xi32, #tpu.memory_space<hbm>>
    %dma_wait3A_21 = arith.constant 0 : i32
    %dma_wait3A_22 = arith.constant 0 : i32
    %dma_wait3A_23 = tpu.memref_slice %arg4[%add3A, %dma_wait3A_21, %dma_wait3A_22] : memref<32x125x80xi32, #tpu.memory_space<hbm>> -> memref<1x125x80xi32, #tpu.memory_space<hbm>>
    %dma_wait3A_24 = tpu.memref_squeeze %dma_wait3A_23 : memref<1x125x80xi32, #tpu.memory_space<hbm>> -> memref<125x80xi32, #tpu.memory_space<hbm>>
    tpu.wait_dma2 semaphore(%arg40 : memref<!tpu.dma_semaphore, #tpu.memory_space<semaphore_mem>>) src(%dma_wait3A_24 : memref<125x80xi32, #tpu.memory_space<hbm>>) dst(%arg8 : memref<125x80xi32, #tpu.memory_space<vmem>>)
    %barrier3A = arith.constant 0 : index
    tpu.barrier barrier_id(%barrier3A)
    %dma_start3A_25 = arith.constant 0 : i32
    %dma_start3A_26 = tpu.memref_slice %arg7[%dma_start3A_25] : memref<10000xi32, #tpu.memory_space<vmem>> -> memref<80xi32, #tpu.memory_space<vmem>>
    %dma_start3A_27 = arith.constant 0 : i32
    %dma_start3A_28 = arith.constant 0 : i32
    %dma_start3A_29 = tpu.memref_slice %arg2[%dma_start3A_27, %dma_start3A_28] : memref<10240x64xf32, #tpu.memory_space<hbm>> -> memref<10240x64xf32, #tpu.memory_space<hbm>>
    tpu.enqueue_indirect_dma source(%dma_start3A_29 : memref<10240x64xf32, #tpu.memory_space<hbm>>) target(%arg9 : memref<80x64xf32, #tpu.memory_space<vmem>>) offsets(%dma_start3A_26 : memref<80xi32, #tpu.memory_space<vmem>>) semaphore(%arg20 : memref<!tpu.dma_semaphore, #tpu.memory_space<semaphore_mem>>)
    %dma_start3A_30 = arith.constant 80 : i32
    %dma_start3A_31 = tpu.memref_slice %arg7[%dma_start3A_30] : memref<10000xi32, #tpu.memory_space<vmem>> -> memref<80xi32, #tpu.memory_space<vmem>>
    %dma_start3A_32 = arith.constant 0 : i32
    %dma_start3A_33 = arith.constant 0 : i32
    %dma_start3A_34 = tpu.memref_slice %arg2[%dma_start3A_32, %dma_start3A_33] : memref<10240x64xf32, #tpu.memory_space<hbm>> -> memref<10240x64xf32, #tpu.memory_space<hbm>>
    tpu.enqueue_indirect_dma source(%dma_start3A_34 : memref<10240x64xf32, #tpu.memory_space<hbm>>) target(%arg10 : memref<80x64xf32, #tpu.memory_space<vmem>>) offsets(%dma_start3A_31 : memref<80xi32, #tpu.memory_space<vmem>>) semaphore(%arg21 : memref<!tpu.dma_semaphore, #tpu.memory_space<semaphore_mem>>)
    %dma_start3A_35 = arith.constant 160 : i32
    %dma_start3A_36 = tpu.memref_slice %arg7[%dma_start3A_35] : memref<10000xi32, #tpu.memory_space<vmem>> -> memref<80xi32, #tpu.memory_space<vmem>>
    %dma_start3A_37 = arith.constant 0 : i32
    %dma_start3A_38 = arith.constant 0 : i32
    %dma_start3A_39 = tpu.memref_slice %arg2[%dma_start3A_37, %dma_start3A_38] : memref<10240x64xf32, #tpu.memory_space<hbm>> -> memref<10240x64xf32, #tpu.memory_space<hbm>>
    tpu.enqueue_indirect_dma source(%dma_start3A_39 : memref<10240x64xf32, #tpu.memory_space<hbm>>) target(%arg11 : memref<80x64xf32, #tpu.memory_space<vmem>>) offsets(%dma_start3A_36 : memref<80xi32, #tpu.memory_space<vmem>>) semaphore(%arg22 : memref<!tpu.dma_semaphore, #tpu.memory_space<semaphore_mem>>)
    %dma_start3A_40 = arith.constant 240 : i32
    %dma_start3A_41 = tpu.memref_slice %arg7[%dma_start3A_40] : memref<10000xi32, #tpu.memory_space<vmem>> -> memref<80xi32, #tpu.memory_space<vmem>>
    %dma_start3A_42 = arith.constant 0 : i32
    %dma_start3A_43 = arith.constant 0 : i32
    %dma_start3A_44 = tpu.memref_slice %arg2[%dma_start3A_42, %dma_start3A_43] : memref<10240x64xf32, #tpu.memory_space<hbm>> -> memref<10240x64xf32, #tpu.memory_space<hbm>>
    tpu.enqueue_indirect_dma source(%dma_start3A_44 : memref<10240x64xf32, #tpu.memory_space<hbm>>) target(%arg12 : memref<80x64xf32, #tpu.memory_space<vmem>>) offsets(%dma_start3A_41 : memref<80xi32, #tpu.memory_space<vmem>>) semaphore(%arg23 : memref<!tpu.dma_semaphore, #tpu.memory_space<semaphore_mem>>)
    %dma_start3A_45 = arith.constant 320 : i32
    %dma_start3A_46 = tpu.memref_slice %arg7[%dma_start3A_45] : memref<10000xi32, #tpu.memory_space<vmem>> -> memref<80xi32, #tpu.memory_space<vmem>>
    %dma_start3A_47 = arith.constant 0 : i32
    %dma_start3A_48 = arith.constant 0 : i32
    %dma_start3A_49 = tpu.memref_slice %arg2[%dma_start3A_47, %dma_start3A_48] : memref<10240x64xf32, #tpu.memory_space<hbm>> -> memref<10240x64xf32, #tpu.memory_space<hbm>>
    tpu.enqueue_indirect_dma source(%dma_start3A_49 : memref<10240x64xf32, #tpu.memory_space<hbm>>) target(%arg13 : memref<80x64xf32, #tpu.memory_space<vmem>>) offsets(%dma_start3A_46 : memref<80xi32, #tpu.memory_space<vmem>>) semaphore(%arg24 : memref<!tpu.dma_semaphore, #tpu.memory_space<semaphore_mem>>)
    %scan3A = arith.constant 0 : i32
    %scan3A_50 = arith.constant 0 : i32
    %scan3A_51 = arith.constant 12 : i32
    %scan3A_52 = arith.addi %scan3A_50, %scan3A_51 : i32
    %scan3A_53 = arith.constant 1 : i32
    scf.for %scan3A_158 = %scan3A_50 to %scan3A_52 step %scan3A_53  : i32 {
      %mul3A_159 = arith.constant 2 : i32
      %mul3A_160 = arith.muli %mul3A_159, %scan3A_158 : i32
      %mul3A_161 = arith.constant 5 : i32
      %mul3A_162 = arith.muli %mul3A_160, %mul3A_161 : i32
      %add3A_163 = arith.constant 5 : i32
      %add3A_164 = arith.addi %mul3A_162, %add3A_163 : i32
      %add3A_165 = arith.constant 0 : i32
      %add3A_166 = arith.addi %add3A_164, %add3A_165 : i32
      %mul3A_167 = arith.constant 80 : i32
      %mul3A_168 = arith.muli %add3A_166, %mul3A_167 : i32
      %dma_start3A_169 = tpu.memref_slice %arg7[%mul3A_168] : memref<10000xi32, #tpu.memory_space<vmem>> -> memref<80xi32, #tpu.memory_space<vmem>>
      %dma_start3A_170 = arith.constant 0 : i32
      %dma_start3A_171 = arith.constant 0 : i32
      %dma_start3A_172 = tpu.memref_slice %arg2[%dma_start3A_170, %dma_start3A_171] : memref<10240x64xf32, #tpu.memory_space<hbm>> -> memref<10240x64xf32, #tpu.memory_space<hbm>>
      tpu.enqueue_indirect_dma source(%dma_start3A_172 : memref<10240x64xf32, #tpu.memory_space<hbm>>) target(%arg14 : memref<80x64xf32, #tpu.memory_space<vmem>>) offsets(%dma_start3A_169 : memref<80xi32, #tpu.memory_space<vmem>>) semaphore(%arg25 : memref<!tpu.dma_semaphore, #tpu.memory_space<semaphore_mem>>)
      %add3A_173 = arith.constant 1 : i32
      %add3A_174 = arith.addi %add3A_164, %add3A_173 : i32
      %mul3A_175 = arith.constant 80 : i32
      %mul3A_176 = arith.muli %add3A_174, %mul3A_175 : i32
      %dma_start3A_177 = tpu.memref_slice %arg7[%mul3A_176] : memref<10000xi32, #tpu.memory_space<vmem>> -> memref<80xi32, #tpu.memory_space<vmem>>
      %dma_start3A_178 = arith.constant 0 : i32
      %dma_start3A_179 = arith.constant 0 : i32
      %dma_start3A_180 = tpu.memref_slice %arg2[%dma_start3A_178, %dma_start3A_179] : memref<10240x64xf32, #tpu.memory_space<hbm>> -> memref<10240x64xf32, #tpu.memory_space<hbm>>
      tpu.enqueue_indirect_dma source(%dma_start3A_180 : memref<10240x64xf32, #tpu.memory_space<hbm>>) target(%arg15 : memref<80x64xf32, #tpu.memory_space<vmem>>) offsets(%dma_start3A_177 : memref<80xi32, #tpu.memory_space<vmem>>) semaphore(%arg26 : memref<!tpu.dma_semaphore, #tpu.memory_space<semaphore_mem>>)
      %add3A_181 = arith.constant 2 : i32
      %add3A_182 = arith.addi %add3A_164, %add3A_181 : i32
      %mul3A_183 = arith.constant 80 : i32
      %mul3A_184 = arith.muli %add3A_182, %mul3A_183 : i32
      %dma_start3A_185 = tpu.memref_slice %arg7[%mul3A_184] : memref<10000xi32, #tpu.memory_space<vmem>> -> memref<80xi32, #tpu.memory_space<vmem>>
      %dma_start3A_186 = arith.constant 0 : i32
      %dma_start3A_187 = arith.constant 0 : i32
      %dma_start3A_188 = tpu.memref_slice %arg2[%dma_start3A_186, %dma_start3A_187] : memref<10240x64xf32, #tpu.memory_space<hbm>> -> memref<10240x64xf32, #tpu.memory_space<hbm>>
      tpu.enqueue_indirect_dma source(%dma_start3A_188 : memref<10240x64xf32, #tpu.memory_space<hbm>>) target(%arg16 : memref<80x64xf32, #tpu.memory_space<vmem>>) offsets(%dma_start3A_185 : memref<80xi32, #tpu.memory_space<vmem>>) semaphore(%arg27 : memref<!tpu.dma_semaphore, #tpu.memory_space<semaphore_mem>>)
      %add3A_189 = arith.constant 3 : i32
      %add3A_190 = arith.addi %add3A_164, %add3A_189 : i32
      %mul3A_191 = arith.constant 80 : i32
      %mul3A_192 = arith.muli %add3A_190, %mul3A_191 : i32
      %dma_start3A_193 = tpu.memref_slice %arg7[%mul3A_192] : memref<10000xi32, #tpu.memory_space<vmem>> -> memref<80xi32, #tpu.memory_space<vmem>>
      %dma_start3A_194 = arith.constant 0 : i32
      %dma_start3A_195 = arith.constant 0 : i32
      %dma_start3A_196 = tpu.memref_slice %arg2[%dma_start3A_194, %dma_start3A_195] : memref<10240x64xf32, #tpu.memory_space<hbm>> -> memref<10240x64xf32, #tpu.memory_space<hbm>>
      tpu.enqueue_indirect_dma source(%dma_start3A_196 : memref<10240x64xf32, #tpu.memory_space<hbm>>) target(%arg17 : memref<80x64xf32, #tpu.memory_space<vmem>>) offsets(%dma_start3A_193 : memref<80xi32, #tpu.memory_space<vmem>>) semaphore(%arg28 : memref<!tpu.dma_semaphore, #tpu.memory_space<semaphore_mem>>)
      %add3A_197 = arith.constant 4 : i32
      %add3A_198 = arith.addi %add3A_164, %add3A_197 : i32
      %mul3A_199 = arith.constant 80 : i32
      %mul3A_200 = arith.muli %add3A_198, %mul3A_199 : i32
      %dma_start3A_201 = tpu.memref_slice %arg7[%mul3A_200] : memref<10000xi32, #tpu.memory_space<vmem>> -> memref<80xi32, #tpu.memory_space<vmem>>
      %dma_start3A_202 = arith.constant 0 : i32
      %dma_start3A_203 = arith.constant 0 : i32
      %dma_start3A_204 = tpu.memref_slice %arg2[%dma_start3A_202, %dma_start3A_203] : memref<10240x64xf32, #tpu.memory_space<hbm>> -> memref<10240x64xf32, #tpu.memory_space<hbm>>
      tpu.enqueue_indirect_dma source(%dma_start3A_204 : memref<10240x64xf32, #tpu.memory_space<hbm>>) target(%arg18 : memref<80x64xf32, #tpu.memory_space<vmem>>) offsets(%dma_start3A_201 : memref<80xi32, #tpu.memory_space<vmem>>) semaphore(%arg29 : memref<!tpu.dma_semaphore, #tpu.memory_space<semaphore_mem>>)
      %add3A_205 = arith.constant 0 : i32
      %add3A_206 = arith.addi %mul3A_162, %add3A_205 : i32
      %mul3A_207 = arith.constant 80 : i32
      %mul3A_208 = arith.muli %add3A_206, %mul3A_207 : i32
      %dma_wait3A_209 = tpu.memref_slice %arg7[%mul3A_208] : memref<10000xi32, #tpu.memory_space<vmem>> -> memref<80xi32, #tpu.memory_space<vmem>>
      %dma_wait3A_210 = arith.constant 0 : i32
      %dma_wait3A_211 = arith.constant 0 : i32
      %dma_wait3A_212 = tpu.memref_slice %arg2[%dma_wait3A_210, %dma_wait3A_211] : memref<10240x64xf32, #tpu.memory_space<hbm>> -> memref<10240x64xf32, #tpu.memory_space<hbm>>
      tpu.wait_indirect_dma semaphore(%arg20 : memref<!tpu.dma_semaphore, #tpu.memory_space<semaphore_mem>>) src(%dma_wait3A_212 : memref<10240x64xf32, #tpu.memory_space<hbm>>) dst(%arg9 : memref<80x64xf32, #tpu.memory_space<vmem>>)
      %add3A_213 = arith.constant 0 : i32
      %add3A_214 = arith.addi %mul3A_162, %add3A_213 : i32
      %dma_start3A_215 = arith.constant 0 : i32
      %dma_start3A_216 = tpu.memref_slice %arg8[%add3A_214, %dma_start3A_215] : memref<125x80xi32, #tpu.memory_space<vmem>> -> memref<1x80xi32, #tpu.memory_space<vmem>>
      %dma_start3A_217 = tpu.memref_squeeze %dma_start3A_216 : memref<1x80xi32, #tpu.memory_space<vmem>> -> memref<80xi32, #tpu.memory_space<vmem>>
      %dma_start3A_218 = arith.constant 0 : i32
      %dma_start3A_219 = arith.constant 0 : i32
      %dma_start3A_220 = tpu.memref_slice %arg19[%dma_start3A_218, %dma_start3A_219] : memref<10240x64xf32, #tpu.memory_space<vmem_shared>> -> memref<10240x64xf32, #tpu.memory_space<vmem_shared>>
      tpu.enqueue_indirect_dma source(%arg9 : memref<80x64xf32, #tpu.memory_space<vmem>>) target(%dma_start3A_220 : memref<10240x64xf32, #tpu.memory_space<vmem_shared>>) offsets(%dma_start3A_217 : memref<80xi32, #tpu.memory_space<vmem>>) semaphore(%arg30 : memref<!tpu.dma_semaphore, #tpu.memory_space<semaphore_mem>>) {add = true}
      %add3A_221 = arith.constant 1 : i32
      %add3A_222 = arith.addi %mul3A_162, %add3A_221 : i32
      %mul3A_223 = arith.constant 80 : i32
      %mul3A_224 = arith.muli %add3A_222, %mul3A_223 : i32
      %dma_wait3A_225 = tpu.memref_slice %arg7[%mul3A_224] : memref<10000xi32, #tpu.memory_space<vmem>> -> memref<80xi32, #tpu.memory_space<vmem>>
      %dma_wait3A_226 = arith.constant 0 : i32
      %dma_wait3A_227 = arith.constant 0 : i32
      %dma_wait3A_228 = tpu.memref_slice %arg2[%dma_wait3A_226, %dma_wait3A_227] : memref<10240x64xf32, #tpu.memory_space<hbm>> -> memref<10240x64xf32, #tpu.memory_space<hbm>>
      tpu.wait_indirect_dma semaphore(%arg21 : memref<!tpu.dma_semaphore, #tpu.memory_space<semaphore_mem>>) src(%dma_wait3A_228 : memref<10240x64xf32, #tpu.memory_space<hbm>>) dst(%arg10 : memref<80x64xf32, #tpu.memory_space<vmem>>)
      %add3A_229 = arith.constant 1 : i32
      %add3A_230 = arith.addi %mul3A_162, %add3A_229 : i32
      %dma_start3A_231 = arith.constant 0 : i32
      %dma_start3A_232 = tpu.memref_slice %arg8[%add3A_230, %dma_start3A_231] : memref<125x80xi32, #tpu.memory_space<vmem>> -> memref<1x80xi32, #tpu.memory_space<vmem>>
      %dma_start3A_233 = tpu.memref_squeeze %dma_start3A_232 : memref<1x80xi32, #tpu.memory_space<vmem>> -> memref<80xi32, #tpu.memory_space<vmem>>
      %dma_start3A_234 = arith.constant 0 : i32
      %dma_start3A_235 = arith.constant 0 : i32
      %dma_start3A_236 = tpu.memref_slice %arg19[%dma_start3A_234, %dma_start3A_235] : memref<10240x64xf32, #tpu.memory_space<vmem_shared>> -> memref<10240x64xf32, #tpu.memory_space<vmem_shared>>
      tpu.enqueue_indirect_dma source(%arg10 : memref<80x64xf32, #tpu.memory_space<vmem>>) target(%dma_start3A_236 : memref<10240x64xf32, #tpu.memory_space<vmem_shared>>) offsets(%dma_start3A_233 : memref<80xi32, #tpu.memory_space<vmem>>) semaphore(%arg31 : memref<!tpu.dma_semaphore, #tpu.memory_space<semaphore_mem>>) {add = true}
      %add3A_237 = arith.constant 2 : i32
      %add3A_238 = arith.addi %mul3A_162, %add3A_237 : i32
      %mul3A_239 = arith.constant 80 : i32
      %mul3A_240 = arith.muli %add3A_238, %mul3A_239 : i32
      %dma_wait3A_241 = tpu.memref_slice %arg7[%mul3A_240] : memref<10000xi32, #tpu.memory_space<vmem>> -> memref<80xi32, #tpu.memory_space<vmem>>
      %dma_wait3A_242 = arith.constant 0 : i32
      %dma_wait3A_243 = arith.constant 0 : i32
      %dma_wait3A_244 = tpu.memref_slice %arg2[%dma_wait3A_242, %dma_wait3A_243] : memref<10240x64xf32, #tpu.memory_space<hbm>> -> memref<10240x64xf32, #tpu.memory_space<hbm>>
      tpu.wait_indirect_dma semaphore(%arg22 : memref<!tpu.dma_semaphore, #tpu.memory_space<semaphore_mem>>) src(%dma_wait3A_244 : memref<10240x64xf32, #tpu.memory_space<hbm>>) dst(%arg11 : memref<80x64xf32, #tpu.memory_space<vmem>>)
      %add3A_245 = arith.constant 2 : i32
      %add3A_246 = arith.addi %mul3A_162, %add3A_245 : i32
      %dma_start3A_247 = arith.constant 0 : i32
      %dma_start3A_248 = tpu.memref_slice %arg8[%add3A_246, %dma_start3A_247] : memref<125x80xi32, #tpu.memory_space<vmem>> -> memref<1x80xi32, #tpu.memory_space<vmem>>
      %dma_start3A_249 = tpu.memref_squeeze %dma_start3A_248 : memref<1x80xi32, #tpu.memory_space<vmem>> -> memref<80xi32, #tpu.memory_space<vmem>>
      %dma_start3A_250 = arith.constant 0 : i32
      %dma_start3A_251 = arith.constant 0 : i32
      %dma_start3A_252 = tpu.memref_slice %arg19[%dma_start3A_250, %dma_start3A_251] : memref<10240x64xf32, #tpu.memory_space<vmem_shared>> -> memref<10240x64xf32, #tpu.memory_space<vmem_shared>>
      tpu.enqueue_indirect_dma source(%arg11 : memref<80x64xf32, #tpu.memory_space<vmem>>) target(%dma_start3A_252 : memref<10240x64xf32, #tpu.memory_space<vmem_shared>>) offsets(%dma_start3A_249 : memref<80xi32, #tpu.memory_space<vmem>>) semaphore(%arg32 : memref<!tpu.dma_semaphore, #tpu.memory_space<semaphore_mem>>) {add = true}
      %add3A_253 = arith.constant 3 : i32
      %add3A_254 = arith.addi %mul3A_162, %add3A_253 : i32
      %mul3A_255 = arith.constant 80 : i32
      %mul3A_256 = arith.muli %add3A_254, %mul3A_255 : i32
      %dma_wait3A_257 = tpu.memref_slice %arg7[%mul3A_256] : memref<10000xi32, #tpu.memory_space<vmem>> -> memref<80xi32, #tpu.memory_space<vmem>>
      %dma_wait3A_258 = arith.constant 0 : i32
      %dma_wait3A_259 = arith.constant 0 : i32
      %dma_wait3A_260 = tpu.memref_slice %arg2[%dma_wait3A_258, %dma_wait3A_259] : memref<10240x64xf32, #tpu.memory_space<hbm>> -> memref<10240x64xf32, #tpu.memory_space<hbm>>
      tpu.wait_indirect_dma semaphore(%arg23 : memref<!tpu.dma_semaphore, #tpu.memory_space<semaphore_mem>>) src(%dma_wait3A_260 : memref<10240x64xf32, #tpu.memory_space<hbm>>) dst(%arg12 : memref<80x64xf32, #tpu.memory_space<vmem>>)
      %add3A_261 = arith.constant 3 : i32
      %add3A_262 = arith.addi %mul3A_162, %add3A_261 : i32
      %dma_start3A_263 = arith.constant 0 : i32
      %dma_start3A_264 = tpu.memref_slice %arg8[%add3A_262, %dma_start3A_263] : memref<125x80xi32, #tpu.memory_space<vmem>> -> memref<1x80xi32, #tpu.memory_space<vmem>>
      %dma_start3A_265 = tpu.memref_squeeze %dma_start3A_264 : memref<1x80xi32, #tpu.memory_space<vmem>> -> memref<80xi32, #tpu.memory_space<vmem>>
      %dma_start3A_266 = arith.constant 0 : i32
      %dma_start3A_267 = arith.constant 0 : i32
      %dma_start3A_268 = tpu.memref_slice %arg19[%dma_start3A_266, %dma_start3A_267] : memref<10240x64xf32, #tpu.memory_space<vmem_shared>> -> memref<10240x64xf32, #tpu.memory_space<vmem_shared>>
      tpu.enqueue_indirect_dma source(%arg12 : memref<80x64xf32, #tpu.memory_space<vmem>>) target(%dma_start3A_268 : memref<10240x64xf32, #tpu.memory_space<vmem_shared>>) offsets(%dma_start3A_265 : memref<80xi32, #tpu.memory_space<vmem>>) semaphore(%arg33 : memref<!tpu.dma_semaphore, #tpu.memory_space<semaphore_mem>>) {add = true}
      %add3A_269 = arith.constant 4 : i32
      %add3A_270 = arith.addi %mul3A_162, %add3A_269 : i32
      %mul3A_271 = arith.constant 80 : i32
      %mul3A_272 = arith.muli %add3A_270, %mul3A_271 : i32
      %dma_wait3A_273 = tpu.memref_slice %arg7[%mul3A_272] : memref<10000xi32, #tpu.memory_space<vmem>> -> memref<80xi32, #tpu.memory_space<vmem>>
      %dma_wait3A_274 = arith.constant 0 : i32
      %dma_wait3A_275 = arith.constant 0 : i32
      %dma_wait3A_276 = tpu.memref_slice %arg2[%dma_wait3A_274, %dma_wait3A_275] : memref<10240x64xf32, #tpu.memory_space<hbm>> -> memref<10240x64xf32, #tpu.memory_space<hbm>>
      tpu.wait_indirect_dma semaphore(%arg24 : memref<!tpu.dma_semaphore, #tpu.memory_space<semaphore_mem>>) src(%dma_wait3A_276 : memref<10240x64xf32, #tpu.memory_space<hbm>>) dst(%arg13 : memref<80x64xf32, #tpu.memory_space<vmem>>)
      %add3A_277 = arith.constant 4 : i32
      %add3A_278 = arith.addi %mul3A_162, %add3A_277 : i32
      %dma_start3A_279 = arith.constant 0 : i32
      %dma_start3A_280 = tpu.memref_slice %arg8[%add3A_278, %dma_start3A_279] : memref<125x80xi32, #tpu.memory_space<vmem>> -> memref<1x80xi32, #tpu.memory_space<vmem>>
      %dma_start3A_281 = tpu.memref_squeeze %dma_start3A_280 : memref<1x80xi32, #tpu.memory_space<vmem>> -> memref<80xi32, #tpu.memory_space<vmem>>
      %dma_start3A_282 = arith.constant 0 : i32
      %dma_start3A_283 = arith.constant 0 : i32
      %dma_start3A_284 = tpu.memref_slice %arg19[%dma_start3A_282, %dma_start3A_283] : memref<10240x64xf32, #tpu.memory_space<vmem_shared>> -> memref<10240x64xf32, #tpu.memory_space<vmem_shared>>
      tpu.enqueue_indirect_dma source(%arg13 : memref<80x64xf32, #tpu.memory_space<vmem>>) target(%dma_start3A_284 : memref<10240x64xf32, #tpu.memory_space<vmem_shared>>) offsets(%dma_start3A_281 : memref<80xi32, #tpu.memory_space<vmem>>) semaphore(%arg34 : memref<!tpu.dma_semaphore, #tpu.memory_space<semaphore_mem>>) {add = true}
      %add3A_285 = arith.constant 0 : i32
      %add3A_286 = arith.addi %mul3A_162, %add3A_285 : i32
      %dma_wait3A_287 = arith.constant 0 : i32
      %dma_wait3A_288 = tpu.memref_slice %arg8[%add3A_286, %dma_wait3A_287] : memref<125x80xi32, #tpu.memory_space<vmem>> -> memref<1x80xi32, #tpu.memory_space<vmem>>
      %dma_wait3A_289 = tpu.memref_squeeze %dma_wait3A_288 : memref<1x80xi32, #tpu.memory_space<vmem>> -> memref<80xi32, #tpu.memory_space<vmem>>
      %dma_wait3A_290 = arith.constant 0 : i32
      %dma_wait3A_291 = arith.constant 0 : i32
      %dma_wait3A_292 = tpu.memref_slice %arg19[%dma_wait3A_290, %dma_wait3A_291] : memref<10240x64xf32, #tpu.memory_space<vmem_shared>> -> memref<10240x64xf32, #tpu.memory_space<vmem_shared>>
      tpu.wait_indirect_dma semaphore(%arg30 : memref<!tpu.dma_semaphore, #tpu.memory_space<semaphore_mem>>) src(%arg9 : memref<80x64xf32, #tpu.memory_space<vmem>>) dst(%dma_wait3A_292 : memref<10240x64xf32, #tpu.memory_space<vmem_shared>>)
      %add3A_293 = arith.constant 1 : i32
      %add3A_294 = arith.addi %mul3A_162, %add3A_293 : i32
      %dma_wait3A_295 = arith.constant 0 : i32
      %dma_wait3A_296 = tpu.memref_slice %arg8[%add3A_294, %dma_wait3A_295] : memref<125x80xi32, #tpu.memory_space<vmem>> -> memref<1x80xi32, #tpu.memory_space<vmem>>
      %dma_wait3A_297 = tpu.memref_squeeze %dma_wait3A_296 : memref<1x80xi32, #tpu.memory_space<vmem>> -> memref<80xi32, #tpu.memory_space<vmem>>
      %dma_wait3A_298 = arith.constant 0 : i32
      %dma_wait3A_299 = arith.constant 0 : i32
      %dma_wait3A_300 = tpu.memref_slice %arg19[%dma_wait3A_298, %dma_wait3A_299] : memref<10240x64xf32, #tpu.memory_space<vmem_shared>> -> memref<10240x64xf32, #tpu.memory_space<vmem_shared>>
      tpu.wait_indirect_dma semaphore(%arg31 : memref<!tpu.dma_semaphore, #tpu.memory_space<semaphore_mem>>) src(%arg10 : memref<80x64xf32, #tpu.memory_space<vmem>>) dst(%dma_wait3A_300 : memref<10240x64xf32, #tpu.memory_space<vmem_shared>>)
      %add3A_301 = arith.constant 2 : i32
      %add3A_302 = arith.addi %mul3A_162, %add3A_301 : i32
      %dma_wait3A_303 = arith.constant 0 : i32
      %dma_wait3A_304 = tpu.memref_slice %arg8[%add3A_302, %dma_wait3A_303] : memref<125x80xi32, #tpu.memory_space<vmem>> -> memref<1x80xi32, #tpu.memory_space<vmem>>
      %dma_wait3A_305 = tpu.memref_squeeze %dma_wait3A_304 : memref<1x80xi32, #tpu.memory_space<vmem>> -> memref<80xi32, #tpu.memory_space<vmem>>
      %dma_wait3A_306 = arith.constant 0 : i32
      %dma_wait3A_307 = arith.constant 0 : i32
      %dma_wait3A_308 = tpu.memref_slice %arg19[%dma_wait3A_306, %dma_wait3A_307] : memref<10240x64xf32, #tpu.memory_space<vmem_shared>> -> memref<10240x64xf32, #tpu.memory_space<vmem_shared>>
      tpu.wait_indirect_dma semaphore(%arg32 : memref<!tpu.dma_semaphore, #tpu.memory_space<semaphore_mem>>) src(%arg11 : memref<80x64xf32, #tpu.memory_space<vmem>>) dst(%dma_wait3A_308 : memref<10240x64xf32, #tpu.memory_space<vmem_shared>>)
      %add3A_309 = arith.constant 3 : i32
      %add3A_310 = arith.addi %mul3A_162, %add3A_309 : i32
      %dma_wait3A_311 = arith.constant 0 : i32
      %dma_wait3A_312 = tpu.memref_slice %arg8[%add3A_310, %dma_wait3A_311] : memref<125x80xi32, #tpu.memory_space<vmem>> -> memref<1x80xi32, #tpu.memory_space<vmem>>
      %dma_wait3A_313 = tpu.memref_squeeze %dma_wait3A_312 : memref<1x80xi32, #tpu.memory_space<vmem>> -> memref<80xi32, #tpu.memory_space<vmem>>
      %dma_wait3A_314 = arith.constant 0 : i32
      %dma_wait3A_315 = arith.constant 0 : i32
      %dma_wait3A_316 = tpu.memref_slice %arg19[%dma_wait3A_314, %dma_wait3A_315] : memref<10240x64xf32, #tpu.memory_space<vmem_shared>> -> memref<10240x64xf32, #tpu.memory_space<vmem_shared>>
      tpu.wait_indirect_dma semaphore(%arg33 : memref<!tpu.dma_semaphore, #tpu.memory_space<semaphore_mem>>) src(%arg12 : memref<80x64xf32, #tpu.memory_space<vmem>>) dst(%dma_wait3A_316 : memref<10240x64xf32, #tpu.memory_space<vmem_shared>>)
      %add3A_317 = arith.constant 4 : i32
      %add3A_318 = arith.addi %mul3A_162, %add3A_317 : i32
      %dma_wait3A_319 = arith.constant 0 : i32
      %dma_wait3A_320 = tpu.memref_slice %arg8[%add3A_318, %dma_wait3A_319] : memref<125x80xi32, #tpu.memory_space<vmem>> -> memref<1x80xi32, #tpu.memory_space<vmem>>
      %dma_wait3A_321 = tpu.memref_squeeze %dma_wait3A_320 : memref<1x80xi32, #tpu.memory_space<vmem>> -> memref<80xi32, #tpu.memory_space<vmem>>
      %dma_wait3A_322 = arith.constant 0 : i32
      %dma_wait3A_323 = arith.constant 0 : i32
      %dma_wait3A_324 = tpu.memref_slice %arg19[%dma_wait3A_322, %dma_wait3A_323] : memref<10240x64xf32, #tpu.memory_space<vmem_shared>> -> memref<10240x64xf32, #tpu.memory_space<vmem_shared>>
      tpu.wait_indirect_dma semaphore(%arg34 : memref<!tpu.dma_semaphore, #tpu.memory_space<semaphore_mem>>) src(%arg13 : memref<80x64xf32, #tpu.memory_space<vmem>>) dst(%dma_wait3A_324 : memref<10240x64xf32, #tpu.memory_space<vmem_shared>>)
      %add3A_325 = arith.constant 5 : i32
      %add3A_326 = arith.addi %add3A_164, %add3A_325 : i32
      %add3A_327 = arith.constant 0 : i32
      %add3A_328 = arith.addi %add3A_326, %add3A_327 : i32
      %mul3A_329 = arith.constant 80 : i32
      %mul3A_330 = arith.muli %add3A_328, %mul3A_329 : i32
      %dma_start3A_331 = tpu.memref_slice %arg7[%mul3A_330] : memref<10000xi32, #tpu.memory_space<vmem>> -> memref<80xi32, #tpu.memory_space<vmem>>
      %dma_start3A_332 = arith.constant 0 : i32
      %dma_start3A_333 = arith.constant 0 : i32
      %dma_start3A_334 = tpu.memref_slice %arg2[%dma_start3A_332, %dma_start3A_333] : memref<10240x64xf32, #tpu.memory_space<hbm>> -> memref<10240x64xf32, #tpu.memory_space<hbm>>
      tpu.enqueue_indirect_dma source(%dma_start3A_334 : memref<10240x64xf32, #tpu.memory_space<hbm>>) target(%arg9 : memref<80x64xf32, #tpu.memory_space<vmem>>) offsets(%dma_start3A_331 : memref<80xi32, #tpu.memory_space<vmem>>) semaphore(%arg20 : memref<!tpu.dma_semaphore, #tpu.memory_space<semaphore_mem>>)
      %add3A_335 = arith.constant 1 : i32
      %add3A_336 = arith.addi %add3A_326, %add3A_335 : i32
      %mul3A_337 = arith.constant 80 : i32
      %mul3A_338 = arith.muli %add3A_336, %mul3A_337 : i32
      %dma_start3A_339 = tpu.memref_slice %arg7[%mul3A_338] : memref<10000xi32, #tpu.memory_space<vmem>> -> memref<80xi32, #tpu.memory_space<vmem>>
      %dma_start3A_340 = arith.constant 0 : i32
      %dma_start3A_341 = arith.constant 0 : i32
      %dma_start3A_342 = tpu.memref_slice %arg2[%dma_start3A_340, %dma_start3A_341] : memref<10240x64xf32, #tpu.memory_space<hbm>> -> memref<10240x64xf32, #tpu.memory_space<hbm>>
      tpu.enqueue_indirect_dma source(%dma_start3A_342 : memref<10240x64xf32, #tpu.memory_space<hbm>>) target(%arg10 : memref<80x64xf32, #tpu.memory_space<vmem>>) offsets(%dma_start3A_339 : memref<80xi32, #tpu.memory_space<vmem>>) semaphore(%arg21 : memref<!tpu.dma_semaphore, #tpu.memory_space<semaphore_mem>>)
      %add3A_343 = arith.constant 2 : i32
      %add3A_344 = arith.addi %add3A_326, %add3A_343 : i32
      %mul3A_345 = arith.constant 80 : i32
      %mul3A_346 = arith.muli %add3A_344, %mul3A_345 : i32
      %dma_start3A_347 = tpu.memref_slice %arg7[%mul3A_346] : memref<10000xi32, #tpu.memory_space<vmem>> -> memref<80xi32, #tpu.memory_space<vmem>>
      %dma_start3A_348 = arith.constant 0 : i32
      %dma_start3A_349 = arith.constant 0 : i32
      %dma_start3A_350 = tpu.memref_slice %arg2[%dma_start3A_348, %dma_start3A_349] : memref<10240x64xf32, #tpu.memory_space<hbm>> -> memref<10240x64xf32, #tpu.memory_space<hbm>>
      tpu.enqueue_indirect_dma source(%dma_start3A_350 : memref<10240x64xf32, #tpu.memory_space<hbm>>) target(%arg11 : memref<80x64xf32, #tpu.memory_space<vmem>>) offsets(%dma_start3A_347 : memref<80xi32, #tpu.memory_space<vmem>>) semaphore(%arg22 : memref<!tpu.dma_semaphore, #tpu.memory_space<semaphore_mem>>)
      %add3A_351 = arith.constant 3 : i32
      %add3A_352 = arith.addi %add3A_326, %add3A_351 : i32
      %mul3A_353 = arith.constant 80 : i32
      %mul3A_354 = arith.muli %add3A_352, %mul3A_353 : i32
      %dma_start3A_355 = tpu.memref_slice %arg7[%mul3A_354] : memref<10000xi32, #tpu.memory_space<vmem>> -> memref<80xi32, #tpu.memory_space<vmem>>
      %dma_start3A_356 = arith.constant 0 : i32
      %dma_start3A_357 = arith.constant 0 : i32
      %dma_start3A_358 = tpu.memref_slice %arg2[%dma_start3A_356, %dma_start3A_357] : memref<10240x64xf32, #tpu.memory_space<hbm>> -> memref<10240x64xf32, #tpu.memory_space<hbm>>
      tpu.enqueue_indirect_dma source(%dma_start3A_358 : memref<10240x64xf32, #tpu.memory_space<hbm>>) target(%arg12 : memref<80x64xf32, #tpu.memory_space<vmem>>) offsets(%dma_start3A_355 : memref<80xi32, #tpu.memory_space<vmem>>) semaphore(%arg23 : memref<!tpu.dma_semaphore, #tpu.memory_space<semaphore_mem>>)
      %add3A_359 = arith.constant 4 : i32
      %add3A_360 = arith.addi %add3A_326, %add3A_359 : i32
      %mul3A_361 = arith.constant 80 : i32
      %mul3A_362 = arith.muli %add3A_360, %mul3A_361 : i32
      %dma_start3A_363 = tpu.memref_slice %arg7[%mul3A_362] : memref<10000xi32, #tpu.memory_space<vmem>> -> memref<80xi32, #tpu.memory_space<vmem>>
      %dma_start3A_364 = arith.constant 0 : i32
      %dma_start3A_365 = arith.constant 0 : i32
      %dma_start3A_366 = tpu.memref_slice %arg2[%dma_start3A_364, %dma_start3A_365] : memref<10240x64xf32, #tpu.memory_space<hbm>> -> memref<10240x64xf32, #tpu.memory_space<hbm>>
      tpu.enqueue_indirect_dma source(%dma_start3A_366 : memref<10240x64xf32, #tpu.memory_space<hbm>>) target(%arg13 : memref<80x64xf32, #tpu.memory_space<vmem>>) offsets(%dma_start3A_363 : memref<80xi32, #tpu.memory_space<vmem>>) semaphore(%arg24 : memref<!tpu.dma_semaphore, #tpu.memory_space<semaphore_mem>>)
      %add3A_367 = arith.constant 0 : i32
      %add3A_368 = arith.addi %add3A_164, %add3A_367 : i32
      %mul3A_369 = arith.constant 80 : i32
      %mul3A_370 = arith.muli %add3A_368, %mul3A_369 : i32
      %dma_wait3A_371 = tpu.memref_slice %arg7[%mul3A_370] : memref<10000xi32, #tpu.memory_space<vmem>> -> memref<80xi32, #tpu.memory_space<vmem>>
      %dma_wait3A_372 = arith.constant 0 : i32
      %dma_wait3A_373 = arith.constant 0 : i32
      %dma_wait3A_374 = tpu.memref_slice %arg2[%dma_wait3A_372, %dma_wait3A_373] : memref<10240x64xf32, #tpu.memory_space<hbm>> -> memref<10240x64xf32, #tpu.memory_space<hbm>>
      tpu.wait_indirect_dma semaphore(%arg25 : memref<!tpu.dma_semaphore, #tpu.memory_space<semaphore_mem>>) src(%dma_wait3A_374 : memref<10240x64xf32, #tpu.memory_space<hbm>>) dst(%arg14 : memref<80x64xf32, #tpu.memory_space<vmem>>)
      %add3A_375 = arith.constant 0 : i32
      %add3A_376 = arith.addi %add3A_164, %add3A_375 : i32
      %dma_start3A_377 = arith.constant 0 : i32
      %dma_start3A_378 = tpu.memref_slice %arg8[%add3A_376, %dma_start3A_377] : memref<125x80xi32, #tpu.memory_space<vmem>> -> memref<1x80xi32, #tpu.memory_space<vmem>>
      %dma_start3A_379 = tpu.memref_squeeze %dma_start3A_378 : memref<1x80xi32, #tpu.memory_space<vmem>> -> memref<80xi32, #tpu.memory_space<vmem>>
      %dma_start3A_380 = arith.constant 0 : i32
      %dma_start3A_381 = arith.constant 0 : i32
      %dma_start3A_382 = tpu.memref_slice %arg19[%dma_start3A_380, %dma_start3A_381] : memref<10240x64xf32, #tpu.memory_space<vmem_shared>> -> memref<10240x64xf32, #tpu.memory_space<vmem_shared>>
      tpu.enqueue_indirect_dma source(%arg14 : memref<80x64xf32, #tpu.memory_space<vmem>>) target(%dma_start3A_382 : memref<10240x64xf32, #tpu.memory_space<vmem_shared>>) offsets(%dma_start3A_379 : memref<80xi32, #tpu.memory_space<vmem>>) semaphore(%arg35 : memref<!tpu.dma_semaphore, #tpu.memory_space<semaphore_mem>>) {add = true}
      %add3A_383 = arith.constant 1 : i32
      %add3A_384 = arith.addi %add3A_164, %add3A_383 : i32
      %mul3A_385 = arith.constant 80 : i32
      %mul3A_386 = arith.muli %add3A_384, %mul3A_385 : i32
      %dma_wait3A_387 = tpu.memref_slice %arg7[%mul3A_386] : memref<10000xi32, #tpu.memory_space<vmem>> -> memref<80xi32, #tpu.memory_space<vmem>>
      %dma_wait3A_388 = arith.constant 0 : i32
      %dma_wait3A_389 = arith.constant 0 : i32
      %dma_wait3A_390 = tpu.memref_slice %arg2[%dma_wait3A_388, %dma_wait3A_389] : memref<10240x64xf32, #tpu.memory_space<hbm>> -> memref<10240x64xf32, #tpu.memory_space<hbm>>
      tpu.wait_indirect_dma semaphore(%arg26 : memref<!tpu.dma_semaphore, #tpu.memory_space<semaphore_mem>>) src(%dma_wait3A_390 : memref<10240x64xf32, #tpu.memory_space<hbm>>) dst(%arg15 : memref<80x64xf32, #tpu.memory_space<vmem>>)
      %add3A_391 = arith.constant 1 : i32
      %add3A_392 = arith.addi %add3A_164, %add3A_391 : i32
      %dma_start3A_393 = arith.constant 0 : i32
      %dma_start3A_394 = tpu.memref_slice %arg8[%add3A_392, %dma_start3A_393] : memref<125x80xi32, #tpu.memory_space<vmem>> -> memref<1x80xi32, #tpu.memory_space<vmem>>
      %dma_start3A_395 = tpu.memref_squeeze %dma_start3A_394 : memref<1x80xi32, #tpu.memory_space<vmem>> -> memref<80xi32, #tpu.memory_space<vmem>>
      %dma_start3A_396 = arith.constant 0 : i32
      %dma_start3A_397 = arith.constant 0 : i32
      %dma_start3A_398 = tpu.memref_slice %arg19[%dma_start3A_396, %dma_start3A_397] : memref<10240x64xf32, #tpu.memory_space<vmem_shared>> -> memref<10240x64xf32, #tpu.memory_space<vmem_shared>>
      tpu.enqueue_indirect_dma source(%arg15 : memref<80x64xf32, #tpu.memory_space<vmem>>) target(%dma_start3A_398 : memref<10240x64xf32, #tpu.memory_space<vmem_shared>>) offsets(%dma_start3A_395 : memref<80xi32, #tpu.memory_space<vmem>>) semaphore(%arg36 : memref<!tpu.dma_semaphore, #tpu.memory_space<semaphore_mem>>) {add = true}
      %add3A_399 = arith.constant 2 : i32
      %add3A_400 = arith.addi %add3A_164, %add3A_399 : i32
      %mul3A_401 = arith.constant 80 : i32
      %mul3A_402 = arith.muli %add3A_400, %mul3A_401 : i32
      %dma_wait3A_403 = tpu.memref_slice %arg7[%mul3A_402] : memref<10000xi32, #tpu.memory_space<vmem>> -> memref<80xi32, #tpu.memory_space<vmem>>
      %dma_wait3A_404 = arith.constant 0 : i32
      %dma_wait3A_405 = arith.constant 0 : i32
      %dma_wait3A_406 = tpu.memref_slice %arg2[%dma_wait3A_404, %dma_wait3A_405] : memref<10240x64xf32, #tpu.memory_space<hbm>> -> memref<10240x64xf32, #tpu.memory_space<hbm>>
      tpu.wait_indirect_dma semaphore(%arg27 : memref<!tpu.dma_semaphore, #tpu.memory_space<semaphore_mem>>) src(%dma_wait3A_406 : memref<10240x64xf32, #tpu.memory_space<hbm>>) dst(%arg16 : memref<80x64xf32, #tpu.memory_space<vmem>>)
      %add3A_407 = arith.constant 2 : i32
      %add3A_408 = arith.addi %add3A_164, %add3A_407 : i32
      %dma_start3A_409 = arith.constant 0 : i32
      %dma_start3A_410 = tpu.memref_slice %arg8[%add3A_408, %dma_start3A_409] : memref<125x80xi32, #tpu.memory_space<vmem>> -> memref<1x80xi32, #tpu.memory_space<vmem>>
      %dma_start3A_411 = tpu.memref_squeeze %dma_start3A_410 : memref<1x80xi32, #tpu.memory_space<vmem>> -> memref<80xi32, #tpu.memory_space<vmem>>
      %dma_start3A_412 = arith.constant 0 : i32
      %dma_start3A_413 = arith.constant 0 : i32
      %dma_start3A_414 = tpu.memref_slice %arg19[%dma_start3A_412, %dma_start3A_413] : memref<10240x64xf32, #tpu.memory_space<vmem_shared>> -> memref<10240x64xf32, #tpu.memory_space<vmem_shared>>
      tpu.enqueue_indirect_dma source(%arg16 : memref<80x64xf32, #tpu.memory_space<vmem>>) target(%dma_start3A_414 : memref<10240x64xf32, #tpu.memory_space<vmem_shared>>) offsets(%dma_start3A_411 : memref<80xi32, #tpu.memory_space<vmem>>) semaphore(%arg37 : memref<!tpu.dma_semaphore, #tpu.memory_space<semaphore_mem>>) {add = true}
      %add3A_415 = arith.constant 3 : i32
      %add3A_416 = arith.addi %add3A_164, %add3A_415 : i32
      %mul3A_417 = arith.constant 80 : i32
      %mul3A_418 = arith.muli %add3A_416, %mul3A_417 : i32
      %dma_wait3A_419 = tpu.memref_slice %arg7[%mul3A_418] : memref<10000xi32, #tpu.memory_space<vmem>> -> memref<80xi32, #tpu.memory_space<vmem>>
      %dma_wait3A_420 = arith.constant 0 : i32
      %dma_wait3A_421 = arith.constant 0 : i32
      %dma_wait3A_422 = tpu.memref_slice %arg2[%dma_wait3A_420, %dma_wait3A_421] : memref<10240x64xf32, #tpu.memory_space<hbm>> -> memref<10240x64xf32, #tpu.memory_space<hbm>>
      tpu.wait_indirect_dma semaphore(%arg28 : memref<!tpu.dma_semaphore, #tpu.memory_space<semaphore_mem>>) src(%dma_wait3A_422 : memref<10240x64xf32, #tpu.memory_space<hbm>>) dst(%arg17 : memref<80x64xf32, #tpu.memory_space<vmem>>)
      %add3A_423 = arith.constant 3 : i32
      %add3A_424 = arith.addi %add3A_164, %add3A_423 : i32
      %dma_start3A_425 = arith.constant 0 : i32
      %dma_start3A_426 = tpu.memref_slice %arg8[%add3A_424, %dma_start3A_425] : memref<125x80xi32, #tpu.memory_space<vmem>> -> memref<1x80xi32, #tpu.memory_space<vmem>>
      %dma_start3A_427 = tpu.memref_squeeze %dma_start3A_426 : memref<1x80xi32, #tpu.memory_space<vmem>> -> memref<80xi32, #tpu.memory_space<vmem>>
      %dma_start3A_428 = arith.constant 0 : i32
      %dma_start3A_429 = arith.constant 0 : i32
      %dma_start3A_430 = tpu.memref_slice %arg19[%dma_start3A_428, %dma_start3A_429] : memref<10240x64xf32, #tpu.memory_space<vmem_shared>> -> memref<10240x64xf32, #tpu.memory_space<vmem_shared>>
      tpu.enqueue_indirect_dma source(%arg17 : memref<80x64xf32, #tpu.memory_space<vmem>>) target(%dma_start3A_430 : memref<10240x64xf32, #tpu.memory_space<vmem_shared>>) offsets(%dma_start3A_427 : memref<80xi32, #tpu.memory_space<vmem>>) semaphore(%arg38 : memref<!tpu.dma_semaphore, #tpu.memory_space<semaphore_mem>>) {add = true}
      %add3A_431 = arith.constant 4 : i32
      %add3A_432 = arith.addi %add3A_164, %add3A_431 : i32
      %mul3A_433 = arith.constant 80 : i32
      %mul3A_434 = arith.muli %add3A_432, %mul3A_433 : i32
      %dma_wait3A_435 = tpu.memref_slice %arg7[%mul3A_434] : memref<10000xi32, #tpu.memory_space<vmem>> -> memref<80xi32, #tpu.memory_space<vmem>>
      %dma_wait3A_436 = arith.constant 0 : i32
      %dma_wait3A_437 = arith.constant 0 : i32
      %dma_wait3A_438 = tpu.memref_slice %arg2[%dma_wait3A_436, %dma_wait3A_437] : memref<10240x64xf32, #tpu.memory_space<hbm>> -> memref<10240x64xf32, #tpu.memory_space<hbm>>
      tpu.wait_indirect_dma semaphore(%arg29 : memref<!tpu.dma_semaphore, #tpu.memory_space<semaphore_mem>>) src(%dma_wait3A_438 : memref<10240x64xf32, #tpu.memory_space<hbm>>) dst(%arg18 : memref<80x64xf32, #tpu.memory_space<vmem>>)
      %add3A_439 = arith.constant 4 : i32
      %add3A_440 = arith.addi %add3A_164, %add3A_439 : i32
      %dma_start3A_441 = arith.constant 0 : i32
      %dma_start3A_442 = tpu.memref_slice %arg8[%add3A_440, %dma_start3A_441] : memref<125x80xi32, #tpu.memory_space<vmem>> -> memref<1x80xi32, #tpu.memory_space<vmem>>
      %dma_start3A_443 = tpu.memref_squeeze %dma_start3A_442 : memref<1x80xi32, #tpu.memory_space<vmem>> -> memref<80xi32, #tpu.memory_space<vmem>>
      %dma_start3A_444 = arith.constant 0 : i32
      %dma_start3A_445 = arith.constant 0 : i32
      %dma_start3A_446 = tpu.memref_slice %arg19[%dma_start3A_444, %dma_start3A_445] : memref<10240x64xf32, #tpu.memory_space<vmem_shared>> -> memref<10240x64xf32, #tpu.memory_space<vmem_shared>>
      tpu.enqueue_indirect_dma source(%arg18 : memref<80x64xf32, #tpu.memory_space<vmem>>) target(%dma_start3A_446 : memref<10240x64xf32, #tpu.memory_space<vmem_shared>>) offsets(%dma_start3A_443 : memref<80xi32, #tpu.memory_space<vmem>>) semaphore(%arg39 : memref<!tpu.dma_semaphore, #tpu.memory_space<semaphore_mem>>) {add = true}
      %add3A_447 = arith.constant 0 : i32
      %add3A_448 = arith.addi %add3A_164, %add3A_447 : i32
      %dma_wait3A_449 = arith.constant 0 : i32
      %dma_wait3A_450 = tpu.memref_slice %arg8[%add3A_448, %dma_wait3A_449] : memref<125x80xi32, #tpu.memory_space<vmem>> -> memref<1x80xi32, #tpu.memory_space<vmem>>
      %dma_wait3A_451 = tpu.memref_squeeze %dma_wait3A_450 : memref<1x80xi32, #tpu.memory_space<vmem>> -> memref<80xi32, #tpu.memory_space<vmem>>
      %dma_wait3A_452 = arith.constant 0 : i32
      %dma_wait3A_453 = arith.constant 0 : i32
      %dma_wait3A_454 = tpu.memref_slice %arg19[%dma_wait3A_452, %dma_wait3A_453] : memref<10240x64xf32, #tpu.memory_space<vmem_shared>> -> memref<10240x64xf32, #tpu.memory_space<vmem_shared>>
      tpu.wait_indirect_dma semaphore(%arg35 : memref<!tpu.dma_semaphore, #tpu.memory_space<semaphore_mem>>) src(%arg14 : memref<80x64xf32, #tpu.memory_space<vmem>>) dst(%dma_wait3A_454 : memref<10240x64xf32, #tpu.memory_space<vmem_shared>>)
      %add3A_455 = arith.constant 1 : i32
      %add3A_456 = arith.addi %add3A_164, %add3A_455 : i32
      %dma_wait3A_457 = arith.constant 0 : i32
      %dma_wait3A_458 = tpu.memref_slice %arg8[%add3A_456, %dma_wait3A_457] : memref<125x80xi32, #tpu.memory_space<vmem>> -> memref<1x80xi32, #tpu.memory_space<vmem>>
      %dma_wait3A_459 = tpu.memref_squeeze %dma_wait3A_458 : memref<1x80xi32, #tpu.memory_space<vmem>> -> memref<80xi32, #tpu.memory_space<vmem>>
      %dma_wait3A_460 = arith.constant 0 : i32
      %dma_wait3A_461 = arith.constant 0 : i32
      %dma_wait3A_462 = tpu.memref_slice %arg19[%dma_wait3A_460, %dma_wait3A_461] : memref<10240x64xf32, #tpu.memory_space<vmem_shared>> -> memref<10240x64xf32, #tpu.memory_space<vmem_shared>>
      tpu.wait_indirect_dma semaphore(%arg36 : memref<!tpu.dma_semaphore, #tpu.memory_space<semaphore_mem>>) src(%arg15 : memref<80x64xf32, #tpu.memory_space<vmem>>) dst(%dma_wait3A_462 : memref<10240x64xf32, #tpu.memory_space<vmem_shared>>)
      %add3A_463 = arith.constant 2 : i32
      %add3A_464 = arith.addi %add3A_164, %add3A_463 : i32
      %dma_wait3A_465 = arith.constant 0 : i32
      %dma_wait3A_466 = tpu.memref_slice %arg8[%add3A_464, %dma_wait3A_465] : memref<125x80xi32, #tpu.memory_space<vmem>> -> memref<1x80xi32, #tpu.memory_space<vmem>>
      %dma_wait3A_467 = tpu.memref_squeeze %dma_wait3A_466 : memref<1x80xi32, #tpu.memory_space<vmem>> -> memref<80xi32, #tpu.memory_space<vmem>>
      %dma_wait3A_468 = arith.constant 0 : i32
      %dma_wait3A_469 = arith.constant 0 : i32
      %dma_wait3A_470 = tpu.memref_slice %arg19[%dma_wait3A_468, %dma_wait3A_469] : memref<10240x64xf32, #tpu.memory_space<vmem_shared>> -> memref<10240x64xf32, #tpu.memory_space<vmem_shared>>
      tpu.wait_indirect_dma semaphore(%arg37 : memref<!tpu.dma_semaphore, #tpu.memory_space<semaphore_mem>>) src(%arg16 : memref<80x64xf32, #tpu.memory_space<vmem>>) dst(%dma_wait3A_470 : memref<10240x64xf32, #tpu.memory_space<vmem_shared>>)
      %add3A_471 = arith.constant 3 : i32
      %add3A_472 = arith.addi %add3A_164, %add3A_471 : i32
      %dma_wait3A_473 = arith.constant 0 : i32
      %dma_wait3A_474 = tpu.memref_slice %arg8[%add3A_472, %dma_wait3A_473] : memref<125x80xi32, #tpu.memory_space<vmem>> -> memref<1x80xi32, #tpu.memory_space<vmem>>
      %dma_wait3A_475 = tpu.memref_squeeze %dma_wait3A_474 : memref<1x80xi32, #tpu.memory_space<vmem>> -> memref<80xi32, #tpu.memory_space<vmem>>
      %dma_wait3A_476 = arith.constant 0 : i32
      %dma_wait3A_477 = arith.constant 0 : i32
      %dma_wait3A_478 = tpu.memref_slice %arg19[%dma_wait3A_476, %dma_wait3A_477] : memref<10240x64xf32, #tpu.memory_space<vmem_shared>> -> memref<10240x64xf32, #tpu.memory_space<vmem_shared>>
      tpu.wait_indirect_dma semaphore(%arg38 : memref<!tpu.dma_semaphore, #tpu.memory_space<semaphore_mem>>) src(%arg17 : memref<80x64xf32, #tpu.memory_space<vmem>>) dst(%dma_wait3A_478 : memref<10240x64xf32, #tpu.memory_space<vmem_shared>>)
      %add3A_479 = arith.constant 4 : i32
      %add3A_480 = arith.addi %add3A_164, %add3A_479 : i32
      %dma_wait3A_481 = arith.constant 0 : i32
      %dma_wait3A_482 = tpu.memref_slice %arg8[%add3A_480, %dma_wait3A_481] : memref<125x80xi32, #tpu.memory_space<vmem>> -> memref<1x80xi32, #tpu.memory_space<vmem>>
      %dma_wait3A_483 = tpu.memref_squeeze %dma_wait3A_482 : memref<1x80xi32, #tpu.memory_space<vmem>> -> memref<80xi32, #tpu.memory_space<vmem>>
      %dma_wait3A_484 = arith.constant 0 : i32
      %dma_wait3A_485 = arith.constant 0 : i32
      %dma_wait3A_486 = tpu.memref_slice %arg19[%dma_wait3A_484, %dma_wait3A_485] : memref<10240x64xf32, #tpu.memory_space<vmem_shared>> -> memref<10240x64xf32, #tpu.memory_space<vmem_shared>>
      tpu.wait_indirect_dma semaphore(%arg39 : memref<!tpu.dma_semaphore, #tpu.memory_space<semaphore_mem>>) src(%arg18 : memref<80x64xf32, #tpu.memory_space<vmem>>) dst(%dma_wait3A_486 : memref<10240x64xf32, #tpu.memory_space<vmem_shared>>)
    }
    %scan3A_54 = arith.constant 12 : i32
    %dma_wait3A_55 = arith.constant 9600 : i32
    %dma_wait3A_56 = tpu.memref_slice %arg7[%dma_wait3A_55] : memref<10000xi32, #tpu.memory_space<vmem>> -> memref<80xi32, #tpu.memory_space<vmem>>
    %dma_wait3A_57 = arith.constant 0 : i32
    %dma_wait3A_58 = arith.constant 0 : i32
    %dma_wait3A_59 = tpu.memref_slice %arg2[%dma_wait3A_57, %dma_wait3A_58] : memref<10240x64xf32, #tpu.memory_space<hbm>> -> memref<10240x64xf32, #tpu.memory_space<hbm>>
    tpu.wait_indirect_dma semaphore(%arg20 : memref<!tpu.dma_semaphore, #tpu.memory_space<semaphore_mem>>) src(%dma_wait3A_59 : memref<10240x64xf32, #tpu.memory_space<hbm>>) dst(%arg9 : memref<80x64xf32, #tpu.memory_space<vmem>>)
    %dma_start3A_60 = arith.constant 120 : i32
    %dma_start3A_61 = arith.constant 0 : i32
    %dma_start3A_62 = tpu.memref_slice %arg8[%dma_start3A_60, %dma_start3A_61] : memref<125x80xi32, #tpu.memory_space<vmem>> -> memref<1x80xi32, #tpu.memory_space<vmem>>
    %dma_start3A_63 = tpu.memref_squeeze %dma_start3A_62 : memref<1x80xi32, #tpu.memory_space<vmem>> -> memref<80xi32, #tpu.memory_space<vmem>>
    %dma_start3A_64 = arith.constant 0 : i32
    %dma_start3A_65 = arith.constant 0 : i32
    %dma_start3A_66 = tpu.memref_slice %arg19[%dma_start3A_64, %dma_start3A_65] : memref<10240x64xf32, #tpu.memory_space<vmem_shared>> -> memref<10240x64xf32, #tpu.memory_space<vmem_shared>>
    tpu.enqueue_indirect_dma source(%arg9 : memref<80x64xf32, #tpu.memory_space<vmem>>) target(%dma_start3A_66 : memref<10240x64xf32, #tpu.memory_space<vmem_shared>>) offsets(%dma_start3A_63 : memref<80xi32, #tpu.memory_space<vmem>>) semaphore(%arg30 : memref<!tpu.dma_semaphore, #tpu.memory_space<semaphore_mem>>) {add = true}
    %dma_wait3A_67 = arith.constant 9680 : i32
    %dma_wait3A_68 = tpu.memref_slice %arg7[%dma_wait3A_67] : memref<10000xi32, #tpu.memory_space<vmem>> -> memref<80xi32, #tpu.memory_space<vmem>>
    %dma_wait3A_69 = arith.constant 0 : i32
    %dma_wait3A_70 = arith.constant 0 : i32
    %dma_wait3A_71 = tpu.memref_slice %arg2[%dma_wait3A_69, %dma_wait3A_70] : memref<10240x64xf32, #tpu.memory_space<hbm>> -> memref<10240x64xf32, #tpu.memory_space<hbm>>
    tpu.wait_indirect_dma semaphore(%arg21 : memref<!tpu.dma_semaphore, #tpu.memory_space<semaphore_mem>>) src(%dma_wait3A_71 : memref<10240x64xf32, #tpu.memory_space<hbm>>) dst(%arg10 : memref<80x64xf32, #tpu.memory_space<vmem>>)
    %dma_start3A_72 = arith.constant 121 : i32
    %dma_start3A_73 = arith.constant 0 : i32
    %dma_start3A_74 = tpu.memref_slice %arg8[%dma_start3A_72, %dma_start3A_73] : memref<125x80xi32, #tpu.memory_space<vmem>> -> memref<1x80xi32, #tpu.memory_space<vmem>>
    %dma_start3A_75 = tpu.memref_squeeze %dma_start3A_74 : memref<1x80xi32, #tpu.memory_space<vmem>> -> memref<80xi32, #tpu.memory_space<vmem>>
    %dma_start3A_76 = arith.constant 0 : i32
    %dma_start3A_77 = arith.constant 0 : i32
    %dma_start3A_78 = tpu.memref_slice %arg19[%dma_start3A_76, %dma_start3A_77] : memref<10240x64xf32, #tpu.memory_space<vmem_shared>> -> memref<10240x64xf32, #tpu.memory_space<vmem_shared>>
    tpu.enqueue_indirect_dma source(%arg10 : memref<80x64xf32, #tpu.memory_space<vmem>>) target(%dma_start3A_78 : memref<10240x64xf32, #tpu.memory_space<vmem_shared>>) offsets(%dma_start3A_75 : memref<80xi32, #tpu.memory_space<vmem>>) semaphore(%arg31 : memref<!tpu.dma_semaphore, #tpu.memory_space<semaphore_mem>>) {add = true}
    %dma_wait3A_79 = arith.constant 9760 : i32
    %dma_wait3A_80 = tpu.memref_slice %arg7[%dma_wait3A_79] : memref<10000xi32, #tpu.memory_space<vmem>> -> memref<80xi32, #tpu.memory_space<vmem>>
    %dma_wait3A_81 = arith.constant 0 : i32
    %dma_wait3A_82 = arith.constant 0 : i32
    %dma_wait3A_83 = tpu.memref_slice %arg2[%dma_wait3A_81, %dma_wait3A_82] : memref<10240x64xf32, #tpu.memory_space<hbm>> -> memref<10240x64xf32, #tpu.memory_space<hbm>>
    tpu.wait_indirect_dma semaphore(%arg22 : memref<!tpu.dma_semaphore, #tpu.memory_space<semaphore_mem>>) src(%dma_wait3A_83 : memref<10240x64xf32, #tpu.memory_space<hbm>>) dst(%arg11 : memref<80x64xf32, #tpu.memory_space<vmem>>)
    %dma_start3A_84 = arith.constant 122 : i32
    %dma_start3A_85 = arith.constant 0 : i32
    %dma_start3A_86 = tpu.memref_slice %arg8[%dma_start3A_84, %dma_start3A_85] : memref<125x80xi32, #tpu.memory_space<vmem>> -> memref<1x80xi32, #tpu.memory_space<vmem>>
    %dma_start3A_87 = tpu.memref_squeeze %dma_start3A_86 : memref<1x80xi32, #tpu.memory_space<vmem>> -> memref<80xi32, #tpu.memory_space<vmem>>
    %dma_start3A_88 = arith.constant 0 : i32
    %dma_start3A_89 = arith.constant 0 : i32
    %dma_start3A_90 = tpu.memref_slice %arg19[%dma_start3A_88, %dma_start3A_89] : memref<10240x64xf32, #tpu.memory_space<vmem_shared>> -> memref<10240x64xf32, #tpu.memory_space<vmem_shared>>
    tpu.enqueue_indirect_dma source(%arg11 : memref<80x64xf32, #tpu.memory_space<vmem>>) target(%dma_start3A_90 : memref<10240x64xf32, #tpu.memory_space<vmem_shared>>) offsets(%dma_start3A_87 : memref<80xi32, #tpu.memory_space<vmem>>) semaphore(%arg32 : memref<!tpu.dma_semaphore, #tpu.memory_space<semaphore_mem>>) {add = true}
    %dma_wait3A_91 = arith.constant 9840 : i32
    %dma_wait3A_92 = tpu.memref_slice %arg7[%dma_wait3A_91] : memref<10000xi32, #tpu.memory_space<vmem>> -> memref<80xi32, #tpu.memory_space<vmem>>
    %dma_wait3A_93 = arith.constant 0 : i32
    %dma_wait3A_94 = arith.constant 0 : i32
    %dma_wait3A_95 = tpu.memref_slice %arg2[%dma_wait3A_93, %dma_wait3A_94] : memref<10240x64xf32, #tpu.memory_space<hbm>> -> memref<10240x64xf32, #tpu.memory_space<hbm>>
    tpu.wait_indirect_dma semaphore(%arg23 : memref<!tpu.dma_semaphore, #tpu.memory_space<semaphore_mem>>) src(%dma_wait3A_95 : memref<10240x64xf32, #tpu.memory_space<hbm>>) dst(%arg12 : memref<80x64xf32, #tpu.memory_space<vmem>>)
    %dma_start3A_96 = arith.constant 123 : i32
    %dma_start3A_97 = arith.constant 0 : i32
    %dma_start3A_98 = tpu.memref_slice %arg8[%dma_start3A_96, %dma_start3A_97] : memref<125x80xi32, #tpu.memory_space<vmem>> -> memref<1x80xi32, #tpu.memory_space<vmem>>
    %dma_start3A_99 = tpu.memref_squeeze %dma_start3A_98 : memref<1x80xi32, #tpu.memory_space<vmem>> -> memref<80xi32, #tpu.memory_space<vmem>>
    %dma_start3A_100 = arith.constant 0 : i32
    %dma_start3A_101 = arith.constant 0 : i32
    %dma_start3A_102 = tpu.memref_slice %arg19[%dma_start3A_100, %dma_start3A_101] : memref<10240x64xf32, #tpu.memory_space<vmem_shared>> -> memref<10240x64xf32, #tpu.memory_space<vmem_shared>>
    tpu.enqueue_indirect_dma source(%arg12 : memref<80x64xf32, #tpu.memory_space<vmem>>) target(%dma_start3A_102 : memref<10240x64xf32, #tpu.memory_space<vmem_shared>>) offsets(%dma_start3A_99 : memref<80xi32, #tpu.memory_space<vmem>>) semaphore(%arg33 : memref<!tpu.dma_semaphore, #tpu.memory_space<semaphore_mem>>) {add = true}
    %dma_wait3A_103 = arith.constant 9920 : i32
    %dma_wait3A_104 = tpu.memref_slice %arg7[%dma_wait3A_103] : memref<10000xi32, #tpu.memory_space<vmem>> -> memref<80xi32, #tpu.memory_space<vmem>>
    %dma_wait3A_105 = arith.constant 0 : i32
    %dma_wait3A_106 = arith.constant 0 : i32
    %dma_wait3A_107 = tpu.memref_slice %arg2[%dma_wait3A_105, %dma_wait3A_106] : memref<10240x64xf32, #tpu.memory_space<hbm>> -> memref<10240x64xf32, #tpu.memory_space<hbm>>
    tpu.wait_indirect_dma semaphore(%arg24 : memref<!tpu.dma_semaphore, #tpu.memory_space<semaphore_mem>>) src(%dma_wait3A_107 : memref<10240x64xf32, #tpu.memory_space<hbm>>) dst(%arg13 : memref<80x64xf32, #tpu.memory_space<vmem>>)
    %dma_start3A_108 = arith.constant 124 : i32
    %dma_start3A_109 = arith.constant 0 : i32
    %dma_start3A_110 = tpu.memref_slice %arg8[%dma_start3A_108, %dma_start3A_109] : memref<125x80xi32, #tpu.memory_space<vmem>> -> memref<1x80xi32, #tpu.memory_space<vmem>>
    %dma_start3A_111 = tpu.memref_squeeze %dma_start3A_110 : memref<1x80xi32, #tpu.memory_space<vmem>> -> memref<80xi32, #tpu.memory_space<vmem>>
    %dma_start3A_112 = arith.constant 0 : i32
    %dma_start3A_113 = arith.constant 0 : i32
    %dma_start3A_114 = tpu.memref_slice %arg19[%dma_start3A_112, %dma_start3A_113] : memref<10240x64xf32, #tpu.memory_space<vmem_shared>> -> memref<10240x64xf32, #tpu.memory_space<vmem_shared>>
    tpu.enqueue_indirect_dma source(%arg13 : memref<80x64xf32, #tpu.memory_space<vmem>>) target(%dma_start3A_114 : memref<10240x64xf32, #tpu.memory_space<vmem_shared>>) offsets(%dma_start3A_111 : memref<80xi32, #tpu.memory_space<vmem>>) semaphore(%arg34 : memref<!tpu.dma_semaphore, #tpu.memory_space<semaphore_mem>>) {add = true}
    %dma_wait3A_115 = arith.constant 120 : i32
    %dma_wait3A_116 = arith.constant 0 : i32
    %dma_wait3A_117 = tpu.memref_slice %arg8[%dma_wait3A_115, %dma_wait3A_116] : memref<125x80xi32, #tpu.memory_space<vmem>> -> memref<1x80xi32, #tpu.memory_space<vmem>>
    %dma_wait3A_118 = tpu.memref_squeeze %dma_wait3A_117 : memref<1x80xi32, #tpu.memory_space<vmem>> -> memref<80xi32, #tpu.memory_space<vmem>>
    %dma_wait3A_119 = arith.constant 0 : i32
    %dma_wait3A_120 = arith.constant 0 : i32
    %dma_wait3A_121 = tpu.memref_slice %arg19[%dma_wait3A_119, %dma_wait3A_120] : memref<10240x64xf32, #tpu.memory_space<vmem_shared>> -> memref<10240x64xf32, #tpu.memory_space<vmem_shared>>
    tpu.wait_indirect_dma semaphore(%arg30 : memref<!tpu.dma_semaphore, #tpu.memory_space<semaphore_mem>>) src(%arg9 : memref<80x64xf32, #tpu.memory_space<vmem>>) dst(%dma_wait3A_121 : memref<10240x64xf32, #tpu.memory_space<vmem_shared>>)
    %dma_wait3A_122 = arith.constant 121 : i32
    %dma_wait3A_123 = arith.constant 0 : i32
    %dma_wait3A_124 = tpu.memref_slice %arg8[%dma_wait3A_122, %dma_wait3A_123] : memref<125x80xi32, #tpu.memory_space<vmem>> -> memref<1x80xi32, #tpu.memory_space<vmem>>
    %dma_wait3A_125 = tpu.memref_squeeze %dma_wait3A_124 : memref<1x80xi32, #tpu.memory_space<vmem>> -> memref<80xi32, #tpu.memory_space<vmem>>
    %dma_wait3A_126 = arith.constant 0 : i32
    %dma_wait3A_127 = arith.constant 0 : i32
    %dma_wait3A_128 = tpu.memref_slice %arg19[%dma_wait3A_126, %dma_wait3A_127] : memref<10240x64xf32, #tpu.memory_space<vmem_shared>> -> memref<10240x64xf32, #tpu.memory_space<vmem_shared>>
    tpu.wait_indirect_dma semaphore(%arg31 : memref<!tpu.dma_semaphore, #tpu.memory_space<semaphore_mem>>) src(%arg10 : memref<80x64xf32, #tpu.memory_space<vmem>>) dst(%dma_wait3A_128 : memref<10240x64xf32, #tpu.memory_space<vmem_shared>>)
    %dma_wait3A_129 = arith.constant 122 : i32
    %dma_wait3A_130 = arith.constant 0 : i32
    %dma_wait3A_131 = tpu.memref_slice %arg8[%dma_wait3A_129, %dma_wait3A_130] : memref<125x80xi32, #tpu.memory_space<vmem>> -> memref<1x80xi32, #tpu.memory_space<vmem>>
    %dma_wait3A_132 = tpu.memref_squeeze %dma_wait3A_131 : memref<1x80xi32, #tpu.memory_space<vmem>> -> memref<80xi32, #tpu.memory_space<vmem>>
    %dma_wait3A_133 = arith.constant 0 : i32
    %dma_wait3A_134 = arith.constant 0 : i32
    %dma_wait3A_135 = tpu.memref_slice %arg19[%dma_wait3A_133, %dma_wait3A_134] : memref<10240x64xf32, #tpu.memory_space<vmem_shared>> -> memref<10240x64xf32, #tpu.memory_space<vmem_shared>>
    tpu.wait_indirect_dma semaphore(%arg32 : memref<!tpu.dma_semaphore, #tpu.memory_space<semaphore_mem>>) src(%arg11 : memref<80x64xf32, #tpu.memory_space<vmem>>) dst(%dma_wait3A_135 : memref<10240x64xf32, #tpu.memory_space<vmem_shared>>)
    %dma_wait3A_136 = arith.constant 123 : i32
    %dma_wait3A_137 = arith.constant 0 : i32
    %dma_wait3A_138 = tpu.memref_slice %arg8[%dma_wait3A_136, %dma_wait3A_137] : memref<125x80xi32, #tpu.memory_space<vmem>> -> memref<1x80xi32, #tpu.memory_space<vmem>>
    %dma_wait3A_139 = tpu.memref_squeeze %dma_wait3A_138 : memref<1x80xi32, #tpu.memory_space<vmem>> -> memref<80xi32, #tpu.memory_space<vmem>>
    %dma_wait3A_140 = arith.constant 0 : i32
    %dma_wait3A_141 = arith.constant 0 : i32
    %dma_wait3A_142 = tpu.memref_slice %arg19[%dma_wait3A_140, %dma_wait3A_141] : memref<10240x64xf32, #tpu.memory_space<vmem_shared>> -> memref<10240x64xf32, #tpu.memory_space<vmem_shared>>
    tpu.wait_indirect_dma semaphore(%arg33 : memref<!tpu.dma_semaphore, #tpu.memory_space<semaphore_mem>>) src(%arg12 : memref<80x64xf32, #tpu.memory_space<vmem>>) dst(%dma_wait3A_142 : memref<10240x64xf32, #tpu.memory_space<vmem_shared>>)
    %dma_wait3A_143 = arith.constant 124 : i32
    %dma_wait3A_144 = arith.constant 0 : i32
    %dma_wait3A_145 = tpu.memref_slice %arg8[%dma_wait3A_143, %dma_wait3A_144] : memref<125x80xi32, #tpu.memory_space<vmem>> -> memref<1x80xi32, #tpu.memory_space<vmem>>
    %dma_wait3A_146 = tpu.memref_squeeze %dma_wait3A_145 : memref<1x80xi32, #tpu.memory_space<vmem>> -> memref<80xi32, #tpu.memory_space<vmem>>
    %dma_wait3A_147 = arith.constant 0 : i32
    %dma_wait3A_148 = arith.constant 0 : i32
    %dma_wait3A_149 = tpu.memref_slice %arg19[%dma_wait3A_147, %dma_wait3A_148] : memref<10240x64xf32, #tpu.memory_space<vmem_shared>> -> memref<10240x64xf32, #tpu.memory_space<vmem_shared>>
    tpu.wait_indirect_dma semaphore(%arg34 : memref<!tpu.dma_semaphore, #tpu.memory_space<semaphore_mem>>) src(%arg13 : memref<80x64xf32, #tpu.memory_space<vmem>>) dst(%dma_wait3A_149 : memref<10240x64xf32, #tpu.memory_space<vmem_shared>>)
    %barrier3A_150 = arith.constant 0 : index
    tpu.barrier barrier_id(%barrier3A_150)
    %mul3A_151 = arith.constant 640 : i32
    %mul3A_152 = arith.muli %arg1, %mul3A_151 : i32
    %mul3A_153 = arith.constant 10240 : i32
    %mul3A_154 = arith.muli %arg0, %mul3A_153 : i32
    %mul3A_155 = arith.constant 640 : i32
    %mul3A_156 = arith.muli %arg1, %mul3A_155 : i32
    %add3A_157 = arith.addi %mul3A_154, %mul3A_156 : i32
    "tpu.region"() ({
      %run_scoped3A = tpu.sem_alloc : memref<!tpu.dma_semaphore, #tpu.memory_space<semaphore_mem>>
      %dma_start3A_158 = arith.constant 0 : i32
      %dma_start3A_159 = tpu.memref_slice %arg6[%add3A_157, %dma_start3A_158] : memref<20480x64xf32, #tpu.memory_space<hbm>> -> memref<640x64xf32, #tpu.memory_space<hbm>>
      %dma_start3A_160 = arith.constant 0 : i32
      %dma_start3A_161 = tpu.memref_slice %arg19[%mul3A_152, %dma_start3A_160] : memref<10240x64xf32, #tpu.memory_space<vmem_shared>> -> memref<640x64xf32, #tpu.memory_space<vmem_shared>>
      tpu.enqueue_dma source(%dma_start3A_161 : memref<640x64xf32, #tpu.memory_space<vmem_shared>>) target(%dma_start3A_159 : memref<640x64xf32, #tpu.memory_space<hbm>>) target_semaphore(%run_scoped3A : memref<!tpu.dma_semaphore, #tpu.memory_space<semaphore_mem>>)
      %dma_wait3A_162 = arith.constant 0 : i32
      %dma_wait3A_163 = tpu.memref_slice %arg6[%add3A_157, %dma_wait3A_162] : memref<20480x64xf32, #tpu.memory_space<hbm>> -> memref<640x64xf32, #tpu.memory_space<hbm>>
      %dma_wait3A_164 = arith.constant 0 : i32
      %dma_wait3A_165 = tpu.memref_slice %arg19[%mul3A_152, %dma_wait3A_164] : memref<10240x64xf32, #tpu.memory_space<vmem_shared>> -> memref<640x64xf32, #tpu.memory_space<vmem_shared>>
      tpu.wait_dma2 semaphore(%run_scoped3A : memref<!tpu.dma_semaphore, #tpu.memory_space<semaphore_mem>>) src(%dma_wait3A_165 : memref<640x64xf32, #tpu.memory_space<vmem_shared>>) dst(%dma_wait3A_163 : memref<640x64xf32, #tpu.memory_space<hbm>>)
      tpu.yield
    }) : () -> ()
    return
  }
}

module attributes {stable_mosaic.version = 14 : i64} {
  func.func @body(%arg0: i32, %arg1: memref<2048x128xf32, #tpu.memory_space<vmem>>, %arg2: memref<128x64xf32, #tpu.memory_space<vmem>>, %arg3: memref<2048x64xf32, #tpu.memory_space<vmem>>) attributes {dimension_semantics = [#tpu.dimension_semantics<arbitrary>], iteration_bounds = array<i64: 5>, scalar_prefetch = 0 : i64, scratch_operands = 0 : i64, tpu.core_type = #tpu.core_type<tc>, window_params = [{transform_indices = @transform_0, window_bounds = array<i64: 2048, 128>}, {pipeline_mode = #tpu.pipeline_mode<synchronous>, transform_indices = @transform_1, window_bounds = array<i64: 128, 64>}, {transform_indices = @transform_2, window_bounds = array<i64: 2048, 64>}]} {
    %get3A = arith.constant 0 : index
    %get3A_0 = arith.constant 0 : index
    %get3A_1 = vector.load %arg1[%get3A, %get3A_0] : memref<2048x128xf32, #tpu.memory_space<vmem>>, vector<2048x128xf32>
    %get3A_2 = arith.constant 0 : index
    %get3A_3 = arith.constant 0 : index
    %get3A_4 = vector.load %arg2[%get3A_2, %get3A_3] : memref<128x64xf32, #tpu.memory_space<vmem>>, vector<128x64xf32>
    %dot_general3A = arith.constant dense<0.000000e+00> : vector<2048x64xf32>
    %dot_general3A_5 = tpu.matmul %get3A_1, %get3A_4, %dot_general3A {dimension_numbers = #tpu.dot_dimension_numbers<[1], [0], [0], [1], [0, 0, 1, 1], [], []>, transpose_lhs_hint = false} : vector<2048x128xf32>, vector<128x64xf32>, vector<2048x64xf32> -> vector<2048x64xf32>
    %swap3A = arith.constant 0 : index
    %swap3A_6 = arith.constant 0 : index
    %swap3A_7 = vector.load %arg3[%swap3A, %swap3A_6] : memref<2048x64xf32, #tpu.memory_space<vmem>>, vector<2048x64xf32>
    tpu.vector_store %arg3[%swap3A, %swap3A_6], %dot_general3A_5 {strides = array<i32>} : memref<2048x64xf32, #tpu.memory_space<vmem>>, vector<2048x64xf32>,
    return
  }
  func.func @transform_0(%arg0: i32) -> (i32, i32) {
    %c0_i32 = arith.constant 0 : i32
    %c0_i32_0 = arith.constant 0 : i32
    return %arg0, %c0_i32 : i32, i32
  }
  func.func @transform_1(%arg0: i32) -> (i32, i32) {
    %c0_i32 = arith.constant 0 : i32
    %c0_i32_0 = arith.constant 0 : i32
    %c0_i32_1 = arith.constant 0 : i32
    return %c0_i32, %c0_i32_0 : i32, i32
  }
  func.func @transform_2(%arg0: i32) -> (i32, i32) {
    %c0_i32 = arith.constant 0 : i32
    %c0_i32_0 = arith.constant 0 : i32
    return %arg0, %c0_i32 : i32, i32
  }
}

module attributes {stable_mosaic.version = 14 : i64} {
  func.func @body(%arg0: i32, %arg1: memref<2048x64xf32, #tpu.memory_space<vmem>>, %arg2: memref<2048x64xf32, #tpu.memory_space<vmem>>, %arg3: memref<2048x64xf32, #tpu.memory_space<vmem>>, %arg4: memref<1x1xf32, #tpu.memory_space<smem>>, %arg5: memref<1x64xf32, #tpu.memory_space<vmem>>, %arg6: memref<64x64xf32, #tpu.memory_space<vmem>>, %arg7: memref<1x64xf32, #tpu.memory_space<vmem>>, %arg8: memref<64x64xf32, #tpu.memory_space<vmem>>, %arg9: memref<2048x64xf32, #tpu.memory_space<vmem>>, %arg10: memref<2048x64xf32, #tpu.memory_space<vmem>>) attributes {dimension_semantics = [#tpu.dimension_semantics<arbitrary>], iteration_bounds = array<i64: 5>, scalar_prefetch = 0 : i64, scratch_operands = 0 : i64, tpu.core_type = #tpu.core_type<tc>, window_params = [{transform_indices = @transform_0, window_bounds = array<i64: 2048, 64>}, {transform_indices = @transform_1, window_bounds = array<i64: 2048, 64>}, {transform_indices = @transform_2, window_bounds = array<i64: 2048, 64>}, {transform_indices = @transform_3, window_bounds = array<i64: 1, 1>}, {pipeline_mode = #tpu.pipeline_mode<synchronous>, transform_indices = @transform_4, window_bounds = array<i64: 1, 64>}, {pipeline_mode = #tpu.pipeline_mode<synchronous>, transform_indices = @transform_5, window_bounds = array<i64: 64, 64>}, {pipeline_mode = #tpu.pipeline_mode<synchronous>, transform_indices = @transform_6, window_bounds = array<i64: 1, 64>}, {pipeline_mode = #tpu.pipeline_mode<synchronous>, transform_indices = @transform_7, window_bounds = array<i64: 64, 64>}, {transform_indices = @transform_8, window_bounds = array<i64: 2048, 64>}, {transform_indices = @transform_9, window_bounds = array<i64: 2048, 64>}]} {
    %get3A = arith.constant 0 : index
    %get3A_0 = arith.constant 0 : index
    %get3A_1 = vector.load %arg1[%get3A, %get3A_0] : memref<2048x64xf32, #tpu.memory_space<vmem>>, vector<2048x64xf32>
    %get3A_2 = arith.constant 0 : index
    %get3A_3 = arith.constant 0 : index
    %get3A_4 = memref.load %arg4[%get3A_2, %get3A_3] : memref<1x1xf32, #tpu.memory_space<smem>>
    %mul3A = vector.broadcast %get3A_4 : f32 to vector<2048x64xf32>
    %mul3A_5 = arith.mulf %get3A_1, %mul3A : vector<2048x64xf32>
    %get3A_6 = arith.constant 0 : index
    %get3A_7 = arith.constant 0 : index
    %get3A_8 = vector.load %arg2[%get3A_6, %get3A_7] : memref<2048x64xf32, #tpu.memory_space<vmem>>, vector<2048x64xf32>
    %add3A = arith.addf %mul3A_5, %get3A_8 : vector<2048x64xf32>
    %get3A_9 = arith.constant 0 : index
    %get3A_10 = arith.constant 0 : index
    %get3A_11 = vector.load %arg3[%get3A_9, %get3A_10] : memref<2048x64xf32, #tpu.memory_space<vmem>>, vector<2048x64xf32>
    %add3A_12 = arith.addf %add3A, %get3A_11 : vector<2048x64xf32>
    %get3A_13 = arith.constant 0 : index
    %get3A_14 = arith.constant 0 : index
    %get3A_15 = vector.load %arg5[%get3A_13, %get3A_14] : memref<1x64xf32, #tpu.memory_space<vmem>>, vector<1x64xf32>
    %add3A_16 = vector.broadcast %get3A_15 : vector<1x64xf32> to vector<2048x64xf32>
    %add3A_17 = arith.addf %add3A_12, %add3A_16 : vector<2048x64xf32>
    %max3A = arith.constant 0.000000e+00 : f32
    %max3A_18 = vector.broadcast %max3A : f32 to vector<2048x64xf32>
    %max3A_19 = arith.maximumf %add3A_17, %max3A_18 : vector<2048x64xf32>
    %get3A_20 = arith.constant 0 : index
    %get3A_21 = arith.constant 0 : index
    %get3A_22 = vector.load %arg6[%get3A_20, %get3A_21] : memref<64x64xf32, #tpu.memory_space<vmem>>, vector<64x64xf32>
    %dot_general3A = arith.constant dense<0.000000e+00> : vector<2048x64xf32>
    %dot_general3A_23 = tpu.matmul %max3A_19, %get3A_22, %dot_general3A {dimension_numbers = #tpu.dot_dimension_numbers<[1], [0], [0], [1], [0, 0, 1, 1], [], []>, transpose_lhs_hint = false} : vector<2048x64xf32>, vector<64x64xf32>, vector<2048x64xf32> -> vector<2048x64xf32>
    %get3A_24 = arith.constant 0 : index
    %get3A_25 = arith.constant 0 : index
    %get3A_26 = vector.load %arg7[%get3A_24, %get3A_25] : memref<1x64xf32, #tpu.memory_space<vmem>>, vector<1x64xf32>
    %add3A_27 = vector.broadcast %get3A_26 : vector<1x64xf32> to vector<2048x64xf32>
    %add3A_28 = arith.addf %dot_general3A_23, %add3A_27 : vector<2048x64xf32>
    %max3A_29 = arith.constant 0.000000e+00 : f32
    %max3A_30 = vector.broadcast %max3A_29 : f32 to vector<2048x64xf32>
    %max3A_31 = arith.maximumf %add3A_28, %max3A_30 : vector<2048x64xf32>
    %swap3A = arith.constant 0 : index
    %swap3A_32 = arith.constant 0 : index
    %swap3A_33 = vector.load %arg9[%swap3A, %swap3A_32] : memref<2048x64xf32, #tpu.memory_space<vmem>>, vector<2048x64xf32>
    tpu.vector_store %arg9[%swap3A, %swap3A_32], %max3A_31 {strides = array<i32>} : memref<2048x64xf32, #tpu.memory_space<vmem>>, vector<2048x64xf32>,
    %get3A_34 = arith.constant 0 : index
    %get3A_35 = arith.constant 0 : index
    %get3A_36 = vector.load %arg8[%get3A_34, %get3A_35] : memref<64x64xf32, #tpu.memory_space<vmem>>, vector<64x64xf32>
    %dot_general3A_37 = arith.constant dense<0.000000e+00> : vector<2048x64xf32>
    %dot_general3A_38 = tpu.matmul %max3A_31, %get3A_36, %dot_general3A_37 {dimension_numbers = #tpu.dot_dimension_numbers<[1], [0], [0], [1], [0, 0, 1, 1], [], []>, transpose_lhs_hint = false} : vector<2048x64xf32>, vector<64x64xf32>, vector<2048x64xf32> -> vector<2048x64xf32>
    %swap3A_39 = arith.constant 0 : index
    %swap3A_40 = arith.constant 0 : index
    %swap3A_41 = vector.load %arg10[%swap3A_39, %swap3A_40] : memref<2048x64xf32, #tpu.memory_space<vmem>>, vector<2048x64xf32>
    tpu.vector_store %arg10[%swap3A_39, %swap3A_40], %dot_general3A_38 {strides = array<i32>} : memref<2048x64xf32, #tpu.memory_space<vmem>>, vector<2048x64xf32>,
    return
  }
  func.func @transform_0(%arg0: i32) -> (i32, i32) {
    %c0_i32 = arith.constant 0 : i32
    %c0_i32_0 = arith.constant 0 : i32
    return %arg0, %c0_i32 : i32, i32
  }
  func.func @transform_1(%arg0: i32) -> (i32, i32) {
    %c0_i32 = arith.constant 0 : i32
    %c0_i32_0 = arith.constant 0 : i32
    return %arg0, %c0_i32 : i32, i32
  }
  func.func @transform_2(%arg0: i32) -> (i32, i32) {
    %add3A = arith.constant 5 : i32
    %add3A_0 = arith.addi %arg0, %add3A : i32
    %c0_i32 = arith.constant 0 : i32
    %c0_i32_1 = arith.constant 0 : i32
    return %add3A_0, %c0_i32 : i32, i32
  }
  func.func @transform_3(%arg0: i32) -> (i32, i32) {
    %c0_i32 = arith.constant 0 : i32
    %c0_i32_0 = arith.constant 0 : i32
    %c0_i32_1 = arith.constant 0 : i32
    return %c0_i32, %c0_i32_0 : i32, i32
  }
  func.func @transform_4(%arg0: i32) -> (i32, i32) {
    %c0_i32 = arith.constant 0 : i32
    %c0_i32_0 = arith.constant 0 : i32
    %c0_i32_1 = arith.constant 0 : i32
    return %c0_i32, %c0_i32_0 : i32, i32
  }
  func.func @transform_5(%arg0: i32) -> (i32, i32) {
    %c0_i32 = arith.constant 0 : i32
    %c0_i32_0 = arith.constant 0 : i32
    %c0_i32_1 = arith.constant 0 : i32
    return %c0_i32, %c0_i32_0 : i32, i32
  }
  func.func @transform_6(%arg0: i32) -> (i32, i32) {
    %c0_i32 = arith.constant 0 : i32
    %c0_i32_0 = arith.constant 0 : i32
    %c0_i32_1 = arith.constant 0 : i32
    return %c0_i32, %c0_i32_0 : i32, i32
  }
  func.func @transform_7(%arg0: i32) -> (i32, i32) {
    %c0_i32 = arith.constant 0 : i32
    %c0_i32_0 = arith.constant 0 : i32
    %c0_i32_1 = arith.constant 0 : i32
    return %c0_i32, %c0_i32_0 : i32, i32
  }
  func.func @transform_8(%arg0: i32) -> (i32, i32) {
    %c0_i32 = arith.constant 0 : i32
    %c0_i32_0 = arith.constant 0 : i32
    return %arg0, %c0_i32 : i32, i32
  }
  func.func @transform_9(%arg0: i32) -> (i32, i32) {
    %c0_i32 = arith.constant 0 : i32
    %c0_i32_0 = arith.constant 0 : i32
    return %arg0, %c0_i32 : i32, i32
  }
}

module attributes {stable_mosaic.version = 14 : i64} {
  func.func @body(%arg0: memref<10240x64xf32, #tpu.memory_space<vmem>>, %arg1: memref<10240x64xf32, #tpu.memory_space<vmem>>, %arg2: memref<10240x64xf32, #tpu.memory_space<vmem>>, %arg3: memref<20480x64xf32, #tpu.memory_space<vmem>>, %arg4: memref<1x1xf32, #tpu.memory_space<vmem>>, %arg5: memref<1x64xf32, #tpu.memory_space<vmem>>, %arg6: memref<64x64xf32, #tpu.memory_space<vmem>>, %arg7: memref<1x64xf32, #tpu.memory_space<vmem>>, %arg8: memref<1x10240xi32, #tpu.memory_space<vmem>>, %arg9: memref<2x192xf32, #tpu.memory_space<vmem>>, %arg10: memref<192x128xf32, #tpu.memory_space<vmem>>, %arg11: memref<1x128xf32, #tpu.memory_space<vmem>>, %arg12: memref<128x64xf32, #tpu.memory_space<vmem>>, %arg13: memref<1x64xf32, #tpu.memory_space<vmem>>, %arg14: memref<192x128xf32, #tpu.memory_space<vmem>>, %arg15: memref<1x128xf32, #tpu.memory_space<vmem>>, %arg16: memref<128x64xf32, #tpu.memory_space<vmem>>, %arg17: memref<1x64xf32, #tpu.memory_space<vmem>>, %arg18: memref<192x128xf32, #tpu.memory_space<vmem>>, %arg19: memref<1x128xf32, #tpu.memory_space<vmem>>, %arg20: memref<128x64xf32, #tpu.memory_space<vmem>>, %arg21: memref<1x64xf32, #tpu.memory_space<vmem>>, %arg22: memref<1x1xf32, #tpu.memory_space<vmem>>) attributes {dimension_semantics = [], scalar_prefetch = 0 : i64, scratch_operands = 0 : i64, tpu.core_type = #tpu.core_type<tc>} {
    %get3A = arith.constant 0 : index
    %get3A_0 = arith.constant 0 : index
    %get3A_1 = vector.load %arg2[%get3A, %get3A_0] : memref<10240x64xf32, #tpu.memory_space<vmem>>, vector<10240x64xf32>
    %get3A_2 = arith.constant 0 : index
    %get3A_3 = arith.constant 0 : index
    %get3A_4 = vector.load %arg4[%get3A_2, %get3A_3] : memref<1x1xf32, #tpu.memory_space<vmem>>, vector<1x1xf32>
    %get3A_5 = vector.extract %get3A_4[0, 0] : f32 from vector<1x1xf32>
    %mul3A = vector.broadcast %get3A_5 : f32 to vector<10240x64xf32>
    %mul3A_6 = arith.mulf %get3A_1, %mul3A : vector<10240x64xf32>
    %get3A_7 = arith.constant 0 : index
    %get3A_8 = arith.constant 0 : index
    %get3A_9 = vector.load %arg3[%get3A_7, %get3A_8] : memref<20480x64xf32, #tpu.memory_space<vmem>>, vector<10240x64xf32>
    %add3A = arith.addf %mul3A_6, %get3A_9 : vector<10240x64xf32>
    %get3A_10 = arith.constant 10240 : index
    %get3A_11 = arith.constant 0 : index
    %get3A_12 = vector.load %arg3[%get3A_10, %get3A_11] : memref<20480x64xf32, #tpu.memory_space<vmem>>, vector<10240x64xf32>
    %add3A_13 = arith.addf %add3A, %get3A_12 : vector<10240x64xf32>
    %get3A_14 = arith.constant 0 : index
    %get3A_15 = arith.constant 0 : index
    %get3A_16 = vector.load %arg5[%get3A_14, %get3A_15] : memref<1x64xf32, #tpu.memory_space<vmem>>, vector<1x64xf32>
    %add3A_17 = vector.broadcast %get3A_16 : vector<1x64xf32> to vector<10240x64xf32>
    %add3A_18 = arith.addf %add3A_13, %add3A_17 : vector<10240x64xf32>
    %max3A = arith.constant 0.000000e+00 : f32
    %max3A_19 = vector.broadcast %max3A : f32 to vector<10240x64xf32>
    %max3A_20 = arith.maximumf %add3A_18, %max3A_19 : vector<10240x64xf32>
    %get3A_21 = arith.constant 0 : index
    %get3A_22 = arith.constant 0 : index
    %get3A_23 = vector.load %arg6[%get3A_21, %get3A_22] : memref<64x64xf32, #tpu.memory_space<vmem>>, vector<64x64xf32>
    %dot_general3A = arith.constant dense<0.000000e+00> : vector<10240x64xf32>
    %dot_general3A_24 = tpu.matmul %max3A_20, %get3A_23, %dot_general3A {dimension_numbers = #tpu.dot_dimension_numbers<[1], [0], [0], [1], [0, 0, 1, 1], [], []>, transpose_lhs_hint = false} : vector<10240x64xf32>, vector<64x64xf32>, vector<10240x64xf32> -> vector<10240x64xf32>
    %get3A_25 = arith.constant 0 : index
    %get3A_26 = arith.constant 0 : index
    %get3A_27 = vector.load %arg7[%get3A_25, %get3A_26] : memref<1x64xf32, #tpu.memory_space<vmem>>, vector<1x64xf32>
    %add3A_28 = vector.broadcast %get3A_27 : vector<1x64xf32> to vector<10240x64xf32>
    %add3A_29 = arith.addf %dot_general3A_24, %add3A_28 : vector<10240x64xf32>
    %max3A_30 = arith.constant 0.000000e+00 : f32
    %max3A_31 = vector.broadcast %max3A_30 : f32 to vector<10240x64xf32>
    %max3A_32 = arith.maximumf %add3A_29, %max3A_31 : vector<10240x64xf32>
    %get3A_33 = arith.constant 0 : index
    %get3A_34 = arith.constant 0 : index
    %get3A_35 = vector.load %arg0[%get3A_33, %get3A_34] : memref<10240x64xf32, #tpu.memory_space<vmem>>, vector<10240x64xf32>
    %get3A_36 = arith.constant 0 : index
    %get3A_37 = arith.constant 0 : index
    %get3A_38 = vector.load %arg1[%get3A_36, %get3A_37] : memref<10240x64xf32, #tpu.memory_space<vmem>>, vector<10240x64xf32>
    %get3A_39 = arith.constant 0 : index
    %get3A_40 = arith.constant 0 : index
    %get3A_41 = vector.load %arg8[%get3A_39, %get3A_40] : memref<1x10240xi32, #tpu.memory_space<vmem>>, vector<1x10240xi32>
    %iota3A = tpu.iota {dimensions = array<i32: 0>} : vector<64x10240xi32>
    %eq3A = vector.broadcast %get3A_41 : vector<1x10240xi32> to vector<64x10240xi32>
    %eq3A_42 = arith.cmpi eq, %iota3A, %eq3A : vector<64x10240xi32>
    %jit3A = arith.constant 1.000000e+00 : f32
    %jit3A_43 = arith.constant 0.000000e+00 : f32
    %broadcast_in_dim3A = vector.broadcast %jit3A : f32 to vector<64x10240xf32>
    %broadcast_in_dim3A_44 = vector.broadcast %jit3A_43 : f32 to vector<64x10240xf32>
    %select_n3A = arith.select %eq3A_42, %broadcast_in_dim3A, %broadcast_in_dim3A_44 : vector<64x10240xi1>, vector<64x10240xf32>
    %reduce_sum3A = arith.constant dense<0.000000e+00> : vector<64xf32>
    %reduce_sum3A_45 = vector.multi_reduction <add>, %select_n3A, %reduce_sum3A [1] : vector<64x10240xf32> to vector<64xf32>
    %broadcast_in_dim3A_46 = vector.shape_cast %reduce_sum3A_45 : vector<64xf32> to vector<64x1xf32>
    %mul3A_47 = arith.constant 3.000000e+00 : f32
    %mul3A_48 = vector.broadcast %mul3A_47 : f32 to vector<64x1xf32>
    %mul3A_49 = arith.mulf %mul3A_48, %broadcast_in_dim3A_46 : vector<64x1xf32>
    %add3A_50 = arith.constant 4.000000e+00 : f32
    %add3A_51 = vector.broadcast %add3A_50 : f32 to vector<64x1xf32>
    %add3A_52 = arith.addf %mul3A_49, %add3A_51 : vector<64x1xf32>
    %div3A = arith.constant 5.000000e+00 : f32
    %div3A_53 = vector.broadcast %div3A : f32 to vector<64x1xf32>
    %div3A_54 = arith.divf %add3A_52, %div3A_53 : vector<64x1xf32>
    %floor3A = math.floor %div3A_54 : vector<64x1xf32>
    %max3A_55 = arith.constant 1.000000e+00 : f32
    %max3A_56 = vector.broadcast %max3A_55 : f32 to vector<64x1xf32>
    %max3A_57 = arith.maximumf %floor3A, %max3A_56 : vector<64x1xf32>
    %dot_general3A_58 = arith.constant dense<0.000000e+00> : vector<64x64xf32>
    %dot_general3A_59 = tpu.matmul %select_n3A, %get3A_35, %dot_general3A_58 {dimension_numbers = #tpu.dot_dimension_numbers<[1], [0], [0], [1], [0, 0, 1, 1], [], []>, transpose_lhs_hint = false} : vector<64x10240xf32>, vector<10240x64xf32>, vector<64x64xf32> -> vector<64x64xf32>
    %dot_general3A_60 = arith.constant dense<0.000000e+00> : vector<64x64xf32>
    %dot_general3A_61 = tpu.matmul %select_n3A, %get3A_38, %dot_general3A_60 {dimension_numbers = #tpu.dot_dimension_numbers<[1], [0], [0], [1], [0, 0, 1, 1], [], []>, transpose_lhs_hint = false} : vector<64x10240xf32>, vector<10240x64xf32>, vector<64x64xf32> -> vector<64x64xf32>
    %dot_general3A_62 = arith.constant dense<0.000000e+00> : vector<64x64xf32>
    %dot_general3A_63 = tpu.matmul %select_n3A, %max3A_32, %dot_general3A_62 {dimension_numbers = #tpu.dot_dimension_numbers<[1], [0], [0], [1], [0, 0, 1, 1], [], []>, transpose_lhs_hint = false} : vector<64x10240xf32>, vector<10240x64xf32>, vector<64x64xf32> -> vector<64x64xf32>
    %concatenate3A = tpu.concatenate %dot_general3A_59, %dot_general3A_61, %dot_general3A_63 in 1 : vector<64x64xf32>, vector<64x64xf32>, vector<64x64xf32> -> vector<64x192xf32>
    %get3A_64 = arith.constant 0 : index
    %get3A_65 = arith.constant 0 : index
    %get3A_66 = vector.load %arg10[%get3A_64, %get3A_65] : memref<192x128xf32, #tpu.memory_space<vmem>>, vector<192x128xf32>
    %get3A_67 = arith.constant 0 : index
    %get3A_68 = arith.constant 0 : index
    %get3A_69 = vector.load %arg11[%get3A_67, %get3A_68] : memref<1x128xf32, #tpu.memory_space<vmem>>, vector<1x128xf32>
    %get3A_70 = arith.constant 0 : index
    %get3A_71 = arith.constant 0 : index
    %get3A_72 = vector.load %arg12[%get3A_70, %get3A_71] : memref<128x64xf32, #tpu.memory_space<vmem>>, vector<128x64xf32>
    %get3A_73 = arith.constant 0 : index
    %get3A_74 = arith.constant 0 : index
    %get3A_75 = vector.load %arg13[%get3A_73, %get3A_74] : memref<1x64xf32, #tpu.memory_space<vmem>>, vector<1x64xf32>
    %dot_general3A_76 = arith.constant dense<0.000000e+00> : vector<64x128xf32>
    %dot_general3A_77 = tpu.matmul %concatenate3A, %get3A_66, %dot_general3A_76 {dimension_numbers = #tpu.dot_dimension_numbers<[1], [0], [0], [1], [0, 0, 1, 1], [], []>, transpose_lhs_hint = false} : vector<64x192xf32>, vector<192x128xf32>, vector<64x128xf32> -> vector<64x128xf32>
    %add3A_78 = vector.broadcast %get3A_69 : vector<1x128xf32> to vector<64x128xf32>
    %add3A_79 = arith.addf %dot_general3A_77, %add3A_78 : vector<64x128xf32>
    %max3A_80 = arith.constant 0.000000e+00 : f32
    %max3A_81 = vector.broadcast %max3A_80 : f32 to vector<64x128xf32>
    %max3A_82 = arith.maximumf %add3A_79, %max3A_81 : vector<64x128xf32>
    %dot_general3A_83 = arith.constant dense<0.000000e+00> : vector<64x64xf32>
    %dot_general3A_84 = tpu.matmul %max3A_82, %get3A_72, %dot_general3A_83 {dimension_numbers = #tpu.dot_dimension_numbers<[1], [0], [0], [1], [0, 0, 1, 1], [], []>, transpose_lhs_hint = false} : vector<64x128xf32>, vector<128x64xf32>, vector<64x64xf32> -> vector<64x64xf32>
    %add3A_85 = vector.broadcast %get3A_75 : vector<1x64xf32> to vector<64x64xf32>
    %add3A_86 = arith.addf %dot_general3A_84, %add3A_85 : vector<64x64xf32>
    %get3A_87 = arith.constant 0 : index
    %get3A_88 = arith.constant 0 : index
    %get3A_89 = vector.load %arg9[%get3A_87, %get3A_88] : memref<2x192xf32, #tpu.memory_space<vmem>>, vector<2x192xf32>
    %mul3A_90 = arith.mulf %get3A_89, %get3A_89 : vector<2x192xf32>
    %reduce_sum3A_91 = arith.constant dense<0.000000e+00> : vector<2xf32>
    %reduce_sum3A_92 = vector.multi_reduction <add>, %mul3A_90, %reduce_sum3A_91 [1] : vector<2x192xf32> to vector<2xf32>
    %broadcast_in_dim3A_93 = vector.shape_cast %reduce_sum3A_92 : vector<2xf32> to vector<2x1xf32>
    %sqrt3A = math.sqrt %broadcast_in_dim3A_93 : vector<2x1xf32>
    %slice3A = vector.extract_strided_slice %get3A_89 {offsets = [0, 0], sizes = [2, 64], strides = [1, 1]} : vector<2x192xf32> to vector<2x64xf32>
    %dot_general3A_94 = arith.constant dense<0.000000e+00> : vector<2x10240xf32>
    %dot_general3A_95 = tpu.matmul %slice3A, %get3A_35, %dot_general3A_94 {dimension_numbers = #tpu.dot_dimension_numbers<[1], [1], [0], [0], [0, 0, 1, 0], [], []>, transpose_lhs_hint = false} : vector<2x64xf32>, vector<10240x64xf32>, vector<2x10240xf32> -> vector<2x10240xf32>
    %add3A_96 = arith.constant 0.000000e+00 : f32
    %add3A_97 = vector.broadcast %add3A_96 : f32 to vector<2x10240xf32>
    %add3A_98 = arith.addf %add3A_97, %dot_general3A_95 : vector<2x10240xf32>
    %slice3A_99 = vector.extract_strided_slice %get3A_89 {offsets = [0, 64], sizes = [2, 64], strides = [1, 1]} : vector<2x192xf32> to vector<2x64xf32>
    %dot_general3A_100 = arith.constant dense<0.000000e+00> : vector<2x10240xf32>
    %dot_general3A_101 = tpu.matmul %slice3A_99, %get3A_38, %dot_general3A_100 {dimension_numbers = #tpu.dot_dimension_numbers<[1], [1], [0], [0], [0, 0, 1, 0], [], []>, transpose_lhs_hint = false} : vector<2x64xf32>, vector<10240x64xf32>, vector<2x10240xf32> -> vector<2x10240xf32>
    %add3A_102 = arith.addf %add3A_98, %dot_general3A_101 : vector<2x10240xf32>
    %slice3A_103 = vector.extract_strided_slice %get3A_89 {offsets = [0, 128], sizes = [2, 64], strides = [1, 1]} : vector<2x192xf32> to vector<2x64xf32>
    %dot_general3A_104 = arith.constant dense<0.000000e+00> : vector<2x10240xf32>
    %dot_general3A_105 = tpu.matmul %slice3A_103, %max3A_32, %dot_general3A_104 {dimension_numbers = #tpu.dot_dimension_numbers<[1], [1], [0], [0], [0, 0, 1, 0], [], []>, transpose_lhs_hint = false} : vector<2x64xf32>, vector<10240x64xf32>, vector<2x10240xf32> -> vector<2x10240xf32>
    %add3A_106 = arith.addf %add3A_102, %dot_general3A_105 : vector<2x10240xf32>
    %add3A_107 = arith.constant 9.99999996E-13 : f32
    %add3A_108 = vector.broadcast %add3A_107 : f32 to vector<2x1xf32>
    %add3A_109 = arith.addf %sqrt3A, %add3A_108 : vector<2x1xf32>
    %div3A_110 = vector.broadcast %add3A_109 : vector<2x1xf32> to vector<2x10240xf32>
    %div3A_111 = arith.divf %add3A_106, %div3A_110 : vector<2x10240xf32>
    %slice3A_112 = vector.extract_strided_slice %div3A_111 {offsets = [0, 0], sizes = [1, 10240], strides = [1, 1]} : vector<2x10240xf32> to vector<1x10240xf32>
    %get3A_113 = arith.constant 0 : index
    %get3A_114 = arith.constant 0 : index
    %get3A_115 = vector.load %arg14[%get3A_113, %get3A_114] : memref<192x128xf32, #tpu.memory_space<vmem>>, vector<192x128xf32>
    %get3A_116 = arith.constant 0 : index
    %get3A_117 = arith.constant 0 : index
    %get3A_118 = vector.load %arg15[%get3A_116, %get3A_117] : memref<1x128xf32, #tpu.memory_space<vmem>>, vector<1x128xf32>
    %get3A_119 = arith.constant 0 : index
    %get3A_120 = arith.constant 0 : index
    %get3A_121 = vector.load %arg16[%get3A_119, %get3A_120] : memref<128x64xf32, #tpu.memory_space<vmem>>, vector<128x64xf32>
    %get3A_122 = arith.constant 0 : index
    %get3A_123 = arith.constant 0 : index
    %get3A_124 = vector.load %arg17[%get3A_122, %get3A_123] : memref<1x64xf32, #tpu.memory_space<vmem>>, vector<1x64xf32>
    %eq3A_125 = arith.constant 0.000000e+00 : f32
    %eq3A_126 = vector.broadcast %eq3A_125 : f32 to vector<1x10240xf32>
    %eq3A_127 = arith.cmpf oeq, %slice3A_112, %eq3A_126 : vector<1x10240xf32>
    %jit3A_128 = arith.constant 0.000000e+00 : f32
    %broadcast_in_dim3A_129 = vector.broadcast %jit3A_128 : f32 to vector<1x10240xf32>
    %select_n3A_130 = arith.select %eq3A_127, %broadcast_in_dim3A_129, %slice3A_112 : vector<1x10240xi1>, vector<1x10240xf32>
    %bitcast_convert_type3A = tpu.bitcast %select_n3A_130 : vector<1x10240xf32> -> vector<1x10240xi32>
    %shift_right_logical3A = arith.constant 31 : i32
    %shift_right_logical3A_131 = vector.broadcast %shift_right_logical3A : i32 to vector<1x10240xi32>
    %shift_right_logical3A_132 = arith.shrui %bitcast_convert_type3A, %shift_right_logical3A_131 : vector<1x10240xi32>
    %eq3A_133 = arith.constant 1 : i32
    %eq3A_134 = vector.broadcast %eq3A_133 : i32 to vector<1x10240xi32>
    %eq3A_135 = arith.cmpi eq, %shift_right_logical3A_132, %eq3A_134 : vector<1x10240xi32>
    %not3A = arith.constant dense<-1> : vector<1x10240xi32>
    %not3A_136 = arith.xori %bitcast_convert_type3A, %not3A : vector<1x10240xi32>
    %or3A = arith.constant -2147483648 : i32
    %or3A_137 = vector.broadcast %or3A : i32 to vector<1x10240xi32>
    %or3A_138 = arith.ori %bitcast_convert_type3A, %or3A_137 : vector<1x10240xi32>
    %select_n3A_139 = arith.select %eq3A_135, %not3A_136, %or3A_138 : vector<1x10240xi1>, vector<1x10240xi32>
    %broadcast_in_dim3A_140 = arith.constant 0 : i32
    %broadcast_in_dim3A_141 = vector.broadcast %broadcast_in_dim3A_140 : i32 to vector<64x1xi32>
    %scan3A = arith.constant 0 : i32
    %scan3A_142 = arith.constant 32 : i32
    %scan3A_143 = arith.addi %scan3A, %scan3A_142 : i32
    %scan3A_144 = arith.constant 1 : i32
    %scan3A_145 = scf.for %scan3A_429 = %scan3A to %scan3A_143 step %scan3A_144 iter_args(%scan3A_430 = %broadcast_in_dim3A_141) -> (vector<64x1xi32>)  : i32 {
      %sub3A_431 = arith.constant 31 : i32
      %sub3A_432 = arith.subi %sub3A_431, %scan3A_429 : i32
      %shift_left3A = arith.constant 1 : i32
      %shift_left3A_433 = arith.shli %shift_left3A, %sub3A_432 : i32
      %or3A_434 = vector.broadcast %shift_left3A_433 : i32 to vector<64x1xi32>
      %or3A_435 = arith.ori %scan3A_430, %or3A_434 : vector<64x1xi32>
      %ge3A_436 = vector.broadcast %select_n3A_139 : vector<1x10240xi32> to vector<64x10240xi32>
      %ge3A_437 = vector.broadcast %or3A_435 : vector<64x1xi32> to vector<64x10240xi32>
      %ge3A_438 = arith.cmpi uge, %ge3A_436, %ge3A_437 : vector<64x10240xi32>
      %jit3A_439 = arith.constant 0.000000e+00 : f32
      %broadcast_in_dim3A_440 = vector.broadcast %jit3A_439 : f32 to vector<64x10240xf32>
      %select_n3A_441 = arith.select %ge3A_438, %select_n3A, %broadcast_in_dim3A_440 : vector<64x10240xi1>, vector<64x10240xf32>
      %reduce_sum3A_442 = arith.constant dense<0.000000e+00> : vector<64xf32>
      %reduce_sum3A_443 = vector.multi_reduction <add>, %select_n3A_441, %reduce_sum3A_442 [1] : vector<64x10240xf32> to vector<64xf32>
      %broadcast_in_dim3A_444 = vector.shape_cast %reduce_sum3A_443 : vector<64xf32> to vector<64x1xf32>
      %ge3A_445 = arith.cmpf oge, %broadcast_in_dim3A_444, %floor3A : vector<64x1xf32>
      %select_n3A_446 = arith.select %ge3A_445, %or3A_435, %scan3A_430 : vector<64x1xi1>, vector<64x1xi32>
      scf.yield %select_n3A_446 : vector<64x1xi32>
    }
    %scan3A_146 = arith.constant 32 : i32
    %gt3A = vector.broadcast %select_n3A_139 : vector<1x10240xi32> to vector<64x10240xi32>
    %gt3A_147 = vector.broadcast %scan3A_145 : vector<64x1xi32> to vector<64x10240xi32>
    %gt3A_148 = arith.cmpi ugt, %gt3A, %gt3A_147 : vector<64x10240xi32>
    %jit3A_149 = arith.constant 0.000000e+00 : f32
    %broadcast_in_dim3A_150 = vector.broadcast %jit3A_149 : f32 to vector<64x10240xf32>
    %select_n3A_151 = arith.select %gt3A_148, %select_n3A, %broadcast_in_dim3A_150 : vector<64x10240xi1>, vector<64x10240xf32>
    %eq3A_152 = vector.broadcast %select_n3A_139 : vector<1x10240xi32> to vector<64x10240xi32>
    %eq3A_153 = vector.broadcast %scan3A_145 : vector<64x1xi32> to vector<64x10240xi32>
    %eq3A_154 = arith.cmpi eq, %eq3A_152, %eq3A_153 : vector<64x10240xi32>
    %jit3A_155 = arith.constant 0.000000e+00 : f32
    %broadcast_in_dim3A_156 = vector.broadcast %jit3A_155 : f32 to vector<64x10240xf32>
    %select_n3A_157 = arith.select %eq3A_154, %select_n3A, %broadcast_in_dim3A_156 : vector<64x10240xi1>, vector<64x10240xf32>
    %reduce_sum3A_158 = arith.constant dense<0.000000e+00> : vector<64xf32>
    %reduce_sum3A_159 = vector.multi_reduction <add>, %select_n3A_151, %reduce_sum3A_158 [1] : vector<64x10240xf32> to vector<64xf32>
    %broadcast_in_dim3A_160 = vector.shape_cast %reduce_sum3A_159 : vector<64xf32> to vector<64x1xf32>
    %sub3A = arith.subf %floor3A, %broadcast_in_dim3A_160 : vector<64x1xf32>
    %iota3A_161 = tpu.iota {dimensions = array<i32: 1>} : vector<1x10240xi32>
    %sub3A_162 = arith.constant 10240 : i32
    %sub3A_163 = vector.broadcast %sub3A_162 : i32 to vector<1x10240xi32>
    %sub3A_164 = arith.subi %sub3A_163, %iota3A_161 : vector<1x10240xi32>
    %broadcast_in_dim3A_165 = arith.constant 0 : i32
    %broadcast_in_dim3A_166 = vector.broadcast %broadcast_in_dim3A_165 : i32 to vector<64x1xi32>
    %scan3A_167 = arith.constant 0 : i32
    %scan3A_168 = arith.constant 14 : i32
    %scan3A_169 = arith.addi %scan3A_167, %scan3A_168 : i32
    %scan3A_170 = arith.constant 1 : i32
    %scan3A_171 = scf.for %scan3A_429 = %scan3A_167 to %scan3A_169 step %scan3A_170 iter_args(%scan3A_430 = %broadcast_in_dim3A_166) -> (vector<64x1xi32>)  : i32 {
      %sub3A_431 = arith.constant 13 : i32
      %sub3A_432 = arith.subi %sub3A_431, %scan3A_429 : i32
      %shift_left3A = arith.constant 1 : i32
      %shift_left3A_433 = arith.shli %shift_left3A, %sub3A_432 : i32
      %or3A_434 = vector.broadcast %shift_left3A_433 : i32 to vector<64x1xi32>
      %or3A_435 = arith.ori %scan3A_430, %or3A_434 : vector<64x1xi32>
      %ge3A_436 = vector.broadcast %sub3A_164 : vector<1x10240xi32> to vector<64x10240xi32>
      %ge3A_437 = vector.broadcast %or3A_435 : vector<64x1xi32> to vector<64x10240xi32>
      %ge3A_438 = arith.cmpi uge, %ge3A_436, %ge3A_437 : vector<64x10240xi32>
      %jit3A_439 = arith.constant 0.000000e+00 : f32
      %broadcast_in_dim3A_440 = vector.broadcast %jit3A_439 : f32 to vector<64x10240xf32>
      %select_n3A_441 = arith.select %ge3A_438, %select_n3A_157, %broadcast_in_dim3A_440 : vector<64x10240xi1>, vector<64x10240xf32>
      %reduce_sum3A_442 = arith.constant dense<0.000000e+00> : vector<64xf32>
      %reduce_sum3A_443 = vector.multi_reduction <add>, %select_n3A_441, %reduce_sum3A_442 [1] : vector<64x10240xf32> to vector<64xf32>
      %broadcast_in_dim3A_444 = vector.shape_cast %reduce_sum3A_443 : vector<64xf32> to vector<64x1xf32>
      %ge3A_445 = arith.cmpf oge, %broadcast_in_dim3A_444, %sub3A : vector<64x1xf32>
      %select_n3A_446 = arith.select %ge3A_445, %or3A_435, %scan3A_430 : vector<64x1xi1>, vector<64x1xi32>
      scf.yield %select_n3A_446 : vector<64x1xi32>
    }
    %scan3A_172 = arith.constant 14 : i32
    %ge3A = vector.broadcast %sub3A_164 : vector<1x10240xi32> to vector<64x10240xi32>
    %ge3A_173 = vector.broadcast %scan3A_171 : vector<64x1xi32> to vector<64x10240xi32>
    %ge3A_174 = arith.cmpi uge, %ge3A, %ge3A_173 : vector<64x10240xi32>
    %jit3A_175 = arith.constant 0.000000e+00 : f32
    %broadcast_in_dim3A_176 = vector.broadcast %jit3A_175 : f32 to vector<64x10240xf32>
    %select_n3A_177 = arith.select %ge3A_174, %select_n3A_157, %broadcast_in_dim3A_176 : vector<64x10240xi1>, vector<64x10240xf32>
    %reduce_sum3A_178 = arith.constant dense<0.000000e+00> : vector<10240xf32>
    %reduce_sum3A_179 = vector.multi_reduction <add>, %select_n3A_151, %reduce_sum3A_178 [0] : vector<64x10240xf32> to vector<10240xf32>
    %broadcast_in_dim3A_180 = vector.shape_cast %reduce_sum3A_179 : vector<10240xf32> to vector<1x10240xf32>
    %reduce_sum3A_181 = arith.constant dense<0.000000e+00> : vector<10240xf32>
    %reduce_sum3A_182 = vector.multi_reduction <add>, %select_n3A_177, %reduce_sum3A_181 [0] : vector<64x10240xf32> to vector<10240xf32>
    %broadcast_in_dim3A_183 = vector.shape_cast %reduce_sum3A_182 : vector<10240xf32> to vector<1x10240xf32>
    %add3A_184 = arith.addf %broadcast_in_dim3A_180, %broadcast_in_dim3A_183 : vector<1x10240xf32>
    %tanh3A = math.tanh %slice3A_112 : vector<1x10240xf32>
    %mul3A_185 = arith.mulf %add3A_184, %tanh3A : vector<1x10240xf32>
    %mul3A_186 = vector.broadcast %mul3A_185 : vector<1x10240xf32> to vector<64x10240xf32>
    %mul3A_187 = arith.mulf %select_n3A, %mul3A_186 : vector<64x10240xf32>
    %dot_general3A_188 = arith.constant dense<0.000000e+00> : vector<64x64xf32>
    %dot_general3A_189 = tpu.matmul %mul3A_187, %get3A_35, %dot_general3A_188 {dimension_numbers = #tpu.dot_dimension_numbers<[1], [0], [0], [1], [0, 0, 1, 1], [], []>, transpose_lhs_hint = false} : vector<64x10240xf32>, vector<10240x64xf32>, vector<64x64xf32> -> vector<64x64xf32>
    %dot_general3A_190 = arith.constant dense<0.000000e+00> : vector<64x64xf32>
    %dot_general3A_191 = tpu.matmul %mul3A_187, %get3A_38, %dot_general3A_190 {dimension_numbers = #tpu.dot_dimension_numbers<[1], [0], [0], [1], [0, 0, 1, 1], [], []>, transpose_lhs_hint = false} : vector<64x10240xf32>, vector<10240x64xf32>, vector<64x64xf32> -> vector<64x64xf32>
    %dot_general3A_192 = arith.constant dense<0.000000e+00> : vector<64x64xf32>
    %dot_general3A_193 = tpu.matmul %mul3A_187, %max3A_32, %dot_general3A_192 {dimension_numbers = #tpu.dot_dimension_numbers<[1], [0], [0], [1], [0, 0, 1, 1], [], []>, transpose_lhs_hint = false} : vector<64x10240xf32>, vector<10240x64xf32>, vector<64x64xf32> -> vector<64x64xf32>
    %concatenate3A_194 = tpu.concatenate %dot_general3A_189, %dot_general3A_191, %dot_general3A_193 in 1 : vector<64x64xf32>, vector<64x64xf32>, vector<64x64xf32> -> vector<64x192xf32>
    %div3A_195 = vector.broadcast %max3A_57 : vector<64x1xf32> to vector<64x192xf32>
    %div3A_196 = arith.divf %concatenate3A_194, %div3A_195 : vector<64x192xf32>
    %dot_general3A_197 = arith.constant dense<0.000000e+00> : vector<64x128xf32>
    %dot_general3A_198 = tpu.matmul %div3A_196, %get3A_115, %dot_general3A_197 {dimension_numbers = #tpu.dot_dimension_numbers<[1], [0], [0], [1], [0, 0, 1, 1], [], []>, transpose_lhs_hint = false} : vector<64x192xf32>, vector<192x128xf32>, vector<64x128xf32> -> vector<64x128xf32>
    %add3A_199 = vector.broadcast %get3A_118 : vector<1x128xf32> to vector<64x128xf32>
    %add3A_200 = arith.addf %dot_general3A_198, %add3A_199 : vector<64x128xf32>
    %max3A_201 = arith.constant 0.000000e+00 : f32
    %max3A_202 = vector.broadcast %max3A_201 : f32 to vector<64x128xf32>
    %max3A_203 = arith.maximumf %add3A_200, %max3A_202 : vector<64x128xf32>
    %dot_general3A_204 = arith.constant dense<0.000000e+00> : vector<64x64xf32>
    %dot_general3A_205 = tpu.matmul %max3A_203, %get3A_121, %dot_general3A_204 {dimension_numbers = #tpu.dot_dimension_numbers<[1], [0], [0], [1], [0, 0, 1, 1], [], []>, transpose_lhs_hint = false} : vector<64x128xf32>, vector<128x64xf32>, vector<64x64xf32> -> vector<64x64xf32>
    %add3A_206 = vector.broadcast %get3A_124 : vector<1x64xf32> to vector<64x64xf32>
    %add3A_207 = arith.addf %dot_general3A_205, %add3A_206 : vector<64x64xf32>
    %slice3A_208 = vector.extract_strided_slice %div3A_111 {offsets = [1, 0], sizes = [1, 10240], strides = [1, 1]} : vector<2x10240xf32> to vector<1x10240xf32>
    %get3A_209 = arith.constant 0 : index
    %get3A_210 = arith.constant 0 : index
    %get3A_211 = vector.load %arg18[%get3A_209, %get3A_210] : memref<192x128xf32, #tpu.memory_space<vmem>>, vector<192x128xf32>
    %get3A_212 = arith.constant 0 : index
    %get3A_213 = arith.constant 0 : index
    %get3A_214 = vector.load %arg19[%get3A_212, %get3A_213] : memref<1x128xf32, #tpu.memory_space<vmem>>, vector<1x128xf32>
    %get3A_215 = arith.constant 0 : index
    %get3A_216 = arith.constant 0 : index
    %get3A_217 = vector.load %arg20[%get3A_215, %get3A_216] : memref<128x64xf32, #tpu.memory_space<vmem>>, vector<128x64xf32>
    %get3A_218 = arith.constant 0 : index
    %get3A_219 = arith.constant 0 : index
    %get3A_220 = vector.load %arg21[%get3A_218, %get3A_219] : memref<1x64xf32, #tpu.memory_space<vmem>>, vector<1x64xf32>
    %eq3A_221 = arith.constant 0.000000e+00 : f32
    %eq3A_222 = vector.broadcast %eq3A_221 : f32 to vector<1x10240xf32>
    %eq3A_223 = arith.cmpf oeq, %slice3A_208, %eq3A_222 : vector<1x10240xf32>
    %jit3A_224 = arith.constant 0.000000e+00 : f32
    %broadcast_in_dim3A_225 = vector.broadcast %jit3A_224 : f32 to vector<1x10240xf32>
    %select_n3A_226 = arith.select %eq3A_223, %broadcast_in_dim3A_225, %slice3A_208 : vector<1x10240xi1>, vector<1x10240xf32>
    %bitcast_convert_type3A_227 = tpu.bitcast %select_n3A_226 : vector<1x10240xf32> -> vector<1x10240xi32>
    %shift_right_logical3A_228 = arith.constant 31 : i32
    %shift_right_logical3A_229 = vector.broadcast %shift_right_logical3A_228 : i32 to vector<1x10240xi32>
    %shift_right_logical3A_230 = arith.shrui %bitcast_convert_type3A_227, %shift_right_logical3A_229 : vector<1x10240xi32>
    %eq3A_231 = arith.constant 1 : i32
    %eq3A_232 = vector.broadcast %eq3A_231 : i32 to vector<1x10240xi32>
    %eq3A_233 = arith.cmpi eq, %shift_right_logical3A_230, %eq3A_232 : vector<1x10240xi32>
    %not3A_234 = arith.constant dense<-1> : vector<1x10240xi32>
    %not3A_235 = arith.xori %bitcast_convert_type3A_227, %not3A_234 : vector<1x10240xi32>
    %or3A_236 = arith.constant -2147483648 : i32
    %or3A_237 = vector.broadcast %or3A_236 : i32 to vector<1x10240xi32>
    %or3A_238 = arith.ori %bitcast_convert_type3A_227, %or3A_237 : vector<1x10240xi32>
    %select_n3A_239 = arith.select %eq3A_233, %not3A_235, %or3A_238 : vector<1x10240xi1>, vector<1x10240xi32>
    %broadcast_in_dim3A_240 = arith.constant 0 : i32
    %broadcast_in_dim3A_241 = vector.broadcast %broadcast_in_dim3A_240 : i32 to vector<64x1xi32>
    %scan3A_242 = arith.constant 0 : i32
    %scan3A_243 = arith.constant 32 : i32
    %scan3A_244 = arith.addi %scan3A_242, %scan3A_243 : i32
    %scan3A_245 = arith.constant 1 : i32
    %scan3A_246 = scf.for %scan3A_429 = %scan3A_242 to %scan3A_244 step %scan3A_245 iter_args(%scan3A_430 = %broadcast_in_dim3A_241) -> (vector<64x1xi32>)  : i32 {
      %sub3A_431 = arith.constant 31 : i32
      %sub3A_432 = arith.subi %sub3A_431, %scan3A_429 : i32
      %shift_left3A = arith.constant 1 : i32
      %shift_left3A_433 = arith.shli %shift_left3A, %sub3A_432 : i32
      %or3A_434 = vector.broadcast %shift_left3A_433 : i32 to vector<64x1xi32>
      %or3A_435 = arith.ori %scan3A_430, %or3A_434 : vector<64x1xi32>
      %ge3A_436 = vector.broadcast %select_n3A_239 : vector<1x10240xi32> to vector<64x10240xi32>
      %ge3A_437 = vector.broadcast %or3A_435 : vector<64x1xi32> to vector<64x10240xi32>
      %ge3A_438 = arith.cmpi uge, %ge3A_436, %ge3A_437 : vector<64x10240xi32>
      %jit3A_439 = arith.constant 0.000000e+00 : f32
      %broadcast_in_dim3A_440 = vector.broadcast %jit3A_439 : f32 to vector<64x10240xf32>
      %select_n3A_441 = arith.select %ge3A_438, %select_n3A, %broadcast_in_dim3A_440 : vector<64x10240xi1>, vector<64x10240xf32>
      %reduce_sum3A_442 = arith.constant dense<0.000000e+00> : vector<64xf32>
      %reduce_sum3A_443 = vector.multi_reduction <add>, %select_n3A_441, %reduce_sum3A_442 [1] : vector<64x10240xf32> to vector<64xf32>
      %broadcast_in_dim3A_444 = vector.shape_cast %reduce_sum3A_443 : vector<64xf32> to vector<64x1xf32>
      %ge3A_445 = arith.cmpf oge, %broadcast_in_dim3A_444, %floor3A : vector<64x1xf32>
      %select_n3A_446 = arith.select %ge3A_445, %or3A_435, %scan3A_430 : vector<64x1xi1>, vector<64x1xi32>
      scf.yield %select_n3A_446 : vector<64x1xi32>
    }
    %scan3A_247 = arith.constant 32 : i32
    %gt3A_248 = vector.broadcast %select_n3A_239 : vector<1x10240xi32> to vector<64x10240xi32>
    %gt3A_249 = vector.broadcast %scan3A_246 : vector<64x1xi32> to vector<64x10240xi32>
    %gt3A_250 = arith.cmpi ugt, %gt3A_248, %gt3A_249 : vector<64x10240xi32>
    %jit3A_251 = arith.constant 0.000000e+00 : f32
    %broadcast_in_dim3A_252 = vector.broadcast %jit3A_251 : f32 to vector<64x10240xf32>
    %select_n3A_253 = arith.select %gt3A_250, %select_n3A, %broadcast_in_dim3A_252 : vector<64x10240xi1>, vector<64x10240xf32>
    %eq3A_254 = vector.broadcast %select_n3A_239 : vector<1x10240xi32> to vector<64x10240xi32>
    %eq3A_255 = vector.broadcast %scan3A_246 : vector<64x1xi32> to vector<64x10240xi32>
    %eq3A_256 = arith.cmpi eq, %eq3A_254, %eq3A_255 : vector<64x10240xi32>
    %jit3A_257 = arith.constant 0.000000e+00 : f32
    %broadcast_in_dim3A_258 = vector.broadcast %jit3A_257 : f32 to vector<64x10240xf32>
    %select_n3A_259 = arith.select %eq3A_256, %select_n3A, %broadcast_in_dim3A_258 : vector<64x10240xi1>, vector<64x10240xf32>
    %reduce_sum3A_260 = arith.constant dense<0.000000e+00> : vector<64xf32>
    %reduce_sum3A_261 = vector.multi_reduction <add>, %select_n3A_253, %reduce_sum3A_260 [1] : vector<64x10240xf32> to vector<64xf32>
    %broadcast_in_dim3A_262 = vector.shape_cast %reduce_sum3A_261 : vector<64xf32> to vector<64x1xf32>
    %sub3A_263 = arith.subf %floor3A, %broadcast_in_dim3A_262 : vector<64x1xf32>
    %iota3A_264 = tpu.iota {dimensions = array<i32: 1>} : vector<1x10240xi32>
    %sub3A_265 = arith.constant 10240 : i32
    %sub3A_266 = vector.broadcast %sub3A_265 : i32 to vector<1x10240xi32>
    %sub3A_267 = arith.subi %sub3A_266, %iota3A_264 : vector<1x10240xi32>
    %broadcast_in_dim3A_268 = arith.constant 0 : i32
    %broadcast_in_dim3A_269 = vector.broadcast %broadcast_in_dim3A_268 : i32 to vector<64x1xi32>
    %scan3A_270 = arith.constant 0 : i32
    %scan3A_271 = arith.constant 14 : i32
    %scan3A_272 = arith.addi %scan3A_270, %scan3A_271 : i32
    %scan3A_273 = arith.constant 1 : i32
    %scan3A_274 = scf.for %scan3A_429 = %scan3A_270 to %scan3A_272 step %scan3A_273 iter_args(%scan3A_430 = %broadcast_in_dim3A_269) -> (vector<64x1xi32>)  : i32 {
      %sub3A_431 = arith.constant 13 : i32
      %sub3A_432 = arith.subi %sub3A_431, %scan3A_429 : i32
      %shift_left3A = arith.constant 1 : i32
      %shift_left3A_433 = arith.shli %shift_left3A, %sub3A_432 : i32
      %or3A_434 = vector.broadcast %shift_left3A_433 : i32 to vector<64x1xi32>
      %or3A_435 = arith.ori %scan3A_430, %or3A_434 : vector<64x1xi32>
      %ge3A_436 = vector.broadcast %sub3A_267 : vector<1x10240xi32> to vector<64x10240xi32>
      %ge3A_437 = vector.broadcast %or3A_435 : vector<64x1xi32> to vector<64x10240xi32>
      %ge3A_438 = arith.cmpi uge, %ge3A_436, %ge3A_437 : vector<64x10240xi32>
      %jit3A_439 = arith.constant 0.000000e+00 : f32
      %broadcast_in_dim3A_440 = vector.broadcast %jit3A_439 : f32 to vector<64x10240xf32>
      %select_n3A_441 = arith.select %ge3A_438, %select_n3A_259, %broadcast_in_dim3A_440 : vector<64x10240xi1>, vector<64x10240xf32>
      %reduce_sum3A_442 = arith.constant dense<0.000000e+00> : vector<64xf32>
      %reduce_sum3A_443 = vector.multi_reduction <add>, %select_n3A_441, %reduce_sum3A_442 [1] : vector<64x10240xf32> to vector<64xf32>
      %broadcast_in_dim3A_444 = vector.shape_cast %reduce_sum3A_443 : vector<64xf32> to vector<64x1xf32>
      %ge3A_445 = arith.cmpf oge, %broadcast_in_dim3A_444, %sub3A_263 : vector<64x1xf32>
      %select_n3A_446 = arith.select %ge3A_445, %or3A_435, %scan3A_430 : vector<64x1xi1>, vector<64x1xi32>
      scf.yield %select_n3A_446 : vector<64x1xi32>
    }
    %scan3A_275 = arith.constant 14 : i32
    %ge3A_276 = vector.broadcast %sub3A_267 : vector<1x10240xi32> to vector<64x10240xi32>
    %ge3A_277 = vector.broadcast %scan3A_274 : vector<64x1xi32> to vector<64x10240xi32>
    %ge3A_278 = arith.cmpi uge, %ge3A_276, %ge3A_277 : vector<64x10240xi32>
    %jit3A_279 = arith.constant 0.000000e+00 : f32
    %broadcast_in_dim3A_280 = vector.broadcast %jit3A_279 : f32 to vector<64x10240xf32>
    %select_n3A_281 = arith.select %ge3A_278, %select_n3A_259, %broadcast_in_dim3A_280 : vector<64x10240xi1>, vector<64x10240xf32>
    %reduce_sum3A_282 = arith.constant dense<0.000000e+00> : vector<10240xf32>
    %reduce_sum3A_283 = vector.multi_reduction <add>, %select_n3A_253, %reduce_sum3A_282 [0] : vector<64x10240xf32> to vector<10240xf32>
    %broadcast_in_dim3A_284 = vector.shape_cast %reduce_sum3A_283 : vector<10240xf32> to vector<1x10240xf32>
    %reduce_sum3A_285 = arith.constant dense<0.000000e+00> : vector<10240xf32>
    %reduce_sum3A_286 = vector.multi_reduction <add>, %select_n3A_281, %reduce_sum3A_285 [0] : vector<64x10240xf32> to vector<10240xf32>
    %broadcast_in_dim3A_287 = vector.shape_cast %reduce_sum3A_286 : vector<10240xf32> to vector<1x10240xf32>
    %add3A_288 = arith.addf %broadcast_in_dim3A_284, %broadcast_in_dim3A_287 : vector<1x10240xf32>
    %tanh3A_289 = math.tanh %slice3A_208 : vector<1x10240xf32>
    %mul3A_290 = arith.mulf %add3A_288, %tanh3A_289 : vector<1x10240xf32>
    %mul3A_291 = vector.broadcast %mul3A_290 : vector<1x10240xf32> to vector<64x10240xf32>
    %mul3A_292 = arith.mulf %select_n3A, %mul3A_291 : vector<64x10240xf32>
    %dot_general3A_293 = arith.constant dense<0.000000e+00> : vector<64x64xf32>
    %dot_general3A_294 = tpu.matmul %mul3A_292, %get3A_35, %dot_general3A_293 {dimension_numbers = #tpu.dot_dimension_numbers<[1], [0], [0], [1], [0, 0, 1, 1], [], []>, transpose_lhs_hint = false} : vector<64x10240xf32>, vector<10240x64xf32>, vector<64x64xf32> -> vector<64x64xf32>
    %dot_general3A_295 = arith.constant dense<0.000000e+00> : vector<64x64xf32>
    %dot_general3A_296 = tpu.matmul %mul3A_292, %get3A_38, %dot_general3A_295 {dimension_numbers = #tpu.dot_dimension_numbers<[1], [0], [0], [1], [0, 0, 1, 1], [], []>, transpose_lhs_hint = false} : vector<64x10240xf32>, vector<10240x64xf32>, vector<64x64xf32> -> vector<64x64xf32>
    %dot_general3A_297 = arith.constant dense<0.000000e+00> : vector<64x64xf32>
    %dot_general3A_298 = tpu.matmul %mul3A_292, %max3A_32, %dot_general3A_297 {dimension_numbers = #tpu.dot_dimension_numbers<[1], [0], [0], [1], [0, 0, 1, 1], [], []>, transpose_lhs_hint = false} : vector<64x10240xf32>, vector<10240x64xf32>, vector<64x64xf32> -> vector<64x64xf32>
    %concatenate3A_299 = tpu.concatenate %dot_general3A_294, %dot_general3A_296, %dot_general3A_298 in 1 : vector<64x64xf32>, vector<64x64xf32>, vector<64x64xf32> -> vector<64x192xf32>
    %div3A_300 = vector.broadcast %max3A_57 : vector<64x1xf32> to vector<64x192xf32>
    %div3A_301 = arith.divf %concatenate3A_299, %div3A_300 : vector<64x192xf32>
    %dot_general3A_302 = arith.constant dense<0.000000e+00> : vector<64x128xf32>
    %dot_general3A_303 = tpu.matmul %div3A_301, %get3A_211, %dot_general3A_302 {dimension_numbers = #tpu.dot_dimension_numbers<[1], [0], [0], [1], [0, 0, 1, 1], [], []>, transpose_lhs_hint = false} : vector<64x192xf32>, vector<192x128xf32>, vector<64x128xf32> -> vector<64x128xf32>
    %add3A_304 = vector.broadcast %get3A_214 : vector<1x128xf32> to vector<64x128xf32>
    %add3A_305 = arith.addf %dot_general3A_303, %add3A_304 : vector<64x128xf32>
    %max3A_306 = arith.constant 0.000000e+00 : f32
    %max3A_307 = vector.broadcast %max3A_306 : f32 to vector<64x128xf32>
    %max3A_308 = arith.maximumf %add3A_305, %max3A_307 : vector<64x128xf32>
    %dot_general3A_309 = arith.constant dense<0.000000e+00> : vector<64x64xf32>
    %dot_general3A_310 = tpu.matmul %max3A_308, %get3A_217, %dot_general3A_309 {dimension_numbers = #tpu.dot_dimension_numbers<[1], [0], [0], [1], [0, 0, 1, 1], [], []>, transpose_lhs_hint = false} : vector<64x128xf32>, vector<128x64xf32>, vector<64x64xf32> -> vector<64x64xf32>
    %add3A_311 = vector.broadcast %get3A_220 : vector<1x64xf32> to vector<64x64xf32>
    %add3A_312 = arith.addf %dot_general3A_310, %add3A_311 : vector<64x64xf32>
    %mul3A_313 = arith.mulf %add3A_86, %add3A_86 : vector<64x64xf32>
    %reduce_sum3A_314 = arith.constant dense<0.000000e+00> : vector<64xf32>
    %reduce_sum3A_315 = vector.multi_reduction <add>, %mul3A_313, %reduce_sum3A_314 [1] : vector<64x64xf32> to vector<64xf32>
    %broadcast_in_dim3A_316 = vector.shape_cast %reduce_sum3A_315 : vector<64xf32> to vector<64x1xf32>
    %sqrt3A_317 = math.sqrt %broadcast_in_dim3A_316 : vector<64x1xf32>
    %add3A_318 = arith.constant 9.99999993E-9 : f32
    %add3A_319 = vector.broadcast %add3A_318 : f32 to vector<64x1xf32>
    %add3A_320 = arith.addf %sqrt3A_317, %add3A_319 : vector<64x1xf32>
    %div3A_321 = vector.broadcast %add3A_320 : vector<64x1xf32> to vector<64x64xf32>
    %div3A_322 = arith.divf %add3A_86, %div3A_321 : vector<64x64xf32>
    %mul3A_323 = arith.mulf %add3A_207, %add3A_207 : vector<64x64xf32>
    %reduce_sum3A_324 = arith.constant dense<0.000000e+00> : vector<64xf32>
    %reduce_sum3A_325 = vector.multi_reduction <add>, %mul3A_323, %reduce_sum3A_324 [1] : vector<64x64xf32> to vector<64xf32>
    %broadcast_in_dim3A_326 = vector.shape_cast %reduce_sum3A_325 : vector<64xf32> to vector<64x1xf32>
    %sqrt3A_327 = math.sqrt %broadcast_in_dim3A_326 : vector<64x1xf32>
    %add3A_328 = arith.constant 9.99999993E-9 : f32
    %add3A_329 = vector.broadcast %add3A_328 : f32 to vector<64x1xf32>
    %add3A_330 = arith.addf %sqrt3A_327, %add3A_329 : vector<64x1xf32>
    %div3A_331 = vector.broadcast %add3A_330 : vector<64x1xf32> to vector<64x64xf32>
    %div3A_332 = arith.divf %add3A_207, %div3A_331 : vector<64x64xf32>
    %dot_general3A_333 = arith.constant dense<0.000000e+00> : vector<64x64xf32>
    %dot_general3A_334 = tpu.matmul %div3A_322, %div3A_332, %dot_general3A_333 {dimension_numbers = #tpu.dot_dimension_numbers<[1], [1], [0], [0], [0, 0, 1, 0], [], []>, transpose_lhs_hint = false} : vector<64x64xf32>, vector<64x64xf32>, vector<64x64xf32> -> vector<64x64xf32>
    %div3A_335 = arith.constant 5.000000e-01 : f32
    %div3A_336 = vector.broadcast %div3A_335 : f32 to vector<64x64xf32>
    %div3A_337 = arith.divf %dot_general3A_334, %div3A_336 : vector<64x64xf32>
    %reduce_max3A = arith.constant dense<0xFF800000> : vector<64xf32>
    %reduce_max3A_338 = vector.multi_reduction <maximumf>, %div3A_337, %reduce_max3A [1] : vector<64x64xf32> to vector<64xf32>
    %broadcast_in_dim3A_339 = vector.shape_cast %reduce_max3A_338 : vector<64xf32> to vector<64x1xf32>
    %sub3A_340 = vector.broadcast %broadcast_in_dim3A_339 : vector<64x1xf32> to vector<64x64xf32>
    %sub3A_341 = arith.subf %div3A_337, %sub3A_340 : vector<64x64xf32>
    %sub3A_342 = vector.broadcast %broadcast_in_dim3A_339 : vector<64x1xf32> to vector<64x64xf32>
    %sub3A_343 = arith.subf %div3A_337, %sub3A_342 : vector<64x64xf32>
    %exp3A = math.exp %sub3A_343 : vector<64x64xf32>
    %reduce_sum3A_344 = arith.constant dense<0.000000e+00> : vector<64xf32>
    %reduce_sum3A_345 = vector.multi_reduction <add>, %exp3A, %reduce_sum3A_344 [1] : vector<64x64xf32> to vector<64xf32>
    %broadcast_in_dim3A_346 = vector.shape_cast %reduce_sum3A_345 : vector<64xf32> to vector<64x1xf32>
    %log3A = math.log %broadcast_in_dim3A_346 : vector<64x1xf32>
    %sub3A_347 = vector.broadcast %log3A : vector<64x1xf32> to vector<64x64xf32>
    %sub3A_348 = arith.subf %sub3A_341, %sub3A_347 : vector<64x64xf32>
    %iota3A_349 = tpu.iota {dimensions = array<i32: 0>} : vector<64x64xi32>
    %iota3A_350 = tpu.iota {dimensions = array<i32: 1>} : vector<64x64xi32>
    %eq3A_351 = arith.cmpi eq, %iota3A_349, %iota3A_350 : vector<64x64xi32>
    %jit3A_352 = arith.constant 0.000000e+00 : f32
    %broadcast_in_dim3A_353 = vector.broadcast %jit3A_352 : f32 to vector<64x64xf32>
    %select_n3A_354 = arith.select %eq3A_351, %sub3A_348, %broadcast_in_dim3A_353 : vector<64x64xi1>, vector<64x64xf32>
    %reduce_sum3A_355 = vector.shape_cast %select_n3A_354 : vector<64x64xf32> to vector<1x64x64xf32>
    %reduce_sum3A_356 = arith.constant dense<0.000000e+00> : vector<1xf32>
    %reduce_sum3A_357 = vector.multi_reduction <add>, %reduce_sum3A_355, %reduce_sum3A_356 [1, 2] : vector<1x64x64xf32> to vector<1xf32>
    %reduce_sum3A_358 = vector.shape_cast %reduce_sum3A_357 : vector<1xf32> to vector<1x1x1xf32>
    %reduce_sum3A_359 = vector.extract %reduce_sum3A_358[0, 0, 0] : f32 from vector<1x1x1xf32>
    %broadcast_in_dim3A_360 = vector.broadcast %reduce_sum3A_359 : f32 to vector<1x1xf32>
    %div3A_361 = arith.constant 6.400000e+01 : f32
    %div3A_362 = vector.broadcast %div3A_361 : f32 to vector<1x1xf32>
    %div3A_363 = arith.divf %broadcast_in_dim3A_360, %div3A_362 : vector<1x1xf32>
    %neg3A = arith.constant 0.000000e+00 : f32
    %neg3A_364 = vector.broadcast %neg3A : f32 to vector<1x1xf32>
    %neg3A_365 = arith.subf %neg3A_364, %div3A_363 : vector<1x1xf32>
    %mul3A_366 = arith.mulf %add3A_86, %add3A_86 : vector<64x64xf32>
    %reduce_sum3A_367 = arith.constant dense<0.000000e+00> : vector<64xf32>
    %reduce_sum3A_368 = vector.multi_reduction <add>, %mul3A_366, %reduce_sum3A_367 [1] : vector<64x64xf32> to vector<64xf32>
    %broadcast_in_dim3A_369 = vector.shape_cast %reduce_sum3A_368 : vector<64xf32> to vector<64x1xf32>
    %sqrt3A_370 = math.sqrt %broadcast_in_dim3A_369 : vector<64x1xf32>
    %add3A_371 = arith.constant 9.99999993E-9 : f32
    %add3A_372 = vector.broadcast %add3A_371 : f32 to vector<64x1xf32>
    %add3A_373 = arith.addf %sqrt3A_370, %add3A_372 : vector<64x1xf32>
    %div3A_374 = vector.broadcast %add3A_373 : vector<64x1xf32> to vector<64x64xf32>
    %div3A_375 = arith.divf %add3A_86, %div3A_374 : vector<64x64xf32>
    %mul3A_376 = arith.mulf %add3A_312, %add3A_312 : vector<64x64xf32>
    %reduce_sum3A_377 = arith.constant dense<0.000000e+00> : vector<64xf32>
    %reduce_sum3A_378 = vector.multi_reduction <add>, %mul3A_376, %reduce_sum3A_377 [1] : vector<64x64xf32> to vector<64xf32>
    %broadcast_in_dim3A_379 = vector.shape_cast %reduce_sum3A_378 : vector<64xf32> to vector<64x1xf32>
    %sqrt3A_380 = math.sqrt %broadcast_in_dim3A_379 : vector<64x1xf32>
    %add3A_381 = arith.constant 9.99999993E-9 : f32
    %add3A_382 = vector.broadcast %add3A_381 : f32 to vector<64x1xf32>
    %add3A_383 = arith.addf %sqrt3A_380, %add3A_382 : vector<64x1xf32>
    %div3A_384 = vector.broadcast %add3A_383 : vector<64x1xf32> to vector<64x64xf32>
    %div3A_385 = arith.divf %add3A_312, %div3A_384 : vector<64x64xf32>
    %dot_general3A_386 = arith.constant dense<0.000000e+00> : vector<64x64xf32>
    %dot_general3A_387 = tpu.matmul %div3A_375, %div3A_385, %dot_general3A_386 {dimension_numbers = #tpu.dot_dimension_numbers<[1], [1], [0], [0], [0, 0, 1, 0], [], []>, transpose_lhs_hint = false} : vector<64x64xf32>, vector<64x64xf32>, vector<64x64xf32> -> vector<64x64xf32>
    %div3A_388 = arith.constant 5.000000e-01 : f32
    %div3A_389 = vector.broadcast %div3A_388 : f32 to vector<64x64xf32>
    %div3A_390 = arith.divf %dot_general3A_387, %div3A_389 : vector<64x64xf32>
    %reduce_max3A_391 = arith.constant dense<0xFF800000> : vector<64xf32>
    %reduce_max3A_392 = vector.multi_reduction <maximumf>, %div3A_390, %reduce_max3A_391 [1] : vector<64x64xf32> to vector<64xf32>
    %broadcast_in_dim3A_393 = vector.shape_cast %reduce_max3A_392 : vector<64xf32> to vector<64x1xf32>
    %sub3A_394 = vector.broadcast %broadcast_in_dim3A_393 : vector<64x1xf32> to vector<64x64xf32>
    %sub3A_395 = arith.subf %div3A_390, %sub3A_394 : vector<64x64xf32>
    %sub3A_396 = vector.broadcast %broadcast_in_dim3A_393 : vector<64x1xf32> to vector<64x64xf32>
    %sub3A_397 = arith.subf %div3A_390, %sub3A_396 : vector<64x64xf32>
    %exp3A_398 = math.exp %sub3A_397 : vector<64x64xf32>
    %reduce_sum3A_399 = arith.constant dense<0.000000e+00> : vector<64xf32>
    %reduce_sum3A_400 = vector.multi_reduction <add>, %exp3A_398, %reduce_sum3A_399 [1] : vector<64x64xf32> to vector<64xf32>
    %broadcast_in_dim3A_401 = vector.shape_cast %reduce_sum3A_400 : vector<64xf32> to vector<64x1xf32>
    %log3A_402 = math.log %broadcast_in_dim3A_401 : vector<64x1xf32>
    %sub3A_403 = vector.broadcast %log3A_402 : vector<64x1xf32> to vector<64x64xf32>
    %sub3A_404 = arith.subf %sub3A_395, %sub3A_403 : vector<64x64xf32>
    %iota3A_405 = tpu.iota {dimensions = array<i32: 0>} : vector<64x64xi32>
    %iota3A_406 = tpu.iota {dimensions = array<i32: 1>} : vector<64x64xi32>
    %eq3A_407 = arith.cmpi eq, %iota3A_405, %iota3A_406 : vector<64x64xi32>
    %jit3A_408 = arith.constant 0.000000e+00 : f32
    %broadcast_in_dim3A_409 = vector.broadcast %jit3A_408 : f32 to vector<64x64xf32>
    %select_n3A_410 = arith.select %eq3A_407, %sub3A_404, %broadcast_in_dim3A_409 : vector<64x64xi1>, vector<64x64xf32>
    %reduce_sum3A_411 = vector.shape_cast %select_n3A_410 : vector<64x64xf32> to vector<1x64x64xf32>
    %reduce_sum3A_412 = arith.constant dense<0.000000e+00> : vector<1xf32>
    %reduce_sum3A_413 = vector.multi_reduction <add>, %reduce_sum3A_411, %reduce_sum3A_412 [1, 2] : vector<1x64x64xf32> to vector<1xf32>
    %reduce_sum3A_414 = vector.shape_cast %reduce_sum3A_413 : vector<1xf32> to vector<1x1x1xf32>
    %reduce_sum3A_415 = vector.extract %reduce_sum3A_414[0, 0, 0] : f32 from vector<1x1x1xf32>
    %broadcast_in_dim3A_416 = vector.broadcast %reduce_sum3A_415 : f32 to vector<1x1xf32>
    %div3A_417 = arith.constant 6.400000e+01 : f32
    %div3A_418 = vector.broadcast %div3A_417 : f32 to vector<1x1xf32>
    %div3A_419 = arith.divf %broadcast_in_dim3A_416, %div3A_418 : vector<1x1xf32>
    %neg3A_420 = arith.constant 0.000000e+00 : f32
    %neg3A_421 = vector.broadcast %neg3A_420 : f32 to vector<1x1xf32>
    %neg3A_422 = arith.subf %neg3A_421, %div3A_419 : vector<1x1xf32>
    %add3A_423 = arith.addf %neg3A_365, %neg3A_422 : vector<1x1xf32>
    %mul3A_424 = arith.constant 8.000000e-01 : f32
    %mul3A_425 = vector.broadcast %mul3A_424 : f32 to vector<1x1xf32>
    %mul3A_426 = arith.mulf %mul3A_425, %add3A_423 : vector<1x1xf32>
    %swap3A = arith.constant 0 : index
    %swap3A_427 = arith.constant 0 : index
    %swap3A_428 = vector.load %arg22[%swap3A, %swap3A_427] : memref<1x1xf32, #tpu.memory_space<vmem>>, vector<1x1xf32>
    tpu.vector_store %arg22[%swap3A, %swap3A_427], %mul3A_426 {strides = array<i32>} : memref<1x1xf32, #tpu.memory_space<vmem>>, vector<1x1xf32>,
    return
  }
}

</mosaic_0001>

<sc_bundles>
// kernel: kernel.12.cloned.1.call-start
scs
__scs_entry_jumppad:
0x0: {  	(pc) =	sbr.rel $0x88, $3  }
0x1: {  	(tag) =	ssettag $0x0;
	lr =	simm.s32 $0x1  }
0x2: {  	[smem:$0x3F81] =	sst lr;
	_ =	strace $0xD0000000  }
0x3: {  	_ = 	snop  }
0x4: {  	_ = 	snop  }
0x5: {  	_ = 	snop  }
0x6: {  	_ = 	snop  }
0x7: {  	_ = 	snop  }
__scs_overlays_trampoline_lowered:
0x8: {  	[smem:$0x3F90] =	sst s0  }
0x9: {  	[smem:$0x3F91] =	sst s1  }
0xa: {  	[smem:$0x3F92] =	sst s2  }
0xb: {  	[smem:$0x3F93] =	sst s3  }
0xc: {  	[smem:$0x3F94] =	sst s4  }
0xd: {  	[smem:$0x3F95] =	sst s5  }
0xe: {  	[smem:$0x3F96] =	sst s6  }
0xf: {  	[smem:$0x3F97] =	sst s7  }
0x10: {  	[smem:$0x3F98] =	sst s8  }
0x11: {  	[smem:$0x3F99] =	sst s9;
	s0 =	simm.s32 @!p0 $0x0  }
0x12: {  	s1 =	sld [smem:$0x3F7F];
	s0 =	simm.s32 @p0 $0x1  }
0x13: {  	[smem:$0x3F9A] =	sst s0;
	s0 =	simm.s32 @!p1 $0x0  }
0x14: {  	s2 =	sld [smem:$0x3F7E];
	s0 =	simm.s32 @p1 $0x1  }
0x15: {  	[smem:$0x3F9B] =	sst s0;
	s0 =	simm.s32 @!p2 $0x0  }
0x16: {  	s3 =	sld [smem:$0x3FDB];
	s0 =	simm.s32 @p2 $0x1  }
0x17: {  	s4 =	simm.s32 $0x1BF5;
	[smem:$0x3F9D] =	sst s0  }
0x18: {  	s0 =	sld [smem:$0x3F80];
	_ =	swait.ge [sflag:s4], $0x0  }
0x19: {  	s7 =	sld [smem:$0x3F81]  }
0x1a: {  	s8 =	sadd.s32 $0xFFFFE003, lr  }
0x1b: {  	s9 =	sadd.s32 $0xFFFFFEF7, lr;
	s5 =	simm.s32 $0xFFFFFFFF;
	p2 =	slt.u32 s8, $0xFFFFF086  }
0x1c: {  	p1 =	slt.u32 s9, $0xF7A;
	s5 =	simm.s32 @!p2 $0x0  }
0x1d: {  	s5 =	simm.s32 @p1 $0x1;
	p0 =	seq.s32 s7, s2  }
0x1e: {  	s7 =	smul.u32 @!p0 $0xF7A, s2;
	p2 =	seq.s32 @!p0 s5, $0x0  }
0x1f: {  	s9 =	smul.u32 $0xF7A, s1;
	s8 =	simm.s32 @!p0 $0x1BF5;
	p2 =	por !p2, p0  }
0x20: {  	[sflag:s8] =	ssyncset.s32 @!p0 $0xFFFFF086;
	s6 =	sadd.s32 @!p0 s3, s7;
	s7 =	simm.s32 @!p0 $0x108  }
0x21: {  	s3 =	sadd.s32 s3, s9;
	s6 =	sadd.s32 @!p0 $0x88, s6;
	s7 =	simm.s32 @p2 $0x1082  }
0x22: {  	[simem:s7], [sflag:s8] =	dma.local @!p0 [hbm:s6], $0xF7A  }
0x23: {  	s9 =	sor.u32 $0xD0000000, s2;
	s6 =	simm.s32 $0x108;
	_ =	swait.ge @!p0 [sflag:s8], $0x0  }
0x24: {  	s3 =	sadd.s32 $0x88, s3;
	s6 =	simm.s32 @!p1 $0x1082;
	[sflag:s4] =	ssyncset.s32 $0xFFFFF086  }
0x25: {  	[simem:s6], [sflag:s4] =	dma.local [hbm:s3], $0xF7A  }
0x26: {  	[smem:$0x3F81] =	sst s1;
	(tag) =	ssettag s2;
	_ =	strace s9  }
0x27: {  	s1 =	sld [smem:$0x3F91]  }
0x28: {  	s2 =	sld [smem:$0x3F92]  }
0x29: {  	s4 =	sld [smem:$0x3F94]  }
0x2a: {  	p0 =	seq.s32 s5, $0x0;
	s5 =	sld [smem:$0x3F95]  }
0x2b: {  	s6 =	sld [smem:$0x3F96]  }
0x2c: {  	s7 =	sld [smem:$0x3F97]  }
0x2d: {  	s3 =	simm.s32 $0x108;
	s8 =	sld [smem:$0x3F98]  }
0x2e: {  	s3 =	simm.s32 @!p0 $0x1082;
	s9 =	sld [smem:$0x3F99]  }
0x2f: {  	lr =	sadd.s32 s0, s3;
	s0 =	sld [smem:$0x3F90]  }
0x30: {  	s3 =	sld [smem:$0x3F93]  }
0x31: {  	[smem:$0x3F9C] =	sst s10  }
0x32: {  	s10 =	sld [smem:$0x3F9A];
	_ =	sdelay $0x3  }
0x33: {  	p0 =	seq.s32 s10, $0x1;
	s10 =	sld [smem:$0x3F9C];
	_ =	sdelay $0x3  }
0x34: {  	[smem:$0x3F9C] =	sst s10  }
0x35: {  	s10 =	sld [smem:$0x3F9B];
	_ =	sdelay $0x3  }
0x36: {  	p1 =	seq.s32 s10, $0x1;
	s10 =	sld [smem:$0x3F9C];
	_ =	sdelay $0x3  }
0x37: {  	[smem:$0x3F9C] =	sst s10  }
0x38: {  	s10 =	sld [smem:$0x3F9D]  }
0x39: {  	_ = 	snop;
	(pc) =	sbr.ind lr, $3  }
0x3a: {  	_ = 	snop  }
0x3b: {  	_ = 	snop  }
0x3c: {  	p2 =	seq.s32 s10, $0x1;
	s10 =	sld [smem:$0x3F9C]  }
0x3d: {  	_ =	shalt  }
0x3e: {  	_ =	shalt  }
0x3f: {  	_ =	shalt  }
0x40: {  	_ =	shalt  }
0x41: {  	_ =	shalt  }
0x42: {  	_ =	shalt  }
0x43: {  	_ =	shalt  }
0x44: {  	_ =	shalt  }
0x45: {  	_ =	shalt  }
0x46: {  	_ =	shalt  }
0x47: {  	_ =	shalt  }
0x48: {  	_ =	shalt  }
0x49: {  	_ =	shalt  }
0x4a: {  	_ =	shalt  }
0x4b: {  	_ =	shalt  }
0x4c: {  	_ =	shalt  }
0x4d: {  	_ =	shalt  }
0x4e: {  	_ =	shalt  }
0x4f: {  	_ =	shalt  }
0x50: {  	_ =	shalt  }
0x51: {  	_ =	shalt  }
0x52: {  	_ =	shalt  }
0x53: {  	_ =	shalt  }
0x54: {  	_ =	shalt  }
0x55: {  	_ =	shalt  }
0x56: {  	_ =	shalt  }
0x57: {  	_ =	shalt  }
0x58: {  	_ =	shalt  }
0x59: {  	_ =	shalt  }
0x5a: {  	_ =	shalt  }
0x5b: {  	_ =	shalt  }
0x5c: {  	_ =	shalt  }
0x5d: {  	_ =	shalt  }
0x5e: {  	_ =	shalt  }
0x5f: {  	_ =	shalt  }
0x60: {  	_ =	shalt  }
0x61: {  	_ =	shalt  }
0x62: {  	_ =	shalt  }
0x63: {  	_ =	shalt  }
0x64: {  	_ =	shalt  }
0x65: {  	_ =	shalt  }
0x66: {  	_ =	shalt  }
0x67: {  	_ =	shalt  }
0x68: {  	_ =	shalt  }
0x69: {  	_ =	shalt  }
0x6a: {  	_ =	shalt  }
0x6b: {  	_ =	shalt  }
0x6c: {  	_ =	shalt  }
0x6d: {  	_ =	shalt  }
0x6e: {  	_ =	shalt  }
0x6f: {  	_ =	shalt  }
0x70: {  	_ =	shalt  }
0x71: {  	_ =	shalt  }
0x72: {  	_ =	shalt  }
0x73: {  	_ =	shalt  }
0x74: {  	_ =	shalt  }
0x75: {  	_ =	shalt  }
0x76: {  	_ =	shalt  }
0x77: {  	_ =	shalt  }
0x78: {  	_ =	shalt  }
0x79: {  	_ =	shalt  }
0x7a: {  	_ =	shalt  }
0x7b: {  	_ =	shalt  }
0x7c: {  	_ =	shalt  }
0x7d: {  	_ =	shalt  }
0x7e: {  	_ =	shalt  }
0x7f: {  	_ =	shalt  }
0x80: {  	_ =	shalt  }
0x81: {  	_ =	shalt  }
0x82: {  	_ =	shalt  }
0x83: {  	_ =	shalt  }
0x84: {  	_ =	shalt  }
0x85: {  	_ =	shalt  }
0x86: {  	_ =	shalt  }
0x87: {  	_ =	shalt  }
.Lfunc_end0:
.L_simem_size_0:
called_computation.1_lowered:
.L_overlay_start_0:
0x88: {  	s2 =	sld [smem:$0x3FD9]  }
0x89: {  	s3 =	sld [smem:$0x3FFE];
	_ =	sdelay $0x1  }
0x8a: {  	s1 =	srdreg.scid  }
0x8b: {  	s0 =	sand.u32 $0x1, s1  }
0x8c: {  	s16 =	sshll.u32 s0, $0xA;
	s2 =	sadd.s32 s3, s2  }
0x8d: {  	s2 =	sadd.s32 s2, s16  }
0x8e: {  	[smem:$0x3FA8] =	sst s2  }
0x8f: {  	_ = 	snop  }
0x90: {  	(tm) =	ssettm $0x1  }
0x91: {  	s17 =	sld [smem:$0x3FFB];
	_ =	sdelay $0x3  }
0x92: {  	_ =	strace s17  }
0x93: {  	s2 =	sld [smem:$0x3FFC];
	_ =	sdelay $0x3  }
0x94: {  	_ =	strace s2  }
0x95: {  	s2 =	sld [smem:$0x3FFD];
	_ =	sdelay $0x3  }
0x96: {  	_ =	strace s2  }
0x97: {  	_ =	strace $0x8FFFFFFF  }
0x98: {  	s18 =	sld [smem:$0x3FDB];
	_ =	sdelay $0x1  }
0x99: {  	s19 =	simm.s32 $_scs_section_size  }
0x9a: {  	s4 =	simm.s32 $_size__tile_overlayer_lowered;
	s5 =	simm.s32 $_tile_overlayer_lowered  }
0x9b: {  	s22 =	simm.s32 $0x1BFF;
	s21 =	sshll.u32 s5, $0x1;
	s2 =	sadd.s32 s19, s18  }
0x9c: {  	s6 =	simm.s32 $0x0;
	s20 =	sshll.u32 s4, $0x1;
	s4 =	sadd.s32 s21, s2  }
0x9d: {  	[timem:s6], [sflag:s22] =	dma.local [hbm:s4], s20  }
0x9e: {  	_ =	swait.ge [sflag:s22], s20  }
0x9f: {  	s3 =	ssub.s32 $0x0, s20;
	[sflag:s22] =	ssyncset.done $0x0  }
0xa0: {  	[sflag:s22] =	ssyncadd.s32 s3;
	_ =	sdelay $0x1  }
0xa1: {  	s23 =	simm.s32 $0x1B8B  }
0xa2: {  	_ =	swait.ge [sflag:s23], $0x1  }
0xa3: {  	[sflag:s23] =	ssyncset.done $0x0  }
0xa4: {  	s25 =	simm.s32 $0x1B8E;
	s24 =	sld [smem:$0x3FFE];
	[sflag:s23] =	ssyncadd.s32 $0xFFFFFFFF  }
0xa5: {  	s26 =	simm.s32 $execute0_lowered;
	[smem:$0x3FD2] =	sst s25  }
0xa6: {  	s4 =	sshll.u32 s26, $0x1;
	_ =	strace $0x80000049;
	[dreg:$0x1] =	wrdreg $0xFFFFFFFF  }
0xa7: {  	s28 =	simm.s32 $_size_execute0_lowered;
	s2 =	sadd.s32 s2, s4;
	[dreg:$0x0] =	wrdreg $0x0  }
0xa8: {  	s4 =	sshll.u32 s28, $0x1;
	[dreg:$0x2] =	wrdreg s2  }
0xa9: {  	[dreg:$0x3] =	wrdreg s4  }
0xaa: {  	[dreg:$0x4] =	wrdreg $0xC0  }
0xab: {  	_ =	task [dreg:s6], $0x5FFFF  }
0xac: {  	[dreg:$0x1] =	wrdreg $0xFFFFFFFF  }
0xad: {  	[dreg:$0x0] =	wrdreg $0x60  }
0xae: {  	[dreg:$0x2] =	wrdreg s24  }
0xaf: {  	[dreg:$0x3] =	wrdreg $0x116200  }
0xb0: {  	[dreg:$0x4] =	wrdreg $0x9  }
0xb1: {  	_ =	task.clear_ibuf [dreg:s6], $0x5FFFF;
	_ =	strace $0x90000049  }
0xb2: {  	s29 =	simm.s32 $0x9;
	_ =	strace $0x8000004B  }
0xb3: {  	_ =	swait.ge [sflag:s29], $0x1  }
0xb4: {  	[sflag:s29] =	ssyncadd.s32 $0xFFFFFFFF  }
0xb5: {  	_ =	strace $0x9000004B  }
0xb6: {  	_ =	sfence  }
0xb7: {  	s30 =	sld [smem:$0x0];
	_ =	sdelay $0x2  }
0xb8: {  	s31 =	sshll.u32 s1, $0xD;
	s1 =	sshrl.u32 s1, $0x2  }
0xb9: {  	s3 =	sand.u32 $0x4000, s31;
	s1 =	sadd.s32 s1, s30  }
0xba: {  	s0 =	sor.u32 s3, s0;
	s1 =	sshll.u32 s1, $0x11  }
0xbb: {  	s0 =	sor.u32 s1, s0  }
0xbc: {  	s0 =	sadd.s32 $0x8F2B, s0  }
0xbd: {  	[sflag:s0] =	ssyncadd.remote.s32 $0x1  }
0xbe: {  	_ =	sfence.sel $0xFFFF  }
0xbf: {  	[dreg:$0x0] =	wrdreg $0xFFFFFFFF;
	(pc) =	sbr.abs _section_cstart, $3  }
0xc0: {  	[dreg:$0x1] =	wrdreg $0xFFFFFFFF  }
0xc1: {  	_ =	task.clear_ibuf [dreg:s6], $0x2FFFF;
	_ =	strace $0x9FFFFFFF  }
0xc2: {  	(tm) =	ssettm $0x7FFFFFFF  }
0xc3: {  	_ =	shalt  }
tec
execute0_lowered:
.L_overlay_start_1:
0x0: {  	(tag) =	ssettag $0x1  }
0x1: {  	s0 =	srdreg.scid;
	s3 =	rddreg [dreg:$0x0]  }
0x2: {  	s9 =	stileid.u32;
	s2 =	rddreg [dreg:$0x1];
	s4 =	simm.s32 $0x0  }
0x3: {  	s24 =	simm.s32 $0x16;
	s15 =	simm.s32 $0x50;
	s20 =	simm.s32 $0xC  }
0x4: {  	s22 =	simm.s32 $0xD;
	s10 =	simm.s32 $0x8;
	s11 =	simm.s32 $0x10  }
0x5: {  	s12 =	simm.s32 $0x11;
	s14 =	simm.s32 $0x12;
	s16 =	simm.s32 $0x13  }
0x6: {  	s17 =	simm.s32 $0x14;
	s0 =	sand.u32 $0x1, s0;
	s5 =	smul.u32 $0xA000, s9  }
0x7: {  	s1 =	sshll.u32 s9, $0x1;
	[smem:$0x7FF] =	sst s4;
	s6 =	smul.u32 $0x1400, s9  }
0x8: {  	s4 =	sadd.s32 $0x3E00, s3;
	s28 =	sshll.u32 s9, $0x6;
	s9 =	simm.s32 $0x7  }
0x9: {  	s1 =	sor.u32 s0, s1;
	_ =	strace $0x8000004A;
	s7 =	smul.u32 $0x14000, s0  }
0xa: {  	s0 =	ssub.s32 $0x2, s0;
	s21 =	sor.u32 $0x1C16, s28;
	s1 =	smul.u32 $0x4E2, s1  }
0xb: {  	s8 =	sshrl.u32 s5, $0x3;
	s26 =	sshrl.u32 s0, $0x1;
	s5 =	sadd.s32 s5, s2  }
0xc: {  	[dreg:$0x4] =	wrdreg s21;
	s8 =	sadd.s32 s8, s3;
	s6 =	sadd.s32 s6, s7  }
0xd: {  	s0 =	ssub.s32 s0, s26;
	s23 =	sshrl.u32 s5, $0x3;
	s5 =	simm.s32 $0xE  }
0xe: {  	s7 =	simm.s32 $0xF;
	s29 =	sadd.s32 $0x2BA00, s8;
	[dreg:$0x9] =	wrdreg s23  }
0xf: {  	s1 =	sadd.s32 s1, s3;
	s0 =	smax.u32 s0, $0x1;
	[dreg:$0x3] =	wrdreg s29  }
0x10: {  	s3 =	sadd.s32 s6, s3;
	s30 =	sadd.s32 $0x21C00, s1;
	[dreg:$0x8] =	wrdreg s0  }
0x11: {  	s8 =	simm.s32 $0x6;
	s1 =	sadd.s32 $0x17E00, s1;
	[dreg:$0x5] =	wrdreg s30  }
0x12: {  	s6 =	simm.s32 $0xA;
	s31 =	sadd.s32 $0x3FA00, s3;
	[dreg:$0x6] =	wrdreg s1  }
0x13: {  	s3 =	simm.s32 $0x9;
	s0 =	simm.s32 $0x0;
	[dreg:$0x7] =	wrdreg s31  }
.LBB2_1:
0x14: {  	[dreg:$0xa] =	wrdreg s0  }
0x15: {  	s19 =	rddreg [dreg:$0x3]  }
0x16: {  	[spmem:s23], [sflag:s21] =	dma.local [hbm:s19], $0x1400  }
0x17: {  	_ =	swait.ge [sflag:s24], $0x1400  }
0x18: {  	[sflag:s24] =	ssyncset.done $0x0  }
0x19: {  	s25 =	simm.s32 $0x0;
	s26 =	rddreg [dreg:$0x5];
	[sflag:s24] =	ssyncadd.s32 $0xFFFFEC00  }
0x1a: {  	[tilespmem:s25], [sflag:$0x15] =	stream.linear.gather [hbm4b:s26+s25], $0x2710, $0x38;
	[tilespmem:$0x1B620] =	vst v63  }
0x1b: {  	s29 =	simm.s32 $0x2710;
	s30 =	simm.s32 $0x15;
	s28 =	rddreg [dreg:$0x6]  }
0x1c: {  	[tilespmem:s29], [sflag:$0x15] =	stream.linear.gather [hbm4b:s28+s25], $0x2710, $0x38;
	[tilespmem:$0x1B620] =	vst v63  }
0x1d: {  	_ =	swait.ge [sflag:s30], $0x2710  }
0x1e: {  	[sflag:s30] =	ssyncset.done $0x0  }
0x1f: {  	[sflag:s30] =	ssyncadd.s32 $0xFFFFD8F0  }
0x20: {  	_ =	swait.ge [sflag:s30], $0x2710  }
0x21: {  	[sflag:s30] =	ssyncset.done $0x0  }
0x22: {  	[sflag:s30] =	ssyncadd.s32 $0xFFFFD8F0  }
0x23: {  	s21 =	simm.s32 $0x4E20;
	[bflag:$0x0] =	sbarrier.arrive $0xFFFF  }
0x24: {  	[tilespmem:s21], [sflag:$0x1] =	stream.indirect.gather [hbm4b:s4+s15], $0x40, s25, s15, $0xb8;
	[tilespmem:$0x1B620] =	vst v63  }
0x25: {  	s23 =	simm.s32 $0x6220  }
0x26: {  	[tilespmem:s23], [sflag:$0x2] =	stream.indirect.gather [hbm4b:s4+s15], $0x40, s15, s15, $0xb8;
	[tilespmem:$0x1B620] =	vst v63  }
0x27: {  	s31 =	simm.s32 $0xA0;
	s24 =	simm.s32 $0x7620  }
0x28: {  	[tilespmem:s24], [sflag:$0x3] =	stream.indirect.gather [hbm4b:s4+s15], $0x40, s31, s15, $0xb8;
	[tilespmem:$0x1B620] =	vst v63  }
0x29: {  	s0 =	simm.s32 $0xF0;
	s25 =	simm.s32 $0x8A20  }
0x2a: {  	[tilespmem:s25], [sflag:$0x4] =	stream.indirect.gather [hbm4b:s4+s15], $0x40, s0, s15, $0xb8;
	[tilespmem:$0x1B620] =	vst v63  }
0x2b: {  	s1 =	simm.s32 $0x140;
	s26 =	simm.s32 $0x9E20  }
0x2c: {  	[tilespmem:s26], [sflag:$0x5] =	stream.indirect.gather [hbm4b:s4+s15], $0x40, s1, s15, $0xb8;
	[tilespmem:$0x1B620] =	vst v63  }
0x2d: {  	s13 =	simm.s32 $0x190;
	s28 =	simm.s32 $0xB220  }
0x2e: {  	[tilespmem:s28], [sflag:$0x6] =	stream.indirect.gather [hbm4b:s4+s15], $0x40, s13, s15, $0xb8;
	[tilespmem:$0x1B620] =	vst v63  }
0x2f: {  	s18 =	simm.s32 $0x1E0;
	s1 =	simm.s32 $0xC620  }
0x30: {  	[tilespmem:s1], [sflag:$0x7] =	stream.indirect.gather [hbm4b:s4+s15], $0x40, s18, s15, $0xb8;
	[tilespmem:$0x1B620] =	vst v63  }
0x31: {  	s29 =	simm.s32 $0x230;
	s0 =	simm.s32 $0xDA20  }
0x32: {  	[tilespmem:s0], [sflag:$0x8] =	stream.indirect.gather [hbm4b:s4+s15], $0x40, s29, s15, $0xb8;
	[tilespmem:$0x1B620] =	vst v63  }
0x33: {  	s30 =	simm.s32 $0x280;
	s13 =	simm.s32 $0xEE20  }
0x34: {  	[tilespmem:s13], [sflag:$0x9] =	stream.indirect.gather [hbm4b:s4+s15], $0x40, s30, s15, $0xb8;
	[tilespmem:$0x1B620] =	vst v63  }
0x35: {  	s31 =	simm.s32 $0x2D0;
	s18 =	simm.s32 $0x10220;
	s29 =	simm.s32 $0x1  }
0x36: {  	[tilespmem:s18], [sflag:$0xA] =	stream.indirect.gather [hbm4b:s4+s15], $0x40, s31, s15, $0xb8;
	[tilespmem:$0x1B620] =	vst v63  }
0x37: {  	_ =	swait.ge [sflag:s29], $0x1400  }
0x38: {  	[sflag:s29] =	ssyncset.done $0x0  }
0x39: {  	s30 =	simm.s32 $0x2710;
	s31 =	simm.s32 $0x2;
	[sflag:s29] =	ssyncadd.s32 $0xFFFFEC00  }
0x3a: {  	[spmem:s2] =	stream.indirect.scatter.add.f32 [tilespmem:s21], [sflag:$0xB], $0x40, s30, s15, $0xb8;
	[tilespmem:$0x1B620] =	vst v63  }
0x3b: {  	_ =	swait.ge [sflag:s31], $0x1400  }
0x3c: {  	[sflag:s31] =	ssyncset.done $0x0  }
0x3d: {  	s29 =	simm.s32 $0x2760;
	s30 =	simm.s32 $0x3;
	[sflag:s31] =	ssyncadd.s32 $0xFFFFEC00  }
0x3e: {  	[spmem:s2] =	stream.indirect.scatter.add.f32 [tilespmem:s23], [sflag:$0xC], $0x40, s29, s15, $0xb8;
	[tilespmem:$0x1B620] =	vst v63  }
0x3f: {  	_ =	swait.ge [sflag:s30], $0x1400  }
0x40: {  	[sflag:s30] =	ssyncset.done $0x0  }
0x41: {  	s31 =	simm.s32 $0x27B0;
	s29 =	simm.s32 $0x4;
	[sflag:s30] =	ssyncadd.s32 $0xFFFFEC00  }
0x42: {  	[spmem:s2] =	stream.indirect.scatter.add.f32 [tilespmem:s24], [sflag:$0xD], $0x40, s31, s15, $0xb8;
	[tilespmem:$0x1B620] =	vst v63  }
0x43: {  	_ =	swait.ge [sflag:s29], $0x1400  }
0x44: {  	[sflag:s29] =	ssyncset.done $0x0  }
0x45: {  	s30 =	simm.s32 $0x2800;
	s31 =	simm.s32 $0x5;
	[sflag:s29] =	ssyncadd.s32 $0xFFFFEC00  }
0x46: {  	[spmem:s2] =	stream.indirect.scatter.add.f32 [tilespmem:s25], [sflag:$0xE], $0x40, s30, s15, $0xb8;
	[tilespmem:$0x1B620] =	vst v63  }
0x47: {  	_ =	swait.ge [sflag:s31], $0x1400  }
0x48: {  	[sflag:s31] =	ssyncset.done $0x0  }
0x49: {  	s29 =	simm.s32 $0x2850;
	s30 =	simm.s32 $0xB;
	[sflag:s31] =	ssyncadd.s32 $0xFFFFEC00  }
0x4a: {  	[spmem:s2] =	stream.indirect.scatter.add.f32 [tilespmem:s26], [sflag:$0xF], $0x40, s29, s15, $0xb8;
	[tilespmem:$0x1B620] =	vst v63  }
0x4b: {  	_ =	swait.ge [sflag:s30], $0x1400  }
0x4c: {  	[sflag:s30] =	ssyncset.done $0x0  }
0x4d: {  	[sflag:s30] =	ssyncadd.s32 $0xFFFFEC00  }
0x4e: {  	_ =	swait.ge [sflag:s20], $0x1400  }
0x4f: {  	[sflag:s20] =	ssyncset.done $0x0  }
0x50: {  	[sflag:s20] =	ssyncadd.s32 $0xFFFFEC00  }
0x51: {  	_ =	swait.ge [sflag:s22], $0x1400  }
0x52: {  	[sflag:s22] =	ssyncset.done $0x0  }
0x53: {  	[sflag:s22] =	ssyncadd.s32 $0xFFFFEC00  }
0x54: {  	_ =	swait.ge [sflag:s5], $0x1400  }
0x55: {  	[sflag:s5] =	ssyncset.done $0x0  }
0x56: {  	[sflag:s5] =	ssyncadd.s32 $0xFFFFEC00  }
0x57: {  	_ =	swait.ge [sflag:s7], $0x1400  }
0x58: {  	[sflag:s7] =	ssyncset.done $0x0  }
0x59: {  	s31 =	simm.s32 $0x320;
	[sflag:s7] =	ssyncadd.s32 $0xFFFFEC00  }
0x5a: {  	[tilespmem:s21], [sflag:$0x1] =	stream.indirect.gather [hbm4b:s4+s15], $0x40, s31, s15, $0xb8;
	[tilespmem:$0x1B620] =	vst v63  }
0x5b: {  	s21 =	simm.s32 $0x370  }
0x5c: {  	[tilespmem:s23], [sflag:$0x2] =	stream.indirect.gather [hbm4b:s4+s15], $0x40, s21, s15, $0xb8;
	[tilespmem:$0x1B620] =	vst v63  }
0x5d: {  	s23 =	simm.s32 $0x3C0  }
0x5e: {  	[tilespmem:s24], [sflag:$0x3] =	stream.indirect.gather [hbm4b:s4+s15], $0x40, s23, s15, $0xb8;
	[tilespmem:$0x1B620] =	vst v63  }
0x5f: {  	s24 =	simm.s32 $0x410  }
0x60: {  	[tilespmem:s25], [sflag:$0x4] =	stream.indirect.gather [hbm4b:s4+s15], $0x40, s24, s15, $0xb8;
	[tilespmem:$0x1B620] =	vst v63  }
0x61: {  	s25 =	simm.s32 $0x460  }
0x62: {  	[tilespmem:s26], [sflag:$0x5] =	stream.indirect.gather [hbm4b:s4+s15], $0x40, s25, s15, $0xb8;
	[tilespmem:$0x1B620] =	vst v63  }
0x63: {  	_ =	swait.ge [sflag:s8], $0x1400  }
0x64: {  	[sflag:s8] =	ssyncset.done $0x0  }
0x65: {  	s26 =	simm.s32 $0x28A0;
	[sflag:s8] =	ssyncadd.s32 $0xFFFFEC00  }
0x66: {  	[spmem:s2] =	stream.indirect.scatter.add.f32 [tilespmem:s28], [sflag:$0x10], $0x40, s26, s15, $0xb8;
	[tilespmem:$0x1B620] =	vst v63  }
0x67: {  	_ =	swait.ge [sflag:s9], $0x1400  }
0x68: {  	[sflag:s9] =	ssyncset.done $0x0  }
0x69: {  	s28 =	simm.s32 $0x28F0;
	[sflag:s9] =	ssyncadd.s32 $0xFFFFEC00  }
0x6a: {  	[spmem:s2] =	stream.indirect.scatter.add.f32 [tilespmem:s1], [sflag:$0x11], $0x40, s28, s15, $0xb8;
	[tilespmem:$0x1B620] =	vst v63  }
0x6b: {  	_ =	swait.ge [sflag:s10], $0x1400  }
0x6c: {  	[sflag:s10] =	ssyncset.done $0x0  }
0x6d: {  	s29 =	simm.s32 $0x2940;
	[sflag:s10] =	ssyncadd.s32 $0xFFFFEC00  }
0x6e: {  	[spmem:s2] =	stream.indirect.scatter.add.f32 [tilespmem:s0], [sflag:$0x12], $0x40, s29, s15, $0xb8;
	[tilespmem:$0x1B620] =	vst v63  }
0x6f: {  	_ =	swait.ge [sflag:s3], $0x1400  }
0x70: {  	[sflag:s3] =	ssyncset.done $0x0  }
0x71: {  	s30 =	simm.s32 $0x2990;
	[sflag:s3] =	ssyncadd.s32 $0xFFFFEC00  }
0x72: {  	[spmem:s2] =	stream.indirect.scatter.add.f32 [tilespmem:s13], [sflag:$0x13], $0x40, s30, s15, $0xb8;
	[tilespmem:$0x1B620] =	vst v63  }
0x73: {  	_ =	swait.ge [sflag:s6], $0x1400  }
0x74: {  	[sflag:s6] =	ssyncset.done $0x0  }
0x75: {  	s31 =	simm.s32 $0x29E0;
	[sflag:s6] =	ssyncadd.s32 $0xFFFFEC00  }
0x76: {  	[spmem:s2] =	stream.indirect.scatter.add.f32 [tilespmem:s18], [sflag:$0x14], $0x40, s31, s15, $0xb8;
	[tilespmem:$0x1B620] =	vst v63  }
0x77: {  	_ =	swait.ge [sflag:s11], $0x1400  }
0x78: {  	[sflag:s11] =	ssyncset.done $0x0  }
0x79: {  	[sflag:s11] =	ssyncadd.s32 $0xFFFFEC00  }
0x7a: {  	_ =	swait.ge [sflag:s12], $0x1400  }
0x7b: {  	[sflag:s12] =	ssyncset.done $0x0  }
0x7c: {  	[sflag:s12] =	ssyncadd.s32 $0xFFFFEC00  }
0x7d: {  	_ =	swait.ge [sflag:s14], $0x1400  }
0x7e: {  	[sflag:s14] =	ssyncset.done $0x0  }
0x7f: {  	[sflag:s14] =	ssyncadd.s32 $0xFFFFEC00  }
0x80: {  	_ =	swait.ge [sflag:s16], $0x1400  }
0x81: {  	[sflag:s16] =	ssyncset.done $0x0  }
0x82: {  	[sflag:s16] =	ssyncadd.s32 $0xFFFFEC00  }
0x83: {  	_ =	swait.ge [sflag:s17], $0x1400  }
0x84: {  	s19 =	simm.s32 $0x320;
	s21 =	simm.s32 $0x1900;
	[sflag:s17] =	ssyncset.done $0x0  }
.LBB2_2:
0x85: {  	s25 =	sadd.s32 $0x190, s19;
	[sflag:s17] =	ssyncadd.s32 $0xFFFFEC00  }
0x86: {  	s23 =	smov.u32 s21;
	s24 =	sadd.s32 $0xC80, s21;
	s31 =	simm.s32 $0xB220  }
0x87: {  	[tilespmem:s31], [sflag:$0x6] =	stream.indirect.gather [hbm4b:s4+s15], $0x40, s25, s15, $0xb8;
	[tilespmem:$0x1B620] =	vst v63  }
0x88: {  	p0 =	sne.s32 s21, $0x8980;
	s21 =	sadd.s32 $0x1E0, s19;
	s1 =	simm.s32 $0xC620  }
0x89: {  	[tilespmem:s1], [sflag:$0x7] =	stream.indirect.gather [hbm4b:s4+s15], $0x40, s21, s15, $0xb8;
	[tilespmem:$0x1B620] =	vst v63  }
0x8a: {  	s0 =	simm.s32 $0xDA20;
	s21 =	sadd.s32 $0x230, s19  }
0x8b: {  	[tilespmem:s0], [sflag:$0x8] =	stream.indirect.gather [hbm4b:s4+s15], $0x40, s21, s15, $0xb8;
	[tilespmem:$0x1B620] =	vst v63  }
0x8c: {  	s13 =	simm.s32 $0xEE20;
	s21 =	sadd.s32 $0x280, s19  }
0x8d: {  	[tilespmem:s13], [sflag:$0x9] =	stream.indirect.gather [hbm4b:s4+s15], $0x40, s21, s15, $0xb8;
	[tilespmem:$0x1B620] =	vst v63  }
0x8e: {  	s18 =	simm.s32 $0x10220;
	s21 =	sadd.s32 $0x2D0, s19  }
0x8f: {  	[tilespmem:s18], [sflag:$0xA] =	stream.indirect.gather [hbm4b:s4+s15], $0x40, s21, s15, $0xb8;
	[tilespmem:$0x1B620] =	vst v63  }
0x90: {  	s21 =	simm.s32 $0x1  }
0x91: {  	_ =	swait.ge [sflag:s21], $0x1400  }
0x92: {  	[sflag:s21] =	ssyncset.done $0x0  }
0x93: {  	s25 =	simm.s32 $0x4E20;
	[sflag:s21] =	ssyncadd.s32 $0xFFFFEC00;
	s21 =	sadd.s32 $0x2710, s19  }
0x94: {  	[spmem:s2] =	stream.indirect.scatter.add.f32 [tilespmem:s25], [sflag:$0xB], $0x40, s21, s15, $0xb8;
	[tilespmem:$0x1B620] =	vst v63  }
0x95: {  	s21 =	simm.s32 $0x2  }
0x96: {  	_ =	swait.ge [sflag:s21], $0x1400  }
0x97: {  	[sflag:s21] =	ssyncset.done $0x0  }
0x98: {  	s26 =	simm.s32 $0x6220;
	[sflag:s21] =	ssyncadd.s32 $0xFFFFEC00;
	s21 =	sadd.s32 $0x2760, s19  }
0x99: {  	[spmem:s2] =	stream.indirect.scatter.add.f32 [tilespmem:s26], [sflag:$0xC], $0x40, s21, s15, $0xb8;
	[tilespmem:$0x1B620] =	vst v63  }
0x9a: {  	s21 =	simm.s32 $0x3  }
0x9b: {  	_ =	swait.ge [sflag:s21], $0x1400  }
0x9c: {  	[sflag:s21] =	ssyncset.done $0x0  }
0x9d: {  	s28 =	simm.s32 $0x7620;
	[sflag:s21] =	ssyncadd.s32 $0xFFFFEC00;
	s21 =	sadd.s32 $0x27B0, s19  }
0x9e: {  	[spmem:s2] =	stream.indirect.scatter.add.f32 [tilespmem:s28], [sflag:$0xD], $0x40, s21, s15, $0xb8;
	[tilespmem:$0x1B620] =	vst v63  }
0x9f: {  	s21 =	simm.s32 $0x4  }
0xa0: {  	_ =	swait.ge [sflag:s21], $0x1400  }
0xa1: {  	[sflag:s21] =	ssyncset.done $0x0  }
0xa2: {  	s29 =	simm.s32 $0x8A20;
	[sflag:s21] =	ssyncadd.s32 $0xFFFFEC00;
	s21 =	sadd.s32 $0x2800, s19  }
0xa3: {  	[spmem:s2] =	stream.indirect.scatter.add.f32 [tilespmem:s29], [sflag:$0xE], $0x40, s21, s15, $0xb8;
	[tilespmem:$0x1B620] =	vst v63  }
0xa4: {  	s21 =	simm.s32 $0x5  }
0xa5: {  	_ =	swait.ge [sflag:s21], $0x1400  }
0xa6: {  	[sflag:s21] =	ssyncset.done $0x0  }
0xa7: {  	s30 =	simm.s32 $0x9E20;
	[sflag:s21] =	ssyncadd.s32 $0xFFFFEC00;
	s21 =	sadd.s32 $0x2850, s19  }
0xa8: {  	[spmem:s2] =	stream.indirect.scatter.add.f32 [tilespmem:s30], [sflag:$0xF], $0x40, s21, s15, $0xb8;
	[tilespmem:$0x1B620] =	vst v63  }
0xa9: {  	s21 =	simm.s32 $0xB  }
0xaa: {  	_ =	swait.ge [sflag:s21], $0x1400  }
0xab: {  	[sflag:s21] =	ssyncset.done $0x0  }
0xac: {  	[sflag:s21] =	ssyncadd.s32 $0xFFFFEC00  }
0xad: {  	_ =	swait.ge [sflag:s20], $0x1400  }
0xae: {  	[sflag:s20] =	ssyncset.done $0x0  }
0xaf: {  	[sflag:s20] =	ssyncadd.s32 $0xFFFFEC00  }
0xb0: {  	_ =	swait.ge [sflag:s22], $0x1400  }
0xb1: {  	[sflag:s22] =	ssyncset.done $0x0  }
0xb2: {  	[sflag:s22] =	ssyncadd.s32 $0xFFFFEC00  }
0xb3: {  	_ =	swait.ge [sflag:s5], $0x1400  }
0xb4: {  	[sflag:s5] =	ssyncset.done $0x0  }
0xb5: {  	[sflag:s5] =	ssyncadd.s32 $0xFFFFEC00  }
0xb6: {  	_ =	swait.ge [sflag:s7], $0x1400  }
0xb7: {  	[sflag:s7] =	ssyncset.done $0x0  }
0xb8: {  	s21 =	sadd.s32 $0x320, s19;
	[sflag:s7] =	ssyncadd.s32 $0xFFFFEC00  }
0xb9: {  	[tilespmem:s25], [sflag:$0x1] =	stream.indirect.gather [hbm4b:s4+s15], $0x40, s21, s15, $0xb8;
	[tilespmem:$0x1B620] =	vst v63  }
0xba: {  	s21 =	sadd.s32 $0x370, s19  }
0xbb: {  	[tilespmem:s26], [sflag:$0x2] =	stream.indirect.gather [hbm4b:s4+s15], $0x40, s21, s15, $0xb8;
	[tilespmem:$0x1B620] =	vst v63  }
0xbc: {  	s21 =	sadd.s32 $0x3C0, s19  }
0xbd: {  	[tilespmem:s28], [sflag:$0x3] =	stream.indirect.gather [hbm4b:s4+s15], $0x40, s21, s15, $0xb8;
	[tilespmem:$0x1B620] =	vst v63  }
0xbe: {  	s21 =	sadd.s32 $0x410, s19  }
0xbf: {  	[tilespmem:s29], [sflag:$0x4] =	stream.indirect.gather [hbm4b:s4+s15], $0x40, s21, s15, $0xb8;
	[tilespmem:$0x1B620] =	vst v63  }
0xc0: {  	s21 =	sadd.s32 $0x460, s19  }
0xc1: {  	[tilespmem:s30], [sflag:$0x5] =	stream.indirect.gather [hbm4b:s4+s15], $0x40, s21, s15, $0xb8;
	[tilespmem:$0x1B620] =	vst v63  }
0xc2: {  	_ =	swait.ge [sflag:s8], $0x1400  }
0xc3: {  	[sflag:s8] =	ssyncset.done $0x0  }
0xc4: {  	s21 =	sadd.s32 $0x28A0, s19;
	[sflag:s8] =	ssyncadd.s32 $0xFFFFEC00  }
0xc5: {  	[spmem:s2] =	stream.indirect.scatter.add.f32 [tilespmem:s31], [sflag:$0x10], $0x40, s21, s15, $0xb8;
	[tilespmem:$0x1B620] =	vst v63  }
0xc6: {  	_ =	swait.ge [sflag:s9], $0x1400  }
0xc7: {  	[sflag:s9] =	ssyncset.done $0x0  }
0xc8: {  	s21 =	sadd.s32 $0x28F0, s19;
	[sflag:s9] =	ssyncadd.s32 $0xFFFFEC00  }
0xc9: {  	[spmem:s2] =	stream.indirect.scatter.add.f32 [tilespmem:s1], [sflag:$0x11], $0x40, s21, s15, $0xb8;
	[tilespmem:$0x1B620] =	vst v63  }
0xca: {  	_ =	swait.ge [sflag:s10], $0x1400  }
0xcb: {  	[sflag:s10] =	ssyncset.done $0x0  }
0xcc: {  	s21 =	sadd.s32 $0x2940, s19;
	[sflag:s10] =	ssyncadd.s32 $0xFFFFEC00  }
0xcd: {  	[spmem:s2] =	stream.indirect.scatter.add.f32 [tilespmem:s0], [sflag:$0x12], $0x40, s21, s15, $0xb8;
	[tilespmem:$0x1B620] =	vst v63  }
0xce: {  	_ =	swait.ge [sflag:s3], $0x1400  }
0xcf: {  	[sflag:s3] =	ssyncset.done $0x0  }
0xd0: {  	s21 =	sadd.s32 $0x2990, s19;
	[sflag:s3] =	ssyncadd.s32 $0xFFFFEC00  }
0xd1: {  	[spmem:s2] =	stream.indirect.scatter.add.f32 [tilespmem:s13], [sflag:$0x13], $0x40, s21, s15, $0xb8;
	[tilespmem:$0x1B620] =	vst v63  }
0xd2: {  	_ =	swait.ge [sflag:s6], $0x1400  }
0xd3: {  	[sflag:s6] =	ssyncset.done $0x0  }
0xd4: {  	s19 =	sadd.s32 $0x29E0, s19;
	[sflag:s6] =	ssyncadd.s32 $0xFFFFEC00  }
0xd5: {  	[spmem:s2] =	stream.indirect.scatter.add.f32 [tilespmem:s18], [sflag:$0x14], $0x40, s19, s15, $0xb8;
	[tilespmem:$0x1B620] =	vst v63  }
0xd6: {  	_ =	swait.ge [sflag:s11], $0x1400  }
0xd7: {  	[sflag:s11] =	ssyncset.done $0x0  }
0xd8: {  	[sflag:s11] =	ssyncadd.s32 $0xFFFFEC00  }
0xd9: {  	_ =	swait.ge [sflag:s12], $0x1400  }
0xda: {  	[sflag:s12] =	ssyncset.done $0x0  }
0xdb: {  	[sflag:s12] =	ssyncadd.s32 $0xFFFFEC00  }
0xdc: {  	_ =	swait.ge [sflag:s14], $0x1400  }
0xdd: {  	[sflag:s14] =	ssyncset.done $0x0  }
0xde: {  	[sflag:s14] =	ssyncadd.s32 $0xFFFFEC00  }
.Ltmp0:
0xdf: {  	_ =	swait.ge [sflag:s16], $0x1400;
	(pc) =	sbr.rel @p0 .LBB2_2-.Ltmp0, $4  }
0xe0: {  	[sflag:s16] =	ssyncset.done $0x0  }
0xe1: {  	[sflag:s16] =	ssyncadd.s32 $0xFFFFEC00  }
0xe2: {  	_ =	swait.ge [sflag:s17], $0x1400  }
0xe3: {  	s21 =	smov.u32 s24;
	s19 =	sshra.s32 s23, $0x2;
	[sflag:s17] =	ssyncset.done $0x0  }
0xe4: {  	s21 =	sadd.s32 $0x190, s19;
	[sflag:s17] =	ssyncadd.s32 $0xFFFFEC00;
	s29 =	simm.s32 $0xB220  }
0xe5: {  	[tilespmem:s29], [sflag:$0x6] =	stream.indirect.gather [hbm4b:s4+s15], $0x40, s21, s15, $0xb8;
	[tilespmem:$0x1B620] =	vst v63  }
0xe6: {  	s28 =	sadd.s32 $0x1E0, s19;
	s0 =	simm.s32 $0xC620  }
0xe7: {  	[tilespmem:s0], [sflag:$0x7] =	stream.indirect.gather [hbm4b:s4+s15], $0x40, s28, s15, $0xb8;
	[tilespmem:$0x1B620] =	vst v63  }
0xe8: {  	s30 =	sadd.s32 $0x230, s19;
	s31 =	simm.s32 $0xDA20  }
0xe9: {  	[tilespmem:s31], [sflag:$0x8] =	stream.indirect.gather [hbm4b:s4+s15], $0x40, s30, s15, $0xb8;
	[tilespmem:$0x1B620] =	vst v63  }
0xea: {  	s1 =	sadd.s32 $0x280, s19;
	s13 =	simm.s32 $0xEE20  }
0xeb: {  	[tilespmem:s13], [sflag:$0x9] =	stream.indirect.gather [hbm4b:s4+s15], $0x40, s1, s15, $0xb8;
	[tilespmem:$0x1B620] =	vst v63  }
0xec: {  	s18 =	sadd.s32 $0x2D0, s19;
	s23 =	simm.s32 $0x10220;
	s30 =	simm.s32 $0x1  }
0xed: {  	[tilespmem:s23], [sflag:$0xA] =	stream.indirect.gather [hbm4b:s4+s15], $0x40, s18, s15, $0xb8;
	[tilespmem:$0x1B620] =	vst v63  }
0xee: {  	_ =	swait.ge [sflag:s30], $0x1400  }
0xef: {  	s24 =	sadd.s32 $0x2710, s19;
	[sflag:s30] =	ssyncset.done $0x0  }
0xf0: {  	s31 =	simm.s32 $0x2;
	s23 =	simm.s32 $0x4E20;
	[sflag:s30] =	ssyncadd.s32 $0xFFFFEC00  }
0xf1: {  	[spmem:s2] =	stream.indirect.scatter.add.f32 [tilespmem:s23], [sflag:$0xB], $0x40, s24, s15, $0xb8;
	[tilespmem:$0x1B620] =	vst v63  }
0xf2: {  	_ =	swait.ge [sflag:s31], $0x1400  }
0xf3: {  	s25 =	sadd.s32 $0x2760, s19;
	[sflag:s31] =	ssyncset.done $0x0  }
0xf4: {  	s18 =	simm.s32 $0x3;
	s24 =	simm.s32 $0x6220;
	[sflag:s31] =	ssyncadd.s32 $0xFFFFEC00  }
0xf5: {  	[spmem:s2] =	stream.indirect.scatter.add.f32 [tilespmem:s24], [sflag:$0xC], $0x40, s25, s15, $0xb8;
	[tilespmem:$0x1B620] =	vst v63  }
0xf6: {  	_ =	swait.ge [sflag:s18], $0x1400  }
0xf7: {  	s26 =	sadd.s32 $0x27B0, s19;
	[sflag:s18] =	ssyncset.done $0x0  }
0xf8: {  	s13 =	simm.s32 $0x4;
	s25 =	simm.s32 $0x7620;
	[sflag:s18] =	ssyncadd.s32 $0xFFFFEC00  }
0xf9: {  	[spmem:s2] =	stream.indirect.scatter.add.f32 [tilespmem:s25], [sflag:$0xD], $0x40, s26, s15, $0xb8;
	[tilespmem:$0x1B620] =	vst v63  }
0xfa: {  	_ =	swait.ge [sflag:s13], $0x1400  }
0xfb: {  	s28 =	sadd.s32 $0x2800, s19;
	[sflag:s13] =	ssyncset.done $0x0  }
0xfc: {  	s1 =	simm.s32 $0x5;
	s26 =	simm.s32 $0x8A20;
	[sflag:s13] =	ssyncadd.s32 $0xFFFFEC00  }
0xfd: {  	[spmem:s2] =	stream.indirect.scatter.add.f32 [tilespmem:s26], [sflag:$0xE], $0x40, s28, s15, $0xb8;
	[tilespmem:$0x1B620] =	vst v63  }
0xfe: {  	_ =	swait.ge [sflag:s1], $0x1400  }
0xff: {  	[sflag:s1] =	ssyncset.done $0x0  }
0x100: {  	s0 =	sadd.s32 $0x2850, s19;
	s28 =	simm.s32 $0x9E20;
	[sflag:s1] =	ssyncadd.s32 $0xFFFFEC00  }
0x101: {  	[spmem:s2] =	stream.indirect.scatter.add.f32 [tilespmem:s28], [sflag:$0xF], $0x40, s0, s15, $0xb8;
	[tilespmem:$0x1B620] =	vst v63  }
0x102: {  	s0 =	simm.s32 $0xB  }
0x103: {  	_ =	swait.ge [sflag:s0], $0x1400  }
0x104: {  	[sflag:s0] =	ssyncset.done $0x0  }
0x105: {  	[sflag:s0] =	ssyncadd.s32 $0xFFFFEC00  }
0x106: {  	_ =	swait.ge [sflag:s20], $0x1400  }
0x107: {  	[sflag:s20] =	ssyncset.done $0x0  }
0x108: {  	[sflag:s20] =	ssyncadd.s32 $0xFFFFEC00  }
0x109: {  	_ =	swait.ge [sflag:s22], $0x1400  }
0x10a: {  	[sflag:s22] =	ssyncset.done $0x0  }
0x10b: {  	[sflag:s22] =	ssyncadd.s32 $0xFFFFEC00  }
0x10c: {  	_ =	swait.ge [sflag:s5], $0x1400  }
0x10d: {  	[sflag:s5] =	ssyncset.done $0x0  }
0x10e: {  	[sflag:s5] =	ssyncadd.s32 $0xFFFFEC00  }
0x10f: {  	_ =	swait.ge [sflag:s7], $0x1400  }
0x110: {  	[sflag:s7] =	ssyncset.done $0x0  }
0x111: {  	s21 =	sadd.s32 $0x320, s19;
	[sflag:s7] =	ssyncadd.s32 $0xFFFFEC00  }
0x112: {  	[tilespmem:s23], [sflag:$0x1] =	stream.indirect.gather [hbm4b:s4+s15], $0x40, s21, s15, $0xb8;
	[tilespmem:$0x1B620] =	vst v63  }
0x113: {  	s21 =	sadd.s32 $0x370, s19  }
0x114: {  	[tilespmem:s24], [sflag:$0x2] =	stream.indirect.gather [hbm4b:s4+s15], $0x40, s21, s15, $0xb8;
	[tilespmem:$0x1B620] =	vst v63  }
0x115: {  	s21 =	sadd.s32 $0x3C0, s19  }
0x116: {  	[tilespmem:s25], [sflag:$0x3] =	stream.indirect.gather [hbm4b:s4+s15], $0x40, s21, s15, $0xb8;
	[tilespmem:$0x1B620] =	vst v63  }
0x117: {  	s21 =	sadd.s32 $0x410, s19  }
0x118: {  	[tilespmem:s26], [sflag:$0x4] =	stream.indirect.gather [hbm4b:s4+s15], $0x40, s21, s15, $0xb8;
	[tilespmem:$0x1B620] =	vst v63  }
0x119: {  	s21 =	sadd.s32 $0x460, s19  }
0x11a: {  	[tilespmem:s28], [sflag:$0x5] =	stream.indirect.gather [hbm4b:s4+s15], $0x40, s21, s15, $0xb8;
	[tilespmem:$0x1B620] =	vst v63  }
0x11b: {  	_ =	swait.ge [sflag:s8], $0x1400  }
0x11c: {  	[sflag:s8] =	ssyncset.done $0x0  }
0x11d: {  	s21 =	sadd.s32 $0x28A0, s19;
	[sflag:s8] =	ssyncadd.s32 $0xFFFFEC00  }
0x11e: {  	[spmem:s2] =	stream.indirect.scatter.add.f32 [tilespmem:s29], [sflag:$0x10], $0x40, s21, s15, $0xb8;
	[tilespmem:$0x1B620] =	vst v63  }
0x11f: {  	_ =	swait.ge [sflag:s9], $0x1400  }
0x120: {  	[sflag:s9] =	ssyncset.done $0x0  }
0x121: {  	s21 =	sadd.s32 $0x28F0, s19;
	s29 =	simm.s32 $0xC620;
	[sflag:s9] =	ssyncadd.s32 $0xFFFFEC00  }
0x122: {  	[spmem:s2] =	stream.indirect.scatter.add.f32 [tilespmem:s29], [sflag:$0x11], $0x40, s21, s15, $0xb8;
	[tilespmem:$0x1B620] =	vst v63  }
0x123: {  	_ =	swait.ge [sflag:s10], $0x1400  }
0x124: {  	[sflag:s10] =	ssyncset.done $0x0  }
0x125: {  	s21 =	sadd.s32 $0x2940, s19;
	s29 =	simm.s32 $0xDA20;
	[sflag:s10] =	ssyncadd.s32 $0xFFFFEC00  }
0x126: {  	[spmem:s2] =	stream.indirect.scatter.add.f32 [tilespmem:s29], [sflag:$0x12], $0x40, s21, s15, $0xb8;
	[tilespmem:$0x1B620] =	vst v63  }
0x127: {  	_ =	swait.ge [sflag:s3], $0x1400  }
0x128: {  	[sflag:s3] =	ssyncset.done $0x0  }
0x129: {  	s21 =	sadd.s32 $0x2990, s19;
	s29 =	simm.s32 $0xEE20;
	[sflag:s3] =	ssyncadd.s32 $0xFFFFEC00  }
0x12a: {  	[spmem:s2] =	stream.indirect.scatter.add.f32 [tilespmem:s29], [sflag:$0x13], $0x40, s21, s15, $0xb8;
	[tilespmem:$0x1B620] =	vst v63  }
0x12b: {  	_ =	swait.ge [sflag:s6], $0x1400  }
0x12c: {  	[sflag:s6] =	ssyncset.done $0x0  }
0x12d: {  	s21 =	sadd.s32 $0x29E0, s19;
	s29 =	simm.s32 $0x10220;
	[sflag:s6] =	ssyncadd.s32 $0xFFFFEC00  }
0x12e: {  	[spmem:s2] =	stream.indirect.scatter.add.f32 [tilespmem:s29], [sflag:$0x14], $0x40, s21, s15, $0xb8;
	[tilespmem:$0x1B620] =	vst v63  }
0x12f: {  	_ =	swait.ge [sflag:s11], $0x1400  }
0x130: {  	[sflag:s11] =	ssyncset.done $0x0  }
0x131: {  	[sflag:s11] =	ssyncadd.s32 $0xFFFFEC00  }
0x132: {  	_ =	swait.ge [sflag:s12], $0x1400  }
0x133: {  	[sflag:s12] =	ssyncset.done $0x0  }
0x134: {  	[sflag:s12] =	ssyncadd.s32 $0xFFFFEC00  }
0x135: {  	_ =	swait.ge [sflag:s14], $0x1400  }
0x136: {  	[sflag:s14] =	ssyncset.done $0x0  }
0x137: {  	[sflag:s14] =	ssyncadd.s32 $0xFFFFEC00  }
0x138: {  	_ =	swait.ge [sflag:s16], $0x1400  }
0x139: {  	[sflag:s16] =	ssyncset.done $0x0  }
0x13a: {  	[sflag:s16] =	ssyncadd.s32 $0xFFFFEC00  }
0x13b: {  	_ =	swait.ge [sflag:s17], $0x1400  }
0x13c: {  	[sflag:s17] =	ssyncset.done $0x0  }
0x13d: {  	[sflag:s17] =	ssyncadd.s32 $0xFFFFEC00  }
0x13e: {  	_ =	swait.ge [sflag:s30], $0x1400  }
0x13f: {  	[sflag:s30] =	ssyncset.done $0x0  }
0x140: {  	s21 =	simm.s32 $0x4C90;
	[sflag:s30] =	ssyncadd.s32 $0xFFFFEC00  }
0x141: {  	[spmem:s2] =	stream.indirect.scatter.add.f32 [tilespmem:s23], [sflag:$0xB], $0x40, s21, s15, $0xb8;
	[tilespmem:$0x1B620] =	vst v63  }
0x142: {  	_ =	swait.ge [sflag:s31], $0x1400  }
0x143: {  	[sflag:s31] =	ssyncset.done $0x0  }
0x144: {  	s23 =	simm.s32 $0x4CE0;
	[sflag:s31] =	ssyncadd.s32 $0xFFFFEC00  }
0x145: {  	[spmem:s2] =	stream.indirect.scatter.add.f32 [tilespmem:s24], [sflag:$0xC], $0x40, s23, s15, $0xb8;
	[tilespmem:$0x1B620] =	vst v63  }
0x146: {  	_ =	swait.ge [sflag:s18], $0x1400  }
0x147: {  	[sflag:s18] =	ssyncset.done $0x0  }
0x148: {  	s24 =	simm.s32 $0x4D30;
	[sflag:s18] =	ssyncadd.s32 $0xFFFFEC00  }
0x149: {  	[spmem:s2] =	stream.indirect.scatter.add.f32 [tilespmem:s25], [sflag:$0xD], $0x40, s24, s15, $0xb8;
	[tilespmem:$0x1B620] =	vst v63  }
0x14a: {  	_ =	swait.ge [sflag:s13], $0x1400  }
0x14b: {  	[sflag:s13] =	ssyncset.done $0x0  }
0x14c: {  	s25 =	simm.s32 $0x4D80;
	[sflag:s13] =	ssyncadd.s32 $0xFFFFEC00  }
0x14d: {  	[spmem:s2] =	stream.indirect.scatter.add.f32 [tilespmem:s26], [sflag:$0xE], $0x40, s25, s15, $0xb8;
	[tilespmem:$0x1B620] =	vst v63  }
0x14e: {  	_ =	swait.ge [sflag:s1], $0x1400  }
0x14f: {  	[sflag:s1] =	ssyncset.done $0x0  }
0x150: {  	s26 =	simm.s32 $0x4DD0;
	[sflag:s1] =	ssyncadd.s32 $0xFFFFEC00  }
0x151: {  	[spmem:s2] =	stream.indirect.scatter.add.f32 [tilespmem:s28], [sflag:$0xF], $0x40, s26, s15, $0xb8;
	[tilespmem:$0x1B620] =	vst v63  }
0x152: {  	_ =	swait.ge [sflag:s0], $0x1400  }
0x153: {  	[sflag:s0] =	ssyncset.done $0x0  }
0x154: {  	[sflag:s0] =	ssyncadd.s32 $0xFFFFEC00  }
0x155: {  	_ =	swait.ge [sflag:s20], $0x1400  }
0x156: {  	[sflag:s20] =	ssyncset.done $0x0  }
0x157: {  	[sflag:s20] =	ssyncadd.s32 $0xFFFFEC00  }
0x158: {  	_ =	swait.ge [sflag:s22], $0x1400  }
0x159: {  	[sflag:s22] =	ssyncset.done $0x0  }
0x15a: {  	[sflag:s22] =	ssyncadd.s32 $0xFFFFEC00  }
0x15b: {  	_ =	swait.ge [sflag:s5], $0x1400  }
0x15c: {  	[sflag:s5] =	ssyncset.done $0x0  }
0x15d: {  	[sflag:s5] =	ssyncadd.s32 $0xFFFFEC00  }
0x15e: {  	_ =	swait.ge [sflag:s7], $0x1400  }
0x15f: {  	[sflag:s7] =	ssyncset.done $0x0  }
0x160: {  	[sflag:s7] =	ssyncadd.s32 $0xFFFFEC00  }
0x161: {  	[bflag:$0x0] =	sbarrier.arrive $0xFFFF  }
0x162: {  	s21 =	rddreg [dreg:$0x4]  }
0x163: {  	s29 =	rddreg [dreg:$0x7]  }
0x164: {  	s24 =	simm.s32 $0x16;
	s23 =	rddreg [dreg:$0x9]  }
0x165: {  	[hbm:s29], [sflag:s21] =	dma.local [spmem:s23], $0x1400  }
0x166: {  	_ =	swait.ge [sflag:s24], $0x1400  }
0x167: {  	s30 =	rddreg [dreg:$0xa]  }
0x168: {  	s31 =	rddreg [dreg:$0x8];
	s0 =	sadd.s32 $0x1, s30  }
0x169: {  	p0 =	sne.s32 s0, s31  }
.Ltmp1:
0x16a: {  	_ = 	snop;
	(pc) =	sbr.rel @p0 .LBB2_1-.Ltmp1, $3  }
0x16b: {  	_ =	sdelay $0x1  }
0x16c: {  	[sflag:s24] =	ssyncset.done $0x0  }
0x16d: {  	[sflag:s24] =	ssyncadd.s32 $0xFFFFEC00  }
0x16e: {  	_ =	sfence.sel $0x180000  }
0x16f: {  	[bflag:$0x0] =	sbarrier.arrive $0xFFFF  }
0x170: {  	_ =	strace $0x9000004A  }
0x171: {  	s0 =	stileid.u32;
	[bflag:$0x2] =	sbarrier.arrive $0xFFFF  }
0x172: {  	p0 =	sne.s32 s0, $0x0;
	s0 =	rddreg [dreg:$0x2]  }
0x173: {  	s0 =	sadd.s32 @!p0 $0x100000, s0  }
0x174: {  	[sflag:s0] =	ssyncadd.tile.s32 @!p0 $0x1;
	_ =	shalt  }
.Lfunc_end2:
_tile_overlayer_lowered:
.L_overlay_start_2:
0x175: {  	(tag) =	ssettag $0x2  }
0x176: {  	s0 =	rddreg [dreg:$0x0];
	s2 =	stileid.u32  }
0x177: {  	s1 =	rddreg [dreg:$0x1];
	p0 =	sne.s32 s2, $0x0  }
0x178: {  	s3 =	rddreg [dreg:$0x2];
	[bflag:$0x3] =	sbarrier.arrive $0xFFFF;
	s2 =	simm.s32 @!p0 $0x1C16  }
0x179: {  	[timem:s3], [sflag:s2] =	dma.local @!p0 [hbm:s0], s1  }
0x17a: {  	s0 =	simm.s32 @!p0 $0x16  }
0x17b: {  	_ =	swait.ge @!p0 [sflag:s0], s1  }
0x17c: {  	s1 =	ssub.s32 @!p0 $0x0, s1;
	[sflag:s0] =	ssyncset.done @!p0 $0x0  }
0x17d: {  	[sflag:s0] =	ssyncadd.s32 @!p0 s1  }
0x17e: {  	[bflag:$0x3] =	sbarrier.arrive $0xFFFF  }
0x17f: {  	_ =	shalt  }

// kernel: kernel.15.cloned.1.call-start
scs
__scs_entry_jumppad:
0x0: {  	(pc) =	sbr.rel $0x88, $3  }
0x1: {  	(tag) =	ssettag $0x0;
	lr =	simm.s32 $0x1  }
0x2: {  	[smem:$0x3F81] =	sst lr;
	_ =	strace $0xD0000000  }
0x3: {  	_ = 	snop  }
0x4: {  	_ = 	snop  }
0x5: {  	_ = 	snop  }
0x6: {  	_ = 	snop  }
0x7: {  	_ = 	snop  }
__scs_overlays_trampoline_lowered:
0x8: {  	[smem:$0x3F90] =	sst s0  }
0x9: {  	[smem:$0x3F91] =	sst s1  }
0xa: {  	[smem:$0x3F92] =	sst s2  }
0xb: {  	[smem:$0x3F93] =	sst s3  }
0xc: {  	[smem:$0x3F94] =	sst s4  }
0xd: {  	[smem:$0x3F95] =	sst s5  }
0xe: {  	[smem:$0x3F96] =	sst s6  }
0xf: {  	[smem:$0x3F97] =	sst s7  }
0x10: {  	[smem:$0x3F98] =	sst s8  }
0x11: {  	[smem:$0x3F99] =	sst s9;
	s0 =	simm.s32 @!p0 $0x0  }
0x12: {  	s1 =	sld [smem:$0x3F7F];
	s0 =	simm.s32 @p0 $0x1  }
0x13: {  	[smem:$0x3F9A] =	sst s0;
	s0 =	simm.s32 @!p1 $0x0  }
0x14: {  	s2 =	sld [smem:$0x3F7E];
	s0 =	simm.s32 @p1 $0x1  }
0x15: {  	[smem:$0x3F9B] =	sst s0;
	s0 =	simm.s32 @!p2 $0x0  }
0x16: {  	s3 =	sld [smem:$0x3FDB];
	s0 =	simm.s32 @p2 $0x1  }
0x17: {  	s4 =	simm.s32 $0x1BF5;
	[smem:$0x3F9D] =	sst s0  }
0x18: {  	s0 =	sld [smem:$0x3F80];
	_ =	swait.ge [sflag:s4], $0x0  }
0x19: {  	s7 =	sld [smem:$0x3F81]  }
0x1a: {  	s8 =	sadd.s32 $0xFFFFE003, lr  }
0x1b: {  	s9 =	sadd.s32 $0xFFFFFEF7, lr;
	s5 =	simm.s32 $0xFFFFFFFF;
	p2 =	slt.u32 s8, $0xFFFFF086  }
0x1c: {  	p1 =	slt.u32 s9, $0xF7A;
	s5 =	simm.s32 @!p2 $0x0  }
0x1d: {  	s5 =	simm.s32 @p1 $0x1;
	p0 =	seq.s32 s7, s2  }
0x1e: {  	s7 =	smul.u32 @!p0 $0xF7A, s2;
	p2 =	seq.s32 @!p0 s5, $0x0  }
0x1f: {  	s9 =	smul.u32 $0xF7A, s1;
	s8 =	simm.s32 @!p0 $0x1BF5;
	p2 =	por !p2, p0  }
0x20: {  	[sflag:s8] =	ssyncset.s32 @!p0 $0xFFFFF086;
	s6 =	sadd.s32 @!p0 s3, s7;
	s7 =	simm.s32 @!p0 $0x108  }
0x21: {  	s3 =	sadd.s32 s3, s9;
	s6 =	sadd.s32 @!p0 $0x88, s6;
	s7 =	simm.s32 @p2 $0x1082  }
0x22: {  	[simem:s7], [sflag:s8] =	dma.local @!p0 [hbm:s6], $0xF7A  }
0x23: {  	s9 =	sor.u32 $0xD0000000, s2;
	s6 =	simm.s32 $0x108;
	_ =	swait.ge @!p0 [sflag:s8], $0x0  }
0x24: {  	s3 =	sadd.s32 $0x88, s3;
	s6 =	simm.s32 @!p1 $0x1082;
	[sflag:s4] =	ssyncset.s32 $0xFFFFF086  }
0x25: {  	[simem:s6], [sflag:s4] =	dma.local [hbm:s3], $0xF7A  }
0x26: {  	[smem:$0x3F81] =	sst s1;
	(tag) =	ssettag s2;
	_ =	strace s9  }
0x27: {  	s1 =	sld [smem:$0x3F91]  }
0x28: {  	s2 =	sld [smem:$0x3F92]  }
0x29: {  	s4 =	sld [smem:$0x3F94]  }
0x2a: {  	p0 =	seq.s32 s5, $0x0;
	s5 =	sld [smem:$0x3F95]  }
0x2b: {  	s6 =	sld [smem:$0x3F96]  }
0x2c: {  	s7 =	sld [smem:$0x3F97]  }
0x2d: {  	s3 =	simm.s32 $0x108;
	s8 =	sld [smem:$0x3F98]  }
0x2e: {  	s3 =	simm.s32 @!p0 $0x1082;
	s9 =	sld [smem:$0x3F99]  }
0x2f: {  	lr =	sadd.s32 s0, s3;
	s0 =	sld [smem:$0x3F90]  }
0x30: {  	s3 =	sld [smem:$0x3F93]  }
0x31: {  	[smem:$0x3F9C] =	sst s10  }
0x32: {  	s10 =	sld [smem:$0x3F9A];
	_ =	sdelay $0x3  }
0x33: {  	p0 =	seq.s32 s10, $0x1;
	s10 =	sld [smem:$0x3F9C];
	_ =	sdelay $0x3  }
0x34: {  	[smem:$0x3F9C] =	sst s10  }
0x35: {  	s10 =	sld [smem:$0x3F9B];
	_ =	sdelay $0x3  }
0x36: {  	p1 =	seq.s32 s10, $0x1;
	s10 =	sld [smem:$0x3F9C];
	_ =	sdelay $0x3  }
0x37: {  	[smem:$0x3F9C] =	sst s10  }
0x38: {  	s10 =	sld [smem:$0x3F9D]  }
0x39: {  	_ = 	snop;
	(pc) =	sbr.ind lr, $3  }
0x3a: {  	_ = 	snop  }
0x3b: {  	_ = 	snop  }
0x3c: {  	p2 =	seq.s32 s10, $0x1;
	s10 =	sld [smem:$0x3F9C]  }
0x3d: {  	_ =	shalt  }
0x3e: {  	_ =	shalt  }
0x3f: {  	_ =	shalt  }
0x40: {  	_ =	shalt  }
0x41: {  	_ =	shalt  }
0x42: {  	_ =	shalt  }
0x43: {  	_ =	shalt  }
0x44: {  	_ =	shalt  }
0x45: {  	_ =	shalt  }
0x46: {  	_ =	shalt  }
0x47: {  	_ =	shalt  }
0x48: {  	_ =	shalt  }
0x49: {  	_ =	shalt  }
0x4a: {  	_ =	shalt  }
0x4b: {  	_ =	shalt  }
0x4c: {  	_ =	shalt  }
0x4d: {  	_ =	shalt  }
0x4e: {  	_ =	shalt  }
0x4f: {  	_ =	shalt  }
0x50: {  	_ =	shalt  }
0x51: {  	_ =	shalt  }
0x52: {  	_ =	shalt  }
0x53: {  	_ =	shalt  }
0x54: {  	_ =	shalt  }
0x55: {  	_ =	shalt  }
0x56: {  	_ =	shalt  }
0x57: {  	_ =	shalt  }
0x58: {  	_ =	shalt  }
0x59: {  	_ =	shalt  }
0x5a: {  	_ =	shalt  }
0x5b: {  	_ =	shalt  }
0x5c: {  	_ =	shalt  }
0x5d: {  	_ =	shalt  }
0x5e: {  	_ =	shalt  }
0x5f: {  	_ =	shalt  }
0x60: {  	_ =	shalt  }
0x61: {  	_ =	shalt  }
0x62: {  	_ =	shalt  }
0x63: {  	_ =	shalt  }
0x64: {  	_ =	shalt  }
0x65: {  	_ =	shalt  }
0x66: {  	_ =	shalt  }
0x67: {  	_ =	shalt  }
0x68: {  	_ =	shalt  }
0x69: {  	_ =	shalt  }
0x6a: {  	_ =	shalt  }
0x6b: {  	_ =	shalt  }
0x6c: {  	_ =	shalt  }
0x6d: {  	_ =	shalt  }
0x6e: {  	_ =	shalt  }
0x6f: {  	_ =	shalt  }
0x70: {  	_ =	shalt  }
0x71: {  	_ =	shalt  }
0x72: {  	_ =	shalt  }
0x73: {  	_ =	shalt  }
0x74: {  	_ =	shalt  }
0x75: {  	_ =	shalt  }
0x76: {  	_ =	shalt  }
0x77: {  	_ =	shalt  }
0x78: {  	_ =	shalt  }
0x79: {  	_ =	shalt  }
0x7a: {  	_ =	shalt  }
0x7b: {  	_ =	shalt  }
0x7c: {  	_ =	shalt  }
0x7d: {  	_ =	shalt  }
0x7e: {  	_ =	shalt  }
0x7f: {  	_ =	shalt  }
0x80: {  	_ =	shalt  }
0x81: {  	_ =	shalt  }
0x82: {  	_ =	shalt  }
0x83: {  	_ =	shalt  }
0x84: {  	_ =	shalt  }
0x85: {  	_ =	shalt  }
0x86: {  	_ =	shalt  }
0x87: {  	_ =	shalt  }
.Lfunc_end0:
.L_simem_size_0:
called_computation.2_lowered:
.L_overlay_start_0:
0x88: {  	s2 =	sld [smem:$0x3FD9]  }
0x89: {  	s3 =	sld [smem:$0x3FFE];
	_ =	sdelay $0x1  }
0x8a: {  	s1 =	srdreg.scid  }
0x8b: {  	s0 =	sand.u32 $0x1, s1  }
0x8c: {  	s16 =	sshll.u32 s0, $0xA;
	s2 =	sadd.s32 s3, s2  }
0x8d: {  	s2 =	sadd.s32 s2, s16  }
0x8e: {  	[smem:$0x3FA8] =	sst s2  }
0x8f: {  	_ = 	snop  }
0x90: {  	(tm) =	ssettm $0x1  }
0x91: {  	s17 =	sld [smem:$0x3FFB];
	_ =	sdelay $0x3  }
0x92: {  	_ =	strace s17  }
0x93: {  	s2 =	sld [smem:$0x3FFC];
	_ =	sdelay $0x3  }
0x94: {  	_ =	strace s2  }
0x95: {  	s2 =	sld [smem:$0x3FFD];
	_ =	sdelay $0x3  }
0x96: {  	_ =	strace s2  }
0x97: {  	_ =	strace $0x8FFFFFFF  }
0x98: {  	s18 =	sld [smem:$0x3FDB];
	_ =	sdelay $0x1  }
0x99: {  	s19 =	simm.s32 $_scs_section_size  }
0x9a: {  	s4 =	simm.s32 $_size__tile_overlayer_lowered;
	s5 =	simm.s32 $_tile_overlayer_lowered  }
0x9b: {  	s22 =	simm.s32 $0x1BFF;
	s21 =	sshll.u32 s5, $0x1;
	s2 =	sadd.s32 s19, s18  }
0x9c: {  	s6 =	simm.s32 $0x0;
	s20 =	sshll.u32 s4, $0x1;
	s4 =	sadd.s32 s21, s2  }
0x9d: {  	[timem:s6], [sflag:s22] =	dma.local [hbm:s4], s20  }
0x9e: {  	_ =	swait.ge [sflag:s22], s20  }
0x9f: {  	s3 =	ssub.s32 $0x0, s20;
	[sflag:s22] =	ssyncset.done $0x0  }
0xa0: {  	[sflag:s22] =	ssyncadd.s32 s3;
	_ =	sdelay $0x1  }
0xa1: {  	s23 =	simm.s32 $0x1B8B  }
0xa2: {  	_ =	swait.ge [sflag:s23], $0x1  }
0xa3: {  	[sflag:s23] =	ssyncset.done $0x0  }
0xa4: {  	s25 =	simm.s32 $0x1B8E;
	s24 =	sld [smem:$0x3FFE];
	[sflag:s23] =	ssyncadd.s32 $0xFFFFFFFF  }
0xa5: {  	s26 =	simm.s32 $execute0_lowered;
	[smem:$0x3FD2] =	sst s25  }
0xa6: {  	s4 =	sshll.u32 s26, $0x1;
	_ =	strace $0x8000004C;
	[dreg:$0x1] =	wrdreg $0xFFFFFFFF  }
0xa7: {  	s28 =	simm.s32 $_size_execute0_lowered;
	s2 =	sadd.s32 s2, s4;
	[dreg:$0x0] =	wrdreg $0x0  }
0xa8: {  	s4 =	sshll.u32 s28, $0x1;
	[dreg:$0x2] =	wrdreg s2  }
0xa9: {  	[dreg:$0x3] =	wrdreg s4  }
0xaa: {  	[dreg:$0x4] =	wrdreg $0xC0  }
0xab: {  	_ =	task [dreg:s6], $0x5FFFF  }
0xac: {  	[dreg:$0x1] =	wrdreg $0xFFFFFFFF  }
0xad: {  	[dreg:$0x0] =	wrdreg $0x60  }
0xae: {  	[dreg:$0x2] =	wrdreg s24  }
0xaf: {  	[dreg:$0x3] =	wrdreg $0x116200  }
0xb0: {  	[dreg:$0x4] =	wrdreg $0x9  }
0xb1: {  	_ =	task.clear_ibuf [dreg:s6], $0x5FFFF;
	_ =	strace $0x9000004C  }
0xb2: {  	s29 =	simm.s32 $0x9;
	_ =	strace $0x8000004E  }
0xb3: {  	_ =	swait.ge [sflag:s29], $0x1  }
0xb4: {  	[sflag:s29] =	ssyncadd.s32 $0xFFFFFFFF  }
0xb5: {  	_ =	strace $0x9000004E  }
0xb6: {  	_ =	sfence  }
0xb7: {  	s30 =	sld [smem:$0x0];
	_ =	sdelay $0x2  }
0xb8: {  	s31 =	sshll.u32 s1, $0xD;
	s1 =	sshrl.u32 s1, $0x2  }
0xb9: {  	s3 =	sand.u32 $0x4000, s31;
	s1 =	sadd.s32 s1, s30  }
0xba: {  	s0 =	sor.u32 s3, s0;
	s1 =	sshll.u32 s1, $0x11  }
0xbb: {  	s0 =	sor.u32 s1, s0  }
0xbc: {  	s0 =	sadd.s32 $0x8F2B, s0  }
0xbd: {  	[sflag:s0] =	ssyncadd.remote.s32 $0x1  }
0xbe: {  	_ =	sfence.sel $0xFFFF  }
0xbf: {  	[dreg:$0x0] =	wrdreg $0xFFFFFFFF;
	(pc) =	sbr.abs _section_cstart, $3  }
0xc0: {  	[dreg:$0x1] =	wrdreg $0xFFFFFFFF  }
0xc1: {  	_ =	task.clear_ibuf [dreg:s6], $0x2FFFF;
	_ =	strace $0x9FFFFFFF  }
0xc2: {  	(tm) =	ssettm $0x7FFFFFFF  }
0xc3: {  	_ =	shalt  }
tec
execute0_lowered:
.L_overlay_start_1:
0x0: {  	(tag) =	ssettag $0x1  }
0x1: {  	s0 =	srdreg.scid;
	s3 =	rddreg [dreg:$0x0]  }
0x2: {  	s9 =	stileid.u32;
	s2 =	rddreg [dreg:$0x1];
	s4 =	simm.s32 $0x0  }
0x3: {  	s24 =	simm.s32 $0x16;
	s15 =	simm.s32 $0x50;
	s20 =	simm.s32 $0xC  }
0x4: {  	s22 =	simm.s32 $0xD;
	s10 =	simm.s32 $0x8;
	s11 =	simm.s32 $0x10  }
0x5: {  	s12 =	simm.s32 $0x11;
	s14 =	simm.s32 $0x12;
	s16 =	simm.s32 $0x13  }
0x6: {  	s17 =	simm.s32 $0x14;
	s0 =	sand.u32 $0x1, s0;
	s5 =	smul.u32 $0xA000, s9  }
0x7: {  	s1 =	sshll.u32 s9, $0x1;
	[smem:$0x7FF] =	sst s4;
	s6 =	smul.u32 $0x1400, s9  }
0x8: {  	s4 =	sadd.s32 $0x3E00, s3;
	s28 =	sshll.u32 s9, $0x6;
	s9 =	simm.s32 $0x7  }
0x9: {  	s1 =	sor.u32 s0, s1;
	_ =	strace $0x8000004D;
	s7 =	smul.u32 $0x14000, s0  }
0xa: {  	s0 =	ssub.s32 $0x2, s0;
	s21 =	sor.u32 $0x1C16, s28;
	s1 =	smul.u32 $0x4E2, s1  }
0xb: {  	s8 =	sshrl.u32 s5, $0x3;
	s26 =	sshrl.u32 s0, $0x1;
	s5 =	sadd.s32 s5, s2  }
0xc: {  	[dreg:$0x4] =	wrdreg s21;
	s8 =	sadd.s32 s8, s3;
	s6 =	sadd.s32 s6, s7  }
0xd: {  	s0 =	ssub.s32 s0, s26;
	s23 =	sshrl.u32 s5, $0x3;
	s5 =	simm.s32 $0xE  }
0xe: {  	s7 =	simm.s32 $0xF;
	s29 =	sadd.s32 $0x2BA00, s8;
	[dreg:$0x9] =	wrdreg s23  }
0xf: {  	s1 =	sadd.s32 s1, s3;
	s0 =	smax.u32 s0, $0x1;
	[dreg:$0x3] =	wrdreg s29  }
0x10: {  	s3 =	sadd.s32 s6, s3;
	s30 =	sadd.s32 $0x21C00, s1;
	[dreg:$0x8] =	wrdreg s0  }
0x11: {  	s8 =	simm.s32 $0x6;
	s1 =	sadd.s32 $0x17E00, s1;
	[dreg:$0x5] =	wrdreg s30  }
0x12: {  	s6 =	simm.s32 $0xA;
	s31 =	sadd.s32 $0x3FA00, s3;
	[dreg:$0x6] =	wrdreg s1  }
0x13: {  	s3 =	simm.s32 $0x9;
	s0 =	simm.s32 $0x0;
	[dreg:$0x7] =	wrdreg s31  }
.LBB2_1:
0x14: {  	[dreg:$0xa] =	wrdreg s0  }
0x15: {  	s19 =	rddreg [dreg:$0x3]  }
0x16: {  	[spmem:s23], [sflag:s21] =	dma.local [hbm:s19], $0x1400  }
0x17: {  	_ =	swait.ge [sflag:s24], $0x1400  }
0x18: {  	[sflag:s24] =	ssyncset.done $0x0  }
0x19: {  	s25 =	simm.s32 $0x0;
	s26 =	rddreg [dreg:$0x5];
	[sflag:s24] =	ssyncadd.s32 $0xFFFFEC00  }
0x1a: {  	[tilespmem:s25], [sflag:$0x15] =	stream.linear.gather [hbm4b:s26+s25], $0x2710, $0x38;
	[tilespmem:$0x1B620] =	vst v63  }
0x1b: {  	s29 =	simm.s32 $0x2710;
	s30 =	simm.s32 $0x15;
	s28 =	rddreg [dreg:$0x6]  }
0x1c: {  	[tilespmem:s29], [sflag:$0x15] =	stream.linear.gather [hbm4b:s28+s25], $0x2710, $0x38;
	[tilespmem:$0x1B620] =	vst v63  }
0x1d: {  	_ =	swait.ge [sflag:s30], $0x2710  }
0x1e: {  	[sflag:s30] =	ssyncset.done $0x0  }
0x1f: {  	[sflag:s30] =	ssyncadd.s32 $0xFFFFD8F0  }
0x20: {  	_ =	swait.ge [sflag:s30], $0x2710  }
0x21: {  	[sflag:s30] =	ssyncset.done $0x0  }
0x22: {  	[sflag:s30] =	ssyncadd.s32 $0xFFFFD8F0  }
0x23: {  	s21 =	simm.s32 $0x4E20;
	[bflag:$0x0] =	sbarrier.arrive $0xFFFF  }
0x24: {  	[tilespmem:s21], [sflag:$0x1] =	stream.indirect.gather [hbm4b:s4+s15], $0x40, s25, s15, $0xb8;
	[tilespmem:$0x1B620] =	vst v63  }
0x25: {  	s23 =	simm.s32 $0x6220  }
0x26: {  	[tilespmem:s23], [sflag:$0x2] =	stream.indirect.gather [hbm4b:s4+s15], $0x40, s15, s15, $0xb8;
	[tilespmem:$0x1B620] =	vst v63  }
0x27: {  	s31 =	simm.s32 $0xA0;
	s24 =	simm.s32 $0x7620  }
0x28: {  	[tilespmem:s24], [sflag:$0x3] =	stream.indirect.gather [hbm4b:s4+s15], $0x40, s31, s15, $0xb8;
	[tilespmem:$0x1B620] =	vst v63  }
0x29: {  	s0 =	simm.s32 $0xF0;
	s25 =	simm.s32 $0x8A20  }
0x2a: {  	[tilespmem:s25], [sflag:$0x4] =	stream.indirect.gather [hbm4b:s4+s15], $0x40, s0, s15, $0xb8;
	[tilespmem:$0x1B620] =	vst v63  }
0x2b: {  	s1 =	simm.s32 $0x140;
	s26 =	simm.s32 $0x9E20  }
0x2c: {  	[tilespmem:s26], [sflag:$0x5] =	stream.indirect.gather [hbm4b:s4+s15], $0x40, s1, s15, $0xb8;
	[tilespmem:$0x1B620] =	vst v63  }
0x2d: {  	s13 =	simm.s32 $0x190;
	s28 =	simm.s32 $0xB220  }
0x2e: {  	[tilespmem:s28], [sflag:$0x6] =	stream.indirect.gather [hbm4b:s4+s15], $0x40, s13, s15, $0xb8;
	[tilespmem:$0x1B620] =	vst v63  }
0x2f: {  	s18 =	simm.s32 $0x1E0;
	s1 =	simm.s32 $0xC620  }
0x30: {  	[tilespmem:s1], [sflag:$0x7] =	stream.indirect.gather [hbm4b:s4+s15], $0x40, s18, s15, $0xb8;
	[tilespmem:$0x1B620] =	vst v63  }
0x31: {  	s29 =	simm.s32 $0x230;
	s0 =	simm.s32 $0xDA20  }
0x32: {  	[tilespmem:s0], [sflag:$0x8] =	stream.indirect.gather [hbm4b:s4+s15], $0x40, s29, s15, $0xb8;
	[tilespmem:$0x1B620] =	vst v63  }
0x33: {  	s30 =	simm.s32 $0x280;
	s13 =	simm.s32 $0xEE20  }
0x34: {  	[tilespmem:s13], [sflag:$0x9] =	stream.indirect.gather [hbm4b:s4+s15], $0x40, s30, s15, $0xb8;
	[tilespmem:$0x1B620] =	vst v63  }
0x35: {  	s31 =	simm.s32 $0x2D0;
	s18 =	simm.s32 $0x10220;
	s29 =	simm.s32 $0x1  }
0x36: {  	[tilespmem:s18], [sflag:$0xA] =	stream.indirect.gather [hbm4b:s4+s15], $0x40, s31, s15, $0xb8;
	[tilespmem:$0x1B620] =	vst v63  }
0x37: {  	_ =	swait.ge [sflag:s29], $0x1400  }
0x38: {  	[sflag:s29] =	ssyncset.done $0x0  }
0x39: {  	s30 =	simm.s32 $0x2710;
	s31 =	simm.s32 $0x2;
	[sflag:s29] =	ssyncadd.s32 $0xFFFFEC00  }
0x3a: {  	[spmem:s2] =	stream.indirect.scatter.add.f32 [tilespmem:s21], [sflag:$0xB], $0x40, s30, s15, $0xb8;
	[tilespmem:$0x1B620] =	vst v63  }
0x3b: {  	_ =	swait.ge [sflag:s31], $0x1400  }
0x3c: {  	[sflag:s31] =	ssyncset.done $0x0  }
0x3d: {  	s29 =	simm.s32 $0x2760;
	s30 =	simm.s32 $0x3;
	[sflag:s31] =	ssyncadd.s32 $0xFFFFEC00  }
0x3e: {  	[spmem:s2] =	stream.indirect.scatter.add.f32 [tilespmem:s23], [sflag:$0xC], $0x40, s29, s15, $0xb8;
	[tilespmem:$0x1B620] =	vst v63  }
0x3f: {  	_ =	swait.ge [sflag:s30], $0x1400  }
0x40: {  	[sflag:s30] =	ssyncset.done $0x0  }
0x41: {  	s31 =	simm.s32 $0x27B0;
	s29 =	simm.s32 $0x4;
	[sflag:s30] =	ssyncadd.s32 $0xFFFFEC00  }
0x42: {  	[spmem:s2] =	stream.indirect.scatter.add.f32 [tilespmem:s24], [sflag:$0xD], $0x40, s31, s15, $0xb8;
	[tilespmem:$0x1B620] =	vst v63  }
0x43: {  	_ =	swait.ge [sflag:s29], $0x1400  }
0x44: {  	[sflag:s29] =	ssyncset.done $0x0  }
0x45: {  	s30 =	simm.s32 $0x2800;
	s31 =	simm.s32 $0x5;
	[sflag:s29] =	ssyncadd.s32 $0xFFFFEC00  }
0x46: {  	[spmem:s2] =	stream.indirect.scatter.add.f32 [tilespmem:s25], [sflag:$0xE], $0x40, s30, s15, $0xb8;
	[tilespmem:$0x1B620] =	vst v63  }
0x47: {  	_ =	swait.ge [sflag:s31], $0x1400  }
0x48: {  	[sflag:s31] =	ssyncset.done $0x0  }
0x49: {  	s29 =	simm.s32 $0x2850;
	s30 =	simm.s32 $0xB;
	[sflag:s31] =	ssyncadd.s32 $0xFFFFEC00  }
0x4a: {  	[spmem:s2] =	stream.indirect.scatter.add.f32 [tilespmem:s26], [sflag:$0xF], $0x40, s29, s15, $0xb8;
	[tilespmem:$0x1B620] =	vst v63  }
0x4b: {  	_ =	swait.ge [sflag:s30], $0x1400  }
0x4c: {  	[sflag:s30] =	ssyncset.done $0x0  }
0x4d: {  	[sflag:s30] =	ssyncadd.s32 $0xFFFFEC00  }
0x4e: {  	_ =	swait.ge [sflag:s20], $0x1400  }
0x4f: {  	[sflag:s20] =	ssyncset.done $0x0  }
0x50: {  	[sflag:s20] =	ssyncadd.s32 $0xFFFFEC00  }
0x51: {  	_ =	swait.ge [sflag:s22], $0x1400  }
0x52: {  	[sflag:s22] =	ssyncset.done $0x0  }
0x53: {  	[sflag:s22] =	ssyncadd.s32 $0xFFFFEC00  }
0x54: {  	_ =	swait.ge [sflag:s5], $0x1400  }
0x55: {  	[sflag:s5] =	ssyncset.done $0x0  }
0x56: {  	[sflag:s5] =	ssyncadd.s32 $0xFFFFEC00  }
0x57: {  	_ =	swait.ge [sflag:s7], $0x1400  }
0x58: {  	[sflag:s7] =	ssyncset.done $0x0  }
0x59: {  	s31 =	simm.s32 $0x320;
	[sflag:s7] =	ssyncadd.s32 $0xFFFFEC00  }
0x5a: {  	[tilespmem:s21], [sflag:$0x1] =	stream.indirect.gather [hbm4b:s4+s15], $0x40, s31, s15, $0xb8;
	[tilespmem:$0x1B620] =	vst v63  }
0x5b: {  	s21 =	simm.s32 $0x370  }
0x5c: {  	[tilespmem:s23], [sflag:$0x2] =	stream.indirect.gather [hbm4b:s4+s15], $0x40, s21, s15, $0xb8;
	[tilespmem:$0x1B620] =	vst v63  }
0x5d: {  	s23 =	simm.s32 $0x3C0  }
0x5e: {  	[tilespmem:s24], [sflag:$0x3] =	stream.indirect.gather [hbm4b:s4+s15], $0x40, s23, s15, $0xb8;
	[tilespmem:$0x1B620] =	vst v63  }
0x5f: {  	s24 =	simm.s32 $0x410  }
0x60: {  	[tilespmem:s25], [sflag:$0x4] =	stream.indirect.gather [hbm4b:s4+s15], $0x40, s24, s15, $0xb8;
	[tilespmem:$0x1B620] =	vst v63  }
0x61: {  	s25 =	simm.s32 $0x460  }
0x62: {  	[tilespmem:s26], [sflag:$0x5] =	stream.indirect.gather [hbm4b:s4+s15], $0x40, s25, s15, $0xb8;
	[tilespmem:$0x1B620] =	vst v63  }
0x63: {  	_ =	swait.ge [sflag:s8], $0x1400  }
0x64: {  	[sflag:s8] =	ssyncset.done $0x0  }
0x65: {  	s26 =	simm.s32 $0x28A0;
	[sflag:s8] =	ssyncadd.s32 $0xFFFFEC00  }
0x66: {  	[spmem:s2] =	stream.indirect.scatter.add.f32 [tilespmem:s28], [sflag:$0x10], $0x40, s26, s15, $0xb8;
	[tilespmem:$0x1B620] =	vst v63  }
0x67: {  	_ =	swait.ge [sflag:s9], $0x1400  }
0x68: {  	[sflag:s9] =	ssyncset.done $0x0  }
0x69: {  	s28 =	simm.s32 $0x28F0;
	[sflag:s9] =	ssyncadd.s32 $0xFFFFEC00  }
0x6a: {  	[spmem:s2] =	stream.indirect.scatter.add.f32 [tilespmem:s1], [sflag:$0x11], $0x40, s28, s15, $0xb8;
	[tilespmem:$0x1B620] =	vst v63  }
0x6b: {  	_ =	swait.ge [sflag:s10], $0x1400  }
0x6c: {  	[sflag:s10] =	ssyncset.done $0x0  }
0x6d: {  	s29 =	simm.s32 $0x2940;
	[sflag:s10] =	ssyncadd.s32 $0xFFFFEC00  }
0x6e: {  	[spmem:s2] =	stream.indirect.scatter.add.f32 [tilespmem:s0], [sflag:$0x12], $0x40, s29, s15, $0xb8;
	[tilespmem:$0x1B620] =	vst v63  }
0x6f: {  	_ =	swait.ge [sflag:s3], $0x1400  }
0x70: {  	[sflag:s3] =	ssyncset.done $0x0  }
0x71: {  	s30 =	simm.s32 $0x2990;
	[sflag:s3] =	ssyncadd.s32 $0xFFFFEC00  }
0x72: {  	[spmem:s2] =	stream.indirect.scatter.add.f32 [tilespmem:s13], [sflag:$0x13], $0x40, s30, s15, $0xb8;
	[tilespmem:$0x1B620] =	vst v63  }
0x73: {  	_ =	swait.ge [sflag:s6], $0x1400  }
0x74: {  	[sflag:s6] =	ssyncset.done $0x0  }
0x75: {  	s31 =	simm.s32 $0x29E0;
	[sflag:s6] =	ssyncadd.s32 $0xFFFFEC00  }
0x76: {  	[spmem:s2] =	stream.indirect.scatter.add.f32 [tilespmem:s18], [sflag:$0x14], $0x40, s31, s15, $0xb8;
	[tilespmem:$0x1B620] =	vst v63  }
0x77: {  	_ =	swait.ge [sflag:s11], $0x1400  }
0x78: {  	[sflag:s11] =	ssyncset.done $0x0  }
0x79: {  	[sflag:s11] =	ssyncadd.s32 $0xFFFFEC00  }
0x7a: {  	_ =	swait.ge [sflag:s12], $0x1400  }
0x7b: {  	[sflag:s12] =	ssyncset.done $0x0  }
0x7c: {  	[sflag:s12] =	ssyncadd.s32 $0xFFFFEC00  }
0x7d: {  	_ =	swait.ge [sflag:s14], $0x1400  }
0x7e: {  	[sflag:s14] =	ssyncset.done $0x0  }
0x7f: {  	[sflag:s14] =	ssyncadd.s32 $0xFFFFEC00  }
0x80: {  	_ =	swait.ge [sflag:s16], $0x1400  }
0x81: {  	[sflag:s16] =	ssyncset.done $0x0  }
0x82: {  	[sflag:s16] =	ssyncadd.s32 $0xFFFFEC00  }
0x83: {  	_ =	swait.ge [sflag:s17], $0x1400  }
0x84: {  	s19 =	simm.s32 $0x320;
	s21 =	simm.s32 $0x1900;
	[sflag:s17] =	ssyncset.done $0x0  }
.LBB2_2:
0x85: {  	s25 =	sadd.s32 $0x190, s19;
	[sflag:s17] =	ssyncadd.s32 $0xFFFFEC00  }
0x86: {  	s23 =	smov.u32 s21;
	s24 =	sadd.s32 $0xC80, s21;
	s31 =	simm.s32 $0xB220  }
0x87: {  	[tilespmem:s31], [sflag:$0x6] =	stream.indirect.gather [hbm4b:s4+s15], $0x40, s25, s15, $0xb8;
	[tilespmem:$0x1B620] =	vst v63  }
0x88: {  	p0 =	sne.s32 s21, $0x8980;
	s21 =	sadd.s32 $0x1E0, s19;
	s1 =	simm.s32 $0xC620  }
0x89: {  	[tilespmem:s1], [sflag:$0x7] =	stream.indirect.gather [hbm4b:s4+s15], $0x40, s21, s15, $0xb8;
	[tilespmem:$0x1B620] =	vst v63  }
0x8a: {  	s0 =	simm.s32 $0xDA20;
	s21 =	sadd.s32 $0x230, s19  }
0x8b: {  	[tilespmem:s0], [sflag:$0x8] =	stream.indirect.gather [hbm4b:s4+s15], $0x40, s21, s15, $0xb8;
	[tilespmem:$0x1B620] =	vst v63  }
0x8c: {  	s13 =	simm.s32 $0xEE20;
	s21 =	sadd.s32 $0x280, s19  }
0x8d: {  	[tilespmem:s13], [sflag:$0x9] =	stream.indirect.gather [hbm4b:s4+s15], $0x40, s21, s15, $0xb8;
	[tilespmem:$0x1B620] =	vst v63  }
0x8e: {  	s18 =	simm.s32 $0x10220;
	s21 =	sadd.s32 $0x2D0, s19  }
0x8f: {  	[tilespmem:s18], [sflag:$0xA] =	stream.indirect.gather [hbm4b:s4+s15], $0x40, s21, s15, $0xb8;
	[tilespmem:$0x1B620] =	vst v63  }
0x90: {  	s21 =	simm.s32 $0x1  }
0x91: {  	_ =	swait.ge [sflag:s21], $0x1400  }
0x92: {  	[sflag:s21] =	ssyncset.done $0x0  }
0x93: {  	s25 =	simm.s32 $0x4E20;
	[sflag:s21] =	ssyncadd.s32 $0xFFFFEC00;
	s21 =	sadd.s32 $0x2710, s19  }
0x94: {  	[spmem:s2] =	stream.indirect.scatter.add.f32 [tilespmem:s25], [sflag:$0xB], $0x40, s21, s15, $0xb8;
	[tilespmem:$0x1B620] =	vst v63  }
0x95: {  	s21 =	simm.s32 $0x2  }
0x96: {  	_ =	swait.ge [sflag:s21], $0x1400  }
0x97: {  	[sflag:s21] =	ssyncset.done $0x0  }
0x98: {  	s26 =	simm.s32 $0x6220;
	[sflag:s21] =	ssyncadd.s32 $0xFFFFEC00;
	s21 =	sadd.s32 $0x2760, s19  }
0x99: {  	[spmem:s2] =	stream.indirect.scatter.add.f32 [tilespmem:s26], [sflag:$0xC], $0x40, s21, s15, $0xb8;
	[tilespmem:$0x1B620] =	vst v63  }
0x9a: {  	s21 =	simm.s32 $0x3  }
0x9b: {  	_ =	swait.ge [sflag:s21], $0x1400  }
0x9c: {  	[sflag:s21] =	ssyncset.done $0x0  }
0x9d: {  	s28 =	simm.s32 $0x7620;
	[sflag:s21] =	ssyncadd.s32 $0xFFFFEC00;
	s21 =	sadd.s32 $0x27B0, s19  }
0x9e: {  	[spmem:s2] =	stream.indirect.scatter.add.f32 [tilespmem:s28], [sflag:$0xD], $0x40, s21, s15, $0xb8;
	[tilespmem:$0x1B620] =	vst v63  }
0x9f: {  	s21 =	simm.s32 $0x4  }
0xa0: {  	_ =	swait.ge [sflag:s21], $0x1400  }
0xa1: {  	[sflag:s21] =	ssyncset.done $0x0  }
0xa2: {  	s29 =	simm.s32 $0x8A20;
	[sflag:s21] =	ssyncadd.s32 $0xFFFFEC00;
	s21 =	sadd.s32 $0x2800, s19  }
0xa3: {  	[spmem:s2] =	stream.indirect.scatter.add.f32 [tilespmem:s29], [sflag:$0xE], $0x40, s21, s15, $0xb8;
	[tilespmem:$0x1B620] =	vst v63  }
0xa4: {  	s21 =	simm.s32 $0x5  }
0xa5: {  	_ =	swait.ge [sflag:s21], $0x1400  }
0xa6: {  	[sflag:s21] =	ssyncset.done $0x0  }
0xa7: {  	s30 =	simm.s32 $0x9E20;
	[sflag:s21] =	ssyncadd.s32 $0xFFFFEC00;
	s21 =	sadd.s32 $0x2850, s19  }
0xa8: {  	[spmem:s2] =	stream.indirect.scatter.add.f32 [tilespmem:s30], [sflag:$0xF], $0x40, s21, s15, $0xb8;
	[tilespmem:$0x1B620] =	vst v63  }
0xa9: {  	s21 =	simm.s32 $0xB  }
0xaa: {  	_ =	swait.ge [sflag:s21], $0x1400  }
0xab: {  	[sflag:s21] =	ssyncset.done $0x0  }
0xac: {  	[sflag:s21] =	ssyncadd.s32 $0xFFFFEC00  }
0xad: {  	_ =	swait.ge [sflag:s20], $0x1400  }
0xae: {  	[sflag:s20] =	ssyncset.done $0x0  }
0xaf: {  	[sflag:s20] =	ssyncadd.s32 $0xFFFFEC00  }
0xb0: {  	_ =	swait.ge [sflag:s22], $0x1400  }
0xb1: {  	[sflag:s22] =	ssyncset.done $0x0  }
0xb2: {  	[sflag:s22] =	ssyncadd.s32 $0xFFFFEC00  }
0xb3: {  	_ =	swait.ge [sflag:s5], $0x1400  }
0xb4: {  	[sflag:s5] =	ssyncset.done $0x0  }
0xb5: {  	[sflag:s5] =	ssyncadd.s32 $0xFFFFEC00  }
0xb6: {  	_ =	swait.ge [sflag:s7], $0x1400  }
0xb7: {  	[sflag:s7] =	ssyncset.done $0x0  }
0xb8: {  	s21 =	sadd.s32 $0x320, s19;
	[sflag:s7] =	ssyncadd.s32 $0xFFFFEC00  }
0xb9: {  	[tilespmem:s25], [sflag:$0x1] =	stream.indirect.gather [hbm4b:s4+s15], $0x40, s21, s15, $0xb8;
	[tilespmem:$0x1B620] =	vst v63  }
0xba: {  	s21 =	sadd.s32 $0x370, s19  }
0xbb: {  	[tilespmem:s26], [sflag:$0x2] =	stream.indirect.gather [hbm4b:s4+s15], $0x40, s21, s15, $0xb8;
	[tilespmem:$0x1B620] =	vst v63  }
0xbc: {  	s21 =	sadd.s32 $0x3C0, s19  }
0xbd: {  	[tilespmem:s28], [sflag:$0x3] =	stream.indirect.gather [hbm4b:s4+s15], $0x40, s21, s15, $0xb8;
	[tilespmem:$0x1B620] =	vst v63  }
0xbe: {  	s21 =	sadd.s32 $0x410, s19  }
0xbf: {  	[tilespmem:s29], [sflag:$0x4] =	stream.indirect.gather [hbm4b:s4+s15], $0x40, s21, s15, $0xb8;
	[tilespmem:$0x1B620] =	vst v63  }
0xc0: {  	s21 =	sadd.s32 $0x460, s19  }
0xc1: {  	[tilespmem:s30], [sflag:$0x5] =	stream.indirect.gather [hbm4b:s4+s15], $0x40, s21, s15, $0xb8;
	[tilespmem:$0x1B620] =	vst v63  }
0xc2: {  	_ =	swait.ge [sflag:s8], $0x1400  }
0xc3: {  	[sflag:s8] =	ssyncset.done $0x0  }
0xc4: {  	s21 =	sadd.s32 $0x28A0, s19;
	[sflag:s8] =	ssyncadd.s32 $0xFFFFEC00  }
0xc5: {  	[spmem:s2] =	stream.indirect.scatter.add.f32 [tilespmem:s31], [sflag:$0x10], $0x40, s21, s15, $0xb8;
	[tilespmem:$0x1B620] =	vst v63  }
0xc6: {  	_ =	swait.ge [sflag:s9], $0x1400  }
0xc7: {  	[sflag:s9] =	ssyncset.done $0x0  }
0xc8: {  	s21 =	sadd.s32 $0x28F0, s19;
	[sflag:s9] =	ssyncadd.s32 $0xFFFFEC00  }
0xc9: {  	[spmem:s2] =	stream.indirect.scatter.add.f32 [tilespmem:s1], [sflag:$0x11], $0x40, s21, s15, $0xb8;
	[tilespmem:$0x1B620] =	vst v63  }
0xca: {  	_ =	swait.ge [sflag:s10], $0x1400  }
0xcb: {  	[sflag:s10] =	ssyncset.done $0x0  }
0xcc: {  	s21 =	sadd.s32 $0x2940, s19;
	[sflag:s10] =	ssyncadd.s32 $0xFFFFEC00  }
0xcd: {  	[spmem:s2] =	stream.indirect.scatter.add.f32 [tilespmem:s0], [sflag:$0x12], $0x40, s21, s15, $0xb8;
	[tilespmem:$0x1B620] =	vst v63  }
0xce: {  	_ =	swait.ge [sflag:s3], $0x1400  }
0xcf: {  	[sflag:s3] =	ssyncset.done $0x0  }
0xd0: {  	s21 =	sadd.s32 $0x2990, s19;
	[sflag:s3] =	ssyncadd.s32 $0xFFFFEC00  }
0xd1: {  	[spmem:s2] =	stream.indirect.scatter.add.f32 [tilespmem:s13], [sflag:$0x13], $0x40, s21, s15, $0xb8;
	[tilespmem:$0x1B620] =	vst v63  }
0xd2: {  	_ =	swait.ge [sflag:s6], $0x1400  }
0xd3: {  	[sflag:s6] =	ssyncset.done $0x0  }
0xd4: {  	s19 =	sadd.s32 $0x29E0, s19;
	[sflag:s6] =	ssyncadd.s32 $0xFFFFEC00  }
0xd5: {  	[spmem:s2] =	stream.indirect.scatter.add.f32 [tilespmem:s18], [sflag:$0x14], $0x40, s19, s15, $0xb8;
	[tilespmem:$0x1B620] =	vst v63  }
0xd6: {  	_ =	swait.ge [sflag:s11], $0x1400  }
0xd7: {  	[sflag:s11] =	ssyncset.done $0x0  }
0xd8: {  	[sflag:s11] =	ssyncadd.s32 $0xFFFFEC00  }
0xd9: {  	_ =	swait.ge [sflag:s12], $0x1400  }
0xda: {  	[sflag:s12] =	ssyncset.done $0x0  }
0xdb: {  	[sflag:s12] =	ssyncadd.s32 $0xFFFFEC00  }
0xdc: {  	_ =	swait.ge [sflag:s14], $0x1400  }
0xdd: {  	[sflag:s14] =	ssyncset.done $0x0  }
0xde: {  	[sflag:s14] =	ssyncadd.s32 $0xFFFFEC00  }
.Ltmp0:
0xdf: {  	_ =	swait.ge [sflag:s16], $0x1400;
	(pc) =	sbr.rel @p0 .LBB2_2-.Ltmp0, $4  }
0xe0: {  	[sflag:s16] =	ssyncset.done $0x0  }
0xe1: {  	[sflag:s16] =	ssyncadd.s32 $0xFFFFEC00  }
0xe2: {  	_ =	swait.ge [sflag:s17], $0x1400  }
0xe3: {  	s21 =	smov.u32 s24;
	s19 =	sshra.s32 s23, $0x2;
	[sflag:s17] =	ssyncset.done $0x0  }
0xe4: {  	s21 =	sadd.s32 $0x190, s19;
	[sflag:s17] =	ssyncadd.s32 $0xFFFFEC00;
	s29 =	simm.s32 $0xB220  }
0xe5: {  	[tilespmem:s29], [sflag:$0x6] =	stream.indirect.gather [hbm4b:s4+s15], $0x40, s21, s15, $0xb8;
	[tilespmem:$0x1B620] =	vst v63  }
0xe6: {  	s28 =	sadd.s32 $0x1E0, s19;
	s0 =	simm.s32 $0xC620  }
0xe7: {  	[tilespmem:s0], [sflag:$0x7] =	stream.indirect.gather [hbm4b:s4+s15], $0x40, s28, s15, $0xb8;
	[tilespmem:$0x1B620] =	vst v63  }
0xe8: {  	s30 =	sadd.s32 $0x230, s19;
	s31 =	simm.s32 $0xDA20  }
0xe9: {  	[tilespmem:s31], [sflag:$0x8] =	stream.indirect.gather [hbm4b:s4+s15], $0x40, s30, s15, $0xb8;
	[tilespmem:$0x1B620] =	vst v63  }
0xea: {  	s1 =	sadd.s32 $0x280, s19;
	s13 =	simm.s32 $0xEE20  }
0xeb: {  	[tilespmem:s13], [sflag:$0x9] =	stream.indirect.gather [hbm4b:s4+s15], $0x40, s1, s15, $0xb8;
	[tilespmem:$0x1B620] =	vst v63  }
0xec: {  	s18 =	sadd.s32 $0x2D0, s19;
	s23 =	simm.s32 $0x10220;
	s30 =	simm.s32 $0x1  }
0xed: {  	[tilespmem:s23], [sflag:$0xA] =	stream.indirect.gather [hbm4b:s4+s15], $0x40, s18, s15, $0xb8;
	[tilespmem:$0x1B620] =	vst v63  }
0xee: {  	_ =	swait.ge [sflag:s30], $0x1400  }
0xef: {  	s24 =	sadd.s32 $0x2710, s19;
	[sflag:s30] =	ssyncset.done $0x0  }
0xf0: {  	s31 =	simm.s32 $0x2;
	s23 =	simm.s32 $0x4E20;
	[sflag:s30] =	ssyncadd.s32 $0xFFFFEC00  }
0xf1: {  	[spmem:s2] =	stream.indirect.scatter.add.f32 [tilespmem:s23], [sflag:$0xB], $0x40, s24, s15, $0xb8;
	[tilespmem:$0x1B620] =	vst v63  }
0xf2: {  	_ =	swait.ge [sflag:s31], $0x1400  }
0xf3: {  	s25 =	sadd.s32 $0x2760, s19;
	[sflag:s31] =	ssyncset.done $0x0  }
0xf4: {  	s18 =	simm.s32 $0x3;
	s24 =	simm.s32 $0x6220;
	[sflag:s31] =	ssyncadd.s32 $0xFFFFEC00  }
0xf5: {  	[spmem:s2] =	stream.indirect.scatter.add.f32 [tilespmem:s24], [sflag:$0xC], $0x40, s25, s15, $0xb8;
	[tilespmem:$0x1B620] =	vst v63  }
0xf6: {  	_ =	swait.ge [sflag:s18], $0x1400  }
0xf7: {  	s26 =	sadd.s32 $0x27B0, s19;
	[sflag:s18] =	ssyncset.done $0x0  }
0xf8: {  	s13 =	simm.s32 $0x4;
	s25 =	simm.s32 $0x7620;
	[sflag:s18] =	ssyncadd.s32 $0xFFFFEC00  }
0xf9: {  	[spmem:s2] =	stream.indirect.scatter.add.f32 [tilespmem:s25], [sflag:$0xD], $0x40, s26, s15, $0xb8;
	[tilespmem:$0x1B620] =	vst v63  }
0xfa: {  	_ =	swait.ge [sflag:s13], $0x1400  }
0xfb: {  	s28 =	sadd.s32 $0x2800, s19;
	[sflag:s13] =	ssyncset.done $0x0  }
0xfc: {  	s1 =	simm.s32 $0x5;
	s26 =	simm.s32 $0x8A20;
	[sflag:s13] =	ssyncadd.s32 $0xFFFFEC00  }
0xfd: {  	[spmem:s2] =	stream.indirect.scatter.add.f32 [tilespmem:s26], [sflag:$0xE], $0x40, s28, s15, $0xb8;
	[tilespmem:$0x1B620] =	vst v63  }
0xfe: {  	_ =	swait.ge [sflag:s1], $0x1400  }
0xff: {  	[sflag:s1] =	ssyncset.done $0x0  }
0x100: {  	s0 =	sadd.s32 $0x2850, s19;
	s28 =	simm.s32 $0x9E20;
	[sflag:s1] =	ssyncadd.s32 $0xFFFFEC00  }
0x101: {  	[spmem:s2] =	stream.indirect.scatter.add.f32 [tilespmem:s28], [sflag:$0xF], $0x40, s0, s15, $0xb8;
	[tilespmem:$0x1B620] =	vst v63  }
0x102: {  	s0 =	simm.s32 $0xB  }
0x103: {  	_ =	swait.ge [sflag:s0], $0x1400  }
0x104: {  	[sflag:s0] =	ssyncset.done $0x0  }
0x105: {  	[sflag:s0] =	ssyncadd.s32 $0xFFFFEC00  }
0x106: {  	_ =	swait.ge [sflag:s20], $0x1400  }
0x107: {  	[sflag:s20] =	ssyncset.done $0x0  }
0x108: {  	[sflag:s20] =	ssyncadd.s32 $0xFFFFEC00  }
0x109: {  	_ =	swait.ge [sflag:s22], $0x1400  }
0x10a: {  	[sflag:s22] =	ssyncset.done $0x0  }
0x10b: {  	[sflag:s22] =	ssyncadd.s32 $0xFFFFEC00  }
0x10c: {  	_ =	swait.ge [sflag:s5], $0x1400  }
0x10d: {  	[sflag:s5] =	ssyncset.done $0x0  }
0x10e: {  	[sflag:s5] =	ssyncadd.s32 $0xFFFFEC00  }
0x10f: {  	_ =	swait.ge [sflag:s7], $0x1400  }
0x110: {  	[sflag:s7] =	ssyncset.done $0x0  }
0x111: {  	s21 =	sadd.s32 $0x320, s19;
	[sflag:s7] =	ssyncadd.s32 $0xFFFFEC00  }
0x112: {  	[tilespmem:s23], [sflag:$0x1] =	stream.indirect.gather [hbm4b:s4+s15], $0x40, s21, s15, $0xb8;
	[tilespmem:$0x1B620] =	vst v63  }
0x113: {  	s21 =	sadd.s32 $0x370, s19  }
0x114: {  	[tilespmem:s24], [sflag:$0x2] =	stream.indirect.gather [hbm4b:s4+s15], $0x40, s21, s15, $0xb8;
	[tilespmem:$0x1B620] =	vst v63  }
0x115: {  	s21 =	sadd.s32 $0x3C0, s19  }
0x116: {  	[tilespmem:s25], [sflag:$0x3] =	stream.indirect.gather [hbm4b:s4+s15], $0x40, s21, s15, $0xb8;
	[tilespmem:$0x1B620] =	vst v63  }
0x117: {  	s21 =	sadd.s32 $0x410, s19  }
0x118: {  	[tilespmem:s26], [sflag:$0x4] =	stream.indirect.gather [hbm4b:s4+s15], $0x40, s21, s15, $0xb8;
	[tilespmem:$0x1B620] =	vst v63  }
0x119: {  	s21 =	sadd.s32 $0x460, s19  }
0x11a: {  	[tilespmem:s28], [sflag:$0x5] =	stream.indirect.gather [hbm4b:s4+s15], $0x40, s21, s15, $0xb8;
	[tilespmem:$0x1B620] =	vst v63  }
0x11b: {  	_ =	swait.ge [sflag:s8], $0x1400  }
0x11c: {  	[sflag:s8] =	ssyncset.done $0x0  }
0x11d: {  	s21 =	sadd.s32 $0x28A0, s19;
	[sflag:s8] =	ssyncadd.s32 $0xFFFFEC00  }
0x11e: {  	[spmem:s2] =	stream.indirect.scatter.add.f32 [tilespmem:s29], [sflag:$0x10], $0x40, s21, s15, $0xb8;
	[tilespmem:$0x1B620] =	vst v63  }
0x11f: {  	_ =	swait.ge [sflag:s9], $0x1400  }
0x120: {  	[sflag:s9] =	ssyncset.done $0x0  }
0x121: {  	s21 =	sadd.s32 $0x28F0, s19;
	s29 =	simm.s32 $0xC620;
	[sflag:s9] =	ssyncadd.s32 $0xFFFFEC00  }
0x122: {  	[spmem:s2] =	stream.indirect.scatter.add.f32 [tilespmem:s29], [sflag:$0x11], $0x40, s21, s15, $0xb8;
	[tilespmem:$0x1B620] =	vst v63  }
0x123: {  	_ =	swait.ge [sflag:s10], $0x1400  }
0x124: {  	[sflag:s10] =	ssyncset.done $0x0  }
0x125: {  	s21 =	sadd.s32 $0x2940, s19;
	s29 =	simm.s32 $0xDA20;
	[sflag:s10] =	ssyncadd.s32 $0xFFFFEC00  }
0x126: {  	[spmem:s2] =	stream.indirect.scatter.add.f32 [tilespmem:s29], [sflag:$0x12], $0x40, s21, s15, $0xb8;
	[tilespmem:$0x1B620] =	vst v63  }
0x127: {  	_ =	swait.ge [sflag:s3], $0x1400  }
0x128: {  	[sflag:s3] =	ssyncset.done $0x0  }
0x129: {  	s21 =	sadd.s32 $0x2990, s19;
	s29 =	simm.s32 $0xEE20;
	[sflag:s3] =	ssyncadd.s32 $0xFFFFEC00  }
0x12a: {  	[spmem:s2] =	stream.indirect.scatter.add.f32 [tilespmem:s29], [sflag:$0x13], $0x40, s21, s15, $0xb8;
	[tilespmem:$0x1B620] =	vst v63  }
0x12b: {  	_ =	swait.ge [sflag:s6], $0x1400  }
0x12c: {  	[sflag:s6] =	ssyncset.done $0x0  }
0x12d: {  	s21 =	sadd.s32 $0x29E0, s19;
	s29 =	simm.s32 $0x10220;
	[sflag:s6] =	ssyncadd.s32 $0xFFFFEC00  }
0x12e: {  	[spmem:s2] =	stream.indirect.scatter.add.f32 [tilespmem:s29], [sflag:$0x14], $0x40, s21, s15, $0xb8;
	[tilespmem:$0x1B620] =	vst v63  }
0x12f: {  	_ =	swait.ge [sflag:s11], $0x1400  }
0x130: {  	[sflag:s11] =	ssyncset.done $0x0  }
0x131: {  	[sflag:s11] =	ssyncadd.s32 $0xFFFFEC00  }
0x132: {  	_ =	swait.ge [sflag:s12], $0x1400  }
0x133: {  	[sflag:s12] =	ssyncset.done $0x0  }
0x134: {  	[sflag:s12] =	ssyncadd.s32 $0xFFFFEC00  }
0x135: {  	_ =	swait.ge [sflag:s14], $0x1400  }
0x136: {  	[sflag:s14] =	ssyncset.done $0x0  }
0x137: {  	[sflag:s14] =	ssyncadd.s32 $0xFFFFEC00  }
0x138: {  	_ =	swait.ge [sflag:s16], $0x1400  }
0x139: {  	[sflag:s16] =	ssyncset.done $0x0  }
0x13a: {  	[sflag:s16] =	ssyncadd.s32 $0xFFFFEC00  }
0x13b: {  	_ =	swait.ge [sflag:s17], $0x1400  }
0x13c: {  	[sflag:s17] =	ssyncset.done $0x0  }
0x13d: {  	[sflag:s17] =	ssyncadd.s32 $0xFFFFEC00  }
0x13e: {  	_ =	swait.ge [sflag:s30], $0x1400  }
0x13f: {  	[sflag:s30] =	ssyncset.done $0x0  }
0x140: {  	s21 =	simm.s32 $0x4C90;
	[sflag:s30] =	ssyncadd.s32 $0xFFFFEC00  }
0x141: {  	[spmem:s2] =	stream.indirect.scatter.add.f32 [tilespmem:s23], [sflag:$0xB], $0x40, s21, s15, $0xb8;
	[tilespmem:$0x1B620] =	vst v63  }
0x142: {  	_ =	swait.ge [sflag:s31], $0x1400  }
0x143: {  	[sflag:s31] =	ssyncset.done $0x0  }
0x144: {  	s23 =	simm.s32 $0x4CE0;
	[sflag:s31] =	ssyncadd.s32 $0xFFFFEC00  }
0x145: {  	[spmem:s2] =	stream.indirect.scatter.add.f32 [tilespmem:s24], [sflag:$0xC], $0x40, s23, s15, $0xb8;
	[tilespmem:$0x1B620] =	vst v63  }
0x146: {  	_ =	swait.ge [sflag:s18], $0x1400  }
0x147: {  	[sflag:s18] =	ssyncset.done $0x0  }
0x148: {  	s24 =	simm.s32 $0x4D30;
	[sflag:s18] =	ssyncadd.s32 $0xFFFFEC00  }
0x149: {  	[spmem:s2] =	stream.indirect.scatter.add.f32 [tilespmem:s25], [sflag:$0xD], $0x40, s24, s15, $0xb8;
	[tilespmem:$0x1B620] =	vst v63  }
0x14a: {  	_ =	swait.ge [sflag:s13], $0x1400  }
0x14b: {  	[sflag:s13] =	ssyncset.done $0x0  }
0x14c: {  	s25 =	simm.s32 $0x4D80;
	[sflag:s13] =	ssyncadd.s32 $0xFFFFEC00  }
0x14d: {  	[spmem:s2] =	stream.indirect.scatter.add.f32 [tilespmem:s26], [sflag:$0xE], $0x40, s25, s15, $0xb8;
	[tilespmem:$0x1B620] =	vst v63  }
0x14e: {  	_ =	swait.ge [sflag:s1], $0x1400  }
0x14f: {  	[sflag:s1] =	ssyncset.done $0x0  }
0x150: {  	s26 =	simm.s32 $0x4DD0;
	[sflag:s1] =	ssyncadd.s32 $0xFFFFEC00  }
0x151: {  	[spmem:s2] =	stream.indirect.scatter.add.f32 [tilespmem:s28], [sflag:$0xF], $0x40, s26, s15, $0xb8;
	[tilespmem:$0x1B620] =	vst v63  }
0x152: {  	_ =	swait.ge [sflag:s0], $0x1400  }
0x153: {  	[sflag:s0] =	ssyncset.done $0x0  }
0x154: {  	[sflag:s0] =	ssyncadd.s32 $0xFFFFEC00  }
0x155: {  	_ =	swait.ge [sflag:s20], $0x1400  }
0x156: {  	[sflag:s20] =	ssyncset.done $0x0  }
0x157: {  	[sflag:s20] =	ssyncadd.s32 $0xFFFFEC00  }
0x158: {  	_ =	swait.ge [sflag:s22], $0x1400  }
0x159: {  	[sflag:s22] =	ssyncset.done $0x0  }
0x15a: {  	[sflag:s22] =	ssyncadd.s32 $0xFFFFEC00  }
0x15b: {  	_ =	swait.ge [sflag:s5], $0x1400  }
0x15c: {  	[sflag:s5] =	ssyncset.done $0x0  }
0x15d: {  	[sflag:s5] =	ssyncadd.s32 $0xFFFFEC00  }
0x15e: {  	_ =	swait.ge [sflag:s7], $0x1400  }
0x15f: {  	[sflag:s7] =	ssyncset.done $0x0  }
0x160: {  	[sflag:s7] =	ssyncadd.s32 $0xFFFFEC00  }
0x161: {  	[bflag:$0x0] =	sbarrier.arrive $0xFFFF  }
0x162: {  	s21 =	rddreg [dreg:$0x4]  }
0x163: {  	s29 =	rddreg [dreg:$0x7]  }
0x164: {  	s24 =	simm.s32 $0x16;
	s23 =	rddreg [dreg:$0x9]  }
0x165: {  	[hbm:s29], [sflag:s21] =	dma.local [spmem:s23], $0x1400  }
0x166: {  	_ =	swait.ge [sflag:s24], $0x1400  }
0x167: {  	s30 =	rddreg [dreg:$0xa]  }
0x168: {  	s31 =	rddreg [dreg:$0x8];
	s0 =	sadd.s32 $0x1, s30  }
0x169: {  	p0 =	sne.s32 s0, s31  }
.Ltmp1:
0x16a: {  	_ = 	snop;
	(pc) =	sbr.rel @p0 .LBB2_1-.Ltmp1, $3  }
0x16b: {  	_ =	sdelay $0x1  }
0x16c: {  	[sflag:s24] =	ssyncset.done $0x0  }
0x16d: {  	[sflag:s24] =	ssyncadd.s32 $0xFFFFEC00  }
0x16e: {  	_ =	sfence.sel $0x180000  }
0x16f: {  	[bflag:$0x0] =	sbarrier.arrive $0xFFFF  }
0x170: {  	_ =	strace $0x9000004D  }
0x171: {  	s0 =	stileid.u32;
	[bflag:$0x2] =	sbarrier.arrive $0xFFFF  }
0x172: {  	p0 =	sne.s32 s0, $0x0;
	s0 =	rddreg [dreg:$0x2]  }
0x173: {  	s0 =	sadd.s32 @!p0 $0x100000, s0  }
0x174: {  	[sflag:s0] =	ssyncadd.tile.s32 @!p0 $0x1;
	_ =	shalt  }
.Lfunc_end2:
_tile_overlayer_lowered:
.L_overlay_start_2:
0x175: {  	(tag) =	ssettag $0x2  }
0x176: {  	s0 =	rddreg [dreg:$0x0];
	s2 =	stileid.u32  }
0x177: {  	s1 =	rddreg [dreg:$0x1];
	p0 =	sne.s32 s2, $0x0  }
0x178: {  	s3 =	rddreg [dreg:$0x2];
	[bflag:$0x3] =	sbarrier.arrive $0xFFFF;
	s2 =	simm.s32 @!p0 $0x1C16  }
0x179: {  	[timem:s3], [sflag:s2] =	dma.local @!p0 [hbm:s0], s1  }
0x17a: {  	s0 =	simm.s32 @!p0 $0x16  }
0x17b: {  	_ =	swait.ge @!p0 [sflag:s0], s1  }
0x17c: {  	s1 =	ssub.s32 @!p0 $0x0, s1;
	[sflag:s0] =	ssyncset.done @!p0 $0x0  }
0x17d: {  	[sflag:s0] =	ssyncadd.s32 @!p0 s1  }
0x17e: {  	[bflag:$0x3] =	sbarrier.arrive $0xFFFF  }
0x17f: {  	_ =	shalt  }

// kernel: kernel.9.cloned.1.call-start
scs
__scs_entry_jumppad:
0x0: {  	(pc) =	sbr.rel $0x88, $3  }
0x1: {  	(tag) =	ssettag $0x0;
	lr =	simm.s32 $0x1  }
0x2: {  	[smem:$0x3F81] =	sst lr;
	_ =	strace $0xD0000000  }
0x3: {  	_ = 	snop  }
0x4: {  	_ = 	snop  }
0x5: {  	_ = 	snop  }
0x6: {  	_ = 	snop  }
0x7: {  	_ = 	snop  }
__scs_overlays_trampoline_lowered:
0x8: {  	[smem:$0x3F90] =	sst s0  }
0x9: {  	[smem:$0x3F91] =	sst s1  }
0xa: {  	[smem:$0x3F92] =	sst s2  }
0xb: {  	[smem:$0x3F93] =	sst s3  }
0xc: {  	[smem:$0x3F94] =	sst s4  }
0xd: {  	[smem:$0x3F95] =	sst s5  }
0xe: {  	[smem:$0x3F96] =	sst s6  }
0xf: {  	[smem:$0x3F97] =	sst s7  }
0x10: {  	[smem:$0x3F98] =	sst s8  }
0x11: {  	[smem:$0x3F99] =	sst s9;
	s0 =	simm.s32 @!p0 $0x0  }
0x12: {  	s1 =	sld [smem:$0x3F7F];
	s0 =	simm.s32 @p0 $0x1  }
0x13: {  	[smem:$0x3F9A] =	sst s0;
	s0 =	simm.s32 @!p1 $0x0  }
0x14: {  	s2 =	sld [smem:$0x3F7E];
	s0 =	simm.s32 @p1 $0x1  }
0x15: {  	[smem:$0x3F9B] =	sst s0;
	s0 =	simm.s32 @!p2 $0x0  }
0x16: {  	s3 =	sld [smem:$0x3FDB];
	s0 =	simm.s32 @p2 $0x1  }
0x17: {  	s4 =	simm.s32 $0x1BF5;
	[smem:$0x3F9D] =	sst s0  }
0x18: {  	s0 =	sld [smem:$0x3F80];
	_ =	swait.ge [sflag:s4], $0x0  }
0x19: {  	s7 =	sld [smem:$0x3F81]  }
0x1a: {  	s8 =	sadd.s32 $0xFFFFE003, lr  }
0x1b: {  	s9 =	sadd.s32 $0xFFFFFEF7, lr;
	s5 =	simm.s32 $0xFFFFFFFF;
	p2 =	slt.u32 s8, $0xFFFFF086  }
0x1c: {  	p1 =	slt.u32 s9, $0xF7A;
	s5 =	simm.s32 @!p2 $0x0  }
0x1d: {  	s5 =	simm.s32 @p1 $0x1;
	p0 =	seq.s32 s7, s2  }
0x1e: {  	s7 =	smul.u32 @!p0 $0xF7A, s2;
	p2 =	seq.s32 @!p0 s5, $0x0  }
0x1f: {  	s9 =	smul.u32 $0xF7A, s1;
	s8 =	simm.s32 @!p0 $0x1BF5;
	p2 =	por !p2, p0  }
0x20: {  	[sflag:s8] =	ssyncset.s32 @!p0 $0xFFFFF086;
	s6 =	sadd.s32 @!p0 s3, s7;
	s7 =	simm.s32 @!p0 $0x108  }
0x21: {  	s3 =	sadd.s32 s3, s9;
	s6 =	sadd.s32 @!p0 $0x88, s6;
	s7 =	simm.s32 @p2 $0x1082  }
0x22: {  	[simem:s7], [sflag:s8] =	dma.local @!p0 [hbm:s6], $0xF7A  }
0x23: {  	s9 =	sor.u32 $0xD0000000, s2;
	s6 =	simm.s32 $0x108;
	_ =	swait.ge @!p0 [sflag:s8], $0x0  }
0x24: {  	s3 =	sadd.s32 $0x88, s3;
	s6 =	simm.s32 @!p1 $0x1082;
	[sflag:s4] =	ssyncset.s32 $0xFFFFF086  }
0x25: {  	[simem:s6], [sflag:s4] =	dma.local [hbm:s3], $0xF7A  }
0x26: {  	[smem:$0x3F81] =	sst s1;
	(tag) =	ssettag s2;
	_ =	strace s9  }
0x27: {  	s1 =	sld [smem:$0x3F91]  }
0x28: {  	s2 =	sld [smem:$0x3F92]  }
0x29: {  	s4 =	sld [smem:$0x3F94]  }
0x2a: {  	p0 =	seq.s32 s5, $0x0;
	s5 =	sld [smem:$0x3F95]  }
0x2b: {  	s6 =	sld [smem:$0x3F96]  }
0x2c: {  	s7 =	sld [smem:$0x3F97]  }
0x2d: {  	s3 =	simm.s32 $0x108;
	s8 =	sld [smem:$0x3F98]  }
0x2e: {  	s3 =	simm.s32 @!p0 $0x1082;
	s9 =	sld [smem:$0x3F99]  }
0x2f: {  	lr =	sadd.s32 s0, s3;
	s0 =	sld [smem:$0x3F90]  }
0x30: {  	s3 =	sld [smem:$0x3F93]  }
0x31: {  	[smem:$0x3F9C] =	sst s10  }
0x32: {  	s10 =	sld [smem:$0x3F9A];
	_ =	sdelay $0x3  }
0x33: {  	p0 =	seq.s32 s10, $0x1;
	s10 =	sld [smem:$0x3F9C];
	_ =	sdelay $0x3  }
0x34: {  	[smem:$0x3F9C] =	sst s10  }
0x35: {  	s10 =	sld [smem:$0x3F9B];
	_ =	sdelay $0x3  }
0x36: {  	p1 =	seq.s32 s10, $0x1;
	s10 =	sld [smem:$0x3F9C];
	_ =	sdelay $0x3  }
0x37: {  	[smem:$0x3F9C] =	sst s10  }
0x38: {  	s10 =	sld [smem:$0x3F9D]  }
0x39: {  	_ = 	snop;
	(pc) =	sbr.ind lr, $3  }
0x3a: {  	_ = 	snop  }
0x3b: {  	_ = 	snop  }
0x3c: {  	p2 =	seq.s32 s10, $0x1;
	s10 =	sld [smem:$0x3F9C]  }
0x3d: {  	_ =	shalt  }
0x3e: {  	_ =	shalt  }
0x3f: {  	_ =	shalt  }
0x40: {  	_ =	shalt  }
0x41: {  	_ =	shalt  }
0x42: {  	_ =	shalt  }
0x43: {  	_ =	shalt  }
0x44: {  	_ =	shalt  }
0x45: {  	_ =	shalt  }
0x46: {  	_ =	shalt  }
0x47: {  	_ =	shalt  }
0x48: {  	_ =	shalt  }
0x49: {  	_ =	shalt  }
0x4a: {  	_ =	shalt  }
0x4b: {  	_ =	shalt  }
0x4c: {  	_ =	shalt  }
0x4d: {  	_ =	shalt  }
0x4e: {  	_ =	shalt  }
0x4f: {  	_ =	shalt  }
0x50: {  	_ =	shalt  }
0x51: {  	_ =	shalt  }
0x52: {  	_ =	shalt  }
0x53: {  	_ =	shalt  }
0x54: {  	_ =	shalt  }
0x55: {  	_ =	shalt  }
0x56: {  	_ =	shalt  }
0x57: {  	_ =	shalt  }
0x58: {  	_ =	shalt  }
0x59: {  	_ =	shalt  }
0x5a: {  	_ =	shalt  }
0x5b: {  	_ =	shalt  }
0x5c: {  	_ =	shalt  }
0x5d: {  	_ =	shalt  }
0x5e: {  	_ =	shalt  }
0x5f: {  	_ =	shalt  }
0x60: {  	_ =	shalt  }
0x61: {  	_ =	shalt  }
0x62: {  	_ =	shalt  }
0x63: {  	_ =	shalt  }
0x64: {  	_ =	shalt  }
0x65: {  	_ =	shalt  }
0x66: {  	_ =	shalt  }
0x67: {  	_ =	shalt  }
0x68: {  	_ =	shalt  }
0x69: {  	_ =	shalt  }
0x6a: {  	_ =	shalt  }
0x6b: {  	_ =	shalt  }
0x6c: {  	_ =	shalt  }
0x6d: {  	_ =	shalt  }
0x6e: {  	_ =	shalt  }
0x6f: {  	_ =	shalt  }
0x70: {  	_ =	shalt  }
0x71: {  	_ =	shalt  }
0x72: {  	_ =	shalt  }
0x73: {  	_ =	shalt  }
0x74: {  	_ =	shalt  }
0x75: {  	_ =	shalt  }
0x76: {  	_ =	shalt  }
0x77: {  	_ =	shalt  }
0x78: {  	_ =	shalt  }
0x79: {  	_ =	shalt  }
0x7a: {  	_ =	shalt  }
0x7b: {  	_ =	shalt  }
0x7c: {  	_ =	shalt  }
0x7d: {  	_ =	shalt  }
0x7e: {  	_ =	shalt  }
0x7f: {  	_ =	shalt  }
0x80: {  	_ =	shalt  }
0x81: {  	_ =	shalt  }
0x82: {  	_ =	shalt  }
0x83: {  	_ =	shalt  }
0x84: {  	_ =	shalt  }
0x85: {  	_ =	shalt  }
0x86: {  	_ =	shalt  }
0x87: {  	_ =	shalt  }
.Lfunc_end0:
.L_simem_size_0:
called_computation_lowered:
.L_overlay_start_0:
0x88: {  	s2 =	sld [smem:$0x3FD9]  }
0x89: {  	s3 =	sld [smem:$0x3FFE];
	_ =	sdelay $0x1  }
0x8a: {  	s1 =	srdreg.scid  }
0x8b: {  	s0 =	sand.u32 $0x1, s1  }
0x8c: {  	s16 =	sshll.u32 s0, $0xA;
	s2 =	sadd.s32 s3, s2  }
0x8d: {  	s2 =	sadd.s32 s2, s16  }
0x8e: {  	[smem:$0x3FA8] =	sst s2  }
0x8f: {  	_ = 	snop  }
0x90: {  	(tm) =	ssettm $0x1  }
0x91: {  	s17 =	sld [smem:$0x3FFB];
	_ =	sdelay $0x3  }
0x92: {  	_ =	strace s17  }
0x93: {  	s2 =	sld [smem:$0x3FFC];
	_ =	sdelay $0x3  }
0x94: {  	_ =	strace s2  }
0x95: {  	s2 =	sld [smem:$0x3FFD];
	_ =	sdelay $0x3  }
0x96: {  	_ =	strace s2  }
0x97: {  	_ =	strace $0x8FFFFFFF  }
0x98: {  	s18 =	sld [smem:$0x3FDB];
	_ =	sdelay $0x1  }
0x99: {  	s19 =	simm.s32 $_scs_section_size  }
0x9a: {  	s4 =	simm.s32 $_size__tile_overlayer_lowered;
	s5 =	simm.s32 $_tile_overlayer_lowered  }
0x9b: {  	s22 =	simm.s32 $0x1BFF;
	s21 =	sshll.u32 s5, $0x1;
	s2 =	sadd.s32 s19, s18  }
0x9c: {  	s6 =	simm.s32 $0x0;
	s20 =	sshll.u32 s4, $0x1;
	s4 =	sadd.s32 s21, s2  }
0x9d: {  	[timem:s6], [sflag:s22] =	dma.local [hbm:s4], s20  }
0x9e: {  	_ =	swait.ge [sflag:s22], s20  }
0x9f: {  	s3 =	ssub.s32 $0x0, s20;
	[sflag:s22] =	ssyncset.done $0x0  }
0xa0: {  	[sflag:s22] =	ssyncadd.s32 s3;
	_ =	sdelay $0x1  }
0xa1: {  	s23 =	simm.s32 $0x1B8B  }
0xa2: {  	_ =	swait.ge [sflag:s23], $0x1  }
0xa3: {  	[sflag:s23] =	ssyncset.done $0x0  }
0xa4: {  	s25 =	simm.s32 $0x1B8E;
	s24 =	sld [smem:$0x3FFE];
	[sflag:s23] =	ssyncadd.s32 $0xFFFFFFFF  }
0xa5: {  	s26 =	simm.s32 $execute0_lowered;
	[smem:$0x3FD2] =	sst s25  }
0xa6: {  	s4 =	sshll.u32 s26, $0x1;
	_ =	strace $0x80000046;
	[dreg:$0x1] =	wrdreg $0xFFFFFFFF  }
0xa7: {  	s28 =	simm.s32 $_size_execute0_lowered;
	s2 =	sadd.s32 s2, s4;
	[dreg:$0x0] =	wrdreg $0x0  }
0xa8: {  	s4 =	sshll.u32 s28, $0x1;
	[dreg:$0x2] =	wrdreg s2  }
0xa9: {  	[dreg:$0x3] =	wrdreg s4  }
0xaa: {  	[dreg:$0x4] =	wrdreg $0xC0  }
0xab: {  	_ =	task [dreg:s6], $0x5FFFF  }
0xac: {  	[dreg:$0x1] =	wrdreg $0xFFFFFFFF  }
0xad: {  	[dreg:$0x0] =	wrdreg $0x60  }
0xae: {  	[dreg:$0x2] =	wrdreg s24  }
0xaf: {  	[dreg:$0x3] =	wrdreg $0x116200  }
0xb0: {  	[dreg:$0x4] =	wrdreg $0x9  }
0xb1: {  	_ =	task.clear_ibuf [dreg:s6], $0x5FFFF;
	_ =	strace $0x90000046  }
0xb2: {  	s29 =	simm.s32 $0x9;
	_ =	strace $0x80000048  }
0xb3: {  	_ =	swait.ge [sflag:s29], $0x1  }
0xb4: {  	[sflag:s29] =	ssyncadd.s32 $0xFFFFFFFF  }
0xb5: {  	_ =	strace $0x90000048  }
0xb6: {  	_ =	sfence  }
0xb7: {  	s30 =	sld [smem:$0x0];
	_ =	sdelay $0x2  }
0xb8: {  	s31 =	sshll.u32 s1, $0xD;
	s1 =	sshrl.u32 s1, $0x2  }
0xb9: {  	s3 =	sand.u32 $0x4000, s31;
	s1 =	sadd.s32 s1, s30  }
0xba: {  	s0 =	sor.u32 s3, s0;
	s1 =	sshll.u32 s1, $0x11  }
0xbb: {  	s0 =	sor.u32 s1, s0  }
0xbc: {  	s0 =	sadd.s32 $0x8F2B, s0  }
0xbd: {  	[sflag:s0] =	ssyncadd.remote.s32 $0x1  }
0xbe: {  	_ =	sfence.sel $0xFFFF  }
0xbf: {  	[dreg:$0x0] =	wrdreg $0xFFFFFFFF;
	(pc) =	sbr.abs _section_cstart, $3  }
0xc0: {  	[dreg:$0x1] =	wrdreg $0xFFFFFFFF  }
0xc1: {  	_ =	task.clear_ibuf [dreg:s6], $0x2FFFF;
	_ =	strace $0x9FFFFFFF  }
0xc2: {  	(tm) =	ssettm $0x7FFFFFFF  }
0xc3: {  	_ =	shalt  }
tec
execute0_lowered:
.L_overlay_start_1:
0x0: {  	(tag) =	ssettag $0x1  }
0x1: {  	s0 =	srdreg.scid;
	s3 =	rddreg [dreg:$0x0]  }
0x2: {  	s9 =	stileid.u32;
	s2 =	rddreg [dreg:$0x1];
	s4 =	simm.s32 $0x0  }
0x3: {  	s24 =	simm.s32 $0x16;
	s15 =	simm.s32 $0x50;
	s20 =	simm.s32 $0xC  }
0x4: {  	s22 =	simm.s32 $0xD;
	s10 =	simm.s32 $0x8;
	s11 =	simm.s32 $0x10  }
0x5: {  	s12 =	simm.s32 $0x11;
	s14 =	simm.s32 $0x12;
	s16 =	simm.s32 $0x13  }
0x6: {  	s17 =	simm.s32 $0x14;
	s0 =	sand.u32 $0x1, s0;
	s5 =	smul.u32 $0xA000, s9  }
0x7: {  	s1 =	sshll.u32 s9, $0x1;
	[smem:$0x7FF] =	sst s4;
	s6 =	smul.u32 $0x1400, s9  }
0x8: {  	s4 =	sadd.s32 $0x3E00, s3;
	s28 =	sshll.u32 s9, $0x6;
	s9 =	simm.s32 $0x7  }
0x9: {  	s1 =	sor.u32 s0, s1;
	_ =	strace $0x80000047;
	s7 =	smul.u32 $0x14000, s0  }
0xa: {  	s0 =	ssub.s32 $0x2, s0;
	s21 =	sor.u32 $0x1C16, s28;
	s1 =	smul.u32 $0x4E2, s1  }
0xb: {  	s8 =	sshrl.u32 s5, $0x3;
	s26 =	sshrl.u32 s0, $0x1;
	s5 =	sadd.s32 s5, s2  }
0xc: {  	[dreg:$0x4] =	wrdreg s21;
	s8 =	sadd.s32 s8, s3;
	s6 =	sadd.s32 s6, s7  }
0xd: {  	s0 =	ssub.s32 s0, s26;
	s23 =	sshrl.u32 s5, $0x3;
	s5 =	simm.s32 $0xE  }
0xe: {  	s7 =	simm.s32 $0xF;
	s29 =	sadd.s32 $0x2BA00, s8;
	[dreg:$0x9] =	wrdreg s23  }
0xf: {  	s1 =	sadd.s32 s1, s3;
	s0 =	smax.u32 s0, $0x1;
	[dreg:$0x3] =	wrdreg s29  }
0x10: {  	s3 =	sadd.s32 s6, s3;
	s30 =	sadd.s32 $0x21C00, s1;
	[dreg:$0x8] =	wrdreg s0  }
0x11: {  	s8 =	simm.s32 $0x6;
	s1 =	sadd.s32 $0x17E00, s1;
	[dreg:$0x5] =	wrdreg s30  }
0x12: {  	s6 =	simm.s32 $0xA;
	s31 =	sadd.s32 $0x3FA00, s3;
	[dreg:$0x6] =	wrdreg s1  }
0x13: {  	s3 =	simm.s32 $0x9;
	s0 =	simm.s32 $0x0;
	[dreg:$0x7] =	wrdreg s31  }
.LBB2_1:
0x14: {  	[dreg:$0xa] =	wrdreg s0  }
0x15: {  	s19 =	rddreg [dreg:$0x3]  }
0x16: {  	[spmem:s23], [sflag:s21] =	dma.local [hbm:s19], $0x1400  }
0x17: {  	_ =	swait.ge [sflag:s24], $0x1400  }
0x18: {  	[sflag:s24] =	ssyncset.done $0x0  }
0x19: {  	s25 =	simm.s32 $0x0;
	s26 =	rddreg [dreg:$0x5];
	[sflag:s24] =	ssyncadd.s32 $0xFFFFEC00  }
0x1a: {  	[tilespmem:s25], [sflag:$0x15] =	stream.linear.gather [hbm4b:s26+s25], $0x2710, $0x38;
	[tilespmem:$0x1B620] =	vst v63  }
0x1b: {  	s29 =	simm.s32 $0x2710;
	s30 =	simm.s32 $0x15;
	s28 =	rddreg [dreg:$0x6]  }
0x1c: {  	[tilespmem:s29], [sflag:$0x15] =	stream.linear.gather [hbm4b:s28+s25], $0x2710, $0x38;
	[tilespmem:$0x1B620] =	vst v63  }
0x1d: {  	_ =	swait.ge [sflag:s30], $0x2710  }
0x1e: {  	[sflag:s30] =	ssyncset.done $0x0  }
0x1f: {  	[sflag:s30] =	ssyncadd.s32 $0xFFFFD8F0  }
0x20: {  	_ =	swait.ge [sflag:s30], $0x2710  }
0x21: {  	[sflag:s30] =	ssyncset.done $0x0  }
0x22: {  	[sflag:s30] =	ssyncadd.s32 $0xFFFFD8F0  }
0x23: {  	s21 =	simm.s32 $0x4E20;
	[bflag:$0x0] =	sbarrier.arrive $0xFFFF  }
0x24: {  	[tilespmem:s21], [sflag:$0x1] =	stream.indirect.gather [hbm4b:s4+s15], $0x40, s25, s15, $0xb8;
	[tilespmem:$0x1B620] =	vst v63  }
0x25: {  	s23 =	simm.s32 $0x6220  }
0x26: {  	[tilespmem:s23], [sflag:$0x2] =	stream.indirect.gather [hbm4b:s4+s15], $0x40, s15, s15, $0xb8;
	[tilespmem:$0x1B620] =	vst v63  }
0x27: {  	s31 =	simm.s32 $0xA0;
	s24 =	simm.s32 $0x7620  }
0x28: {  	[tilespmem:s24], [sflag:$0x3] =	stream.indirect.gather [hbm4b:s4+s15], $0x40, s31, s15, $0xb8;
	[tilespmem:$0x1B620] =	vst v63  }
0x29: {  	s0 =	simm.s32 $0xF0;
	s25 =	simm.s32 $0x8A20  }
0x2a: {  	[tilespmem:s25], [sflag:$0x4] =	stream.indirect.gather [hbm4b:s4+s15], $0x40, s0, s15, $0xb8;
	[tilespmem:$0x1B620] =	vst v63  }
0x2b: {  	s1 =	simm.s32 $0x140;
	s26 =	simm.s32 $0x9E20  }
0x2c: {  	[tilespmem:s26], [sflag:$0x5] =	stream.indirect.gather [hbm4b:s4+s15], $0x40, s1, s15, $0xb8;
	[tilespmem:$0x1B620] =	vst v63  }
0x2d: {  	s13 =	simm.s32 $0x190;
	s28 =	simm.s32 $0xB220  }
0x2e: {  	[tilespmem:s28], [sflag:$0x6] =	stream.indirect.gather [hbm4b:s4+s15], $0x40, s13, s15, $0xb8;
	[tilespmem:$0x1B620] =	vst v63  }
0x2f: {  	s18 =	simm.s32 $0x1E0;
	s1 =	simm.s32 $0xC620  }
0x30: {  	[tilespmem:s1], [sflag:$0x7] =	stream.indirect.gather [hbm4b:s4+s15], $0x40, s18, s15, $0xb8;
	[tilespmem:$0x1B620] =	vst v63  }
0x31: {  	s29 =	simm.s32 $0x230;
	s0 =	simm.s32 $0xDA20  }
0x32: {  	[tilespmem:s0], [sflag:$0x8] =	stream.indirect.gather [hbm4b:s4+s15], $0x40, s29, s15, $0xb8;
	[tilespmem:$0x1B620] =	vst v63  }
0x33: {  	s30 =	simm.s32 $0x280;
	s13 =	simm.s32 $0xEE20  }
0x34: {  	[tilespmem:s13], [sflag:$0x9] =	stream.indirect.gather [hbm4b:s4+s15], $0x40, s30, s15, $0xb8;
	[tilespmem:$0x1B620] =	vst v63  }
0x35: {  	s31 =	simm.s32 $0x2D0;
	s18 =	simm.s32 $0x10220;
	s29 =	simm.s32 $0x1  }
0x36: {  	[tilespmem:s18], [sflag:$0xA] =	stream.indirect.gather [hbm4b:s4+s15], $0x40, s31, s15, $0xb8;
	[tilespmem:$0x1B620] =	vst v63  }
0x37: {  	_ =	swait.ge [sflag:s29], $0x1400  }
0x38: {  	[sflag:s29] =	ssyncset.done $0x0  }
0x39: {  	s30 =	simm.s32 $0x2710;
	s31 =	simm.s32 $0x2;
	[sflag:s29] =	ssyncadd.s32 $0xFFFFEC00  }
0x3a: {  	[spmem:s2] =	stream.indirect.scatter.add.f32 [tilespmem:s21], [sflag:$0xB], $0x40, s30, s15, $0xb8;
	[tilespmem:$0x1B620] =	vst v63  }
0x3b: {  	_ =	swait.ge [sflag:s31], $0x1400  }
0x3c: {  	[sflag:s31] =	ssyncset.done $0x0  }
0x3d: {  	s29 =	simm.s32 $0x2760;
	s30 =	simm.s32 $0x3;
	[sflag:s31] =	ssyncadd.s32 $0xFFFFEC00  }
0x3e: {  	[spmem:s2] =	stream.indirect.scatter.add.f32 [tilespmem:s23], [sflag:$0xC], $0x40, s29, s15, $0xb8;
	[tilespmem:$0x1B620] =	vst v63  }
0x3f: {  	_ =	swait.ge [sflag:s30], $0x1400  }
0x40: {  	[sflag:s30] =	ssyncset.done $0x0  }
0x41: {  	s31 =	simm.s32 $0x27B0;
	s29 =	simm.s32 $0x4;
	[sflag:s30] =	ssyncadd.s32 $0xFFFFEC00  }
0x42: {  	[spmem:s2] =	stream.indirect.scatter.add.f32 [tilespmem:s24], [sflag:$0xD], $0x40, s31, s15, $0xb8;
	[tilespmem:$0x1B620] =	vst v63  }
0x43: {  	_ =	swait.ge [sflag:s29], $0x1400  }
0x44: {  	[sflag:s29] =	ssyncset.done $0x0  }
0x45: {  	s30 =	simm.s32 $0x2800;
	s31 =	simm.s32 $0x5;
	[sflag:s29] =	ssyncadd.s32 $0xFFFFEC00  }
0x46: {  	[spmem:s2] =	stream.indirect.scatter.add.f32 [tilespmem:s25], [sflag:$0xE], $0x40, s30, s15, $0xb8;
	[tilespmem:$0x1B620] =	vst v63  }
0x47: {  	_ =	swait.ge [sflag:s31], $0x1400  }
0x48: {  	[sflag:s31] =	ssyncset.done $0x0  }
0x49: {  	s29 =	simm.s32 $0x2850;
	s30 =	simm.s32 $0xB;
	[sflag:s31] =	ssyncadd.s32 $0xFFFFEC00  }
0x4a: {  	[spmem:s2] =	stream.indirect.scatter.add.f32 [tilespmem:s26], [sflag:$0xF], $0x40, s29, s15, $0xb8;
	[tilespmem:$0x1B620] =	vst v63  }
0x4b: {  	_ =	swait.ge [sflag:s30], $0x1400  }
0x4c: {  	[sflag:s30] =	ssyncset.done $0x0  }
0x4d: {  	[sflag:s30] =	ssyncadd.s32 $0xFFFFEC00  }
0x4e: {  	_ =	swait.ge [sflag:s20], $0x1400  }
0x4f: {  	[sflag:s20] =	ssyncset.done $0x0  }
0x50: {  	[sflag:s20] =	ssyncadd.s32 $0xFFFFEC00  }
0x51: {  	_ =	swait.ge [sflag:s22], $0x1400  }
0x52: {  	[sflag:s22] =	ssyncset.done $0x0  }
0x53: {  	[sflag:s22] =	ssyncadd.s32 $0xFFFFEC00  }
0x54: {  	_ =	swait.ge [sflag:s5], $0x1400  }
0x55: {  	[sflag:s5] =	ssyncset.done $0x0  }
0x56: {  	[sflag:s5] =	ssyncadd.s32 $0xFFFFEC00  }
0x57: {  	_ =	swait.ge [sflag:s7], $0x1400  }
0x58: {  	[sflag:s7] =	ssyncset.done $0x0  }
0x59: {  	s31 =	simm.s32 $0x320;
	[sflag:s7] =	ssyncadd.s32 $0xFFFFEC00  }
0x5a: {  	[tilespmem:s21], [sflag:$0x1] =	stream.indirect.gather [hbm4b:s4+s15], $0x40, s31, s15, $0xb8;
	[tilespmem:$0x1B620] =	vst v63  }
0x5b: {  	s21 =	simm.s32 $0x370  }
0x5c: {  	[tilespmem:s23], [sflag:$0x2] =	stream.indirect.gather [hbm4b:s4+s15], $0x40, s21, s15, $0xb8;
	[tilespmem:$0x1B620] =	vst v63  }
0x5d: {  	s23 =	simm.s32 $0x3C0  }
0x5e: {  	[tilespmem:s24], [sflag:$0x3] =	stream.indirect.gather [hbm4b:s4+s15], $0x40, s23, s15, $0xb8;
	[tilespmem:$0x1B620] =	vst v63  }
0x5f: {  	s24 =	simm.s32 $0x410  }
0x60: {  	[tilespmem:s25], [sflag:$0x4] =	stream.indirect.gather [hbm4b:s4+s15], $0x40, s24, s15, $0xb8;
	[tilespmem:$0x1B620] =	vst v63  }
0x61: {  	s25 =	simm.s32 $0x460  }
0x62: {  	[tilespmem:s26], [sflag:$0x5] =	stream.indirect.gather [hbm4b:s4+s15], $0x40, s25, s15, $0xb8;
	[tilespmem:$0x1B620] =	vst v63  }
0x63: {  	_ =	swait.ge [sflag:s8], $0x1400  }
0x64: {  	[sflag:s8] =	ssyncset.done $0x0  }
0x65: {  	s26 =	simm.s32 $0x28A0;
	[sflag:s8] =	ssyncadd.s32 $0xFFFFEC00  }
0x66: {  	[spmem:s2] =	stream.indirect.scatter.add.f32 [tilespmem:s28], [sflag:$0x10], $0x40, s26, s15, $0xb8;
	[tilespmem:$0x1B620] =	vst v63  }
0x67: {  	_ =	swait.ge [sflag:s9], $0x1400  }
0x68: {  	[sflag:s9] =	ssyncset.done $0x0  }
0x69: {  	s28 =	simm.s32 $0x28F0;
	[sflag:s9] =	ssyncadd.s32 $0xFFFFEC00  }
0x6a: {  	[spmem:s2] =	stream.indirect.scatter.add.f32 [tilespmem:s1], [sflag:$0x11], $0x40, s28, s15, $0xb8;
	[tilespmem:$0x1B620] =	vst v63  }
0x6b: {  	_ =	swait.ge [sflag:s10], $0x1400  }
0x6c: {  	[sflag:s10] =	ssyncset.done $0x0  }
0x6d: {  	s29 =	simm.s32 $0x2940;
	[sflag:s10] =	ssyncadd.s32 $0xFFFFEC00  }
0x6e: {  	[spmem:s2] =	stream.indirect.scatter.add.f32 [tilespmem:s0], [sflag:$0x12], $0x40, s29, s15, $0xb8;
	[tilespmem:$0x1B620] =	vst v63  }
0x6f: {  	_ =	swait.ge [sflag:s3], $0x1400  }
0x70: {  	[sflag:s3] =	ssyncset.done $0x0  }
0x71: {  	s30 =	simm.s32 $0x2990;
	[sflag:s3] =	ssyncadd.s32 $0xFFFFEC00  }
0x72: {  	[spmem:s2] =	stream.indirect.scatter.add.f32 [tilespmem:s13], [sflag:$0x13], $0x40, s30, s15, $0xb8;
	[tilespmem:$0x1B620] =	vst v63  }
0x73: {  	_ =	swait.ge [sflag:s6], $0x1400  }
0x74: {  	[sflag:s6] =	ssyncset.done $0x0  }
0x75: {  	s31 =	simm.s32 $0x29E0;
	[sflag:s6] =	ssyncadd.s32 $0xFFFFEC00  }
0x76: {  	[spmem:s2] =	stream.indirect.scatter.add.f32 [tilespmem:s18], [sflag:$0x14], $0x40, s31, s15, $0xb8;
	[tilespmem:$0x1B620] =	vst v63  }
0x77: {  	_ =	swait.ge [sflag:s11], $0x1400  }
0x78: {  	[sflag:s11] =	ssyncset.done $0x0  }
0x79: {  	[sflag:s11] =	ssyncadd.s32 $0xFFFFEC00  }
0x7a: {  	_ =	swait.ge [sflag:s12], $0x1400  }
0x7b: {  	[sflag:s12] =	ssyncset.done $0x0  }
0x7c: {  	[sflag:s12] =	ssyncadd.s32 $0xFFFFEC00  }
0x7d: {  	_ =	swait.ge [sflag:s14], $0x1400  }
0x7e: {  	[sflag:s14] =	ssyncset.done $0x0  }
0x7f: {  	[sflag:s14] =	ssyncadd.s32 $0xFFFFEC00  }
0x80: {  	_ =	swait.ge [sflag:s16], $0x1400  }
0x81: {  	[sflag:s16] =	ssyncset.done $0x0  }
0x82: {  	[sflag:s16] =	ssyncadd.s32 $0xFFFFEC00  }
0x83: {  	_ =	swait.ge [sflag:s17], $0x1400  }
0x84: {  	s19 =	simm.s32 $0x320;
	s21 =	simm.s32 $0x1900;
	[sflag:s17] =	ssyncset.done $0x0  }
.LBB2_2:
0x85: {  	s25 =	sadd.s32 $0x190, s19;
	[sflag:s17] =	ssyncadd.s32 $0xFFFFEC00  }
0x86: {  	s23 =	smov.u32 s21;
	s24 =	sadd.s32 $0xC80, s21;
	s31 =	simm.s32 $0xB220  }
0x87: {  	[tilespmem:s31], [sflag:$0x6] =	stream.indirect.gather [hbm4b:s4+s15], $0x40, s25, s15, $0xb8;
	[tilespmem:$0x1B620] =	vst v63  }
0x88: {  	p0 =	sne.s32 s21, $0x8980;
	s21 =	sadd.s32 $0x1E0, s19;
	s1 =	simm.s32 $0xC620  }
0x89: {  	[tilespmem:s1], [sflag:$0x7] =	stream.indirect.gather [hbm4b:s4+s15], $0x40, s21, s15, $0xb8;
	[tilespmem:$0x1B620] =	vst v63  }
0x8a: {  	s0 =	simm.s32 $0xDA20;
	s21 =	sadd.s32 $0x230, s19  }
0x8b: {  	[tilespmem:s0], [sflag:$0x8] =	stream.indirect.gather [hbm4b:s4+s15], $0x40, s21, s15, $0xb8;
	[tilespmem:$0x1B620] =	vst v63  }
0x8c: {  	s13 =	simm.s32 $0xEE20;
	s21 =	sadd.s32 $0x280, s19  }
0x8d: {  	[tilespmem:s13], [sflag:$0x9] =	stream.indirect.gather [hbm4b:s4+s15], $0x40, s21, s15, $0xb8;
	[tilespmem:$0x1B620] =	vst v63  }
0x8e: {  	s18 =	simm.s32 $0x10220;
	s21 =	sadd.s32 $0x2D0, s19  }
0x8f: {  	[tilespmem:s18], [sflag:$0xA] =	stream.indirect.gather [hbm4b:s4+s15], $0x40, s21, s15, $0xb8;
	[tilespmem:$0x1B620] =	vst v63  }
0x90: {  	s21 =	simm.s32 $0x1  }
0x91: {  	_ =	swait.ge [sflag:s21], $0x1400  }
0x92: {  	[sflag:s21] =	ssyncset.done $0x0  }
0x93: {  	s25 =	simm.s32 $0x4E20;
	[sflag:s21] =	ssyncadd.s32 $0xFFFFEC00;
	s21 =	sadd.s32 $0x2710, s19  }
0x94: {  	[spmem:s2] =	stream.indirect.scatter.add.f32 [tilespmem:s25], [sflag:$0xB], $0x40, s21, s15, $0xb8;
	[tilespmem:$0x1B620] =	vst v63  }
0x95: {  	s21 =	simm.s32 $0x2  }
0x96: {  	_ =	swait.ge [sflag:s21], $0x1400  }
0x97: {  	[sflag:s21] =	ssyncset.done $0x0  }
0x98: {  	s26 =	simm.s32 $0x6220;
	[sflag:s21] =	ssyncadd.s32 $0xFFFFEC00;
	s21 =	sadd.s32 $0x2760, s19  }
0x99: {  	[spmem:s2] =	stream.indirect.scatter.add.f32 [tilespmem:s26], [sflag:$0xC], $0x40, s21, s15, $0xb8;
	[tilespmem:$0x1B620] =	vst v63  }
0x9a: {  	s21 =	simm.s32 $0x3  }
0x9b: {  	_ =	swait.ge [sflag:s21], $0x1400  }
0x9c: {  	[sflag:s21] =	ssyncset.done $0x0  }
0x9d: {  	s28 =	simm.s32 $0x7620;
	[sflag:s21] =	ssyncadd.s32 $0xFFFFEC00;
	s21 =	sadd.s32 $0x27B0, s19  }
0x9e: {  	[spmem:s2] =	stream.indirect.scatter.add.f32 [tilespmem:s28], [sflag:$0xD], $0x40, s21, s15, $0xb8;
	[tilespmem:$0x1B620] =	vst v63  }
0x9f: {  	s21 =	simm.s32 $0x4  }
0xa0: {  	_ =	swait.ge [sflag:s21], $0x1400  }
0xa1: {  	[sflag:s21] =	ssyncset.done $0x0  }
0xa2: {  	s29 =	simm.s32 $0x8A20;
	[sflag:s21] =	ssyncadd.s32 $0xFFFFEC00;
	s21 =	sadd.s32 $0x2800, s19  }
0xa3: {  	[spmem:s2] =	stream.indirect.scatter.add.f32 [tilespmem:s29], [sflag:$0xE], $0x40, s21, s15, $0xb8;
	[tilespmem:$0x1B620] =	vst v63  }
0xa4: {  	s21 =	simm.s32 $0x5  }
0xa5: {  	_ =	swait.ge [sflag:s21], $0x1400  }
0xa6: {  	[sflag:s21] =	ssyncset.done $0x0  }
0xa7: {  	s30 =	simm.s32 $0x9E20;
	[sflag:s21] =	ssyncadd.s32 $0xFFFFEC00;
	s21 =	sadd.s32 $0x2850, s19  }
0xa8: {  	[spmem:s2] =	stream.indirect.scatter.add.f32 [tilespmem:s30], [sflag:$0xF], $0x40, s21, s15, $0xb8;
	[tilespmem:$0x1B620] =	vst v63  }
0xa9: {  	s21 =	simm.s32 $0xB  }
0xaa: {  	_ =	swait.ge [sflag:s21], $0x1400  }
0xab: {  	[sflag:s21] =	ssyncset.done $0x0  }
0xac: {  	[sflag:s21] =	ssyncadd.s32 $0xFFFFEC00  }
0xad: {  	_ =	swait.ge [sflag:s20], $0x1400  }
0xae: {  	[sflag:s20] =	ssyncset.done $0x0  }
0xaf: {  	[sflag:s20] =	ssyncadd.s32 $0xFFFFEC00  }
0xb0: {  	_ =	swait.ge [sflag:s22], $0x1400  }
0xb1: {  	[sflag:s22] =	ssyncset.done $0x0  }
0xb2: {  	[sflag:s22] =	ssyncadd.s32 $0xFFFFEC00  }
0xb3: {  	_ =	swait.ge [sflag:s5], $0x1400  }
0xb4: {  	[sflag:s5] =	ssyncset.done $0x0  }
0xb5: {  	[sflag:s5] =	ssyncadd.s32 $0xFFFFEC00  }
0xb6: {  	_ =	swait.ge [sflag:s7], $0x1400  }
0xb7: {  	[sflag:s7] =	ssyncset.done $0x0  }
0xb8: {  	s21 =	sadd.s32 $0x320, s19;
	[sflag:s7] =	ssyncadd.s32 $0xFFFFEC00  }
0xb9: {  	[tilespmem:s25], [sflag:$0x1] =	stream.indirect.gather [hbm4b:s4+s15], $0x40, s21, s15, $0xb8;
	[tilespmem:$0x1B620] =	vst v63  }
0xba: {  	s21 =	sadd.s32 $0x370, s19  }
0xbb: {  	[tilespmem:s26], [sflag:$0x2] =	stream.indirect.gather [hbm4b:s4+s15], $0x40, s21, s15, $0xb8;
	[tilespmem:$0x1B620] =	vst v63  }
0xbc: {  	s21 =	sadd.s32 $0x3C0, s19  }
0xbd: {  	[tilespmem:s28], [sflag:$0x3] =	stream.indirect.gather [hbm4b:s4+s15], $0x40, s21, s15, $0xb8;
	[tilespmem:$0x1B620] =	vst v63  }
0xbe: {  	s21 =	sadd.s32 $0x410, s19  }
0xbf: {  	[tilespmem:s29], [sflag:$0x4] =	stream.indirect.gather [hbm4b:s4+s15], $0x40, s21, s15, $0xb8;
	[tilespmem:$0x1B620] =	vst v63  }
0xc0: {  	s21 =	sadd.s32 $0x460, s19  }
0xc1: {  	[tilespmem:s30], [sflag:$0x5] =	stream.indirect.gather [hbm4b:s4+s15], $0x40, s21, s15, $0xb8;
	[tilespmem:$0x1B620] =	vst v63  }
0xc2: {  	_ =	swait.ge [sflag:s8], $0x1400  }
0xc3: {  	[sflag:s8] =	ssyncset.done $0x0  }
0xc4: {  	s21 =	sadd.s32 $0x28A0, s19;
	[sflag:s8] =	ssyncadd.s32 $0xFFFFEC00  }
0xc5: {  	[spmem:s2] =	stream.indirect.scatter.add.f32 [tilespmem:s31], [sflag:$0x10], $0x40, s21, s15, $0xb8;
	[tilespmem:$0x1B620] =	vst v63  }
0xc6: {  	_ =	swait.ge [sflag:s9], $0x1400  }
0xc7: {  	[sflag:s9] =	ssyncset.done $0x0  }
0xc8: {  	s21 =	sadd.s32 $0x28F0, s19;
	[sflag:s9] =	ssyncadd.s32 $0xFFFFEC00  }
0xc9: {  	[spmem:s2] =	stream.indirect.scatter.add.f32 [tilespmem:s1], [sflag:$0x11], $0x40, s21, s15, $0xb8;
	[tilespmem:$0x1B620] =	vst v63  }
0xca: {  	_ =	swait.ge [sflag:s10], $0x1400  }
0xcb: {  	[sflag:s10] =	ssyncset.done $0x0  }
0xcc: {  	s21 =	sadd.s32 $0x2940, s19;
	[sflag:s10] =	ssyncadd.s32 $0xFFFFEC00  }
0xcd: {  	[spmem:s2] =	stream.indirect.scatter.add.f32 [tilespmem:s0], [sflag:$0x12], $0x40, s21, s15, $0xb8;
	[tilespmem:$0x1B620] =	vst v63  }
0xce: {  	_ =	swait.ge [sflag:s3], $0x1400  }
0xcf: {  	[sflag:s3] =	ssyncset.done $0x0  }
0xd0: {  	s21 =	sadd.s32 $0x2990, s19;
	[sflag:s3] =	ssyncadd.s32 $0xFFFFEC00  }
0xd1: {  	[spmem:s2] =	stream.indirect.scatter.add.f32 [tilespmem:s13], [sflag:$0x13], $0x40, s21, s15, $0xb8;
	[tilespmem:$0x1B620] =	vst v63  }
0xd2: {  	_ =	swait.ge [sflag:s6], $0x1400  }
0xd3: {  	[sflag:s6] =	ssyncset.done $0x0  }
0xd4: {  	s19 =	sadd.s32 $0x29E0, s19;
	[sflag:s6] =	ssyncadd.s32 $0xFFFFEC00  }
0xd5: {  	[spmem:s2] =	stream.indirect.scatter.add.f32 [tilespmem:s18], [sflag:$0x14], $0x40, s19, s15, $0xb8;
	[tilespmem:$0x1B620] =	vst v63  }
0xd6: {  	_ =	swait.ge [sflag:s11], $0x1400  }
0xd7: {  	[sflag:s11] =	ssyncset.done $0x0  }
0xd8: {  	[sflag:s11] =	ssyncadd.s32 $0xFFFFEC00  }
0xd9: {  	_ =	swait.ge [sflag:s12], $0x1400  }
0xda: {  	[sflag:s12] =	ssyncset.done $0x0  }
0xdb: {  	[sflag:s12] =	ssyncadd.s32 $0xFFFFEC00  }
0xdc: {  	_ =	swait.ge [sflag:s14], $0x1400  }
0xdd: {  	[sflag:s14] =	ssyncset.done $0x0  }
0xde: {  	[sflag:s14] =	ssyncadd.s32 $0xFFFFEC00  }
.Ltmp0:
0xdf: {  	_ =	swait.ge [sflag:s16], $0x1400;
	(pc) =	sbr.rel @p0 .LBB2_2-.Ltmp0, $4  }
0xe0: {  	[sflag:s16] =	ssyncset.done $0x0  }
0xe1: {  	[sflag:s16] =	ssyncadd.s32 $0xFFFFEC00  }
0xe2: {  	_ =	swait.ge [sflag:s17], $0x1400  }
0xe3: {  	s21 =	smov.u32 s24;
	s19 =	sshra.s32 s23, $0x2;
	[sflag:s17] =	ssyncset.done $0x0  }
0xe4: {  	s21 =	sadd.s32 $0x190, s19;
	[sflag:s17] =	ssyncadd.s32 $0xFFFFEC00;
	s29 =	simm.s32 $0xB220  }
0xe5: {  	[tilespmem:s29], [sflag:$0x6] =	stream.indirect.gather [hbm4b:s4+s15], $0x40, s21, s15, $0xb8;
	[tilespmem:$0x1B620] =	vst v63  }
0xe6: {  	s28 =	sadd.s32 $0x1E0, s19;
	s0 =	simm.s32 $0xC620  }
0xe7: {  	[tilespmem:s0], [sflag:$0x7] =	stream.indirect.gather [hbm4b:s4+s15], $0x40, s28, s15, $0xb8;
	[tilespmem:$0x1B620] =	vst v63  }
0xe8: {  	s30 =	sadd.s32 $0x230, s19;
	s31 =	simm.s32 $0xDA20  }
0xe9: {  	[tilespmem:s31], [sflag:$0x8] =	stream.indirect.gather [hbm4b:s4+s15], $0x40, s30, s15, $0xb8;
	[tilespmem:$0x1B620] =	vst v63  }
0xea: {  	s1 =	sadd.s32 $0x280, s19;
	s13 =	simm.s32 $0xEE20  }
0xeb: {  	[tilespmem:s13], [sflag:$0x9] =	stream.indirect.gather [hbm4b:s4+s15], $0x40, s1, s15, $0xb8;
	[tilespmem:$0x1B620] =	vst v63  }
0xec: {  	s18 =	sadd.s32 $0x2D0, s19;
	s23 =	simm.s32 $0x10220;
	s30 =	simm.s32 $0x1  }
0xed: {  	[tilespmem:s23], [sflag:$0xA] =	stream.indirect.gather [hbm4b:s4+s15], $0x40, s18, s15, $0xb8;
	[tilespmem:$0x1B620] =	vst v63  }
0xee: {  	_ =	swait.ge [sflag:s30], $0x1400  }
0xef: {  	s24 =	sadd.s32 $0x2710, s19;
	[sflag:s30] =	ssyncset.done $0x0  }
0xf0: {  	s31 =	simm.s32 $0x2;
	s23 =	simm.s32 $0x4E20;
	[sflag:s30] =	ssyncadd.s32 $0xFFFFEC00  }
0xf1: {  	[spmem:s2] =	stream.indirect.scatter.add.f32 [tilespmem:s23], [sflag:$0xB], $0x40, s24, s15, $0xb8;
	[tilespmem:$0x1B620] =	vst v63  }
0xf2: {  	_ =	swait.ge [sflag:s31], $0x1400  }
0xf3: {  	s25 =	sadd.s32 $0x2760, s19;
	[sflag:s31] =	ssyncset.done $0x0  }
0xf4: {  	s18 =	simm.s32 $0x3;
	s24 =	simm.s32 $0x6220;
	[sflag:s31] =	ssyncadd.s32 $0xFFFFEC00  }
0xf5: {  	[spmem:s2] =	stream.indirect.scatter.add.f32 [tilespmem:s24], [sflag:$0xC], $0x40, s25, s15, $0xb8;
	[tilespmem:$0x1B620] =	vst v63  }
0xf6: {  	_ =	swait.ge [sflag:s18], $0x1400  }
0xf7: {  	s26 =	sadd.s32 $0x27B0, s19;
	[sflag:s18] =	ssyncset.done $0x0  }
0xf8: {  	s13 =	simm.s32 $0x4;
	s25 =	simm.s32 $0x7620;
	[sflag:s18] =	ssyncadd.s32 $0xFFFFEC00  }
0xf9: {  	[spmem:s2] =	stream.indirect.scatter.add.f32 [tilespmem:s25], [sflag:$0xD], $0x40, s26, s15, $0xb8;
	[tilespmem:$0x1B620] =	vst v63  }
0xfa: {  	_ =	swait.ge [sflag:s13], $0x1400  }
0xfb: {  	s28 =	sadd.s32 $0x2800, s19;
	[sflag:s13] =	ssyncset.done $0x0  }
0xfc: {  	s1 =	simm.s32 $0x5;
	s26 =	simm.s32 $0x8A20;
	[sflag:s13] =	ssyncadd.s32 $0xFFFFEC00  }
0xfd: {  	[spmem:s2] =	stream.indirect.scatter.add.f32 [tilespmem:s26], [sflag:$0xE], $0x40, s28, s15, $0xb8;
	[tilespmem:$0x1B620] =	vst v63  }
0xfe: {  	_ =	swait.ge [sflag:s1], $0x1400  }
0xff: {  	[sflag:s1] =	ssyncset.done $0x0  }
0x100: {  	s0 =	sadd.s32 $0x2850, s19;
	s28 =	simm.s32 $0x9E20;
	[sflag:s1] =	ssyncadd.s32 $0xFFFFEC00  }
0x101: {  	[spmem:s2] =	stream.indirect.scatter.add.f32 [tilespmem:s28], [sflag:$0xF], $0x40, s0, s15, $0xb8;
	[tilespmem:$0x1B620] =	vst v63  }
0x102: {  	s0 =	simm.s32 $0xB  }
0x103: {  	_ =	swait.ge [sflag:s0], $0x1400  }
0x104: {  	[sflag:s0] =	ssyncset.done $0x0  }
0x105: {  	[sflag:s0] =	ssyncadd.s32 $0xFFFFEC00  }
0x106: {  	_ =	swait.ge [sflag:s20], $0x1400  }
0x107: {  	[sflag:s20] =	ssyncset.done $0x0  }
0x108: {  	[sflag:s20] =	ssyncadd.s32 $0xFFFFEC00  }
0x109: {  	_ =	swait.ge [sflag:s22], $0x1400  }
0x10a: {  	[sflag:s22] =	ssyncset.done $0x0  }
0x10b: {  	[sflag:s22] =	ssyncadd.s32 $0xFFFFEC00  }
0x10c: {  	_ =	swait.ge [sflag:s5], $0x1400  }
0x10d: {  	[sflag:s5] =	ssyncset.done $0x0  }
0x10e: {  	[sflag:s5] =	ssyncadd.s32 $0xFFFFEC00  }
0x10f: {  	_ =	swait.ge [sflag:s7], $0x1400  }
0x110: {  	[sflag:s7] =	ssyncset.done $0x0  }
0x111: {  	s21 =	sadd.s32 $0x320, s19;
	[sflag:s7] =	ssyncadd.s32 $0xFFFFEC00  }
0x112: {  	[tilespmem:s23], [sflag:$0x1] =	stream.indirect.gather [hbm4b:s4+s15], $0x40, s21, s15, $0xb8;
	[tilespmem:$0x1B620] =	vst v63  }
0x113: {  	s21 =	sadd.s32 $0x370, s19  }
0x114: {  	[tilespmem:s24], [sflag:$0x2] =	stream.indirect.gather [hbm4b:s4+s15], $0x40, s21, s15, $0xb8;
	[tilespmem:$0x1B620] =	vst v63  }
0x115: {  	s21 =	sadd.s32 $0x3C0, s19  }
0x116: {  	[tilespmem:s25], [sflag:$0x3] =	stream.indirect.gather [hbm4b:s4+s15], $0x40, s21, s15, $0xb8;
	[tilespmem:$0x1B620] =	vst v63  }
0x117: {  	s21 =	sadd.s32 $0x410, s19  }
0x118: {  	[tilespmem:s26], [sflag:$0x4] =	stream.indirect.gather [hbm4b:s4+s15], $0x40, s21, s15, $0xb8;
	[tilespmem:$0x1B620] =	vst v63  }
0x119: {  	s21 =	sadd.s32 $0x460, s19  }
0x11a: {  	[tilespmem:s28], [sflag:$0x5] =	stream.indirect.gather [hbm4b:s4+s15], $0x40, s21, s15, $0xb8;
	[tilespmem:$0x1B620] =	vst v63  }
0x11b: {  	_ =	swait.ge [sflag:s8], $0x1400  }
0x11c: {  	[sflag:s8] =	ssyncset.done $0x0  }
0x11d: {  	s21 =	sadd.s32 $0x28A0, s19;
	[sflag:s8] =	ssyncadd.s32 $0xFFFFEC00  }
0x11e: {  	[spmem:s2] =	stream.indirect.scatter.add.f32 [tilespmem:s29], [sflag:$0x10], $0x40, s21, s15, $0xb8;
	[tilespmem:$0x1B620] =	vst v63  }
0x11f: {  	_ =	swait.ge [sflag:s9], $0x1400  }
0x120: {  	[sflag:s9] =	ssyncset.done $0x0  }
0x121: {  	s21 =	sadd.s32 $0x28F0, s19;
	s29 =	simm.s32 $0xC620;
	[sflag:s9] =	ssyncadd.s32 $0xFFFFEC00  }
0x122: {  	[spmem:s2] =	stream.indirect.scatter.add.f32 [tilespmem:s29], [sflag:$0x11], $0x40, s21, s15, $0xb8;
	[tilespmem:$0x1B620] =	vst v63  }
0x123: {  	_ =	swait.ge [sflag:s10], $0x1400  }
0x124: {  	[sflag:s10] =	ssyncset.done $0x0  }
0x125: {  	s21 =	sadd.s32 $0x2940, s19;
	s29 =	simm.s32 $0xDA20;
	[sflag:s10] =	ssyncadd.s32 $0xFFFFEC00  }
0x126: {  	[spmem:s2] =	stream.indirect.scatter.add.f32 [tilespmem:s29], [sflag:$0x12], $0x40, s21, s15, $0xb8;
	[tilespmem:$0x1B620] =	vst v63  }
0x127: {  	_ =	swait.ge [sflag:s3], $0x1400  }
0x128: {  	[sflag:s3] =	ssyncset.done $0x0  }
0x129: {  	s21 =	sadd.s32 $0x2990, s19;
	s29 =	simm.s32 $0xEE20;
	[sflag:s3] =	ssyncadd.s32 $0xFFFFEC00  }
0x12a: {  	[spmem:s2] =	stream.indirect.scatter.add.f32 [tilespmem:s29], [sflag:$0x13], $0x40, s21, s15, $0xb8;
	[tilespmem:$0x1B620] =	vst v63  }
0x12b: {  	_ =	swait.ge [sflag:s6], $0x1400  }
0x12c: {  	[sflag:s6] =	ssyncset.done $0x0  }
0x12d: {  	s21 =	sadd.s32 $0x29E0, s19;
	s29 =	simm.s32 $0x10220;
	[sflag:s6] =	ssyncadd.s32 $0xFFFFEC00  }
0x12e: {  	[spmem:s2] =	stream.indirect.scatter.add.f32 [tilespmem:s29], [sflag:$0x14], $0x40, s21, s15, $0xb8;
	[tilespmem:$0x1B620] =	vst v63  }
0x12f: {  	_ =	swait.ge [sflag:s11], $0x1400  }
0x130: {  	[sflag:s11] =	ssyncset.done $0x0  }
0x131: {  	[sflag:s11] =	ssyncadd.s32 $0xFFFFEC00  }
0x132: {  	_ =	swait.ge [sflag:s12], $0x1400  }
0x133: {  	[sflag:s12] =	ssyncset.done $0x0  }
0x134: {  	[sflag:s12] =	ssyncadd.s32 $0xFFFFEC00  }
0x135: {  	_ =	swait.ge [sflag:s14], $0x1400  }
0x136: {  	[sflag:s14] =	ssyncset.done $0x0  }
0x137: {  	[sflag:s14] =	ssyncadd.s32 $0xFFFFEC00  }
0x138: {  	_ =	swait.ge [sflag:s16], $0x1400  }
0x139: {  	[sflag:s16] =	ssyncset.done $0x0  }
0x13a: {  	[sflag:s16] =	ssyncadd.s32 $0xFFFFEC00  }
0x13b: {  	_ =	swait.ge [sflag:s17], $0x1400  }
0x13c: {  	[sflag:s17] =	ssyncset.done $0x0  }
0x13d: {  	[sflag:s17] =	ssyncadd.s32 $0xFFFFEC00  }
0x13e: {  	_ =	swait.ge [sflag:s30], $0x1400  }
0x13f: {  	[sflag:s30] =	ssyncset.done $0x0  }
0x140: {  	s21 =	simm.s32 $0x4C90;
	[sflag:s30] =	ssyncadd.s32 $0xFFFFEC00  }
0x141: {  	[spmem:s2] =	stream.indirect.scatter.add.f32 [tilespmem:s23], [sflag:$0xB], $0x40, s21, s15, $0xb8;
	[tilespmem:$0x1B620] =	vst v63  }
0x142: {  	_ =	swait.ge [sflag:s31], $0x1400  }
0x143: {  	[sflag:s31] =	ssyncset.done $0x0  }
0x144: {  	s23 =	simm.s32 $0x4CE0;
	[sflag:s31] =	ssyncadd.s32 $0xFFFFEC00  }
0x145: {  	[spmem:s2] =	stream.indirect.scatter.add.f32 [tilespmem:s24], [sflag:$0xC], $0x40, s23, s15, $0xb8;
	[tilespmem:$0x1B620] =	vst v63  }
0x146: {  	_ =	swait.ge [sflag:s18], $0x1400  }
0x147: {  	[sflag:s18] =	ssyncset.done $0x0  }
0x148: {  	s24 =	simm.s32 $0x4D30;
	[sflag:s18] =	ssyncadd.s32 $0xFFFFEC00  }
0x149: {  	[spmem:s2] =	stream.indirect.scatter.add.f32 [tilespmem:s25], [sflag:$0xD], $0x40, s24, s15, $0xb8;
	[tilespmem:$0x1B620] =	vst v63  }
0x14a: {  	_ =	swait.ge [sflag:s13], $0x1400  }
0x14b: {  	[sflag:s13] =	ssyncset.done $0x0  }
0x14c: {  	s25 =	simm.s32 $0x4D80;
	[sflag:s13] =	ssyncadd.s32 $0xFFFFEC00  }
0x14d: {  	[spmem:s2] =	stream.indirect.scatter.add.f32 [tilespmem:s26], [sflag:$0xE], $0x40, s25, s15, $0xb8;
	[tilespmem:$0x1B620] =	vst v63  }
0x14e: {  	_ =	swait.ge [sflag:s1], $0x1400  }
0x14f: {  	[sflag:s1] =	ssyncset.done $0x0  }
0x150: {  	s26 =	simm.s32 $0x4DD0;
	[sflag:s1] =	ssyncadd.s32 $0xFFFFEC00  }
0x151: {  	[spmem:s2] =	stream.indirect.scatter.add.f32 [tilespmem:s28], [sflag:$0xF], $0x40, s26, s15, $0xb8;
	[tilespmem:$0x1B620] =	vst v63  }
0x152: {  	_ =	swait.ge [sflag:s0], $0x1400  }
0x153: {  	[sflag:s0] =	ssyncset.done $0x0  }
0x154: {  	[sflag:s0] =	ssyncadd.s32 $0xFFFFEC00  }
0x155: {  	_ =	swait.ge [sflag:s20], $0x1400  }
0x156: {  	[sflag:s20] =	ssyncset.done $0x0  }
0x157: {  	[sflag:s20] =	ssyncadd.s32 $0xFFFFEC00  }
0x158: {  	_ =	swait.ge [sflag:s22], $0x1400  }
0x159: {  	[sflag:s22] =	ssyncset.done $0x0  }
0x15a: {  	[sflag:s22] =	ssyncadd.s32 $0xFFFFEC00  }
0x15b: {  	_ =	swait.ge [sflag:s5], $0x1400  }
0x15c: {  	[sflag:s5] =	ssyncset.done $0x0  }
0x15d: {  	[sflag:s5] =	ssyncadd.s32 $0xFFFFEC00  }
0x15e: {  	_ =	swait.ge [sflag:s7], $0x1400  }
0x15f: {  	[sflag:s7] =	ssyncset.done $0x0  }
0x160: {  	[sflag:s7] =	ssyncadd.s32 $0xFFFFEC00  }
0x161: {  	[bflag:$0x0] =	sbarrier.arrive $0xFFFF  }
0x162: {  	s21 =	rddreg [dreg:$0x4]  }
0x163: {  	s29 =	rddreg [dreg:$0x7]  }
0x164: {  	s24 =	simm.s32 $0x16;
	s23 =	rddreg [dreg:$0x9]  }
0x165: {  	[hbm:s29], [sflag:s21] =	dma.local [spmem:s23], $0x1400  }
0x166: {  	_ =	swait.ge [sflag:s24], $0x1400  }
0x167: {  	s30 =	rddreg [dreg:$0xa]  }
0x168: {  	s31 =	rddreg [dreg:$0x8];
	s0 =	sadd.s32 $0x1, s30  }
0x169: {  	p0 =	sne.s32 s0, s31  }
.Ltmp1:
0x16a: {  	_ = 	snop;
	(pc) =	sbr.rel @p0 .LBB2_1-.Ltmp1, $3  }
0x16b: {  	_ =	sdelay $0x1  }
0x16c: {  	[sflag:s24] =	ssyncset.done $0x0  }
0x16d: {  	[sflag:s24] =	ssyncadd.s32 $0xFFFFEC00  }
0x16e: {  	_ =	sfence.sel $0x180000  }
0x16f: {  	[bflag:$0x0] =	sbarrier.arrive $0xFFFF  }
0x170: {  	_ =	strace $0x90000047  }
0x171: {  	s0 =	stileid.u32;
	[bflag:$0x2] =	sbarrier.arrive $0xFFFF  }
0x172: {  	p0 =	sne.s32 s0, $0x0;
	s0 =	rddreg [dreg:$0x2]  }
0x173: {  	s0 =	sadd.s32 @!p0 $0x100000, s0  }
0x174: {  	[sflag:s0] =	ssyncadd.tile.s32 @!p0 $0x1;
	_ =	shalt  }
.Lfunc_end2:
_tile_overlayer_lowered:
.L_overlay_start_2:
0x175: {  	(tag) =	ssettag $0x2  }
0x176: {  	s0 =	rddreg [dreg:$0x0];
	s2 =	stileid.u32  }
0x177: {  	s1 =	rddreg [dreg:$0x1];
	p0 =	sne.s32 s2, $0x0  }
0x178: {  	s3 =	rddreg [dreg:$0x2];
	[bflag:$0x3] =	sbarrier.arrive $0xFFFF;
	s2 =	simm.s32 @!p0 $0x1C16  }
0x179: {  	[timem:s3], [sflag:s2] =	dma.local @!p0 [hbm:s0], s1  }
0x17a: {  	s0 =	simm.s32 @!p0 $0x16  }
0x17b: {  	_ =	swait.ge @!p0 [sflag:s0], s1  }
0x17c: {  	s1 =	ssub.s32 @!p0 $0x0, s1;
	[sflag:s0] =	ssyncset.done @!p0 $0x0  }
0x17d: {  	[sflag:s0] =	ssyncadd.s32 @!p0 s1  }
0x17e: {  	[bflag:$0x3] =	sbarrier.arrive $0xFFFF  }
0x17f: {  	_ =	shalt  }

</sc_bundles>
